<compile_context>
chip_gen: v7x
topology: tpu7x:2x2x1
jax: 0.10.2.dev20260603
libtpu: 0.0.44.dev20260713+nightly
codegen_flags: <defaults>
</compile_context>

<pallas_src>
import functools

import jax
import jax.numpy as jnp
from jax import lax
from jax.experimental import pallas as pl
from jax.experimental.pallas import tpu as pltpu
from jax.experimental.pallas import tpu_sc as plsc

N = 10000
E = 160000
D_IN = 256
D_HID = 256
D_OUT = 128

NC = 2
NS = 16
CH = 128
EPAD = 163840
EROWS = EPAD // CH
NROWS = 10016
RPT = NROWS // NS
NBUF = 8
LEAD = 6

_mesh = plsc.VectorSubcoreMesh(core_axis_name="c", subcore_axis_name="s")
_params = pltpu.CompilerParams(use_tc_tiling_on_sc=False)


@functools.partial(
    pl.kernel,
    out_type=jax.ShapeDtypeStruct((2 * NROWS, 16), jnp.int32),
    mesh=_mesh,
    compiler_params=_params,
    scratch_types=[
        pltpu.VMEM((EROWS // 32, CH), jnp.int32),
        pltpu.VMEM((CH, 16), jnp.int32),
        pltpu.MemorySpace.VMEM_SHARED((NROWS, 16), jnp.int32),
        pltpu.SemaphoreType.DMA,
    ],
)
def _sc_hist(dst_hbm, ones_hbm, zero_hbm, out_hbm, dst_v, ones_v, acc, sem):
    c = lax.axis_index("c")
    s = lax.axis_index("s")
    nrow = EROWS // 32
    pltpu.sync_copy(zero_hbm.at[pl.ds(s * RPT, RPT)],
                    acc.at[pl.ds(s * RPT, RPT)])
    pltpu.sync_copy(ones_hbm, ones_v)
    pltpu.sync_copy(dst_hbm.at[pl.ds((c * NS + s) * nrow, nrow)], dst_v)
    plsc.subcore_barrier()

    def body(j, _):
        pltpu.async_copy(ones_v, acc.at[dst_v.at[j]], sem, add=True)
        return _

    lax.fori_loop(0, nrow, body, None)

    def drain(j, _):
        pltpu.make_async_copy(ones_v, acc.at[dst_v.at[j]], sem).wait()
        return _

    lax.fori_loop(0, nrow, drain, None)
    plsc.subcore_barrier()
    pltpu.sync_copy(acc.at[pl.ds(s * RPT, RPT)],
                    out_hbm.at[pl.ds(c * NROWS + s * RPT, RPT)])


F = 64


def _make_scat(nphase):
    nrow = EROWS // NS

    @functools.partial(
        pl.kernel,
        out_type=jax.ShapeDtypeStruct((2 * nphase * NROWS, F), jnp.float32),
        mesh=_mesh,
        compiler_params=_params,
        scratch_types=(
            [
                pltpu.VMEM((nrow, CH), jnp.int32),
                pltpu.VMEM((nrow, CH), jnp.int32),
                pltpu.VMEM((NBUF, CH, F), jnp.float32),
                pltpu.MemorySpace.VMEM_SHARED((NROWS, F), jnp.float32),
            ]
            + [pltpu.SemaphoreType.DMA] * (3 * NBUF)
        ),
    )
    def scat(tab_hbm, srcs_hbm, dst_hbm, zero_hbm, out_hbm,
             src_v, dst_v, rows, acc, *sems):
        gsem = sems[:NBUF]
        gsem2 = sems[NBUF:2 * NBUF]
        ssem = sems[2 * NBUF:]

        def gather(j, b):
            pltpu.async_copy(tab_hbm.at[src_v.at[j, pl.ds(0, 64)]],
                             rows.at[b, pl.ds(0, 64)], gsem[b])
            pltpu.async_copy(tab_hbm.at[src_v.at[j, pl.ds(64, 64)]],
                             rows.at[b, pl.ds(64, 64)], gsem2[b])

        def gather_wait(j, b):
            pltpu.make_async_copy(tab_hbm.at[src_v.at[j, pl.ds(0, 64)]],
                                  rows.at[b, pl.ds(0, 64)], gsem[b]).wait()
            pltpu.make_async_copy(tab_hbm.at[src_v.at[j, pl.ds(64, 64)]],
                                  rows.at[b, pl.ds(64, 64)], gsem2[b]).wait()
        c = lax.axis_index("c")
        s = lax.axis_index("s")
        pltpu.sync_copy(dst_hbm.at[pl.ds(s * nrow, nrow)], dst_v)
        for p in range(nphase):
            pltpu.sync_copy(
                srcs_hbm.at[pl.ds((p * 2 + c) * EROWS + s * nrow, nrow)],
                src_v)
            for b in range(LEAD):
                gather(b, b)
            pltpu.sync_copy(zero_hbm.at[pl.ds(s * RPT, RPT)],
                            acc.at[pl.ds(s * RPT, RPT)])
            plsc.subcore_barrier()

            def body(jj, _):
                for b in range(NBUF):
                    j = jj * NBUF + b
                    gather_wait(j, b)
                    pltpu.async_copy(rows.at[b], acc.at[dst_v.at[j]],
                                     ssem[b], add=True)
                    pj = j + LEAD
                    pb = (b + LEAD) % NBUF

                    @pl.when(pj < nrow)
                    def _():
                        @pl.when(pj >= NBUF)
                        def _():
                            pltpu.make_async_copy(
                                rows.at[pb], acc.at[dst_v.at[pj - NBUF]],
                                ssem[pb]).wait()

                        gather(pj, pb)
                return _

            lax.fori_loop(0, nrow // NBUF, body, None)
            for b in range(NBUF):
                j = nrow - NBUF + b
                pltpu.make_async_copy(rows.at[b], acc.at[dst_v.at[j]],
                                      ssem[b]).wait()
            plsc.subcore_barrier()
            pltpu.sync_copy(
                acc.at[pl.ds(s * RPT, RPT)],
                out_hbm.at[pl.ds((p * 2 + c) * NROWS + s * RPT, RPT)])
            if p + 1 < nphase:
                plsc.subcore_barrier()

    return scat


_sc_scat1 = _make_scat(2)
_sc_scat2 = _make_scat(1)


R = 1000
G = N // R


def _cnt_block(hist_ref):
    return (hist_ref[0] + hist_ref[1]).astype(jnp.float32)


def _tc_pre(x_ref, w_ref, hist_ref, out_ref):
    h = jnp.dot(x_ref[...], w_ref[...], preferred_element_type=jnp.float32)
    h = h * lax.rsqrt(_cnt_block(hist_ref) + 1.0)
    for q in range(4):
        out_ref[q] = h[:, q * F:(q + 1) * F]


def _tc_mid_a(agg_ref, h2_ref, hist_ref, b1_ref, g_ref, mom_ref):
    dinv = lax.rsqrt(_cnt_block(hist_ref) + 1.0)
    aggc = jnp.concatenate([agg_ref[0], agg_ref[1],
                            agg_ref[2], agg_ref[3]], axis=1)
    h2c = jnp.concatenate([h2_ref[0], h2_ref[1], h2_ref[2], h2_ref[3]],
                          axis=1)
    g = (aggc + h2c) * dinv + b1_ref[...]
    g_ref[...] = g
    srow = lax.broadcasted_iota(jnp.int32, (8, 128), 0)
    scol = lax.broadcasted_iota(jnp.int32, (8, 128), 1)
    contrib = (jnp.where((srow == 0) & (scol == 0), jnp.sum(g), 0.0)
               + jnp.where((srow == 0) & (scol == 1), jnp.sum(g * g), 0.0))

    @pl.when(pl.program_id(0) == 0)
    def _():
        mom_ref[...] = contrib

    @pl.when(pl.program_id(0) > 0)
    def _():
        mom_ref[...] = mom_ref[...] + contrib


def _tc_mid_b(g_ref, mom_ref, lnw_ref, lnb_ref, wrel_ref, wroot_ref,
              hrs_ref, hroot_ref):
    tot = float(N * D_HID)
    mean = mom_ref[0, 0] / tot
    var = mom_ref[0, 1] / tot - mean * mean
    std = jnp.sqrt(jnp.maximum(var, 0.0))
    hh = (g_ref[...] - mean) / (std + 1e-5) * lnw_ref[...] + lnb_ref[...]
    hh = jnp.maximum(hh, 0.0)
    hr = jnp.dot(hh, wrel_ref[...], preferred_element_type=jnp.float32)
    hroot_ref[...] = jnp.dot(hh, wroot_ref[...],
                             preferred_element_type=jnp.float32)
    hrs_ref[0] = hr[:, :64]
    hrs_ref[1] = hr[:, 64:]


def _tc_post(agg_ref, hroot_ref, hist_ref, brel_ref, emb_ref, logp_ref):
    cnt = _cnt_block(hist_ref)
    aggc = jnp.concatenate([agg_ref[0], agg_ref[1]], axis=1)
    emb = aggc / jnp.maximum(cnt, 1.0) + brel_ref[...] + hroot_ref[...]
    emb_ref[...] = emb
    sh = emb - jnp.max(emb, axis=1, keepdims=True)
    logp_ref[...] = sh - jnp.log(jnp.sum(jnp.exp(sh), axis=1, keepdims=True))


def kernel(x, edge_index, W1, b1, ln_w, ln_b, W_rel, b_rel, W_root):
    f32, i32 = jnp.float32, jnp.int32
    src = edge_index[0]
    dst = edge_index[1]
    srcp = jnp.concatenate([src, jnp.zeros((EPAD - E,), i32)])
    dstp = jnp.concatenate([dst, jnp.full((EPAD - E,), N, i32)])
    srcs = jnp.concatenate([srcp, srcp + N]).reshape(2 * EROWS, CH)
    srcs4 = jnp.concatenate([srcp, srcp + N, srcp + 2 * N,
                             srcp + 3 * N]).reshape(4 * EROWS, CH)
    dst2 = dstp.reshape(EROWS, CH)
    ones16 = jnp.ones((CH, 16), i32)
    zero_h = jnp.zeros((NROWS, 16), i32)
    zero_f64 = jnp.zeros((NROWS, 64), f32)

    hist = _sc_hist(dst2, ones16, zero_h)
    hist = hist.reshape(2, NROWS, 16)[:, :N, :1]

    h2s = pl.pallas_call(
        _tc_pre,
        grid=(G,),
        in_specs=[
            pl.BlockSpec((R, D_IN), lambda g: (g, 0)),
            pl.BlockSpec((D_IN, D_HID), lambda g: (0, 0)),
            pl.BlockSpec((2, R, 1), lambda g: (0, g, 0)),
        ],
        out_specs=pl.BlockSpec((4, R, F), lambda g: (0, g, 0)),
        out_shape=jax.ShapeDtypeStruct((4, N, F), f32),
    )(x, W1, hist)

    tab1 = h2s.reshape(4 * N, F)
    agg1 = _sc_scat1(tab1, srcs4, dst2, zero_f64).reshape(4, NROWS, F)

    g, mom = pl.pallas_call(
        _tc_mid_a,
        grid=(G,),
        in_specs=[
            pl.BlockSpec((4, R, F), lambda g: (0, g, 0)),
            pl.BlockSpec((4, R, F), lambda g: (0, g, 0)),
            pl.BlockSpec((2, R, 1), lambda g: (0, g, 0)),
            pl.BlockSpec((1, D_HID), lambda g: (0, 0)),
        ],
        out_specs=[
            pl.BlockSpec((R, D_HID), lambda g: (g, 0)),
            pl.BlockSpec((8, 128), lambda g: (0, 0)),
        ],
        out_shape=[
            jax.ShapeDtypeStruct((N, D_HID), f32),
            jax.ShapeDtypeStruct((8, 128), f32),
        ],
    )(agg1, h2s, hist, b1.reshape(1, D_HID))

    hrs, hroot = pl.pallas_call(
        _tc_mid_b,
        grid=(G,),
        in_specs=[
            pl.BlockSpec((R, D_HID), lambda g: (g, 0)),
            pl.BlockSpec(memory_space=pltpu.MemorySpace.SMEM),
            pl.BlockSpec((1, D_HID), lambda g: (0, 0)),
            pl.BlockSpec((1, D_HID), lambda g: (0, 0)),
            pl.BlockSpec((D_HID, D_OUT), lambda g: (0, 0)),
            pl.BlockSpec((D_HID, D_OUT), lambda g: (0, 0)),
        ],
        out_specs=[
            pl.BlockSpec((2, R, 64), lambda g: (0, g, 0)),
            pl.BlockSpec((R, D_OUT), lambda g: (g, 0)),
        ],
        out_shape=[
            jax.ShapeDtypeStruct((2, N, 64), f32),
            jax.ShapeDtypeStruct((N, D_OUT), f32),
        ],
    )(g, mom, ln_w.reshape(1, D_HID), ln_b.reshape(1, D_HID), W_rel, W_root)

    agg2 = _sc_scat2(hrs.reshape(2 * N, F), srcs, dst2,
                     zero_f64).reshape(2, NROWS, F)

    emb, logp = pl.pallas_call(
        _tc_post,
        grid=(G,),
        in_specs=[
            pl.BlockSpec((2, R, 64), lambda g: (0, g, 0)),
            pl.BlockSpec((R, D_OUT), lambda g: (g, 0)),
            pl.BlockSpec((2, R, 1), lambda g: (0, g, 0)),
            pl.BlockSpec((1, D_OUT), lambda g: (0, 0)),
        ],
        out_specs=[
            pl.BlockSpec((R, D_OUT), lambda g: (g, 0)),
            pl.BlockSpec((R, D_OUT), lambda g: (g, 0)),
        ],
        out_shape=[
            jax.ShapeDtypeStruct((N, D_OUT), f32),
            jax.ShapeDtypeStruct((N, D_OUT), f32),
        ],
    )(agg2, hroot, hist, b_rel.reshape(1, D_OUT))

    return (emb, logp)

# --- scband reference (transcript-rebuilt; emitter-appended) ---
"""Pipeline reference for scband-custom-gnn-36584531427847 (READ-ONLY COPY).

The authoritative reference and input builder live on the scoring server;
editing this copy changes nothing except your own understanding.
"""

import jax, jax.numpy as jnp
import numpy as np

N = 10000
E = 160000
D_IN = 256
D_HID = 256
D_OUT = 128


def _gcn_conv(x, edge_index, W, b):
    # GCNConv(normalize=True, add_self_loops=True): D^-1/2 (A+I) D^-1/2 X W + b
    n = x.shape[0]
    h = x @ W
    loop = jnp.arange(n, dtype=edge_index.dtype)
    src = jnp.concatenate([edge_index[0], loop])
    dst = jnp.concatenate([edge_index[1], loop])
    deg = jnp.zeros((n,), dtype=h.dtype).at[dst].add(1.0)
    dinv = jnp.where(deg > 0, deg ** -0.5, 0.0)
    norm = dinv[src] * dinv[dst]
    msg = h[src] * norm[:, None]
    out = jnp.zeros_like(h).at[dst].add(msg)
    return out + b


def _graph_layer_norm(x, w, b, eps=1e-5):
    # PyG LayerNorm, mode='graph', single graph: normalize over all nodes+features
    xc = x - x.mean()
    std = jnp.sqrt(jnp.mean(xc * xc))  # unbiased=False std
    out = xc / (std + eps)
    return out * w + b


def _graph_conv_mean(x, edge_index, W_rel, b_rel, W_root):
    # PyG GraphConv(aggr='mean'): lin_rel(mean_agg(x_src -> dst)) + lin_root(x)
    n = x.shape[0]
    src, dst = edge_index[0], edge_index[1]
    agg = jnp.zeros((n, x.shape[1]), dtype=x.dtype).at[dst].add(x[src])
    cnt = jnp.zeros((n,), dtype=x.dtype).at[dst].add(1.0)
    agg = agg / jnp.maximum(cnt, 1.0)[:, None]
    return agg @ W_rel + b_rel + x @ W_root


def setup_inputs(seed: int = 0):
    key = jax.random.key(seed)
    ks = jax.random.split(key, 9)
    x = jax.random.normal(ks[0], (N, D_IN), dtype=jnp.float32)
    edge_index = jax.random.randint(ks[1], (2, E), 0, N, dtype=jnp.int32)
    W1 = jax.random.normal(ks[2], (D_IN, D_HID), dtype=jnp.float32) * 0.05
    b1 = jnp.zeros((D_HID,), dtype=jnp.float32)
    ln_w = jnp.ones((D_HID,), dtype=jnp.float32)
    ln_b = jnp.zeros((D_HID,), dtype=jnp.float32)
    W_rel = jax.random.normal(ks[3], (D_HID, D_OUT), dtype=jnp.float32) * 0.05
    b_rel = jnp.zeros((D_OUT,), dtype=jnp.float32)
    W_root = jax.random.normal(ks[4], (D_HID, D_OUT), dtype=jnp.float32) * 0.05
    return {"x": x, "edge_index": edge_index, "W1": W1, "b1": b1, "ln_w": ln_w, "ln_b": ln_b, "W_rel": W_rel, "b_rel": b_rel, "W_root": W_root}


def reference(x, edge_index, W1, b1, ln_w, ln_b, W_rel, b_rel, W_root):
    h = _gcn_conv(x, edge_index, W1, b1)
    h = _graph_layer_norm(h, ln_w, ln_b)
    h = jax.nn.relu(h)
    # dropout(p=0.2) is identity in eval mode
    h = _graph_conv_mean(h, edge_index, W_rel, b_rel, W_root)
    embedding_node = h
    output = jax.nn.log_softmax(h, axis=1)
    return (embedding_node, output)

if __name__ == "__main__":
    import jax
    _d = setup_inputs()
    print(jax.jit(kernel)(*tuple(_d.values())))

</pallas_src>

<mosaic_0001>
#map = affine_map<(d0, d1) -> (0, 0)>
module attributes {stable_mosaic.version = 14 : i64} {
  func.func @_sc_hist(%arg0: i32, %arg1: i32, %arg2: memref<1280x128xi32, #tpu.memory_space<hbm>>, %arg3: memref<128x16xi32, #tpu.memory_space<hbm>>, %arg4: memref<10016x16xi32, #tpu.memory_space<hbm>>, %arg5: memref<20032x16xi32, #tpu.memory_space<hbm>>, %arg6: memref<40x128xi32, #tpu.memory_space<vmem>>, %arg7: memref<128x16xi32, #tpu.memory_space<vmem>>, %arg8: memref<10016x16xi32, #tpu.memory_space<vmem_shared>>, %arg9: memref<!tpu.dma_semaphore, #tpu.memory_space<semaphore_mem>>) attributes {dimension_semantics = [#tpu.dimension_semantics<core_parallel>, #tpu.dimension_semantics<subcore_parallel>], iteration_bounds = array<i64: 2, 16>, scalar_prefetch = 0 : i64, scratch_operands = 4 : i64, tpu.core_type = #tpu.core_type<sc_vector_subcore>, window_params = [{transform_indices = #map}, {transform_indices = #map}, {transform_indices = #map}, {transform_indices = #map}]} {
    %mul3A = arith.constant 626 : i32
    %mul3A_0 = arith.muli %arg1, %mul3A : i32
    %mul3A_1 = arith.constant 626 : i32
    %mul3A_2 = arith.muli %arg1, %mul3A_1 : i32
    "tpu.region"() ({
      %run_scoped3A = tpu.sem_alloc : memref<!tpu.dma_semaphore, #tpu.memory_space<semaphore_mem>>
      %dma_start3A = arith.constant 0 : i32
      %dma_start3A_24 = tpu.memref_slice %arg8[%mul3A_2, %dma_start3A] : memref<10016x16xi32, #tpu.memory_space<vmem_shared>> -> memref<626x16xi32, #tpu.memory_space<vmem_shared>>
      %dma_start3A_25 = arith.constant 0 : i32
      %dma_start3A_26 = tpu.memref_slice %arg4[%mul3A_0, %dma_start3A_25] : memref<10016x16xi32, #tpu.memory_space<hbm>> -> memref<626x16xi32, #tpu.memory_space<hbm>>
      tpu.enqueue_dma source(%dma_start3A_26 : memref<626x16xi32, #tpu.memory_space<hbm>>) target(%dma_start3A_24 : memref<626x16xi32, #tpu.memory_space<vmem_shared>>) target_semaphore(%run_scoped3A : memref<!tpu.dma_semaphore, #tpu.memory_space<semaphore_mem>>)
      %dma_wait3A = arith.constant 0 : i32
      %dma_wait3A_27 = tpu.memref_slice %arg8[%mul3A_2, %dma_wait3A] : memref<10016x16xi32, #tpu.memory_space<vmem_shared>> -> memref<626x16xi32, #tpu.memory_space<vmem_shared>>
      %dma_wait3A_28 = arith.constant 0 : i32
      %dma_wait3A_29 = tpu.memref_slice %arg4[%mul3A_0, %dma_wait3A_28] : memref<10016x16xi32, #tpu.memory_space<hbm>> -> memref<626x16xi32, #tpu.memory_space<hbm>>
      tpu.wait_dma2 semaphore(%run_scoped3A : memref<!tpu.dma_semaphore, #tpu.memory_space<semaphore_mem>>) src(%dma_wait3A_29 : memref<626x16xi32, #tpu.memory_space<hbm>>) dst(%dma_wait3A_27 : memref<626x16xi32, #tpu.memory_space<vmem_shared>>)
      tpu.yield
    }) : () -> ()
    "tpu.region"() ({
      %run_scoped3A = tpu.sem_alloc : memref<!tpu.dma_semaphore, #tpu.memory_space<semaphore_mem>>
      tpu.enqueue_dma source(%arg3 : memref<128x16xi32, #tpu.memory_space<hbm>>) target(%arg7 : memref<128x16xi32, #tpu.memory_space<vmem>>) target_semaphore(%run_scoped3A : memref<!tpu.dma_semaphore, #tpu.memory_space<semaphore_mem>>)
      tpu.wait_dma2 semaphore(%run_scoped3A : memref<!tpu.dma_semaphore, #tpu.memory_space<semaphore_mem>>) src(%arg3 : memref<128x16xi32, #tpu.memory_space<hbm>>) dst(%arg7 : memref<128x16xi32, #tpu.memory_space<vmem>>)
      tpu.yield
    }) : () -> ()
    %mul3A_3 = arith.constant 16 : i32
    %mul3A_4 = arith.muli %arg0, %mul3A_3 : i32
    %add3A = arith.addi %mul3A_4, %arg1 : i32
    %mul3A_5 = arith.constant 40 : i32
    %mul3A_6 = arith.muli %add3A, %mul3A_5 : i32
    "tpu.region"() ({
      %run_scoped3A = tpu.sem_alloc : memref<!tpu.dma_semaphore, #tpu.memory_space<semaphore_mem>>
      %dma_start3A = arith.constant 0 : i32
      %dma_start3A_24 = tpu.memref_slice %arg2[%mul3A_6, %dma_start3A] : memref<1280x128xi32, #tpu.memory_space<hbm>> -> memref<40x128xi32, #tpu.memory_space<hbm>>
      %dma_start3A_25 = arith.constant 0 : i32
      %dma_start3A_26 = tpu.memref_slice %arg2[%mul3A_6, %dma_start3A_25] : memref<1280x128xi32, #tpu.memory_space<hbm>> -> memref<40x128xi32, #tpu.memory_space<hbm>>
      tpu.enqueue_dma source(%dma_start3A_26 : memref<40x128xi32, #tpu.memory_space<hbm>>) target(%arg6 : memref<40x128xi32, #tpu.memory_space<vmem>>) target_semaphore(%run_scoped3A : memref<!tpu.dma_semaphore, #tpu.memory_space<semaphore_mem>>)
      %dma_wait3A = arith.constant 0 : i32
      %dma_wait3A_27 = tpu.memref_slice %arg2[%mul3A_6, %dma_wait3A] : memref<1280x128xi32, #tpu.memory_space<hbm>> -> memref<40x128xi32, #tpu.memory_space<hbm>>
      %dma_wait3A_28 = arith.constant 0 : i32
      %dma_wait3A_29 = tpu.memref_slice %arg2[%mul3A_6, %dma_wait3A_28] : memref<1280x128xi32, #tpu.memory_space<hbm>> -> memref<40x128xi32, #tpu.memory_space<hbm>>
      tpu.wait_dma2 semaphore(%run_scoped3A : memref<!tpu.dma_semaphore, #tpu.memory_space<semaphore_mem>>) src(%dma_wait3A_29 : memref<40x128xi32, #tpu.memory_space<hbm>>) dst(%arg6 : memref<40x128xi32, #tpu.memory_space<vmem>>)
      tpu.yield
    }) : () -> ()
    %barrier3A = arith.constant 0 : index
    tpu.barrier barrier_id(%barrier3A)
    %scan3A = arith.constant 0 : i32
    %scan3A_7 = arith.constant 40 : i32
    %scan3A_8 = arith.addi %scan3A, %scan3A_7 : i32
    %scan3A_9 = arith.constant 1 : i32
    scf.for %scan3A_24 = %scan3A to %scan3A_8 step %scan3A_9  : i32 {
      %dma_start3A = arith.constant 0 : i32
      %dma_start3A_25 = tpu.memref_slice %arg6[%scan3A_24, %dma_start3A] : memref<40x128xi32, #tpu.memory_space<vmem>> -> memref<1x128xi32, #tpu.memory_space<vmem>>
      %dma_start3A_26 = tpu.memref_squeeze %dma_start3A_25 : memref<1x128xi32, #tpu.memory_space<vmem>> -> memref<128xi32, #tpu.memory_space<vmem>>
      %dma_start3A_27 = arith.constant 0 : i32
      %dma_start3A_28 = arith.constant 0 : i32
      %dma_start3A_29 = tpu.memref_slice %arg8[%dma_start3A_27, %dma_start3A_28] : memref<10016x16xi32, #tpu.memory_space<vmem_shared>> -> memref<10016x16xi32, #tpu.memory_space<vmem_shared>>
      tpu.enqueue_indirect_dma source(%arg7 : memref<128x16xi32, #tpu.memory_space<vmem>>) target(%dma_start3A_29 : memref<10016x16xi32, #tpu.memory_space<vmem_shared>>) offsets(%dma_start3A_26 : memref<128xi32, #tpu.memory_space<vmem>>) semaphore(%arg9 : memref<!tpu.dma_semaphore, #tpu.memory_space<semaphore_mem>>) {add = true}
    }
    %scan3A_10 = arith.constant 40 : i32
    %scan3A_11 = arith.constant 0 : i32
    %scan3A_12 = arith.constant 40 : i32
    %scan3A_13 = arith.addi %scan3A_11, %scan3A_12 : i32
    %scan3A_14 = arith.constant 1 : i32
    scf.for %scan3A_24 = %scan3A_11 to %scan3A_13 step %scan3A_14  : i32 {
      %dma_wait3A = arith.constant 0 : i32
      %dma_wait3A_25 = tpu.memref_slice %arg6[%scan3A_24, %dma_wait3A] : memref<40x128xi32, #tpu.memory_space<vmem>> -> memref<1x128xi32, #tpu.memory_space<vmem>>
      %dma_wait3A_26 = tpu.memref_squeeze %dma_wait3A_25 : memref<1x128xi32, #tpu.memory_space<vmem>> -> memref<128xi32, #tpu.memory_space<vmem>>
      %dma_wait3A_27 = arith.constant 0 : i32
      %dma_wait3A_28 = arith.constant 0 : i32
      %dma_wait3A_29 = tpu.memref_slice %arg8[%dma_wait3A_27, %dma_wait3A_28] : memref<10016x16xi32, #tpu.memory_space<vmem_shared>> -> memref<10016x16xi32, #tpu.memory_space<vmem_shared>>
      tpu.wait_indirect_dma semaphore(%arg9 : memref<!tpu.dma_semaphore, #tpu.memory_space<semaphore_mem>>) src(%arg7 : memref<128x16xi32, #tpu.memory_space<vmem>>) dst(%dma_wait3A_29 : memref<10016x16xi32, #tpu.memory_space<vmem_shared>>)
    }
    %scan3A_15 = arith.constant 40 : i32
    %barrier3A_16 = arith.constant 0 : index
    tpu.barrier barrier_id(%barrier3A_16)
    %mul3A_17 = arith.constant 626 : i32
    %mul3A_18 = arith.muli %arg1, %mul3A_17 : i32
    %mul3A_19 = arith.constant 10016 : i32
    %mul3A_20 = arith.muli %arg0, %mul3A_19 : i32
    %mul3A_21 = arith.constant 626 : i32
    %mul3A_22 = arith.muli %arg1, %mul3A_21 : i32
    %add3A_23 = arith.addi %mul3A_20, %mul3A_22 : i32
    "tpu.region"() ({
      %run_scoped3A = tpu.sem_alloc : memref<!tpu.dma_semaphore, #tpu.memory_space<semaphore_mem>>
      %dma_start3A = arith.constant 0 : i32
      %dma_start3A_24 = tpu.memref_slice %arg5[%add3A_23, %dma_start3A] : memref<20032x16xi32, #tpu.memory_space<hbm>> -> memref<626x16xi32, #tpu.memory_space<hbm>>
      %dma_start3A_25 = arith.constant 0 : i32
      %dma_start3A_26 = tpu.memref_slice %arg8[%mul3A_18, %dma_start3A_25] : memref<10016x16xi32, #tpu.memory_space<vmem_shared>> -> memref<626x16xi32, #tpu.memory_space<vmem_shared>>
      tpu.enqueue_dma source(%dma_start3A_26 : memref<626x16xi32, #tpu.memory_space<vmem_shared>>) target(%dma_start3A_24 : memref<626x16xi32, #tpu.memory_space<hbm>>) target_semaphore(%run_scoped3A : memref<!tpu.dma_semaphore, #tpu.memory_space<semaphore_mem>>)
      %dma_wait3A = arith.constant 0 : i32
      %dma_wait3A_27 = tpu.memref_slice %arg5[%add3A_23, %dma_wait3A] : memref<20032x16xi32, #tpu.memory_space<hbm>> -> memref<626x16xi32, #tpu.memory_space<hbm>>
      %dma_wait3A_28 = arith.constant 0 : i32
      %dma_wait3A_29 = tpu.memref_slice %arg8[%mul3A_18, %dma_wait3A_28] : memref<10016x16xi32, #tpu.memory_space<vmem_shared>> -> memref<626x16xi32, #tpu.memory_space<vmem_shared>>
      tpu.wait_dma2 semaphore(%run_scoped3A : memref<!tpu.dma_semaphore, #tpu.memory_space<semaphore_mem>>) src(%dma_wait3A_29 : memref<626x16xi32, #tpu.memory_space<vmem_shared>>) dst(%dma_wait3A_27 : memref<626x16xi32, #tpu.memory_space<hbm>>)
      tpu.yield
    }) : () -> ()
    return
  }
}

#map = affine_map<(d0, d1) -> (0, 0)>
module attributes {stable_mosaic.version = 14 : i64} {
  func.func @scat(%arg0: i32, %arg1: i32, %arg2: memref<20000x64xf32, #tpu.memory_space<hbm>>, %arg3: memref<2560x128xi32, #tpu.memory_space<hbm>>, %arg4: memref<1280x128xi32, #tpu.memory_space<hbm>>, %arg5: memref<10016x64xf32, #tpu.memory_space<hbm>>, %arg6: memref<20032x64xf32, #tpu.memory_space<hbm>>, %arg7: memref<80x128xi32, #tpu.memory_space<vmem>>, %arg8: memref<80x128xi32, #tpu.memory_space<vmem>>, %arg9: memref<8x128x64xf32, #tpu.memory_space<vmem>>, %arg10: memref<10016x64xf32, #tpu.memory_space<vmem_shared>>, %arg11: memref<!tpu.dma_semaphore, #tpu.memory_space<semaphore_mem>>, %arg12: memref<!tpu.dma_semaphore, #tpu.memory_space<semaphore_mem>>, %arg13: memref<!tpu.dma_semaphore, #tpu.memory_space<semaphore_mem>>, %arg14: memref<!tpu.dma_semaphore, #tpu.memory_space<semaphore_mem>>, %arg15: memref<!tpu.dma_semaphore, #tpu.memory_space<semaphore_mem>>, %arg16: memref<!tpu.dma_semaphore, #tpu.memory_space<semaphore_mem>>, %arg17: memref<!tpu.dma_semaphore, #tpu.memory_space<semaphore_mem>>, %arg18: memref<!tpu.dma_semaphore, #tpu.memory_space<semaphore_mem>>, %arg19: memref<!tpu.dma_semaphore, #tpu.memory_space<semaphore_mem>>, %arg20: memref<!tpu.dma_semaphore, #tpu.memory_space<semaphore_mem>>, %arg21: memref<!tpu.dma_semaphore, #tpu.memory_space<semaphore_mem>>, %arg22: memref<!tpu.dma_semaphore, #tpu.memory_space<semaphore_mem>>, %arg23: memref<!tpu.dma_semaphore, #tpu.memory_space<semaphore_mem>>, %arg24: memref<!tpu.dma_semaphore, #tpu.memory_space<semaphore_mem>>, %arg25: memref<!tpu.dma_semaphore, #tpu.memory_space<semaphore_mem>>, %arg26: memref<!tpu.dma_semaphore, #tpu.memory_space<semaphore_mem>>, %arg27: memref<!tpu.dma_semaphore, #tpu.memory_space<semaphore_mem>>, %arg28: memref<!tpu.dma_semaphore, #tpu.memory_space<semaphore_mem>>, %arg29: memref<!tpu.dma_semaphore, #tpu.memory_space<semaphore_mem>>, %arg30: memref<!tpu.dma_semaphore, #tpu.memory_space<semaphore_mem>>, %arg31: memref<!tpu.dma_semaphore, #tpu.memory_space<semaphore_mem>>, %arg32: memref<!tpu.dma_semaphore, #tpu.memory_space<semaphore_mem>>, %arg33: memref<!tpu.dma_semaphore, #tpu.memory_space<semaphore_mem>>, %arg34: memref<!tpu.dma_semaphore, #tpu.memory_space<semaphore_mem>>) attributes {dimension_semantics = [#tpu.dimension_semantics<core_parallel>, #tpu.dimension_semantics<subcore_parallel>], iteration_bounds = array<i64: 2, 16>, scalar_prefetch = 0 : i64, scratch_operands = 28 : i64, tpu.core_type = #tpu.core_type<sc_vector_subcore>, window_params = [{transform_indices = #map}, {transform_indices = #map}, {transform_indices = #map}, {transform_indices = #map}, {transform_indices = #map}]} {
    %mul3A = arith.constant 80 : i32
    %mul3A_0 = arith.muli %arg1, %mul3A : i32
    "tpu.region"() ({
      %run_scoped3A = tpu.sem_alloc : memref<!tpu.dma_semaphore, #tpu.memory_space<semaphore_mem>>
      %dma_start3A_263 = arith.constant 0 : i32
      %dma_start3A_264 = tpu.memref_slice %arg4[%mul3A_0, %dma_start3A_263] : memref<1280x128xi32, #tpu.memory_space<hbm>> -> memref<80x128xi32, #tpu.memory_space<hbm>>
      %dma_start3A_265 = arith.constant 0 : i32
      %dma_start3A_266 = tpu.memref_slice %arg4[%mul3A_0, %dma_start3A_265] : memref<1280x128xi32, #tpu.memory_space<hbm>> -> memref<80x128xi32, #tpu.memory_space<hbm>>
      tpu.enqueue_dma source(%dma_start3A_266 : memref<80x128xi32, #tpu.memory_space<hbm>>) target(%arg8 : memref<80x128xi32, #tpu.memory_space<vmem>>) target_semaphore(%run_scoped3A : memref<!tpu.dma_semaphore, #tpu.memory_space<semaphore_mem>>)
      %dma_wait3A_267 = arith.constant 0 : i32
      %dma_wait3A_268 = tpu.memref_slice %arg4[%mul3A_0, %dma_wait3A_267] : memref<1280x128xi32, #tpu.memory_space<hbm>> -> memref<80x128xi32, #tpu.memory_space<hbm>>
      %dma_wait3A_269 = arith.constant 0 : i32
      %dma_wait3A_270 = tpu.memref_slice %arg4[%mul3A_0, %dma_wait3A_269] : memref<1280x128xi32, #tpu.memory_space<hbm>> -> memref<80x128xi32, #tpu.memory_space<hbm>>
      tpu.wait_dma2 semaphore(%run_scoped3A : memref<!tpu.dma_semaphore, #tpu.memory_space<semaphore_mem>>) src(%dma_wait3A_270 : memref<80x128xi32, #tpu.memory_space<hbm>>) dst(%arg8 : memref<80x128xi32, #tpu.memory_space<vmem>>)
      tpu.yield
    }) : () -> ()
    %add3A = arith.constant 0 : i32
    %add3A_1 = arith.addi %add3A, %arg0 : i32
    %mul3A_2 = arith.constant 1280 : i32
    %mul3A_3 = arith.muli %add3A_1, %mul3A_2 : i32
    %mul3A_4 = arith.constant 80 : i32
    %mul3A_5 = arith.muli %arg1, %mul3A_4 : i32
    %add3A_6 = arith.addi %mul3A_3, %mul3A_5 : i32
    "tpu.region"() ({
      %run_scoped3A = tpu.sem_alloc : memref<!tpu.dma_semaphore, #tpu.memory_space<semaphore_mem>>
      %dma_start3A_263 = arith.constant 0 : i32
      %dma_start3A_264 = tpu.memref_slice %arg3[%add3A_6, %dma_start3A_263] : memref<2560x128xi32, #tpu.memory_space<hbm>> -> memref<80x128xi32, #tpu.memory_space<hbm>>
      %dma_start3A_265 = arith.constant 0 : i32
      %dma_start3A_266 = tpu.memref_slice %arg3[%add3A_6, %dma_start3A_265] : memref<2560x128xi32, #tpu.memory_space<hbm>> -> memref<80x128xi32, #tpu.memory_space<hbm>>
      tpu.enqueue_dma source(%dma_start3A_266 : memref<80x128xi32, #tpu.memory_space<hbm>>) target(%arg7 : memref<80x128xi32, #tpu.memory_space<vmem>>) target_semaphore(%run_scoped3A : memref<!tpu.dma_semaphore, #tpu.memory_space<semaphore_mem>>)
      %dma_wait3A_267 = arith.constant 0 : i32
      %dma_wait3A_268 = tpu.memref_slice %arg3[%add3A_6, %dma_wait3A_267] : memref<2560x128xi32, #tpu.memory_space<hbm>> -> memref<80x128xi32, #tpu.memory_space<hbm>>
      %dma_wait3A_269 = arith.constant 0 : i32
      %dma_wait3A_270 = tpu.memref_slice %arg3[%add3A_6, %dma_wait3A_269] : memref<2560x128xi32, #tpu.memory_space<hbm>> -> memref<80x128xi32, #tpu.memory_space<hbm>>
      tpu.wait_dma2 semaphore(%run_scoped3A : memref<!tpu.dma_semaphore, #tpu.memory_space<semaphore_mem>>) src(%dma_wait3A_270 : memref<80x128xi32, #tpu.memory_space<hbm>>) dst(%arg7 : memref<80x128xi32, #tpu.memory_space<vmem>>)
      tpu.yield
    }) : () -> ()
    %dma_start3A = arith.constant 0 : i32
    %dma_start3A_7 = arith.constant 0 : i32
    %dma_start3A_8 = arith.constant 0 : i32
    %dma_start3A_9 = arith.constant 0 : i32
    %dma_start3A_10 = tpu.memref_slice %arg9[%dma_start3A_7, %dma_start3A_8, %dma_start3A_9] : memref<8x128x64xf32, #tpu.memory_space<vmem>> -> memref<1x64x64xf32, #tpu.memory_space<vmem>>
    %dma_start3A_11 = tpu.memref_squeeze %dma_start3A_10 : memref<1x64x64xf32, #tpu.memory_space<vmem>> -> memref<64x64xf32, #tpu.memory_space<vmem>>
    %dma_start3A_12 = arith.constant 0 : i32
    %dma_start3A_13 = tpu.memref_slice %arg7[%dma_start3A, %dma_start3A_12] : memref<80x128xi32, #tpu.memory_space<vmem>> -> memref<1x64xi32, #tpu.memory_space<vmem>>
    %dma_start3A_14 = tpu.memref_squeeze %dma_start3A_13 : memref<1x64xi32, #tpu.memory_space<vmem>> -> memref<64xi32, #tpu.memory_space<vmem>>
    %dma_start3A_15 = arith.constant 0 : i32
    %dma_start3A_16 = arith.constant 0 : i32
    %dma_start3A_17 = tpu.memref_slice %arg2[%dma_start3A_15, %dma_start3A_16] : memref<20000x64xf32, #tpu.memory_space<hbm>> -> memref<20000x64xf32, #tpu.memory_space<hbm>>
    tpu.enqueue_indirect_dma source(%dma_start3A_17 : memref<20000x64xf32, #tpu.memory_space<hbm>>) target(%dma_start3A_11 : memref<64x64xf32, #tpu.memory_space<vmem>>) offsets(%dma_start3A_14 : memref<64xi32, #tpu.memory_space<vmem>>) semaphore(%arg11 : memref<!tpu.dma_semaphore, #tpu.memory_space<semaphore_mem>>)
    %dma_start3A_18 = arith.constant 0 : i32
    %dma_start3A_19 = arith.constant 0 : i32
    %dma_start3A_20 = arith.constant 64 : i32
    %dma_start3A_21 = arith.constant 0 : i32
    %dma_start3A_22 = tpu.memref_slice %arg9[%dma_start3A_19, %dma_start3A_20, %dma_start3A_21] : memref<8x128x64xf32, #tpu.memory_space<vmem>> -> memref<1x64x64xf32, #tpu.memory_space<vmem>>
    %dma_start3A_23 = tpu.memref_squeeze %dma_start3A_22 : memref<1x64x64xf32, #tpu.memory_space<vmem>> -> memref<64x64xf32, #tpu.memory_space<vmem>>
    %dma_start3A_24 = arith.constant 64 : i32
    %dma_start3A_25 = tpu.memref_slice %arg7[%dma_start3A_18, %dma_start3A_24] : memref<80x128xi32, #tpu.memory_space<vmem>> -> memref<1x64xi32, #tpu.memory_space<vmem>>
    %dma_start3A_26 = tpu.memref_squeeze %dma_start3A_25 : memref<1x64xi32, #tpu.memory_space<vmem>> -> memref<64xi32, #tpu.memory_space<vmem>>
    %dma_start3A_27 = arith.constant 0 : i32
    %dma_start3A_28 = arith.constant 0 : i32
    %dma_start3A_29 = tpu.memref_slice %arg2[%dma_start3A_27, %dma_start3A_28] : memref<20000x64xf32, #tpu.memory_space<hbm>> -> memref<20000x64xf32, #tpu.memory_space<hbm>>
    tpu.enqueue_indirect_dma source(%dma_start3A_29 : memref<20000x64xf32, #tpu.memory_space<hbm>>) target(%dma_start3A_23 : memref<64x64xf32, #tpu.memory_space<vmem>>) offsets(%dma_start3A_26 : memref<64xi32, #tpu.memory_space<vmem>>) semaphore(%arg19 : memref<!tpu.dma_semaphore, #tpu.memory_space<semaphore_mem>>)
    %dma_start3A_30 = arith.constant 1 : i32
    %dma_start3A_31 = arith.constant 1 : i32
    %dma_start3A_32 = arith.constant 0 : i32
    %dma_start3A_33 = arith.constant 0 : i32
    %dma_start3A_34 = tpu.memref_slice %arg9[%dma_start3A_31, %dma_start3A_32, %dma_start3A_33] : memref<8x128x64xf32, #tpu.memory_space<vmem>> -> memref<1x64x64xf32, #tpu.memory_space<vmem>>
    %dma_start3A_35 = tpu.memref_squeeze %dma_start3A_34 : memref<1x64x64xf32, #tpu.memory_space<vmem>> -> memref<64x64xf32, #tpu.memory_space<vmem>>
    %dma_start3A_36 = arith.constant 0 : i32
    %dma_start3A_37 = tpu.memref_slice %arg7[%dma_start3A_30, %dma_start3A_36] : memref<80x128xi32, #tpu.memory_space<vmem>> -> memref<1x64xi32, #tpu.memory_space<vmem>>
    %dma_start3A_38 = tpu.memref_squeeze %dma_start3A_37 : memref<1x64xi32, #tpu.memory_space<vmem>> -> memref<64xi32, #tpu.memory_space<vmem>>
    %dma_start3A_39 = arith.constant 0 : i32
    %dma_start3A_40 = arith.constant 0 : i32
    %dma_start3A_41 = tpu.memref_slice %arg2[%dma_start3A_39, %dma_start3A_40] : memref<20000x64xf32, #tpu.memory_space<hbm>> -> memref<20000x64xf32, #tpu.memory_space<hbm>>
    tpu.enqueue_indirect_dma source(%dma_start3A_41 : memref<20000x64xf32, #tpu.memory_space<hbm>>) target(%dma_start3A_35 : memref<64x64xf32, #tpu.memory_space<vmem>>) offsets(%dma_start3A_38 : memref<64xi32, #tpu.memory_space<vmem>>) semaphore(%arg12 : memref<!tpu.dma_semaphore, #tpu.memory_space<semaphore_mem>>)
    %dma_start3A_42 = arith.constant 1 : i32
    %dma_start3A_43 = arith.constant 1 : i32
    %dma_start3A_44 = arith.constant 64 : i32
    %dma_start3A_45 = arith.constant 0 : i32
    %dma_start3A_46 = tpu.memref_slice %arg9[%dma_start3A_43, %dma_start3A_44, %dma_start3A_45] : memref<8x128x64xf32, #tpu.memory_space<vmem>> -> memref<1x64x64xf32, #tpu.memory_space<vmem>>
    %dma_start3A_47 = tpu.memref_squeeze %dma_start3A_46 : memref<1x64x64xf32, #tpu.memory_space<vmem>> -> memref<64x64xf32, #tpu.memory_space<vmem>>
    %dma_start3A_48 = arith.constant 64 : i32
    %dma_start3A_49 = tpu.memref_slice %arg7[%dma_start3A_42, %dma_start3A_48] : memref<80x128xi32, #tpu.memory_space<vmem>> -> memref<1x64xi32, #tpu.memory_space<vmem>>
    %dma_start3A_50 = tpu.memref_squeeze %dma_start3A_49 : memref<1x64xi32, #tpu.memory_space<vmem>> -> memref<64xi32, #tpu.memory_space<vmem>>
    %dma_start3A_51 = arith.constant 0 : i32
    %dma_start3A_52 = arith.constant 0 : i32
    %dma_start3A_53 = tpu.memref_slice %arg2[%dma_start3A_51, %dma_start3A_52] : memref<20000x64xf32, #tpu.memory_space<hbm>> -> memref<20000x64xf32, #tpu.memory_space<hbm>>
    tpu.enqueue_indirect_dma source(%dma_start3A_53 : memref<20000x64xf32, #tpu.memory_space<hbm>>) target(%dma_start3A_47 : memref<64x64xf32, #tpu.memory_space<vmem>>) offsets(%dma_start3A_50 : memref<64xi32, #tpu.memory_space<vmem>>) semaphore(%arg20 : memref<!tpu.dma_semaphore, #tpu.memory_space<semaphore_mem>>)
    %dma_start3A_54 = arith.constant 2 : i32
    %dma_start3A_55 = arith.constant 2 : i32
    %dma_start3A_56 = arith.constant 0 : i32
    %dma_start3A_57 = arith.constant 0 : i32
    %dma_start3A_58 = tpu.memref_slice %arg9[%dma_start3A_55, %dma_start3A_56, %dma_start3A_57] : memref<8x128x64xf32, #tpu.memory_space<vmem>> -> memref<1x64x64xf32, #tpu.memory_space<vmem>>
    %dma_start3A_59 = tpu.memref_squeeze %dma_start3A_58 : memref<1x64x64xf32, #tpu.memory_space<vmem>> -> memref<64x64xf32, #tpu.memory_space<vmem>>
    %dma_start3A_60 = arith.constant 0 : i32
    %dma_start3A_61 = tpu.memref_slice %arg7[%dma_start3A_54, %dma_start3A_60] : memref<80x128xi32, #tpu.memory_space<vmem>> -> memref<1x64xi32, #tpu.memory_space<vmem>>
    %dma_start3A_62 = tpu.memref_squeeze %dma_start3A_61 : memref<1x64xi32, #tpu.memory_space<vmem>> -> memref<64xi32, #tpu.memory_space<vmem>>
    %dma_start3A_63 = arith.constant 0 : i32
    %dma_start3A_64 = arith.constant 0 : i32
    %dma_start3A_65 = tpu.memref_slice %arg2[%dma_start3A_63, %dma_start3A_64] : memref<20000x64xf32, #tpu.memory_space<hbm>> -> memref<20000x64xf32, #tpu.memory_space<hbm>>
    tpu.enqueue_indirect_dma source(%dma_start3A_65 : memref<20000x64xf32, #tpu.memory_space<hbm>>) target(%dma_start3A_59 : memref<64x64xf32, #tpu.memory_space<vmem>>) offsets(%dma_start3A_62 : memref<64xi32, #tpu.memory_space<vmem>>) semaphore(%arg13 : memref<!tpu.dma_semaphore, #tpu.memory_space<semaphore_mem>>)
    %dma_start3A_66 = arith.constant 2 : i32
    %dma_start3A_67 = arith.constant 2 : i32
    %dma_start3A_68 = arith.constant 64 : i32
    %dma_start3A_69 = arith.constant 0 : i32
    %dma_start3A_70 = tpu.memref_slice %arg9[%dma_start3A_67, %dma_start3A_68, %dma_start3A_69] : memref<8x128x64xf32, #tpu.memory_space<vmem>> -> memref<1x64x64xf32, #tpu.memory_space<vmem>>
    %dma_start3A_71 = tpu.memref_squeeze %dma_start3A_70 : memref<1x64x64xf32, #tpu.memory_space<vmem>> -> memref<64x64xf32, #tpu.memory_space<vmem>>
    %dma_start3A_72 = arith.constant 64 : i32
    %dma_start3A_73 = tpu.memref_slice %arg7[%dma_start3A_66, %dma_start3A_72] : memref<80x128xi32, #tpu.memory_space<vmem>> -> memref<1x64xi32, #tpu.memory_space<vmem>>
    %dma_start3A_74 = tpu.memref_squeeze %dma_start3A_73 : memref<1x64xi32, #tpu.memory_space<vmem>> -> memref<64xi32, #tpu.memory_space<vmem>>
    %dma_start3A_75 = arith.constant 0 : i32
    %dma_start3A_76 = arith.constant 0 : i32
    %dma_start3A_77 = tpu.memref_slice %arg2[%dma_start3A_75, %dma_start3A_76] : memref<20000x64xf32, #tpu.memory_space<hbm>> -> memref<20000x64xf32, #tpu.memory_space<hbm>>
    tpu.enqueue_indirect_dma source(%dma_start3A_77 : memref<20000x64xf32, #tpu.memory_space<hbm>>) target(%dma_start3A_71 : memref<64x64xf32, #tpu.memory_space<vmem>>) offsets(%dma_start3A_74 : memref<64xi32, #tpu.memory_space<vmem>>) semaphore(%arg21 : memref<!tpu.dma_semaphore, #tpu.memory_space<semaphore_mem>>)
    %dma_start3A_78 = arith.constant 3 : i32
    %dma_start3A_79 = arith.constant 3 : i32
    %dma_start3A_80 = arith.constant 0 : i32
    %dma_start3A_81 = arith.constant 0 : i32
    %dma_start3A_82 = tpu.memref_slice %arg9[%dma_start3A_79, %dma_start3A_80, %dma_start3A_81] : memref<8x128x64xf32, #tpu.memory_space<vmem>> -> memref<1x64x64xf32, #tpu.memory_space<vmem>>
    %dma_start3A_83 = tpu.memref_squeeze %dma_start3A_82 : memref<1x64x64xf32, #tpu.memory_space<vmem>> -> memref<64x64xf32, #tpu.memory_space<vmem>>
    %dma_start3A_84 = arith.constant 0 : i32
    %dma_start3A_85 = tpu.memref_slice %arg7[%dma_start3A_78, %dma_start3A_84] : memref<80x128xi32, #tpu.memory_space<vmem>> -> memref<1x64xi32, #tpu.memory_space<vmem>>
    %dma_start3A_86 = tpu.memref_squeeze %dma_start3A_85 : memref<1x64xi32, #tpu.memory_space<vmem>> -> memref<64xi32, #tpu.memory_space<vmem>>
    %dma_start3A_87 = arith.constant 0 : i32
    %dma_start3A_88 = arith.constant 0 : i32
    %dma_start3A_89 = tpu.memref_slice %arg2[%dma_start3A_87, %dma_start3A_88] : memref<20000x64xf32, #tpu.memory_space<hbm>> -> memref<20000x64xf32, #tpu.memory_space<hbm>>
    tpu.enqueue_indirect_dma source(%dma_start3A_89 : memref<20000x64xf32, #tpu.memory_space<hbm>>) target(%dma_start3A_83 : memref<64x64xf32, #tpu.memory_space<vmem>>) offsets(%dma_start3A_86 : memref<64xi32, #tpu.memory_space<vmem>>) semaphore(%arg14 : memref<!tpu.dma_semaphore, #tpu.memory_space<semaphore_mem>>)
    %dma_start3A_90 = arith.constant 3 : i32
    %dma_start3A_91 = arith.constant 3 : i32
    %dma_start3A_92 = arith.constant 64 : i32
    %dma_start3A_93 = arith.constant 0 : i32
    %dma_start3A_94 = tpu.memref_slice %arg9[%dma_start3A_91, %dma_start3A_92, %dma_start3A_93] : memref<8x128x64xf32, #tpu.memory_space<vmem>> -> memref<1x64x64xf32, #tpu.memory_space<vmem>>
    %dma_start3A_95 = tpu.memref_squeeze %dma_start3A_94 : memref<1x64x64xf32, #tpu.memory_space<vmem>> -> memref<64x64xf32, #tpu.memory_space<vmem>>
    %dma_start3A_96 = arith.constant 64 : i32
    %dma_start3A_97 = tpu.memref_slice %arg7[%dma_start3A_90, %dma_start3A_96] : memref<80x128xi32, #tpu.memory_space<vmem>> -> memref<1x64xi32, #tpu.memory_space<vmem>>
    %dma_start3A_98 = tpu.memref_squeeze %dma_start3A_97 : memref<1x64xi32, #tpu.memory_space<vmem>> -> memref<64xi32, #tpu.memory_space<vmem>>
    %dma_start3A_99 = arith.constant 0 : i32
    %dma_start3A_100 = arith.constant 0 : i32
    %dma_start3A_101 = tpu.memref_slice %arg2[%dma_start3A_99, %dma_start3A_100] : memref<20000x64xf32, #tpu.memory_space<hbm>> -> memref<20000x64xf32, #tpu.memory_space<hbm>>
    tpu.enqueue_indirect_dma source(%dma_start3A_101 : memref<20000x64xf32, #tpu.memory_space<hbm>>) target(%dma_start3A_95 : memref<64x64xf32, #tpu.memory_space<vmem>>) offsets(%dma_start3A_98 : memref<64xi32, #tpu.memory_space<vmem>>) semaphore(%arg22 : memref<!tpu.dma_semaphore, #tpu.memory_space<semaphore_mem>>)
    %dma_start3A_102 = arith.constant 4 : i32
    %dma_start3A_103 = arith.constant 4 : i32
    %dma_start3A_104 = arith.constant 0 : i32
    %dma_start3A_105 = arith.constant 0 : i32
    %dma_start3A_106 = tpu.memref_slice %arg9[%dma_start3A_103, %dma_start3A_104, %dma_start3A_105] : memref<8x128x64xf32, #tpu.memory_space<vmem>> -> memref<1x64x64xf32, #tpu.memory_space<vmem>>
    %dma_start3A_107 = tpu.memref_squeeze %dma_start3A_106 : memref<1x64x64xf32, #tpu.memory_space<vmem>> -> memref<64x64xf32, #tpu.memory_space<vmem>>
    %dma_start3A_108 = arith.constant 0 : i32
    %dma_start3A_109 = tpu.memref_slice %arg7[%dma_start3A_102, %dma_start3A_108] : memref<80x128xi32, #tpu.memory_space<vmem>> -> memref<1x64xi32, #tpu.memory_space<vmem>>
    %dma_start3A_110 = tpu.memref_squeeze %dma_start3A_109 : memref<1x64xi32, #tpu.memory_space<vmem>> -> memref<64xi32, #tpu.memory_space<vmem>>
    %dma_start3A_111 = arith.constant 0 : i32
    %dma_start3A_112 = arith.constant 0 : i32
    %dma_start3A_113 = tpu.memref_slice %arg2[%dma_start3A_111, %dma_start3A_112] : memref<20000x64xf32, #tpu.memory_space<hbm>> -> memref<20000x64xf32, #tpu.memory_space<hbm>>
    tpu.enqueue_indirect_dma source(%dma_start3A_113 : memref<20000x64xf32, #tpu.memory_space<hbm>>) target(%dma_start3A_107 : memref<64x64xf32, #tpu.memory_space<vmem>>) offsets(%dma_start3A_110 : memref<64xi32, #tpu.memory_space<vmem>>) semaphore(%arg15 : memref<!tpu.dma_semaphore, #tpu.memory_space<semaphore_mem>>)
    %dma_start3A_114 = arith.constant 4 : i32
    %dma_start3A_115 = arith.constant 4 : i32
    %dma_start3A_116 = arith.constant 64 : i32
    %dma_start3A_117 = arith.constant 0 : i32
    %dma_start3A_118 = tpu.memref_slice %arg9[%dma_start3A_115, %dma_start3A_116, %dma_start3A_117] : memref<8x128x64xf32, #tpu.memory_space<vmem>> -> memref<1x64x64xf32, #tpu.memory_space<vmem>>
    %dma_start3A_119 = tpu.memref_squeeze %dma_start3A_118 : memref<1x64x64xf32, #tpu.memory_space<vmem>> -> memref<64x64xf32, #tpu.memory_space<vmem>>
    %dma_start3A_120 = arith.constant 64 : i32
    %dma_start3A_121 = tpu.memref_slice %arg7[%dma_start3A_114, %dma_start3A_120] : memref<80x128xi32, #tpu.memory_space<vmem>> -> memref<1x64xi32, #tpu.memory_space<vmem>>
    %dma_start3A_122 = tpu.memref_squeeze %dma_start3A_121 : memref<1x64xi32, #tpu.memory_space<vmem>> -> memref<64xi32, #tpu.memory_space<vmem>>
    %dma_start3A_123 = arith.constant 0 : i32
    %dma_start3A_124 = arith.constant 0 : i32
    %dma_start3A_125 = tpu.memref_slice %arg2[%dma_start3A_123, %dma_start3A_124] : memref<20000x64xf32, #tpu.memory_space<hbm>> -> memref<20000x64xf32, #tpu.memory_space<hbm>>
    tpu.enqueue_indirect_dma source(%dma_start3A_125 : memref<20000x64xf32, #tpu.memory_space<hbm>>) target(%dma_start3A_119 : memref<64x64xf32, #tpu.memory_space<vmem>>) offsets(%dma_start3A_122 : memref<64xi32, #tpu.memory_space<vmem>>) semaphore(%arg23 : memref<!tpu.dma_semaphore, #tpu.memory_space<semaphore_mem>>)
    %dma_start3A_126 = arith.constant 5 : i32
    %dma_start3A_127 = arith.constant 5 : i32
    %dma_start3A_128 = arith.constant 0 : i32
    %dma_start3A_129 = arith.constant 0 : i32
    %dma_start3A_130 = tpu.memref_slice %arg9[%dma_start3A_127, %dma_start3A_128, %dma_start3A_129] : memref<8x128x64xf32, #tpu.memory_space<vmem>> -> memref<1x64x64xf32, #tpu.memory_space<vmem>>
    %dma_start3A_131 = tpu.memref_squeeze %dma_start3A_130 : memref<1x64x64xf32, #tpu.memory_space<vmem>> -> memref<64x64xf32, #tpu.memory_space<vmem>>
    %dma_start3A_132 = arith.constant 0 : i32
    %dma_start3A_133 = tpu.memref_slice %arg7[%dma_start3A_126, %dma_start3A_132] : memref<80x128xi32, #tpu.memory_space<vmem>> -> memref<1x64xi32, #tpu.memory_space<vmem>>
    %dma_start3A_134 = tpu.memref_squeeze %dma_start3A_133 : memref<1x64xi32, #tpu.memory_space<vmem>> -> memref<64xi32, #tpu.memory_space<vmem>>
    %dma_start3A_135 = arith.constant 0 : i32
    %dma_start3A_136 = arith.constant 0 : i32
    %dma_start3A_137 = tpu.memref_slice %arg2[%dma_start3A_135, %dma_start3A_136] : memref<20000x64xf32, #tpu.memory_space<hbm>> -> memref<20000x64xf32, #tpu.memory_space<hbm>>
    tpu.enqueue_indirect_dma source(%dma_start3A_137 : memref<20000x64xf32, #tpu.memory_space<hbm>>) target(%dma_start3A_131 : memref<64x64xf32, #tpu.memory_space<vmem>>) offsets(%dma_start3A_134 : memref<64xi32, #tpu.memory_space<vmem>>) semaphore(%arg16 : memref<!tpu.dma_semaphore, #tpu.memory_space<semaphore_mem>>)
    %dma_start3A_138 = arith.constant 5 : i32
    %dma_start3A_139 = arith.constant 5 : i32
    %dma_start3A_140 = arith.constant 64 : i32
    %dma_start3A_141 = arith.constant 0 : i32
    %dma_start3A_142 = tpu.memref_slice %arg9[%dma_start3A_139, %dma_start3A_140, %dma_start3A_141] : memref<8x128x64xf32, #tpu.memory_space<vmem>> -> memref<1x64x64xf32, #tpu.memory_space<vmem>>
    %dma_start3A_143 = tpu.memref_squeeze %dma_start3A_142 : memref<1x64x64xf32, #tpu.memory_space<vmem>> -> memref<64x64xf32, #tpu.memory_space<vmem>>
    %dma_start3A_144 = arith.constant 64 : i32
    %dma_start3A_145 = tpu.memref_slice %arg7[%dma_start3A_138, %dma_start3A_144] : memref<80x128xi32, #tpu.memory_space<vmem>> -> memref<1x64xi32, #tpu.memory_space<vmem>>
    %dma_start3A_146 = tpu.memref_squeeze %dma_start3A_145 : memref<1x64xi32, #tpu.memory_space<vmem>> -> memref<64xi32, #tpu.memory_space<vmem>>
    %dma_start3A_147 = arith.constant 0 : i32
    %dma_start3A_148 = arith.constant 0 : i32
    %dma_start3A_149 = tpu.memref_slice %arg2[%dma_start3A_147, %dma_start3A_148] : memref<20000x64xf32, #tpu.memory_space<hbm>> -> memref<20000x64xf32, #tpu.memory_space<hbm>>
    tpu.enqueue_indirect_dma source(%dma_start3A_149 : memref<20000x64xf32, #tpu.memory_space<hbm>>) target(%dma_start3A_143 : memref<64x64xf32, #tpu.memory_space<vmem>>) offsets(%dma_start3A_146 : memref<64xi32, #tpu.memory_space<vmem>>) semaphore(%arg24 : memref<!tpu.dma_semaphore, #tpu.memory_space<semaphore_mem>>)
    %mul3A_150 = arith.constant 626 : i32
    %mul3A_151 = arith.muli %arg1, %mul3A_150 : i32
    %mul3A_152 = arith.constant 626 : i32
    %mul3A_153 = arith.muli %arg1, %mul3A_152 : i32
    "tpu.region"() ({
      %run_scoped3A = tpu.sem_alloc : memref<!tpu.dma_semaphore, #tpu.memory_space<semaphore_mem>>
      %dma_start3A_263 = arith.constant 0 : i32
      %dma_start3A_264 = tpu.memref_slice %arg10[%mul3A_153, %dma_start3A_263] : memref<10016x64xf32, #tpu.memory_space<vmem_shared>> -> memref<626x64xf32, #tpu.memory_space<vmem_shared>>
      %dma_start3A_265 = arith.constant 0 : i32
      %dma_start3A_266 = tpu.memref_slice %arg5[%mul3A_151, %dma_start3A_265] : memref<10016x64xf32, #tpu.memory_space<hbm>> -> memref<626x64xf32, #tpu.memory_space<hbm>>
      tpu.enqueue_dma source(%dma_start3A_266 : memref<626x64xf32, #tpu.memory_space<hbm>>) target(%dma_start3A_264 : memref<626x64xf32, #tpu.memory_space<vmem_shared>>) target_semaphore(%run_scoped3A : memref<!tpu.dma_semaphore, #tpu.memory_space<semaphore_mem>>)
      %dma_wait3A_267 = arith.constant 0 : i32
      %dma_wait3A_268 = tpu.memref_slice %arg10[%mul3A_153, %dma_wait3A_267] : memref<10016x64xf32, #tpu.memory_space<vmem_shared>> -> memref<626x64xf32, #tpu.memory_space<vmem_shared>>
      %dma_wait3A_269 = arith.constant 0 : i32
      %dma_wait3A_270 = tpu.memref_slice %arg5[%mul3A_151, %dma_wait3A_269] : memref<10016x64xf32, #tpu.memory_space<hbm>> -> memref<626x64xf32, #tpu.memory_space<hbm>>
      tpu.wait_dma2 semaphore(%run_scoped3A : memref<!tpu.dma_semaphore, #tpu.memory_space<semaphore_mem>>) src(%dma_wait3A_270 : memref<626x64xf32, #tpu.memory_space<hbm>>) dst(%dma_wait3A_268 : memref<626x64xf32, #tpu.memory_space<vmem_shared>>)
      tpu.yield
    }) : () -> ()
    %barrier3A = arith.constant 0 : index
    tpu.barrier barrier_id(%barrier3A)
    %scan3A = arith.constant 0 : i32
    %scan3A_154 = arith.constant 10 : i32
    %scan3A_155 = arith.addi %scan3A, %scan3A_154 : i32
    %scan3A_156 = arith.constant 1 : i32
    scf.for %scan3A_263 = %scan3A to %scan3A_155 step %scan3A_156  : i32 {
      %mul3A_264 = arith.constant 8 : i32
      %mul3A_265 = arith.muli %scan3A_263, %mul3A_264 : i32
      %add3A_266 = arith.constant 0 : i32
      %add3A_267 = arith.addi %mul3A_265, %add3A_266 : i32
      %dma_wait3A_268 = arith.constant 0 : i32
      %dma_wait3A_269 = arith.constant 0 : i32
      %dma_wait3A_270 = arith.constant 0 : i32
      %dma_wait3A_271 = tpu.memref_slice %arg9[%dma_wait3A_268, %dma_wait3A_269, %dma_wait3A_270] : memref<8x128x64xf32, #tpu.memory_space<vmem>> -> memref<1x64x64xf32, #tpu.memory_space<vmem>>
      %dma_wait3A_272 = tpu.memref_squeeze %dma_wait3A_271 : memref<1x64x64xf32, #tpu.memory_space<vmem>> -> memref<64x64xf32, #tpu.memory_space<vmem>>
      %dma_wait3A_273 = arith.constant 0 : i32
      %dma_wait3A_274 = tpu.memref_slice %arg7[%add3A_267, %dma_wait3A_273] : memref<80x128xi32, #tpu.memory_space<vmem>> -> memref<1x64xi32, #tpu.memory_space<vmem>>
      %dma_wait3A_275 = tpu.memref_squeeze %dma_wait3A_274 : memref<1x64xi32, #tpu.memory_space<vmem>> -> memref<64xi32, #tpu.memory_space<vmem>>
      %dma_wait3A_276 = arith.constant 0 : i32
      %dma_wait3A_277 = arith.constant 0 : i32
      %dma_wait3A_278 = tpu.memref_slice %arg2[%dma_wait3A_276, %dma_wait3A_277] : memref<20000x64xf32, #tpu.memory_space<hbm>> -> memref<20000x64xf32, #tpu.memory_space<hbm>>
      tpu.wait_indirect_dma semaphore(%arg11 : memref<!tpu.dma_semaphore, #tpu.memory_space<semaphore_mem>>) src(%dma_wait3A_278 : memref<20000x64xf32, #tpu.memory_space<hbm>>) dst(%dma_wait3A_272 : memref<64x64xf32, #tpu.memory_space<vmem>>)
      %dma_wait3A_279 = arith.constant 0 : i32
      %dma_wait3A_280 = arith.constant 64 : i32
      %dma_wait3A_281 = arith.constant 0 : i32
      %dma_wait3A_282 = tpu.memref_slice %arg9[%dma_wait3A_279, %dma_wait3A_280, %dma_wait3A_281] : memref<8x128x64xf32, #tpu.memory_space<vmem>> -> memref<1x64x64xf32, #tpu.memory_space<vmem>>
      %dma_wait3A_283 = tpu.memref_squeeze %dma_wait3A_282 : memref<1x64x64xf32, #tpu.memory_space<vmem>> -> memref<64x64xf32, #tpu.memory_space<vmem>>
      %dma_wait3A_284 = arith.constant 64 : i32
      %dma_wait3A_285 = tpu.memref_slice %arg7[%add3A_267, %dma_wait3A_284] : memref<80x128xi32, #tpu.memory_space<vmem>> -> memref<1x64xi32, #tpu.memory_space<vmem>>
      %dma_wait3A_286 = tpu.memref_squeeze %dma_wait3A_285 : memref<1x64xi32, #tpu.memory_space<vmem>> -> memref<64xi32, #tpu.memory_space<vmem>>
      %dma_wait3A_287 = arith.constant 0 : i32
      %dma_wait3A_288 = arith.constant 0 : i32
      %dma_wait3A_289 = tpu.memref_slice %arg2[%dma_wait3A_287, %dma_wait3A_288] : memref<20000x64xf32, #tpu.memory_space<hbm>> -> memref<20000x64xf32, #tpu.memory_space<hbm>>
      tpu.wait_indirect_dma semaphore(%arg19 : memref<!tpu.dma_semaphore, #tpu.memory_space<semaphore_mem>>) src(%dma_wait3A_289 : memref<20000x64xf32, #tpu.memory_space<hbm>>) dst(%dma_wait3A_283 : memref<64x64xf32, #tpu.memory_space<vmem>>)
      %dma_start3A_290 = arith.constant 0 : i32
      %dma_start3A_291 = arith.constant 0 : i32
      %dma_start3A_292 = arith.constant 0 : i32
      %dma_start3A_293 = tpu.memref_slice %arg9[%dma_start3A_290, %dma_start3A_291, %dma_start3A_292] : memref<8x128x64xf32, #tpu.memory_space<vmem>> -> memref<1x128x64xf32, #tpu.memory_space<vmem>>
      %dma_start3A_294 = tpu.memref_squeeze %dma_start3A_293 : memref<1x128x64xf32, #tpu.memory_space<vmem>> -> memref<128x64xf32, #tpu.memory_space<vmem>>
      %dma_start3A_295 = arith.constant 0 : i32
      %dma_start3A_296 = tpu.memref_slice %arg8[%add3A_267, %dma_start3A_295] : memref<80x128xi32, #tpu.memory_space<vmem>> -> memref<1x128xi32, #tpu.memory_space<vmem>>
      %dma_start3A_297 = tpu.memref_squeeze %dma_start3A_296 : memref<1x128xi32, #tpu.memory_space<vmem>> -> memref<128xi32, #tpu.memory_space<vmem>>
      %dma_start3A_298 = arith.constant 0 : i32
      %dma_start3A_299 = arith.constant 0 : i32
      %dma_start3A_300 = tpu.memref_slice %arg10[%dma_start3A_298, %dma_start3A_299] : memref<10016x64xf32, #tpu.memory_space<vmem_shared>> -> memref<10016x64xf32, #tpu.memory_space<vmem_shared>>
      tpu.enqueue_indirect_dma source(%dma_start3A_294 : memref<128x64xf32, #tpu.memory_space<vmem>>) target(%dma_start3A_300 : memref<10016x64xf32, #tpu.memory_space<vmem_shared>>) offsets(%dma_start3A_297 : memref<128xi32, #tpu.memory_space<vmem>>) semaphore(%arg27 : memref<!tpu.dma_semaphore, #tpu.memory_space<semaphore_mem>>) {add = true}
      %add3A_301 = arith.constant 6 : i32
      %add3A_302 = arith.addi %add3A_267, %add3A_301 : i32
      %lt3A = arith.constant 80 : i32
      %lt3A_303 = arith.cmpi slt, %add3A_302, %lt3A : i32
      %convert_element_type3A = arith.extui %lt3A_303 : i1 to i32
      %cond3A = arith.constant 0 : i32
      %cond3A_304 = arith.cmpi ne, %convert_element_type3A, %cond3A : i32
      scf.if %cond3A_304 {
        %ge3A = arith.constant 8 : i32
        %ge3A_613 = arith.cmpi sge, %add3A_302, %ge3A : i32
        %convert_element_type3A_614 = arith.extui %ge3A_613 : i1 to i32
        %cond3A_615 = arith.constant 0 : i32
        %cond3A_616 = arith.cmpi ne, %convert_element_type3A_614, %cond3A_615 : i32
        scf.if %cond3A_616 {
          %sub3A = arith.constant 8 : i32
          %sub3A_639 = arith.subi %add3A_302, %sub3A : i32
          %dma_wait3A_640 = arith.constant 6 : i32
          %dma_wait3A_641 = arith.constant 0 : i32
          %dma_wait3A_642 = arith.constant 0 : i32
          %dma_wait3A_643 = tpu.memref_slice %arg9[%dma_wait3A_640, %dma_wait3A_641, %dma_wait3A_642] : memref<8x128x64xf32, #tpu.memory_space<vmem>> -> memref<1x128x64xf32, #tpu.memory_space<vmem>>
          %dma_wait3A_644 = tpu.memref_squeeze %dma_wait3A_643 : memref<1x128x64xf32, #tpu.memory_space<vmem>> -> memref<128x64xf32, #tpu.memory_space<vmem>>
          %dma_wait3A_645 = arith.constant 0 : i32
          %dma_wait3A_646 = tpu.memref_slice %arg8[%sub3A_639, %dma_wait3A_645] : memref<80x128xi32, #tpu.memory_space<vmem>> -> memref<1x128xi32, #tpu.memory_space<vmem>>
          %dma_wait3A_647 = tpu.memref_squeeze %dma_wait3A_646 : memref<1x128xi32, #tpu.memory_space<vmem>> -> memref<128xi32, #tpu.memory_space<vmem>>
          %dma_wait3A_648 = arith.constant 0 : i32
          %dma_wait3A_649 = arith.constant 0 : i32
          %dma_wait3A_650 = tpu.memref_slice %arg10[%dma_wait3A_648, %dma_wait3A_649] : memref<10016x64xf32, #tpu.memory_space<vmem_shared>> -> memref<10016x64xf32, #tpu.memory_space<vmem_shared>>
          tpu.wait_indirect_dma semaphore(%arg33 : memref<!tpu.dma_semaphore, #tpu.memory_space<semaphore_mem>>) src(%dma_wait3A_644 : memref<128x64xf32, #tpu.memory_space<vmem>>) dst(%dma_wait3A_650 : memref<10016x64xf32, #tpu.memory_space<vmem_shared>>)
        } else {
        }
        %dma_start3A_617 = arith.constant 6 : i32
        %dma_start3A_618 = arith.constant 0 : i32
        %dma_start3A_619 = arith.constant 0 : i32
        %dma_start3A_620 = tpu.memref_slice %arg9[%dma_start3A_617, %dma_start3A_618, %dma_start3A_619] : memref<8x128x64xf32, #tpu.memory_space<vmem>> -> memref<1x64x64xf32, #tpu.memory_space<vmem>>
        %dma_start3A_621 = tpu.memref_squeeze %dma_start3A_620 : memref<1x64x64xf32, #tpu.memory_space<vmem>> -> memref<64x64xf32, #tpu.memory_space<vmem>>
        %dma_start3A_622 = arith.constant 0 : i32
        %dma_start3A_623 = tpu.memref_slice %arg7[%add3A_302, %dma_start3A_622] : memref<80x128xi32, #tpu.memory_space<vmem>> -> memref<1x64xi32, #tpu.memory_space<vmem>>
        %dma_start3A_624 = tpu.memref_squeeze %dma_start3A_623 : memref<1x64xi32, #tpu.memory_space<vmem>> -> memref<64xi32, #tpu.memory_space<vmem>>
        %dma_start3A_625 = arith.constant 0 : i32
        %dma_start3A_626 = arith.constant 0 : i32
        %dma_start3A_627 = tpu.memref_slice %arg2[%dma_start3A_625, %dma_start3A_626] : memref<20000x64xf32, #tpu.memory_space<hbm>> -> memref<20000x64xf32, #tpu.memory_space<hbm>>
        tpu.enqueue_indirect_dma source(%dma_start3A_627 : memref<20000x64xf32, #tpu.memory_space<hbm>>) target(%dma_start3A_621 : memref<64x64xf32, #tpu.memory_space<vmem>>) offsets(%dma_start3A_624 : memref<64xi32, #tpu.memory_space<vmem>>) semaphore(%arg17 : memref<!tpu.dma_semaphore, #tpu.memory_space<semaphore_mem>>)
        %dma_start3A_628 = arith.constant 6 : i32
        %dma_start3A_629 = arith.constant 64 : i32
        %dma_start3A_630 = arith.constant 0 : i32
        %dma_start3A_631 = tpu.memref_slice %arg9[%dma_start3A_628, %dma_start3A_629, %dma_start3A_630] : memref<8x128x64xf32, #tpu.memory_space<vmem>> -> memref<1x64x64xf32, #tpu.memory_space<vmem>>
        %dma_start3A_632 = tpu.memref_squeeze %dma_start3A_631 : memref<1x64x64xf32, #tpu.memory_space<vmem>> -> memref<64x64xf32, #tpu.memory_space<vmem>>
        %dma_start3A_633 = arith.constant 64 : i32
        %dma_start3A_634 = tpu.memref_slice %arg7[%add3A_302, %dma_start3A_633] : memref<80x128xi32, #tpu.memory_space<vmem>> -> memref<1x64xi32, #tpu.memory_space<vmem>>
        %dma_start3A_635 = tpu.memref_squeeze %dma_start3A_634 : memref<1x64xi32, #tpu.memory_space<vmem>> -> memref<64xi32, #tpu.memory_space<vmem>>
        %dma_start3A_636 = arith.constant 0 : i32
        %dma_start3A_637 = arith.constant 0 : i32
        %dma_start3A_638 = tpu.memref_slice %arg2[%dma_start3A_636, %dma_start3A_637] : memref<20000x64xf32, #tpu.memory_space<hbm>> -> memref<20000x64xf32, #tpu.memory_space<hbm>>
        tpu.enqueue_indirect_dma source(%dma_start3A_638 : memref<20000x64xf32, #tpu.memory_space<hbm>>) target(%dma_start3A_632 : memref<64x64xf32, #tpu.memory_space<vmem>>) offsets(%dma_start3A_635 : memref<64xi32, #tpu.memory_space<vmem>>) semaphore(%arg25 : memref<!tpu.dma_semaphore, #tpu.memory_space<semaphore_mem>>)
      } else {
      }
      %mul3A_305 = arith.constant 8 : i32
      %mul3A_306 = arith.muli %scan3A_263, %mul3A_305 : i32
      %add3A_307 = arith.constant 1 : i32
      %add3A_308 = arith.addi %mul3A_306, %add3A_307 : i32
      %dma_wait3A_309 = arith.constant 1 : i32
      %dma_wait3A_310 = arith.constant 0 : i32
      %dma_wait3A_311 = arith.constant 0 : i32
      %dma_wait3A_312 = tpu.memref_slice %arg9[%dma_wait3A_309, %dma_wait3A_310, %dma_wait3A_311] : memref<8x128x64xf32, #tpu.memory_space<vmem>> -> memref<1x64x64xf32, #tpu.memory_space<vmem>>
      %dma_wait3A_313 = tpu.memref_squeeze %dma_wait3A_312 : memref<1x64x64xf32, #tpu.memory_space<vmem>> -> memref<64x64xf32, #tpu.memory_space<vmem>>
      %dma_wait3A_314 = arith.constant 0 : i32
      %dma_wait3A_315 = tpu.memref_slice %arg7[%add3A_308, %dma_wait3A_314] : memref<80x128xi32, #tpu.memory_space<vmem>> -> memref<1x64xi32, #tpu.memory_space<vmem>>
      %dma_wait3A_316 = tpu.memref_squeeze %dma_wait3A_315 : memref<1x64xi32, #tpu.memory_space<vmem>> -> memref<64xi32, #tpu.memory_space<vmem>>
      %dma_wait3A_317 = arith.constant 0 : i32
      %dma_wait3A_318 = arith.constant 0 : i32
      %dma_wait3A_319 = tpu.memref_slice %arg2[%dma_wait3A_317, %dma_wait3A_318] : memref<20000x64xf32, #tpu.memory_space<hbm>> -> memref<20000x64xf32, #tpu.memory_space<hbm>>
      tpu.wait_indirect_dma semaphore(%arg12 : memref<!tpu.dma_semaphore, #tpu.memory_space<semaphore_mem>>) src(%dma_wait3A_319 : memref<20000x64xf32, #tpu.memory_space<hbm>>) dst(%dma_wait3A_313 : memref<64x64xf32, #tpu.memory_space<vmem>>)
      %dma_wait3A_320 = arith.constant 1 : i32
      %dma_wait3A_321 = arith.constant 64 : i32
      %dma_wait3A_322 = arith.constant 0 : i32
      %dma_wait3A_323 = tpu.memref_slice %arg9[%dma_wait3A_320, %dma_wait3A_321, %dma_wait3A_322] : memref<8x128x64xf32, #tpu.memory_space<vmem>> -> memref<1x64x64xf32, #tpu.memory_space<vmem>>
      %dma_wait3A_324 = tpu.memref_squeeze %dma_wait3A_323 : memref<1x64x64xf32, #tpu.memory_space<vmem>> -> memref<64x64xf32, #tpu.memory_space<vmem>>
      %dma_wait3A_325 = arith.constant 64 : i32
      %dma_wait3A_326 = tpu.memref_slice %arg7[%add3A_308, %dma_wait3A_325] : memref<80x128xi32, #tpu.memory_space<vmem>> -> memref<1x64xi32, #tpu.memory_space<vmem>>
      %dma_wait3A_327 = tpu.memref_squeeze %dma_wait3A_326 : memref<1x64xi32, #tpu.memory_space<vmem>> -> memref<64xi32, #tpu.memory_space<vmem>>
      %dma_wait3A_328 = arith.constant 0 : i32
      %dma_wait3A_329 = arith.constant 0 : i32
      %dma_wait3A_330 = tpu.memref_slice %arg2[%dma_wait3A_328, %dma_wait3A_329] : memref<20000x64xf32, #tpu.memory_space<hbm>> -> memref<20000x64xf32, #tpu.memory_space<hbm>>
      tpu.wait_indirect_dma semaphore(%arg20 : memref<!tpu.dma_semaphore, #tpu.memory_space<semaphore_mem>>) src(%dma_wait3A_330 : memref<20000x64xf32, #tpu.memory_space<hbm>>) dst(%dma_wait3A_324 : memref<64x64xf32, #tpu.memory_space<vmem>>)
      %dma_start3A_331 = arith.constant 1 : i32
      %dma_start3A_332 = arith.constant 0 : i32
      %dma_start3A_333 = arith.constant 0 : i32
      %dma_start3A_334 = tpu.memref_slice %arg9[%dma_start3A_331, %dma_start3A_332, %dma_start3A_333] : memref<8x128x64xf32, #tpu.memory_space<vmem>> -> memref<1x128x64xf32, #tpu.memory_space<vmem>>
      %dma_start3A_335 = tpu.memref_squeeze %dma_start3A_334 : memref<1x128x64xf32, #tpu.memory_space<vmem>> -> memref<128x64xf32, #tpu.memory_space<vmem>>
      %dma_start3A_336 = arith.constant 0 : i32
      %dma_start3A_337 = tpu.memref_slice %arg8[%add3A_308, %dma_start3A_336] : memref<80x128xi32, #tpu.memory_space<vmem>> -> memref<1x128xi32, #tpu.memory_space<vmem>>
      %dma_start3A_338 = tpu.memref_squeeze %dma_start3A_337 : memref<1x128xi32, #tpu.memory_space<vmem>> -> memref<128xi32, #tpu.memory_space<vmem>>
      %dma_start3A_339 = arith.constant 0 : i32
      %dma_start3A_340 = arith.constant 0 : i32
      %dma_start3A_341 = tpu.memref_slice %arg10[%dma_start3A_339, %dma_start3A_340] : memref<10016x64xf32, #tpu.memory_space<vmem_shared>> -> memref<10016x64xf32, #tpu.memory_space<vmem_shared>>
      tpu.enqueue_indirect_dma source(%dma_start3A_335 : memref<128x64xf32, #tpu.memory_space<vmem>>) target(%dma_start3A_341 : memref<10016x64xf32, #tpu.memory_space<vmem_shared>>) offsets(%dma_start3A_338 : memref<128xi32, #tpu.memory_space<vmem>>) semaphore(%arg28 : memref<!tpu.dma_semaphore, #tpu.memory_space<semaphore_mem>>) {add = true}
      %add3A_342 = arith.constant 6 : i32
      %add3A_343 = arith.addi %add3A_308, %add3A_342 : i32
      %lt3A_344 = arith.constant 80 : i32
      %lt3A_345 = arith.cmpi slt, %add3A_343, %lt3A_344 : i32
      %convert_element_type3A_346 = arith.extui %lt3A_345 : i1 to i32
      %cond3A_347 = arith.constant 0 : i32
      %cond3A_348 = arith.cmpi ne, %convert_element_type3A_346, %cond3A_347 : i32
      scf.if %cond3A_348 {
        %ge3A = arith.constant 8 : i32
        %ge3A_613 = arith.cmpi sge, %add3A_343, %ge3A : i32
        %convert_element_type3A_614 = arith.extui %ge3A_613 : i1 to i32
        %cond3A_615 = arith.constant 0 : i32
        %cond3A_616 = arith.cmpi ne, %convert_element_type3A_614, %cond3A_615 : i32
        scf.if %cond3A_616 {
          %sub3A = arith.constant 8 : i32
          %sub3A_639 = arith.subi %add3A_343, %sub3A : i32
          %dma_wait3A_640 = arith.constant 7 : i32
          %dma_wait3A_641 = arith.constant 0 : i32
          %dma_wait3A_642 = arith.constant 0 : i32
          %dma_wait3A_643 = tpu.memref_slice %arg9[%dma_wait3A_640, %dma_wait3A_641, %dma_wait3A_642] : memref<8x128x64xf32, #tpu.memory_space<vmem>> -> memref<1x128x64xf32, #tpu.memory_space<vmem>>
          %dma_wait3A_644 = tpu.memref_squeeze %dma_wait3A_643 : memref<1x128x64xf32, #tpu.memory_space<vmem>> -> memref<128x64xf32, #tpu.memory_space<vmem>>
          %dma_wait3A_645 = arith.constant 0 : i32
          %dma_wait3A_646 = tpu.memref_slice %arg8[%sub3A_639, %dma_wait3A_645] : memref<80x128xi32, #tpu.memory_space<vmem>> -> memref<1x128xi32, #tpu.memory_space<vmem>>
          %dma_wait3A_647 = tpu.memref_squeeze %dma_wait3A_646 : memref<1x128xi32, #tpu.memory_space<vmem>> -> memref<128xi32, #tpu.memory_space<vmem>>
          %dma_wait3A_648 = arith.constant 0 : i32
          %dma_wait3A_649 = arith.constant 0 : i32
          %dma_wait3A_650 = tpu.memref_slice %arg10[%dma_wait3A_648, %dma_wait3A_649] : memref<10016x64xf32, #tpu.memory_space<vmem_shared>> -> memref<10016x64xf32, #tpu.memory_space<vmem_shared>>
          tpu.wait_indirect_dma semaphore(%arg34 : memref<!tpu.dma_semaphore, #tpu.memory_space<semaphore_mem>>) src(%dma_wait3A_644 : memref<128x64xf32, #tpu.memory_space<vmem>>) dst(%dma_wait3A_650 : memref<10016x64xf32, #tpu.memory_space<vmem_shared>>)
        } else {
        }
        %dma_start3A_617 = arith.constant 7 : i32
        %dma_start3A_618 = arith.constant 0 : i32
        %dma_start3A_619 = arith.constant 0 : i32
        %dma_start3A_620 = tpu.memref_slice %arg9[%dma_start3A_617, %dma_start3A_618, %dma_start3A_619] : memref<8x128x64xf32, #tpu.memory_space<vmem>> -> memref<1x64x64xf32, #tpu.memory_space<vmem>>
        %dma_start3A_621 = tpu.memref_squeeze %dma_start3A_620 : memref<1x64x64xf32, #tpu.memory_space<vmem>> -> memref<64x64xf32, #tpu.memory_space<vmem>>
        %dma_start3A_622 = arith.constant 0 : i32
        %dma_start3A_623 = tpu.memref_slice %arg7[%add3A_343, %dma_start3A_622] : memref<80x128xi32, #tpu.memory_space<vmem>> -> memref<1x64xi32, #tpu.memory_space<vmem>>
        %dma_start3A_624 = tpu.memref_squeeze %dma_start3A_623 : memref<1x64xi32, #tpu.memory_space<vmem>> -> memref<64xi32, #tpu.memory_space<vmem>>
        %dma_start3A_625 = arith.constant 0 : i32
        %dma_start3A_626 = arith.constant 0 : i32
        %dma_start3A_627 = tpu.memref_slice %arg2[%dma_start3A_625, %dma_start3A_626] : memref<20000x64xf32, #tpu.memory_space<hbm>> -> memref<20000x64xf32, #tpu.memory_space<hbm>>
        tpu.enqueue_indirect_dma source(%dma_start3A_627 : memref<20000x64xf32, #tpu.memory_space<hbm>>) target(%dma_start3A_621 : memref<64x64xf32, #tpu.memory_space<vmem>>) offsets(%dma_start3A_624 : memref<64xi32, #tpu.memory_space<vmem>>) semaphore(%arg18 : memref<!tpu.dma_semaphore, #tpu.memory_space<semaphore_mem>>)
        %dma_start3A_628 = arith.constant 7 : i32
        %dma_start3A_629 = arith.constant 64 : i32
        %dma_start3A_630 = arith.constant 0 : i32
        %dma_start3A_631 = tpu.memref_slice %arg9[%dma_start3A_628, %dma_start3A_629, %dma_start3A_630] : memref<8x128x64xf32, #tpu.memory_space<vmem>> -> memref<1x64x64xf32, #tpu.memory_space<vmem>>
        %dma_start3A_632 = tpu.memref_squeeze %dma_start3A_631 : memref<1x64x64xf32, #tpu.memory_space<vmem>> -> memref<64x64xf32, #tpu.memory_space<vmem>>
        %dma_start3A_633 = arith.constant 64 : i32
        %dma_start3A_634 = tpu.memref_slice %arg7[%add3A_343, %dma_start3A_633] : memref<80x128xi32, #tpu.memory_space<vmem>> -> memref<1x64xi32, #tpu.memory_space<vmem>>
        %dma_start3A_635 = tpu.memref_squeeze %dma_start3A_634 : memref<1x64xi32, #tpu.memory_space<vmem>> -> memref<64xi32, #tpu.memory_space<vmem>>
        %dma_start3A_636 = arith.constant 0 : i32
        %dma_start3A_637 = arith.constant 0 : i32
        %dma_start3A_638 = tpu.memref_slice %arg2[%dma_start3A_636, %dma_start3A_637] : memref<20000x64xf32, #tpu.memory_space<hbm>> -> memref<20000x64xf32, #tpu.memory_space<hbm>>
        tpu.enqueue_indirect_dma source(%dma_start3A_638 : memref<20000x64xf32, #tpu.memory_space<hbm>>) target(%dma_start3A_632 : memref<64x64xf32, #tpu.memory_space<vmem>>) offsets(%dma_start3A_635 : memref<64xi32, #tpu.memory_space<vmem>>) semaphore(%arg26 : memref<!tpu.dma_semaphore, #tpu.memory_space<semaphore_mem>>)
      } else {
      }
      %mul3A_349 = arith.constant 8 : i32
      %mul3A_350 = arith.muli %scan3A_263, %mul3A_349 : i32
      %add3A_351 = arith.constant 2 : i32
      %add3A_352 = arith.addi %mul3A_350, %add3A_351 : i32
      %dma_wait3A_353 = arith.constant 2 : i32
      %dma_wait3A_354 = arith.constant 0 : i32
      %dma_wait3A_355 = arith.constant 0 : i32
      %dma_wait3A_356 = tpu.memref_slice %arg9[%dma_wait3A_353, %dma_wait3A_354, %dma_wait3A_355] : memref<8x128x64xf32, #tpu.memory_space<vmem>> -> memref<1x64x64xf32, #tpu.memory_space<vmem>>
      %dma_wait3A_357 = tpu.memref_squeeze %dma_wait3A_356 : memref<1x64x64xf32, #tpu.memory_space<vmem>> -> memref<64x64xf32, #tpu.memory_space<vmem>>
      %dma_wait3A_358 = arith.constant 0 : i32
      %dma_wait3A_359 = tpu.memref_slice %arg7[%add3A_352, %dma_wait3A_358] : memref<80x128xi32, #tpu.memory_space<vmem>> -> memref<1x64xi32, #tpu.memory_space<vmem>>
      %dma_wait3A_360 = tpu.memref_squeeze %dma_wait3A_359 : memref<1x64xi32, #tpu.memory_space<vmem>> -> memref<64xi32, #tpu.memory_space<vmem>>
      %dma_wait3A_361 = arith.constant 0 : i32
      %dma_wait3A_362 = arith.constant 0 : i32
      %dma_wait3A_363 = tpu.memref_slice %arg2[%dma_wait3A_361, %dma_wait3A_362] : memref<20000x64xf32, #tpu.memory_space<hbm>> -> memref<20000x64xf32, #tpu.memory_space<hbm>>
      tpu.wait_indirect_dma semaphore(%arg13 : memref<!tpu.dma_semaphore, #tpu.memory_space<semaphore_mem>>) src(%dma_wait3A_363 : memref<20000x64xf32, #tpu.memory_space<hbm>>) dst(%dma_wait3A_357 : memref<64x64xf32, #tpu.memory_space<vmem>>)
      %dma_wait3A_364 = arith.constant 2 : i32
      %dma_wait3A_365 = arith.constant 64 : i32
      %dma_wait3A_366 = arith.constant 0 : i32
      %dma_wait3A_367 = tpu.memref_slice %arg9[%dma_wait3A_364, %dma_wait3A_365, %dma_wait3A_366] : memref<8x128x64xf32, #tpu.memory_space<vmem>> -> memref<1x64x64xf32, #tpu.memory_space<vmem>>
      %dma_wait3A_368 = tpu.memref_squeeze %dma_wait3A_367 : memref<1x64x64xf32, #tpu.memory_space<vmem>> -> memref<64x64xf32, #tpu.memory_space<vmem>>
      %dma_wait3A_369 = arith.constant 64 : i32
      %dma_wait3A_370 = tpu.memref_slice %arg7[%add3A_352, %dma_wait3A_369] : memref<80x128xi32, #tpu.memory_space<vmem>> -> memref<1x64xi32, #tpu.memory_space<vmem>>
      %dma_wait3A_371 = tpu.memref_squeeze %dma_wait3A_370 : memref<1x64xi32, #tpu.memory_space<vmem>> -> memref<64xi32, #tpu.memory_space<vmem>>
      %dma_wait3A_372 = arith.constant 0 : i32
      %dma_wait3A_373 = arith.constant 0 : i32
      %dma_wait3A_374 = tpu.memref_slice %arg2[%dma_wait3A_372, %dma_wait3A_373] : memref<20000x64xf32, #tpu.memory_space<hbm>> -> memref<20000x64xf32, #tpu.memory_space<hbm>>
      tpu.wait_indirect_dma semaphore(%arg21 : memref<!tpu.dma_semaphore, #tpu.memory_space<semaphore_mem>>) src(%dma_wait3A_374 : memref<20000x64xf32, #tpu.memory_space<hbm>>) dst(%dma_wait3A_368 : memref<64x64xf32, #tpu.memory_space<vmem>>)
      %dma_start3A_375 = arith.constant 2 : i32
      %dma_start3A_376 = arith.constant 0 : i32
      %dma_start3A_377 = arith.constant 0 : i32
      %dma_start3A_378 = tpu.memref_slice %arg9[%dma_start3A_375, %dma_start3A_376, %dma_start3A_377] : memref<8x128x64xf32, #tpu.memory_space<vmem>> -> memref<1x128x64xf32, #tpu.memory_space<vmem>>
      %dma_start3A_379 = tpu.memref_squeeze %dma_start3A_378 : memref<1x128x64xf32, #tpu.memory_space<vmem>> -> memref<128x64xf32, #tpu.memory_space<vmem>>
      %dma_start3A_380 = arith.constant 0 : i32
      %dma_start3A_381 = tpu.memref_slice %arg8[%add3A_352, %dma_start3A_380] : memref<80x128xi32, #tpu.memory_space<vmem>> -> memref<1x128xi32, #tpu.memory_space<vmem>>
      %dma_start3A_382 = tpu.memref_squeeze %dma_start3A_381 : memref<1x128xi32, #tpu.memory_space<vmem>> -> memref<128xi32, #tpu.memory_space<vmem>>
      %dma_start3A_383 = arith.constant 0 : i32
      %dma_start3A_384 = arith.constant 0 : i32
      %dma_start3A_385 = tpu.memref_slice %arg10[%dma_start3A_383, %dma_start3A_384] : memref<10016x64xf32, #tpu.memory_space<vmem_shared>> -> memref<10016x64xf32, #tpu.memory_space<vmem_shared>>
      tpu.enqueue_indirect_dma source(%dma_start3A_379 : memref<128x64xf32, #tpu.memory_space<vmem>>) target(%dma_start3A_385 : memref<10016x64xf32, #tpu.memory_space<vmem_shared>>) offsets(%dma_start3A_382 : memref<128xi32, #tpu.memory_space<vmem>>) semaphore(%arg29 : memref<!tpu.dma_semaphore, #tpu.memory_space<semaphore_mem>>) {add = true}
      %add3A_386 = arith.constant 6 : i32
      %add3A_387 = arith.addi %add3A_352, %add3A_386 : i32
      %lt3A_388 = arith.constant 80 : i32
      %lt3A_389 = arith.cmpi slt, %add3A_387, %lt3A_388 : i32
      %convert_element_type3A_390 = arith.extui %lt3A_389 : i1 to i32
      %cond3A_391 = arith.constant 0 : i32
      %cond3A_392 = arith.cmpi ne, %convert_element_type3A_390, %cond3A_391 : i32
      scf.if %cond3A_392 {
        %ge3A = arith.constant 8 : i32
        %ge3A_613 = arith.cmpi sge, %add3A_387, %ge3A : i32
        %convert_element_type3A_614 = arith.extui %ge3A_613 : i1 to i32
        %cond3A_615 = arith.constant 0 : i32
        %cond3A_616 = arith.cmpi ne, %convert_element_type3A_614, %cond3A_615 : i32
        scf.if %cond3A_616 {
          %sub3A = arith.constant 8 : i32
          %sub3A_639 = arith.subi %add3A_387, %sub3A : i32
          %dma_wait3A_640 = arith.constant 0 : i32
          %dma_wait3A_641 = arith.constant 0 : i32
          %dma_wait3A_642 = arith.constant 0 : i32
          %dma_wait3A_643 = tpu.memref_slice %arg9[%dma_wait3A_640, %dma_wait3A_641, %dma_wait3A_642] : memref<8x128x64xf32, #tpu.memory_space<vmem>> -> memref<1x128x64xf32, #tpu.memory_space<vmem>>
          %dma_wait3A_644 = tpu.memref_squeeze %dma_wait3A_643 : memref<1x128x64xf32, #tpu.memory_space<vmem>> -> memref<128x64xf32, #tpu.memory_space<vmem>>
          %dma_wait3A_645 = arith.constant 0 : i32
          %dma_wait3A_646 = tpu.memref_slice %arg8[%sub3A_639, %dma_wait3A_645] : memref<80x128xi32, #tpu.memory_space<vmem>> -> memref<1x128xi32, #tpu.memory_space<vmem>>
          %dma_wait3A_647 = tpu.memref_squeeze %dma_wait3A_646 : memref<1x128xi32, #tpu.memory_space<vmem>> -> memref<128xi32, #tpu.memory_space<vmem>>
          %dma_wait3A_648 = arith.constant 0 : i32
          %dma_wait3A_649 = arith.constant 0 : i32
          %dma_wait3A_650 = tpu.memref_slice %arg10[%dma_wait3A_648, %dma_wait3A_649] : memref<10016x64xf32, #tpu.memory_space<vmem_shared>> -> memref<10016x64xf32, #tpu.memory_space<vmem_shared>>
          tpu.wait_indirect_dma semaphore(%arg27 : memref<!tpu.dma_semaphore, #tpu.memory_space<semaphore_mem>>) src(%dma_wait3A_644 : memref<128x64xf32, #tpu.memory_space<vmem>>) dst(%dma_wait3A_650 : memref<10016x64xf32, #tpu.memory_space<vmem_shared>>)
        } else {
        }
        %dma_start3A_617 = arith.constant 0 : i32
        %dma_start3A_618 = arith.constant 0 : i32
        %dma_start3A_619 = arith.constant 0 : i32
        %dma_start3A_620 = tpu.memref_slice %arg9[%dma_start3A_617, %dma_start3A_618, %dma_start3A_619] : memref<8x128x64xf32, #tpu.memory_space<vmem>> -> memref<1x64x64xf32, #tpu.memory_space<vmem>>
        %dma_start3A_621 = tpu.memref_squeeze %dma_start3A_620 : memref<1x64x64xf32, #tpu.memory_space<vmem>> -> memref<64x64xf32, #tpu.memory_space<vmem>>
        %dma_start3A_622 = arith.constant 0 : i32
        %dma_start3A_623 = tpu.memref_slice %arg7[%add3A_387, %dma_start3A_622] : memref<80x128xi32, #tpu.memory_space<vmem>> -> memref<1x64xi32, #tpu.memory_space<vmem>>
        %dma_start3A_624 = tpu.memref_squeeze %dma_start3A_623 : memref<1x64xi32, #tpu.memory_space<vmem>> -> memref<64xi32, #tpu.memory_space<vmem>>
        %dma_start3A_625 = arith.constant 0 : i32
        %dma_start3A_626 = arith.constant 0 : i32
        %dma_start3A_627 = tpu.memref_slice %arg2[%dma_start3A_625, %dma_start3A_626] : memref<20000x64xf32, #tpu.memory_space<hbm>> -> memref<20000x64xf32, #tpu.memory_space<hbm>>
        tpu.enqueue_indirect_dma source(%dma_start3A_627 : memref<20000x64xf32, #tpu.memory_space<hbm>>) target(%dma_start3A_621 : memref<64x64xf32, #tpu.memory_space<vmem>>) offsets(%dma_start3A_624 : memref<64xi32, #tpu.memory_space<vmem>>) semaphore(%arg11 : memref<!tpu.dma_semaphore, #tpu.memory_space<semaphore_mem>>)
        %dma_start3A_628 = arith.constant 0 : i32
        %dma_start3A_629 = arith.constant 64 : i32
        %dma_start3A_630 = arith.constant 0 : i32
        %dma_start3A_631 = tpu.memref_slice %arg9[%dma_start3A_628, %dma_start3A_629, %dma_start3A_630] : memref<8x128x64xf32, #tpu.memory_space<vmem>> -> memref<1x64x64xf32, #tpu.memory_space<vmem>>
        %dma_start3A_632 = tpu.memref_squeeze %dma_start3A_631 : memref<1x64x64xf32, #tpu.memory_space<vmem>> -> memref<64x64xf32, #tpu.memory_space<vmem>>
        %dma_start3A_633 = arith.constant 64 : i32
        %dma_start3A_634 = tpu.memref_slice %arg7[%add3A_387, %dma_start3A_633] : memref<80x128xi32, #tpu.memory_space<vmem>> -> memref<1x64xi32, #tpu.memory_space<vmem>>
        %dma_start3A_635 = tpu.memref_squeeze %dma_start3A_634 : memref<1x64xi32, #tpu.memory_space<vmem>> -> memref<64xi32, #tpu.memory_space<vmem>>
        %dma_start3A_636 = arith.constant 0 : i32
        %dma_start3A_637 = arith.constant 0 : i32
        %dma_start3A_638 = tpu.memref_slice %arg2[%dma_start3A_636, %dma_start3A_637] : memref<20000x64xf32, #tpu.memory_space<hbm>> -> memref<20000x64xf32, #tpu.memory_space<hbm>>
        tpu.enqueue_indirect_dma source(%dma_start3A_638 : memref<20000x64xf32, #tpu.memory_space<hbm>>) target(%dma_start3A_632 : memref<64x64xf32, #tpu.memory_space<vmem>>) offsets(%dma_start3A_635 : memref<64xi32, #tpu.memory_space<vmem>>) semaphore(%arg19 : memref<!tpu.dma_semaphore, #tpu.memory_space<semaphore_mem>>)
      } else {
      }
      %mul3A_393 = arith.constant 8 : i32
      %mul3A_394 = arith.muli %scan3A_263, %mul3A_393 : i32
      %add3A_395 = arith.constant 3 : i32
      %add3A_396 = arith.addi %mul3A_394, %add3A_395 : i32
      %dma_wait3A_397 = arith.constant 3 : i32
      %dma_wait3A_398 = arith.constant 0 : i32
      %dma_wait3A_399 = arith.constant 0 : i32
      %dma_wait3A_400 = tpu.memref_slice %arg9[%dma_wait3A_397, %dma_wait3A_398, %dma_wait3A_399] : memref<8x128x64xf32, #tpu.memory_space<vmem>> -> memref<1x64x64xf32, #tpu.memory_space<vmem>>
      %dma_wait3A_401 = tpu.memref_squeeze %dma_wait3A_400 : memref<1x64x64xf32, #tpu.memory_space<vmem>> -> memref<64x64xf32, #tpu.memory_space<vmem>>
      %dma_wait3A_402 = arith.constant 0 : i32
      %dma_wait3A_403 = tpu.memref_slice %arg7[%add3A_396, %dma_wait3A_402] : memref<80x128xi32, #tpu.memory_space<vmem>> -> memref<1x64xi32, #tpu.memory_space<vmem>>
      %dma_wait3A_404 = tpu.memref_squeeze %dma_wait3A_403 : memref<1x64xi32, #tpu.memory_space<vmem>> -> memref<64xi32, #tpu.memory_space<vmem>>
      %dma_wait3A_405 = arith.constant 0 : i32
      %dma_wait3A_406 = arith.constant 0 : i32
      %dma_wait3A_407 = tpu.memref_slice %arg2[%dma_wait3A_405, %dma_wait3A_406] : memref<20000x64xf32, #tpu.memory_space<hbm>> -> memref<20000x64xf32, #tpu.memory_space<hbm>>
      tpu.wait_indirect_dma semaphore(%arg14 : memref<!tpu.dma_semaphore, #tpu.memory_space<semaphore_mem>>) src(%dma_wait3A_407 : memref<20000x64xf32, #tpu.memory_space<hbm>>) dst(%dma_wait3A_401 : memref<64x64xf32, #tpu.memory_space<vmem>>)
      %dma_wait3A_408 = arith.constant 3 : i32
      %dma_wait3A_409 = arith.constant 64 : i32
      %dma_wait3A_410 = arith.constant 0 : i32
      %dma_wait3A_411 = tpu.memref_slice %arg9[%dma_wait3A_408, %dma_wait3A_409, %dma_wait3A_410] : memref<8x128x64xf32, #tpu.memory_space<vmem>> -> memref<1x64x64xf32, #tpu.memory_space<vmem>>
      %dma_wait3A_412 = tpu.memref_squeeze %dma_wait3A_411 : memref<1x64x64xf32, #tpu.memory_space<vmem>> -> memref<64x64xf32, #tpu.memory_space<vmem>>
      %dma_wait3A_413 = arith.constant 64 : i32
      %dma_wait3A_414 = tpu.memref_slice %arg7[%add3A_396, %dma_wait3A_413] : memref<80x128xi32, #tpu.memory_space<vmem>> -> memref<1x64xi32, #tpu.memory_space<vmem>>
      %dma_wait3A_415 = tpu.memref_squeeze %dma_wait3A_414 : memref<1x64xi32, #tpu.memory_space<vmem>> -> memref<64xi32, #tpu.memory_space<vmem>>
      %dma_wait3A_416 = arith.constant 0 : i32
      %dma_wait3A_417 = arith.constant 0 : i32
      %dma_wait3A_418 = tpu.memref_slice %arg2[%dma_wait3A_416, %dma_wait3A_417] : memref<20000x64xf32, #tpu.memory_space<hbm>> -> memref<20000x64xf32, #tpu.memory_space<hbm>>
      tpu.wait_indirect_dma semaphore(%arg22 : memref<!tpu.dma_semaphore, #tpu.memory_space<semaphore_mem>>) src(%dma_wait3A_418 : memref<20000x64xf32, #tpu.memory_space<hbm>>) dst(%dma_wait3A_412 : memref<64x64xf32, #tpu.memory_space<vmem>>)
      %dma_start3A_419 = arith.constant 3 : i32
      %dma_start3A_420 = arith.constant 0 : i32
      %dma_start3A_421 = arith.constant 0 : i32
      %dma_start3A_422 = tpu.memref_slice %arg9[%dma_start3A_419, %dma_start3A_420, %dma_start3A_421] : memref<8x128x64xf32, #tpu.memory_space<vmem>> -> memref<1x128x64xf32, #tpu.memory_space<vmem>>
      %dma_start3A_423 = tpu.memref_squeeze %dma_start3A_422 : memref<1x128x64xf32, #tpu.memory_space<vmem>> -> memref<128x64xf32, #tpu.memory_space<vmem>>
      %dma_start3A_424 = arith.constant 0 : i32
      %dma_start3A_425 = tpu.memref_slice %arg8[%add3A_396, %dma_start3A_424] : memref<80x128xi32, #tpu.memory_space<vmem>> -> memref<1x128xi32, #tpu.memory_space<vmem>>
      %dma_start3A_426 = tpu.memref_squeeze %dma_start3A_425 : memref<1x128xi32, #tpu.memory_space<vmem>> -> memref<128xi32, #tpu.memory_space<vmem>>
      %dma_start3A_427 = arith.constant 0 : i32
      %dma_start3A_428 = arith.constant 0 : i32
      %dma_start3A_429 = tpu.memref_slice %arg10[%dma_start3A_427, %dma_start3A_428] : memref<10016x64xf32, #tpu.memory_space<vmem_shared>> -> memref<10016x64xf32, #tpu.memory_space<vmem_shared>>
      tpu.enqueue_indirect_dma source(%dma_start3A_423 : memref<128x64xf32, #tpu.memory_space<vmem>>) target(%dma_start3A_429 : memref<10016x64xf32, #tpu.memory_space<vmem_shared>>) offsets(%dma_start3A_426 : memref<128xi32, #tpu.memory_space<vmem>>) semaphore(%arg30 : memref<!tpu.dma_semaphore, #tpu.memory_space<semaphore_mem>>) {add = true}
      %add3A_430 = arith.constant 6 : i32
      %add3A_431 = arith.addi %add3A_396, %add3A_430 : i32
      %lt3A_432 = arith.constant 80 : i32
      %lt3A_433 = arith.cmpi slt, %add3A_431, %lt3A_432 : i32
      %convert_element_type3A_434 = arith.extui %lt3A_433 : i1 to i32
      %cond3A_435 = arith.constant 0 : i32
      %cond3A_436 = arith.cmpi ne, %convert_element_type3A_434, %cond3A_435 : i32
      scf.if %cond3A_436 {
        %ge3A = arith.constant 8 : i32
        %ge3A_613 = arith.cmpi sge, %add3A_431, %ge3A : i32
        %convert_element_type3A_614 = arith.extui %ge3A_613 : i1 to i32
        %cond3A_615 = arith.constant 0 : i32
        %cond3A_616 = arith.cmpi ne, %convert_element_type3A_614, %cond3A_615 : i32
        scf.if %cond3A_616 {
          %sub3A = arith.constant 8 : i32
          %sub3A_639 = arith.subi %add3A_431, %sub3A : i32
          %dma_wait3A_640 = arith.constant 1 : i32
          %dma_wait3A_641 = arith.constant 0 : i32
          %dma_wait3A_642 = arith.constant 0 : i32
          %dma_wait3A_643 = tpu.memref_slice %arg9[%dma_wait3A_640, %dma_wait3A_641, %dma_wait3A_642] : memref<8x128x64xf32, #tpu.memory_space<vmem>> -> memref<1x128x64xf32, #tpu.memory_space<vmem>>
          %dma_wait3A_644 = tpu.memref_squeeze %dma_wait3A_643 : memref<1x128x64xf32, #tpu.memory_space<vmem>> -> memref<128x64xf32, #tpu.memory_space<vmem>>
          %dma_wait3A_645 = arith.constant 0 : i32
          %dma_wait3A_646 = tpu.memref_slice %arg8[%sub3A_639, %dma_wait3A_645] : memref<80x128xi32, #tpu.memory_space<vmem>> -> memref<1x128xi32, #tpu.memory_space<vmem>>
          %dma_wait3A_647 = tpu.memref_squeeze %dma_wait3A_646 : memref<1x128xi32, #tpu.memory_space<vmem>> -> memref<128xi32, #tpu.memory_space<vmem>>
          %dma_wait3A_648 = arith.constant 0 : i32
          %dma_wait3A_649 = arith.constant 0 : i32
          %dma_wait3A_650 = tpu.memref_slice %arg10[%dma_wait3A_648, %dma_wait3A_649] : memref<10016x64xf32, #tpu.memory_space<vmem_shared>> -> memref<10016x64xf32, #tpu.memory_space<vmem_shared>>
          tpu.wait_indirect_dma semaphore(%arg28 : memref<!tpu.dma_semaphore, #tpu.memory_space<semaphore_mem>>) src(%dma_wait3A_644 : memref<128x64xf32, #tpu.memory_space<vmem>>) dst(%dma_wait3A_650 : memref<10016x64xf32, #tpu.memory_space<vmem_shared>>)
        } else {
        }
        %dma_start3A_617 = arith.constant 1 : i32
        %dma_start3A_618 = arith.constant 0 : i32
        %dma_start3A_619 = arith.constant 0 : i32
        %dma_start3A_620 = tpu.memref_slice %arg9[%dma_start3A_617, %dma_start3A_618, %dma_start3A_619] : memref<8x128x64xf32, #tpu.memory_space<vmem>> -> memref<1x64x64xf32, #tpu.memory_space<vmem>>
        %dma_start3A_621 = tpu.memref_squeeze %dma_start3A_620 : memref<1x64x64xf32, #tpu.memory_space<vmem>> -> memref<64x64xf32, #tpu.memory_space<vmem>>
        %dma_start3A_622 = arith.constant 0 : i32
        %dma_start3A_623 = tpu.memref_slice %arg7[%add3A_431, %dma_start3A_622] : memref<80x128xi32, #tpu.memory_space<vmem>> -> memref<1x64xi32, #tpu.memory_space<vmem>>
        %dma_start3A_624 = tpu.memref_squeeze %dma_start3A_623 : memref<1x64xi32, #tpu.memory_space<vmem>> -> memref<64xi32, #tpu.memory_space<vmem>>
        %dma_start3A_625 = arith.constant 0 : i32
        %dma_start3A_626 = arith.constant 0 : i32
        %dma_start3A_627 = tpu.memref_slice %arg2[%dma_start3A_625, %dma_start3A_626] : memref<20000x64xf32, #tpu.memory_space<hbm>> -> memref<20000x64xf32, #tpu.memory_space<hbm>>
        tpu.enqueue_indirect_dma source(%dma_start3A_627 : memref<20000x64xf32, #tpu.memory_space<hbm>>) target(%dma_start3A_621 : memref<64x64xf32, #tpu.memory_space<vmem>>) offsets(%dma_start3A_624 : memref<64xi32, #tpu.memory_space<vmem>>) semaphore(%arg12 : memref<!tpu.dma_semaphore, #tpu.memory_space<semaphore_mem>>)
        %dma_start3A_628 = arith.constant 1 : i32
        %dma_start3A_629 = arith.constant 64 : i32
        %dma_start3A_630 = arith.constant 0 : i32
        %dma_start3A_631 = tpu.memref_slice %arg9[%dma_start3A_628, %dma_start3A_629, %dma_start3A_630] : memref<8x128x64xf32, #tpu.memory_space<vmem>> -> memref<1x64x64xf32, #tpu.memory_space<vmem>>
        %dma_start3A_632 = tpu.memref_squeeze %dma_start3A_631 : memref<1x64x64xf32, #tpu.memory_space<vmem>> -> memref<64x64xf32, #tpu.memory_space<vmem>>
        %dma_start3A_633 = arith.constant 64 : i32
        %dma_start3A_634 = tpu.memref_slice %arg7[%add3A_431, %dma_start3A_633] : memref<80x128xi32, #tpu.memory_space<vmem>> -> memref<1x64xi32, #tpu.memory_space<vmem>>
        %dma_start3A_635 = tpu.memref_squeeze %dma_start3A_634 : memref<1x64xi32, #tpu.memory_space<vmem>> -> memref<64xi32, #tpu.memory_space<vmem>>
        %dma_start3A_636 = arith.constant 0 : i32
        %dma_start3A_637 = arith.constant 0 : i32
        %dma_start3A_638 = tpu.memref_slice %arg2[%dma_start3A_636, %dma_start3A_637] : memref<20000x64xf32, #tpu.memory_space<hbm>> -> memref<20000x64xf32, #tpu.memory_space<hbm>>
        tpu.enqueue_indirect_dma source(%dma_start3A_638 : memref<20000x64xf32, #tpu.memory_space<hbm>>) target(%dma_start3A_632 : memref<64x64xf32, #tpu.memory_space<vmem>>) offsets(%dma_start3A_635 : memref<64xi32, #tpu.memory_space<vmem>>) semaphore(%arg20 : memref<!tpu.dma_semaphore, #tpu.memory_space<semaphore_mem>>)
      } else {
      }
      %mul3A_437 = arith.constant 8 : i32
      %mul3A_438 = arith.muli %scan3A_263, %mul3A_437 : i32
      %add3A_439 = arith.constant 4 : i32
      %add3A_440 = arith.addi %mul3A_438, %add3A_439 : i32
      %dma_wait3A_441 = arith.constant 4 : i32
      %dma_wait3A_442 = arith.constant 0 : i32
      %dma_wait3A_443 = arith.constant 0 : i32
      %dma_wait3A_444 = tpu.memref_slice %arg9[%dma_wait3A_441, %dma_wait3A_442, %dma_wait3A_443] : memref<8x128x64xf32, #tpu.memory_space<vmem>> -> memref<1x64x64xf32, #tpu.memory_space<vmem>>
      %dma_wait3A_445 = tpu.memref_squeeze %dma_wait3A_444 : memref<1x64x64xf32, #tpu.memory_space<vmem>> -> memref<64x64xf32, #tpu.memory_space<vmem>>
      %dma_wait3A_446 = arith.constant 0 : i32
      %dma_wait3A_447 = tpu.memref_slice %arg7[%add3A_440, %dma_wait3A_446] : memref<80x128xi32, #tpu.memory_space<vmem>> -> memref<1x64xi32, #tpu.memory_space<vmem>>
      %dma_wait3A_448 = tpu.memref_squeeze %dma_wait3A_447 : memref<1x64xi32, #tpu.memory_space<vmem>> -> memref<64xi32, #tpu.memory_space<vmem>>
      %dma_wait3A_449 = arith.constant 0 : i32
      %dma_wait3A_450 = arith.constant 0 : i32
      %dma_wait3A_451 = tpu.memref_slice %arg2[%dma_wait3A_449, %dma_wait3A_450] : memref<20000x64xf32, #tpu.memory_space<hbm>> -> memref<20000x64xf32, #tpu.memory_space<hbm>>
      tpu.wait_indirect_dma semaphore(%arg15 : memref<!tpu.dma_semaphore, #tpu.memory_space<semaphore_mem>>) src(%dma_wait3A_451 : memref<20000x64xf32, #tpu.memory_space<hbm>>) dst(%dma_wait3A_445 : memref<64x64xf32, #tpu.memory_space<vmem>>)
      %dma_wait3A_452 = arith.constant 4 : i32
      %dma_wait3A_453 = arith.constant 64 : i32
      %dma_wait3A_454 = arith.constant 0 : i32
      %dma_wait3A_455 = tpu.memref_slice %arg9[%dma_wait3A_452, %dma_wait3A_453, %dma_wait3A_454] : memref<8x128x64xf32, #tpu.memory_space<vmem>> -> memref<1x64x64xf32, #tpu.memory_space<vmem>>
      %dma_wait3A_456 = tpu.memref_squeeze %dma_wait3A_455 : memref<1x64x64xf32, #tpu.memory_space<vmem>> -> memref<64x64xf32, #tpu.memory_space<vmem>>
      %dma_wait3A_457 = arith.constant 64 : i32
      %dma_wait3A_458 = tpu.memref_slice %arg7[%add3A_440, %dma_wait3A_457] : memref<80x128xi32, #tpu.memory_space<vmem>> -> memref<1x64xi32, #tpu.memory_space<vmem>>
      %dma_wait3A_459 = tpu.memref_squeeze %dma_wait3A_458 : memref<1x64xi32, #tpu.memory_space<vmem>> -> memref<64xi32, #tpu.memory_space<vmem>>
      %dma_wait3A_460 = arith.constant 0 : i32
      %dma_wait3A_461 = arith.constant 0 : i32
      %dma_wait3A_462 = tpu.memref_slice %arg2[%dma_wait3A_460, %dma_wait3A_461] : memref<20000x64xf32, #tpu.memory_space<hbm>> -> memref<20000x64xf32, #tpu.memory_space<hbm>>
      tpu.wait_indirect_dma semaphore(%arg23 : memref<!tpu.dma_semaphore, #tpu.memory_space<semaphore_mem>>) src(%dma_wait3A_462 : memref<20000x64xf32, #tpu.memory_space<hbm>>) dst(%dma_wait3A_456 : memref<64x64xf32, #tpu.memory_space<vmem>>)
      %dma_start3A_463 = arith.constant 4 : i32
      %dma_start3A_464 = arith.constant 0 : i32
      %dma_start3A_465 = arith.constant 0 : i32
      %dma_start3A_466 = tpu.memref_slice %arg9[%dma_start3A_463, %dma_start3A_464, %dma_start3A_465] : memref<8x128x64xf32, #tpu.memory_space<vmem>> -> memref<1x128x64xf32, #tpu.memory_space<vmem>>
      %dma_start3A_467 = tpu.memref_squeeze %dma_start3A_466 : memref<1x128x64xf32, #tpu.memory_space<vmem>> -> memref<128x64xf32, #tpu.memory_space<vmem>>
      %dma_start3A_468 = arith.constant 0 : i32
      %dma_start3A_469 = tpu.memref_slice %arg8[%add3A_440, %dma_start3A_468] : memref<80x128xi32, #tpu.memory_space<vmem>> -> memref<1x128xi32, #tpu.memory_space<vmem>>
      %dma_start3A_470 = tpu.memref_squeeze %dma_start3A_469 : memref<1x128xi32, #tpu.memory_space<vmem>> -> memref<128xi32, #tpu.memory_space<vmem>>
      %dma_start3A_471 = arith.constant 0 : i32
      %dma_start3A_472 = arith.constant 0 : i32
      %dma_start3A_473 = tpu.memref_slice %arg10[%dma_start3A_471, %dma_start3A_472] : memref<10016x64xf32, #tpu.memory_space<vmem_shared>> -> memref<10016x64xf32, #tpu.memory_space<vmem_shared>>
      tpu.enqueue_indirect_dma source(%dma_start3A_467 : memref<128x64xf32, #tpu.memory_space<vmem>>) target(%dma_start3A_473 : memref<10016x64xf32, #tpu.memory_space<vmem_shared>>) offsets(%dma_start3A_470 : memref<128xi32, #tpu.memory_space<vmem>>) semaphore(%arg31 : memref<!tpu.dma_semaphore, #tpu.memory_space<semaphore_mem>>) {add = true}
      %add3A_474 = arith.constant 6 : i32
      %add3A_475 = arith.addi %add3A_440, %add3A_474 : i32
      %lt3A_476 = arith.constant 80 : i32
      %lt3A_477 = arith.cmpi slt, %add3A_475, %lt3A_476 : i32
      %convert_element_type3A_478 = arith.extui %lt3A_477 : i1 to i32
      %cond3A_479 = arith.constant 0 : i32
      %cond3A_480 = arith.cmpi ne, %convert_element_type3A_478, %cond3A_479 : i32
      scf.if %cond3A_480 {
        %ge3A = arith.constant 8 : i32
        %ge3A_613 = arith.cmpi sge, %add3A_475, %ge3A : i32
        %convert_element_type3A_614 = arith.extui %ge3A_613 : i1 to i32
        %cond3A_615 = arith.constant 0 : i32
        %cond3A_616 = arith.cmpi ne, %convert_element_type3A_614, %cond3A_615 : i32
        scf.if %cond3A_616 {
          %sub3A = arith.constant 8 : i32
          %sub3A_639 = arith.subi %add3A_475, %sub3A : i32
          %dma_wait3A_640 = arith.constant 2 : i32
          %dma_wait3A_641 = arith.constant 0 : i32
          %dma_wait3A_642 = arith.constant 0 : i32
          %dma_wait3A_643 = tpu.memref_slice %arg9[%dma_wait3A_640, %dma_wait3A_641, %dma_wait3A_642] : memref<8x128x64xf32, #tpu.memory_space<vmem>> -> memref<1x128x64xf32, #tpu.memory_space<vmem>>
          %dma_wait3A_644 = tpu.memref_squeeze %dma_wait3A_643 : memref<1x128x64xf32, #tpu.memory_space<vmem>> -> memref<128x64xf32, #tpu.memory_space<vmem>>
          %dma_wait3A_645 = arith.constant 0 : i32
          %dma_wait3A_646 = tpu.memref_slice %arg8[%sub3A_639, %dma_wait3A_645] : memref<80x128xi32, #tpu.memory_space<vmem>> -> memref<1x128xi32, #tpu.memory_space<vmem>>
          %dma_wait3A_647 = tpu.memref_squeeze %dma_wait3A_646 : memref<1x128xi32, #tpu.memory_space<vmem>> -> memref<128xi32, #tpu.memory_space<vmem>>
          %dma_wait3A_648 = arith.constant 0 : i32
          %dma_wait3A_649 = arith.constant 0 : i32
          %dma_wait3A_650 = tpu.memref_slice %arg10[%dma_wait3A_648, %dma_wait3A_649] : memref<10016x64xf32, #tpu.memory_space<vmem_shared>> -> memref<10016x64xf32, #tpu.memory_space<vmem_shared>>
          tpu.wait_indirect_dma semaphore(%arg29 : memref<!tpu.dma_semaphore, #tpu.memory_space<semaphore_mem>>) src(%dma_wait3A_644 : memref<128x64xf32, #tpu.memory_space<vmem>>) dst(%dma_wait3A_650 : memref<10016x64xf32, #tpu.memory_space<vmem_shared>>)
        } else {
        }
        %dma_start3A_617 = arith.constant 2 : i32
        %dma_start3A_618 = arith.constant 0 : i32
        %dma_start3A_619 = arith.constant 0 : i32
        %dma_start3A_620 = tpu.memref_slice %arg9[%dma_start3A_617, %dma_start3A_618, %dma_start3A_619] : memref<8x128x64xf32, #tpu.memory_space<vmem>> -> memref<1x64x64xf32, #tpu.memory_space<vmem>>
        %dma_start3A_621 = tpu.memref_squeeze %dma_start3A_620 : memref<1x64x64xf32, #tpu.memory_space<vmem>> -> memref<64x64xf32, #tpu.memory_space<vmem>>
        %dma_start3A_622 = arith.constant 0 : i32
        %dma_start3A_623 = tpu.memref_slice %arg7[%add3A_475, %dma_start3A_622] : memref<80x128xi32, #tpu.memory_space<vmem>> -> memref<1x64xi32, #tpu.memory_space<vmem>>
        %dma_start3A_624 = tpu.memref_squeeze %dma_start3A_623 : memref<1x64xi32, #tpu.memory_space<vmem>> -> memref<64xi32, #tpu.memory_space<vmem>>
        %dma_start3A_625 = arith.constant 0 : i32
        %dma_start3A_626 = arith.constant 0 : i32
        %dma_start3A_627 = tpu.memref_slice %arg2[%dma_start3A_625, %dma_start3A_626] : memref<20000x64xf32, #tpu.memory_space<hbm>> -> memref<20000x64xf32, #tpu.memory_space<hbm>>
        tpu.enqueue_indirect_dma source(%dma_start3A_627 : memref<20000x64xf32, #tpu.memory_space<hbm>>) target(%dma_start3A_621 : memref<64x64xf32, #tpu.memory_space<vmem>>) offsets(%dma_start3A_624 : memref<64xi32, #tpu.memory_space<vmem>>) semaphore(%arg13 : memref<!tpu.dma_semaphore, #tpu.memory_space<semaphore_mem>>)
        %dma_start3A_628 = arith.constant 2 : i32
        %dma_start3A_629 = arith.constant 64 : i32
        %dma_start3A_630 = arith.constant 0 : i32
        %dma_start3A_631 = tpu.memref_slice %arg9[%dma_start3A_628, %dma_start3A_629, %dma_start3A_630] : memref<8x128x64xf32, #tpu.memory_space<vmem>> -> memref<1x64x64xf32, #tpu.memory_space<vmem>>
        %dma_start3A_632 = tpu.memref_squeeze %dma_start3A_631 : memref<1x64x64xf32, #tpu.memory_space<vmem>> -> memref<64x64xf32, #tpu.memory_space<vmem>>
        %dma_start3A_633 = arith.constant 64 : i32
        %dma_start3A_634 = tpu.memref_slice %arg7[%add3A_475, %dma_start3A_633] : memref<80x128xi32, #tpu.memory_space<vmem>> -> memref<1x64xi32, #tpu.memory_space<vmem>>
        %dma_start3A_635 = tpu.memref_squeeze %dma_start3A_634 : memref<1x64xi32, #tpu.memory_space<vmem>> -> memref<64xi32, #tpu.memory_space<vmem>>
        %dma_start3A_636 = arith.constant 0 : i32
        %dma_start3A_637 = arith.constant 0 : i32
        %dma_start3A_638 = tpu.memref_slice %arg2[%dma_start3A_636, %dma_start3A_637] : memref<20000x64xf32, #tpu.memory_space<hbm>> -> memref<20000x64xf32, #tpu.memory_space<hbm>>
        tpu.enqueue_indirect_dma source(%dma_start3A_638 : memref<20000x64xf32, #tpu.memory_space<hbm>>) target(%dma_start3A_632 : memref<64x64xf32, #tpu.memory_space<vmem>>) offsets(%dma_start3A_635 : memref<64xi32, #tpu.memory_space<vmem>>) semaphore(%arg21 : memref<!tpu.dma_semaphore, #tpu.memory_space<semaphore_mem>>)
      } else {
      }
      %mul3A_481 = arith.constant 8 : i32
      %mul3A_482 = arith.muli %scan3A_263, %mul3A_481 : i32
      %add3A_483 = arith.constant 5 : i32
      %add3A_484 = arith.addi %mul3A_482, %add3A_483 : i32
      %dma_wait3A_485 = arith.constant 5 : i32
      %dma_wait3A_486 = arith.constant 0 : i32
      %dma_wait3A_487 = arith.constant 0 : i32
      %dma_wait3A_488 = tpu.memref_slice %arg9[%dma_wait3A_485, %dma_wait3A_486, %dma_wait3A_487] : memref<8x128x64xf32, #tpu.memory_space<vmem>> -> memref<1x64x64xf32, #tpu.memory_space<vmem>>
      %dma_wait3A_489 = tpu.memref_squeeze %dma_wait3A_488 : memref<1x64x64xf32, #tpu.memory_space<vmem>> -> memref<64x64xf32, #tpu.memory_space<vmem>>
      %dma_wait3A_490 = arith.constant 0 : i32
      %dma_wait3A_491 = tpu.memref_slice %arg7[%add3A_484, %dma_wait3A_490] : memref<80x128xi32, #tpu.memory_space<vmem>> -> memref<1x64xi32, #tpu.memory_space<vmem>>
      %dma_wait3A_492 = tpu.memref_squeeze %dma_wait3A_491 : memref<1x64xi32, #tpu.memory_space<vmem>> -> memref<64xi32, #tpu.memory_space<vmem>>
      %dma_wait3A_493 = arith.constant 0 : i32
      %dma_wait3A_494 = arith.constant 0 : i32
      %dma_wait3A_495 = tpu.memref_slice %arg2[%dma_wait3A_493, %dma_wait3A_494] : memref<20000x64xf32, #tpu.memory_space<hbm>> -> memref<20000x64xf32, #tpu.memory_space<hbm>>
      tpu.wait_indirect_dma semaphore(%arg16 : memref<!tpu.dma_semaphore, #tpu.memory_space<semaphore_mem>>) src(%dma_wait3A_495 : memref<20000x64xf32, #tpu.memory_space<hbm>>) dst(%dma_wait3A_489 : memref<64x64xf32, #tpu.memory_space<vmem>>)
      %dma_wait3A_496 = arith.constant 5 : i32
      %dma_wait3A_497 = arith.constant 64 : i32
      %dma_wait3A_498 = arith.constant 0 : i32
      %dma_wait3A_499 = tpu.memref_slice %arg9[%dma_wait3A_496, %dma_wait3A_497, %dma_wait3A_498] : memref<8x128x64xf32, #tpu.memory_space<vmem>> -> memref<1x64x64xf32, #tpu.memory_space<vmem>>
      %dma_wait3A_500 = tpu.memref_squeeze %dma_wait3A_499 : memref<1x64x64xf32, #tpu.memory_space<vmem>> -> memref<64x64xf32, #tpu.memory_space<vmem>>
      %dma_wait3A_501 = arith.constant 64 : i32
      %dma_wait3A_502 = tpu.memref_slice %arg7[%add3A_484, %dma_wait3A_501] : memref<80x128xi32, #tpu.memory_space<vmem>> -> memref<1x64xi32, #tpu.memory_space<vmem>>
      %dma_wait3A_503 = tpu.memref_squeeze %dma_wait3A_502 : memref<1x64xi32, #tpu.memory_space<vmem>> -> memref<64xi32, #tpu.memory_space<vmem>>
      %dma_wait3A_504 = arith.constant 0 : i32
      %dma_wait3A_505 = arith.constant 0 : i32
      %dma_wait3A_506 = tpu.memref_slice %arg2[%dma_wait3A_504, %dma_wait3A_505] : memref<20000x64xf32, #tpu.memory_space<hbm>> -> memref<20000x64xf32, #tpu.memory_space<hbm>>
      tpu.wait_indirect_dma semaphore(%arg24 : memref<!tpu.dma_semaphore, #tpu.memory_space<semaphore_mem>>) src(%dma_wait3A_506 : memref<20000x64xf32, #tpu.memory_space<hbm>>) dst(%dma_wait3A_500 : memref<64x64xf32, #tpu.memory_space<vmem>>)
      %dma_start3A_507 = arith.constant 5 : i32
      %dma_start3A_508 = arith.constant 0 : i32
      %dma_start3A_509 = arith.constant 0 : i32
      %dma_start3A_510 = tpu.memref_slice %arg9[%dma_start3A_507, %dma_start3A_508, %dma_start3A_509] : memref<8x128x64xf32, #tpu.memory_space<vmem>> -> memref<1x128x64xf32, #tpu.memory_space<vmem>>
      %dma_start3A_511 = tpu.memref_squeeze %dma_start3A_510 : memref<1x128x64xf32, #tpu.memory_space<vmem>> -> memref<128x64xf32, #tpu.memory_space<vmem>>
      %dma_start3A_512 = arith.constant 0 : i32
      %dma_start3A_513 = tpu.memref_slice %arg8[%add3A_484, %dma_start3A_512] : memref<80x128xi32, #tpu.memory_space<vmem>> -> memref<1x128xi32, #tpu.memory_space<vmem>>
      %dma_start3A_514 = tpu.memref_squeeze %dma_start3A_513 : memref<1x128xi32, #tpu.memory_space<vmem>> -> memref<128xi32, #tpu.memory_space<vmem>>
      %dma_start3A_515 = arith.constant 0 : i32
      %dma_start3A_516 = arith.constant 0 : i32
      %dma_start3A_517 = tpu.memref_slice %arg10[%dma_start3A_515, %dma_start3A_516] : memref<10016x64xf32, #tpu.memory_space<vmem_shared>> -> memref<10016x64xf32, #tpu.memory_space<vmem_shared>>
      tpu.enqueue_indirect_dma source(%dma_start3A_511 : memref<128x64xf32, #tpu.memory_space<vmem>>) target(%dma_start3A_517 : memref<10016x64xf32, #tpu.memory_space<vmem_shared>>) offsets(%dma_start3A_514 : memref<128xi32, #tpu.memory_space<vmem>>) semaphore(%arg32 : memref<!tpu.dma_semaphore, #tpu.memory_space<semaphore_mem>>) {add = true}
      %add3A_518 = arith.constant 6 : i32
      %add3A_519 = arith.addi %add3A_484, %add3A_518 : i32
      %lt3A_520 = arith.constant 80 : i32
      %lt3A_521 = arith.cmpi slt, %add3A_519, %lt3A_520 : i32
      %convert_element_type3A_522 = arith.extui %lt3A_521 : i1 to i32
      %cond3A_523 = arith.constant 0 : i32
      %cond3A_524 = arith.cmpi ne, %convert_element_type3A_522, %cond3A_523 : i32
      scf.if %cond3A_524 {
        %ge3A = arith.constant 8 : i32
        %ge3A_613 = arith.cmpi sge, %add3A_519, %ge3A : i32
        %convert_element_type3A_614 = arith.extui %ge3A_613 : i1 to i32
        %cond3A_615 = arith.constant 0 : i32
        %cond3A_616 = arith.cmpi ne, %convert_element_type3A_614, %cond3A_615 : i32
        scf.if %cond3A_616 {
          %sub3A = arith.constant 8 : i32
          %sub3A_639 = arith.subi %add3A_519, %sub3A : i32
          %dma_wait3A_640 = arith.constant 3 : i32
          %dma_wait3A_641 = arith.constant 0 : i32
          %dma_wait3A_642 = arith.constant 0 : i32
          %dma_wait3A_643 = tpu.memref_slice %arg9[%dma_wait3A_640, %dma_wait3A_641, %dma_wait3A_642] : memref<8x128x64xf32, #tpu.memory_space<vmem>> -> memref<1x128x64xf32, #tpu.memory_space<vmem>>
          %dma_wait3A_644 = tpu.memref_squeeze %dma_wait3A_643 : memref<1x128x64xf32, #tpu.memory_space<vmem>> -> memref<128x64xf32, #tpu.memory_space<vmem>>
          %dma_wait3A_645 = arith.constant 0 : i32
          %dma_wait3A_646 = tpu.memref_slice %arg8[%sub3A_639, %dma_wait3A_645] : memref<80x128xi32, #tpu.memory_space<vmem>> -> memref<1x128xi32, #tpu.memory_space<vmem>>
          %dma_wait3A_647 = tpu.memref_squeeze %dma_wait3A_646 : memref<1x128xi32, #tpu.memory_space<vmem>> -> memref<128xi32, #tpu.memory_space<vmem>>
          %dma_wait3A_648 = arith.constant 0 : i32
          %dma_wait3A_649 = arith.constant 0 : i32
          %dma_wait3A_650 = tpu.memref_slice %arg10[%dma_wait3A_648, %dma_wait3A_649] : memref<10016x64xf32, #tpu.memory_space<vmem_shared>> -> memref<10016x64xf32, #tpu.memory_space<vmem_shared>>
          tpu.wait_indirect_dma semaphore(%arg30 : memref<!tpu.dma_semaphore, #tpu.memory_space<semaphore_mem>>) src(%dma_wait3A_644 : memref<128x64xf32, #tpu.memory_space<vmem>>) dst(%dma_wait3A_650 : memref<10016x64xf32, #tpu.memory_space<vmem_shared>>)
        } else {
        }
        %dma_start3A_617 = arith.constant 3 : i32
        %dma_start3A_618 = arith.constant 0 : i32
        %dma_start3A_619 = arith.constant 0 : i32
        %dma_start3A_620 = tpu.memref_slice %arg9[%dma_start3A_617, %dma_start3A_618, %dma_start3A_619] : memref<8x128x64xf32, #tpu.memory_space<vmem>> -> memref<1x64x64xf32, #tpu.memory_space<vmem>>
        %dma_start3A_621 = tpu.memref_squeeze %dma_start3A_620 : memref<1x64x64xf32, #tpu.memory_space<vmem>> -> memref<64x64xf32, #tpu.memory_space<vmem>>
        %dma_start3A_622 = arith.constant 0 : i32
        %dma_start3A_623 = tpu.memref_slice %arg7[%add3A_519, %dma_start3A_622] : memref<80x128xi32, #tpu.memory_space<vmem>> -> memref<1x64xi32, #tpu.memory_space<vmem>>
        %dma_start3A_624 = tpu.memref_squeeze %dma_start3A_623 : memref<1x64xi32, #tpu.memory_space<vmem>> -> memref<64xi32, #tpu.memory_space<vmem>>
        %dma_start3A_625 = arith.constant 0 : i32
        %dma_start3A_626 = arith.constant 0 : i32
        %dma_start3A_627 = tpu.memref_slice %arg2[%dma_start3A_625, %dma_start3A_626] : memref<20000x64xf32, #tpu.memory_space<hbm>> -> memref<20000x64xf32, #tpu.memory_space<hbm>>
        tpu.enqueue_indirect_dma source(%dma_start3A_627 : memref<20000x64xf32, #tpu.memory_space<hbm>>) target(%dma_start3A_621 : memref<64x64xf32, #tpu.memory_space<vmem>>) offsets(%dma_start3A_624 : memref<64xi32, #tpu.memory_space<vmem>>) semaphore(%arg14 : memref<!tpu.dma_semaphore, #tpu.memory_space<semaphore_mem>>)
        %dma_start3A_628 = arith.constant 3 : i32
        %dma_start3A_629 = arith.constant 64 : i32
        %dma_start3A_630 = arith.constant 0 : i32
        %dma_start3A_631 = tpu.memref_slice %arg9[%dma_start3A_628, %dma_start3A_629, %dma_start3A_630] : memref<8x128x64xf32, #tpu.memory_space<vmem>> -> memref<1x64x64xf32, #tpu.memory_space<vmem>>
        %dma_start3A_632 = tpu.memref_squeeze %dma_start3A_631 : memref<1x64x64xf32, #tpu.memory_space<vmem>> -> memref<64x64xf32, #tpu.memory_space<vmem>>
        %dma_start3A_633 = arith.constant 64 : i32
        %dma_start3A_634 = tpu.memref_slice %arg7[%add3A_519, %dma_start3A_633] : memref<80x128xi32, #tpu.memory_space<vmem>> -> memref<1x64xi32, #tpu.memory_space<vmem>>
        %dma_start3A_635 = tpu.memref_squeeze %dma_start3A_634 : memref<1x64xi32, #tpu.memory_space<vmem>> -> memref<64xi32, #tpu.memory_space<vmem>>
        %dma_start3A_636 = arith.constant 0 : i32
        %dma_start3A_637 = arith.constant 0 : i32
        %dma_start3A_638 = tpu.memref_slice %arg2[%dma_start3A_636, %dma_start3A_637] : memref<20000x64xf32, #tpu.memory_space<hbm>> -> memref<20000x64xf32, #tpu.memory_space<hbm>>
        tpu.enqueue_indirect_dma source(%dma_start3A_638 : memref<20000x64xf32, #tpu.memory_space<hbm>>) target(%dma_start3A_632 : memref<64x64xf32, #tpu.memory_space<vmem>>) offsets(%dma_start3A_635 : memref<64xi32, #tpu.memory_space<vmem>>) semaphore(%arg22 : memref<!tpu.dma_semaphore, #tpu.memory_space<semaphore_mem>>)
      } else {
      }
      %mul3A_525 = arith.constant 8 : i32
      %mul3A_526 = arith.muli %scan3A_263, %mul3A_525 : i32
      %add3A_527 = arith.constant 6 : i32
      %add3A_528 = arith.addi %mul3A_526, %add3A_527 : i32
      %dma_wait3A_529 = arith.constant 6 : i32
      %dma_wait3A_530 = arith.constant 0 : i32
      %dma_wait3A_531 = arith.constant 0 : i32
      %dma_wait3A_532 = tpu.memref_slice %arg9[%dma_wait3A_529, %dma_wait3A_530, %dma_wait3A_531] : memref<8x128x64xf32, #tpu.memory_space<vmem>> -> memref<1x64x64xf32, #tpu.memory_space<vmem>>
      %dma_wait3A_533 = tpu.memref_squeeze %dma_wait3A_532 : memref<1x64x64xf32, #tpu.memory_space<vmem>> -> memref<64x64xf32, #tpu.memory_space<vmem>>
      %dma_wait3A_534 = arith.constant 0 : i32
      %dma_wait3A_535 = tpu.memref_slice %arg7[%add3A_528, %dma_wait3A_534] : memref<80x128xi32, #tpu.memory_space<vmem>> -> memref<1x64xi32, #tpu.memory_space<vmem>>
      %dma_wait3A_536 = tpu.memref_squeeze %dma_wait3A_535 : memref<1x64xi32, #tpu.memory_space<vmem>> -> memref<64xi32, #tpu.memory_space<vmem>>
      %dma_wait3A_537 = arith.constant 0 : i32
      %dma_wait3A_538 = arith.constant 0 : i32
      %dma_wait3A_539 = tpu.memref_slice %arg2[%dma_wait3A_537, %dma_wait3A_538] : memref<20000x64xf32, #tpu.memory_space<hbm>> -> memref<20000x64xf32, #tpu.memory_space<hbm>>
      tpu.wait_indirect_dma semaphore(%arg17 : memref<!tpu.dma_semaphore, #tpu.memory_space<semaphore_mem>>) src(%dma_wait3A_539 : memref<20000x64xf32, #tpu.memory_space<hbm>>) dst(%dma_wait3A_533 : memref<64x64xf32, #tpu.memory_space<vmem>>)
      %dma_wait3A_540 = arith.constant 6 : i32
      %dma_wait3A_541 = arith.constant 64 : i32
      %dma_wait3A_542 = arith.constant 0 : i32
      %dma_wait3A_543 = tpu.memref_slice %arg9[%dma_wait3A_540, %dma_wait3A_541, %dma_wait3A_542] : memref<8x128x64xf32, #tpu.memory_space<vmem>> -> memref<1x64x64xf32, #tpu.memory_space<vmem>>
      %dma_wait3A_544 = tpu.memref_squeeze %dma_wait3A_543 : memref<1x64x64xf32, #tpu.memory_space<vmem>> -> memref<64x64xf32, #tpu.memory_space<vmem>>
      %dma_wait3A_545 = arith.constant 64 : i32
      %dma_wait3A_546 = tpu.memref_slice %arg7[%add3A_528, %dma_wait3A_545] : memref<80x128xi32, #tpu.memory_space<vmem>> -> memref<1x64xi32, #tpu.memory_space<vmem>>
      %dma_wait3A_547 = tpu.memref_squeeze %dma_wait3A_546 : memref<1x64xi32, #tpu.memory_space<vmem>> -> memref<64xi32, #tpu.memory_space<vmem>>
      %dma_wait3A_548 = arith.constant 0 : i32
      %dma_wait3A_549 = arith.constant 0 : i32
      %dma_wait3A_550 = tpu.memref_slice %arg2[%dma_wait3A_548, %dma_wait3A_549] : memref<20000x64xf32, #tpu.memory_space<hbm>> -> memref<20000x64xf32, #tpu.memory_space<hbm>>
      tpu.wait_indirect_dma semaphore(%arg25 : memref<!tpu.dma_semaphore, #tpu.memory_space<semaphore_mem>>) src(%dma_wait3A_550 : memref<20000x64xf32, #tpu.memory_space<hbm>>) dst(%dma_wait3A_544 : memref<64x64xf32, #tpu.memory_space<vmem>>)
      %dma_start3A_551 = arith.constant 6 : i32
      %dma_start3A_552 = arith.constant 0 : i32
      %dma_start3A_553 = arith.constant 0 : i32
      %dma_start3A_554 = tpu.memref_slice %arg9[%dma_start3A_551, %dma_start3A_552, %dma_start3A_553] : memref<8x128x64xf32, #tpu.memory_space<vmem>> -> memref<1x128x64xf32, #tpu.memory_space<vmem>>
      %dma_start3A_555 = tpu.memref_squeeze %dma_start3A_554 : memref<1x128x64xf32, #tpu.memory_space<vmem>> -> memref<128x64xf32, #tpu.memory_space<vmem>>
      %dma_start3A_556 = arith.constant 0 : i32
      %dma_start3A_557 = tpu.memref_slice %arg8[%add3A_528, %dma_start3A_556] : memref<80x128xi32, #tpu.memory_space<vmem>> -> memref<1x128xi32, #tpu.memory_space<vmem>>
      %dma_start3A_558 = tpu.memref_squeeze %dma_start3A_557 : memref<1x128xi32, #tpu.memory_space<vmem>> -> memref<128xi32, #tpu.memory_space<vmem>>
      %dma_start3A_559 = arith.constant 0 : i32
      %dma_start3A_560 = arith.constant 0 : i32
      %dma_start3A_561 = tpu.memref_slice %arg10[%dma_start3A_559, %dma_start3A_560] : memref<10016x64xf32, #tpu.memory_space<vmem_shared>> -> memref<10016x64xf32, #tpu.memory_space<vmem_shared>>
      tpu.enqueue_indirect_dma source(%dma_start3A_555 : memref<128x64xf32, #tpu.memory_space<vmem>>) target(%dma_start3A_561 : memref<10016x64xf32, #tpu.memory_space<vmem_shared>>) offsets(%dma_start3A_558 : memref<128xi32, #tpu.memory_space<vmem>>) semaphore(%arg33 : memref<!tpu.dma_semaphore, #tpu.memory_space<semaphore_mem>>) {add = true}
      %add3A_562 = arith.constant 6 : i32
      %add3A_563 = arith.addi %add3A_528, %add3A_562 : i32
      %lt3A_564 = arith.constant 80 : i32
      %lt3A_565 = arith.cmpi slt, %add3A_563, %lt3A_564 : i32
      %convert_element_type3A_566 = arith.extui %lt3A_565 : i1 to i32
      %cond3A_567 = arith.constant 0 : i32
      %cond3A_568 = arith.cmpi ne, %convert_element_type3A_566, %cond3A_567 : i32
      scf.if %cond3A_568 {
        %ge3A = arith.constant 8 : i32
        %ge3A_613 = arith.cmpi sge, %add3A_563, %ge3A : i32
        %convert_element_type3A_614 = arith.extui %ge3A_613 : i1 to i32
        %cond3A_615 = arith.constant 0 : i32
        %cond3A_616 = arith.cmpi ne, %convert_element_type3A_614, %cond3A_615 : i32
        scf.if %cond3A_616 {
          %sub3A = arith.constant 8 : i32
          %sub3A_639 = arith.subi %add3A_563, %sub3A : i32
          %dma_wait3A_640 = arith.constant 4 : i32
          %dma_wait3A_641 = arith.constant 0 : i32
          %dma_wait3A_642 = arith.constant 0 : i32
          %dma_wait3A_643 = tpu.memref_slice %arg9[%dma_wait3A_640, %dma_wait3A_641, %dma_wait3A_642] : memref<8x128x64xf32, #tpu.memory_space<vmem>> -> memref<1x128x64xf32, #tpu.memory_space<vmem>>
          %dma_wait3A_644 = tpu.memref_squeeze %dma_wait3A_643 : memref<1x128x64xf32, #tpu.memory_space<vmem>> -> memref<128x64xf32, #tpu.memory_space<vmem>>
          %dma_wait3A_645 = arith.constant 0 : i32
          %dma_wait3A_646 = tpu.memref_slice %arg8[%sub3A_639, %dma_wait3A_645] : memref<80x128xi32, #tpu.memory_space<vmem>> -> memref<1x128xi32, #tpu.memory_space<vmem>>
          %dma_wait3A_647 = tpu.memref_squeeze %dma_wait3A_646 : memref<1x128xi32, #tpu.memory_space<vmem>> -> memref<128xi32, #tpu.memory_space<vmem>>
          %dma_wait3A_648 = arith.constant 0 : i32
          %dma_wait3A_649 = arith.constant 0 : i32
          %dma_wait3A_650 = tpu.memref_slice %arg10[%dma_wait3A_648, %dma_wait3A_649] : memref<10016x64xf32, #tpu.memory_space<vmem_shared>> -> memref<10016x64xf32, #tpu.memory_space<vmem_shared>>
          tpu.wait_indirect_dma semaphore(%arg31 : memref<!tpu.dma_semaphore, #tpu.memory_space<semaphore_mem>>) src(%dma_wait3A_644 : memref<128x64xf32, #tpu.memory_space<vmem>>) dst(%dma_wait3A_650 : memref<10016x64xf32, #tpu.memory_space<vmem_shared>>)
        } else {
        }
        %dma_start3A_617 = arith.constant 4 : i32
        %dma_start3A_618 = arith.constant 0 : i32
        %dma_start3A_619 = arith.constant 0 : i32
        %dma_start3A_620 = tpu.memref_slice %arg9[%dma_start3A_617, %dma_start3A_618, %dma_start3A_619] : memref<8x128x64xf32, #tpu.memory_space<vmem>> -> memref<1x64x64xf32, #tpu.memory_space<vmem>>
        %dma_start3A_621 = tpu.memref_squeeze %dma_start3A_620 : memref<1x64x64xf32, #tpu.memory_space<vmem>> -> memref<64x64xf32, #tpu.memory_space<vmem>>
        %dma_start3A_622 = arith.constant 0 : i32
        %dma_start3A_623 = tpu.memref_slice %arg7[%add3A_563, %dma_start3A_622] : memref<80x128xi32, #tpu.memory_space<vmem>> -> memref<1x64xi32, #tpu.memory_space<vmem>>
        %dma_start3A_624 = tpu.memref_squeeze %dma_start3A_623 : memref<1x64xi32, #tpu.memory_space<vmem>> -> memref<64xi32, #tpu.memory_space<vmem>>
        %dma_start3A_625 = arith.constant 0 : i32
        %dma_start3A_626 = arith.constant 0 : i32
        %dma_start3A_627 = tpu.memref_slice %arg2[%dma_start3A_625, %dma_start3A_626] : memref<20000x64xf32, #tpu.memory_space<hbm>> -> memref<20000x64xf32, #tpu.memory_space<hbm>>
        tpu.enqueue_indirect_dma source(%dma_start3A_627 : memref<20000x64xf32, #tpu.memory_space<hbm>>) target(%dma_start3A_621 : memref<64x64xf32, #tpu.memory_space<vmem>>) offsets(%dma_start3A_624 : memref<64xi32, #tpu.memory_space<vmem>>) semaphore(%arg15 : memref<!tpu.dma_semaphore, #tpu.memory_space<semaphore_mem>>)
        %dma_start3A_628 = arith.constant 4 : i32
        %dma_start3A_629 = arith.constant 64 : i32
        %dma_start3A_630 = arith.constant 0 : i32
        %dma_start3A_631 = tpu.memref_slice %arg9[%dma_start3A_628, %dma_start3A_629, %dma_start3A_630] : memref<8x128x64xf32, #tpu.memory_space<vmem>> -> memref<1x64x64xf32, #tpu.memory_space<vmem>>
        %dma_start3A_632 = tpu.memref_squeeze %dma_start3A_631 : memref<1x64x64xf32, #tpu.memory_space<vmem>> -> memref<64x64xf32, #tpu.memory_space<vmem>>
        %dma_start3A_633 = arith.constant 64 : i32
        %dma_start3A_634 = tpu.memref_slice %arg7[%add3A_563, %dma_start3A_633] : memref<80x128xi32, #tpu.memory_space<vmem>> -> memref<1x64xi32, #tpu.memory_space<vmem>>
        %dma_start3A_635 = tpu.memref_squeeze %dma_start3A_634 : memref<1x64xi32, #tpu.memory_space<vmem>> -> memref<64xi32, #tpu.memory_space<vmem>>
        %dma_start3A_636 = arith.constant 0 : i32
        %dma_start3A_637 = arith.constant 0 : i32
        %dma_start3A_638 = tpu.memref_slice %arg2[%dma_start3A_636, %dma_start3A_637] : memref<20000x64xf32, #tpu.memory_space<hbm>> -> memref<20000x64xf32, #tpu.memory_space<hbm>>
        tpu.enqueue_indirect_dma source(%dma_start3A_638 : memref<20000x64xf32, #tpu.memory_space<hbm>>) target(%dma_start3A_632 : memref<64x64xf32, #tpu.memory_space<vmem>>) offsets(%dma_start3A_635 : memref<64xi32, #tpu.memory_space<vmem>>) semaphore(%arg23 : memref<!tpu.dma_semaphore, #tpu.memory_space<semaphore_mem>>)
      } else {
      }
      %mul3A_569 = arith.constant 8 : i32
      %mul3A_570 = arith.muli %scan3A_263, %mul3A_569 : i32
      %add3A_571 = arith.constant 7 : i32
      %add3A_572 = arith.addi %mul3A_570, %add3A_571 : i32
      %dma_wait3A_573 = arith.constant 7 : i32
      %dma_wait3A_574 = arith.constant 0 : i32
      %dma_wait3A_575 = arith.constant 0 : i32
      %dma_wait3A_576 = tpu.memref_slice %arg9[%dma_wait3A_573, %dma_wait3A_574, %dma_wait3A_575] : memref<8x128x64xf32, #tpu.memory_space<vmem>> -> memref<1x64x64xf32, #tpu.memory_space<vmem>>
      %dma_wait3A_577 = tpu.memref_squeeze %dma_wait3A_576 : memref<1x64x64xf32, #tpu.memory_space<vmem>> -> memref<64x64xf32, #tpu.memory_space<vmem>>
      %dma_wait3A_578 = arith.constant 0 : i32
      %dma_wait3A_579 = tpu.memref_slice %arg7[%add3A_572, %dma_wait3A_578] : memref<80x128xi32, #tpu.memory_space<vmem>> -> memref<1x64xi32, #tpu.memory_space<vmem>>
      %dma_wait3A_580 = tpu.memref_squeeze %dma_wait3A_579 : memref<1x64xi32, #tpu.memory_space<vmem>> -> memref<64xi32, #tpu.memory_space<vmem>>
      %dma_wait3A_581 = arith.constant 0 : i32
      %dma_wait3A_582 = arith.constant 0 : i32
      %dma_wait3A_583 = tpu.memref_slice %arg2[%dma_wait3A_581, %dma_wait3A_582] : memref<20000x64xf32, #tpu.memory_space<hbm>> -> memref<20000x64xf32, #tpu.memory_space<hbm>>
      tpu.wait_indirect_dma semaphore(%arg18 : memref<!tpu.dma_semaphore, #tpu.memory_space<semaphore_mem>>) src(%dma_wait3A_583 : memref<20000x64xf32, #tpu.memory_space<hbm>>) dst(%dma_wait3A_577 : memref<64x64xf32, #tpu.memory_space<vmem>>)
      %dma_wait3A_584 = arith.constant 7 : i32
      %dma_wait3A_585 = arith.constant 64 : i32
      %dma_wait3A_586 = arith.constant 0 : i32
      %dma_wait3A_587 = tpu.memref_slice %arg9[%dma_wait3A_584, %dma_wait3A_585, %dma_wait3A_586] : memref<8x128x64xf32, #tpu.memory_space<vmem>> -> memref<1x64x64xf32, #tpu.memory_space<vmem>>
      %dma_wait3A_588 = tpu.memref_squeeze %dma_wait3A_587 : memref<1x64x64xf32, #tpu.memory_space<vmem>> -> memref<64x64xf32, #tpu.memory_space<vmem>>
      %dma_wait3A_589 = arith.constant 64 : i32
      %dma_wait3A_590 = tpu.memref_slice %arg7[%add3A_572, %dma_wait3A_589] : memref<80x128xi32, #tpu.memory_space<vmem>> -> memref<1x64xi32, #tpu.memory_space<vmem>>
      %dma_wait3A_591 = tpu.memref_squeeze %dma_wait3A_590 : memref<1x64xi32, #tpu.memory_space<vmem>> -> memref<64xi32, #tpu.memory_space<vmem>>
      %dma_wait3A_592 = arith.constant 0 : i32
      %dma_wait3A_593 = arith.constant 0 : i32
      %dma_wait3A_594 = tpu.memref_slice %arg2[%dma_wait3A_592, %dma_wait3A_593] : memref<20000x64xf32, #tpu.memory_space<hbm>> -> memref<20000x64xf32, #tpu.memory_space<hbm>>
      tpu.wait_indirect_dma semaphore(%arg26 : memref<!tpu.dma_semaphore, #tpu.memory_space<semaphore_mem>>) src(%dma_wait3A_594 : memref<20000x64xf32, #tpu.memory_space<hbm>>) dst(%dma_wait3A_588 : memref<64x64xf32, #tpu.memory_space<vmem>>)
      %dma_start3A_595 = arith.constant 7 : i32
      %dma_start3A_596 = arith.constant 0 : i32
      %dma_start3A_597 = arith.constant 0 : i32
      %dma_start3A_598 = tpu.memref_slice %arg9[%dma_start3A_595, %dma_start3A_596, %dma_start3A_597] : memref<8x128x64xf32, #tpu.memory_space<vmem>> -> memref<1x128x64xf32, #tpu.memory_space<vmem>>
      %dma_start3A_599 = tpu.memref_squeeze %dma_start3A_598 : memref<1x128x64xf32, #tpu.memory_space<vmem>> -> memref<128x64xf32, #tpu.memory_space<vmem>>
      %dma_start3A_600 = arith.constant 0 : i32
      %dma_start3A_601 = tpu.memref_slice %arg8[%add3A_572, %dma_start3A_600] : memref<80x128xi32, #tpu.memory_space<vmem>> -> memref<1x128xi32, #tpu.memory_space<vmem>>
      %dma_start3A_602 = tpu.memref_squeeze %dma_start3A_601 : memref<1x128xi32, #tpu.memory_space<vmem>> -> memref<128xi32, #tpu.memory_space<vmem>>
      %dma_start3A_603 = arith.constant 0 : i32
      %dma_start3A_604 = arith.constant 0 : i32
      %dma_start3A_605 = tpu.memref_slice %arg10[%dma_start3A_603, %dma_start3A_604] : memref<10016x64xf32, #tpu.memory_space<vmem_shared>> -> memref<10016x64xf32, #tpu.memory_space<vmem_shared>>
      tpu.enqueue_indirect_dma source(%dma_start3A_599 : memref<128x64xf32, #tpu.memory_space<vmem>>) target(%dma_start3A_605 : memref<10016x64xf32, #tpu.memory_space<vmem_shared>>) offsets(%dma_start3A_602 : memref<128xi32, #tpu.memory_space<vmem>>) semaphore(%arg34 : memref<!tpu.dma_semaphore, #tpu.memory_space<semaphore_mem>>) {add = true}
      %add3A_606 = arith.constant 6 : i32
      %add3A_607 = arith.addi %add3A_572, %add3A_606 : i32
      %lt3A_608 = arith.constant 80 : i32
      %lt3A_609 = arith.cmpi slt, %add3A_607, %lt3A_608 : i32
      %convert_element_type3A_610 = arith.extui %lt3A_609 : i1 to i32
      %cond3A_611 = arith.constant 0 : i32
      %cond3A_612 = arith.cmpi ne, %convert_element_type3A_610, %cond3A_611 : i32
      scf.if %cond3A_612 {
        %ge3A = arith.constant 8 : i32
        %ge3A_613 = arith.cmpi sge, %add3A_607, %ge3A : i32
        %convert_element_type3A_614 = arith.extui %ge3A_613 : i1 to i32
        %cond3A_615 = arith.constant 0 : i32
        %cond3A_616 = arith.cmpi ne, %convert_element_type3A_614, %cond3A_615 : i32
        scf.if %cond3A_616 {
          %sub3A = arith.constant 8 : i32
          %sub3A_639 = arith.subi %add3A_607, %sub3A : i32
          %dma_wait3A_640 = arith.constant 5 : i32
          %dma_wait3A_641 = arith.constant 0 : i32
          %dma_wait3A_642 = arith.constant 0 : i32
          %dma_wait3A_643 = tpu.memref_slice %arg9[%dma_wait3A_640, %dma_wait3A_641, %dma_wait3A_642] : memref<8x128x64xf32, #tpu.memory_space<vmem>> -> memref<1x128x64xf32, #tpu.memory_space<vmem>>
          %dma_wait3A_644 = tpu.memref_squeeze %dma_wait3A_643 : memref<1x128x64xf32, #tpu.memory_space<vmem>> -> memref<128x64xf32, #tpu.memory_space<vmem>>
          %dma_wait3A_645 = arith.constant 0 : i32
          %dma_wait3A_646 = tpu.memref_slice %arg8[%sub3A_639, %dma_wait3A_645] : memref<80x128xi32, #tpu.memory_space<vmem>> -> memref<1x128xi32, #tpu.memory_space<vmem>>
          %dma_wait3A_647 = tpu.memref_squeeze %dma_wait3A_646 : memref<1x128xi32, #tpu.memory_space<vmem>> -> memref<128xi32, #tpu.memory_space<vmem>>
          %dma_wait3A_648 = arith.constant 0 : i32
          %dma_wait3A_649 = arith.constant 0 : i32
          %dma_wait3A_650 = tpu.memref_slice %arg10[%dma_wait3A_648, %dma_wait3A_649] : memref<10016x64xf32, #tpu.memory_space<vmem_shared>> -> memref<10016x64xf32, #tpu.memory_space<vmem_shared>>
          tpu.wait_indirect_dma semaphore(%arg32 : memref<!tpu.dma_semaphore, #tpu.memory_space<semaphore_mem>>) src(%dma_wait3A_644 : memref<128x64xf32, #tpu.memory_space<vmem>>) dst(%dma_wait3A_650 : memref<10016x64xf32, #tpu.memory_space<vmem_shared>>)
        } else {
        }
        %dma_start3A_617 = arith.constant 5 : i32
        %dma_start3A_618 = arith.constant 0 : i32
        %dma_start3A_619 = arith.constant 0 : i32
        %dma_start3A_620 = tpu.memref_slice %arg9[%dma_start3A_617, %dma_start3A_618, %dma_start3A_619] : memref<8x128x64xf32, #tpu.memory_space<vmem>> -> memref<1x64x64xf32, #tpu.memory_space<vmem>>
        %dma_start3A_621 = tpu.memref_squeeze %dma_start3A_620 : memref<1x64x64xf32, #tpu.memory_space<vmem>> -> memref<64x64xf32, #tpu.memory_space<vmem>>
        %dma_start3A_622 = arith.constant 0 : i32
        %dma_start3A_623 = tpu.memref_slice %arg7[%add3A_607, %dma_start3A_622] : memref<80x128xi32, #tpu.memory_space<vmem>> -> memref<1x64xi32, #tpu.memory_space<vmem>>
        %dma_start3A_624 = tpu.memref_squeeze %dma_start3A_623 : memref<1x64xi32, #tpu.memory_space<vmem>> -> memref<64xi32, #tpu.memory_space<vmem>>
        %dma_start3A_625 = arith.constant 0 : i32
        %dma_start3A_626 = arith.constant 0 : i32
        %dma_start3A_627 = tpu.memref_slice %arg2[%dma_start3A_625, %dma_start3A_626] : memref<20000x64xf32, #tpu.memory_space<hbm>> -> memref<20000x64xf32, #tpu.memory_space<hbm>>
        tpu.enqueue_indirect_dma source(%dma_start3A_627 : memref<20000x64xf32, #tpu.memory_space<hbm>>) target(%dma_start3A_621 : memref<64x64xf32, #tpu.memory_space<vmem>>) offsets(%dma_start3A_624 : memref<64xi32, #tpu.memory_space<vmem>>) semaphore(%arg16 : memref<!tpu.dma_semaphore, #tpu.memory_space<semaphore_mem>>)
        %dma_start3A_628 = arith.constant 5 : i32
        %dma_start3A_629 = arith.constant 64 : i32
        %dma_start3A_630 = arith.constant 0 : i32
        %dma_start3A_631 = tpu.memref_slice %arg9[%dma_start3A_628, %dma_start3A_629, %dma_start3A_630] : memref<8x128x64xf32, #tpu.memory_space<vmem>> -> memref<1x64x64xf32, #tpu.memory_space<vmem>>
        %dma_start3A_632 = tpu.memref_squeeze %dma_start3A_631 : memref<1x64x64xf32, #tpu.memory_space<vmem>> -> memref<64x64xf32, #tpu.memory_space<vmem>>
        %dma_start3A_633 = arith.constant 64 : i32
        %dma_start3A_634 = tpu.memref_slice %arg7[%add3A_607, %dma_start3A_633] : memref<80x128xi32, #tpu.memory_space<vmem>> -> memref<1x64xi32, #tpu.memory_space<vmem>>
        %dma_start3A_635 = tpu.memref_squeeze %dma_start3A_634 : memref<1x64xi32, #tpu.memory_space<vmem>> -> memref<64xi32, #tpu.memory_space<vmem>>
        %dma_start3A_636 = arith.constant 0 : i32
        %dma_start3A_637 = arith.constant 0 : i32
        %dma_start3A_638 = tpu.memref_slice %arg2[%dma_start3A_636, %dma_start3A_637] : memref<20000x64xf32, #tpu.memory_space<hbm>> -> memref<20000x64xf32, #tpu.memory_space<hbm>>
        tpu.enqueue_indirect_dma source(%dma_start3A_638 : memref<20000x64xf32, #tpu.memory_space<hbm>>) target(%dma_start3A_632 : memref<64x64xf32, #tpu.memory_space<vmem>>) offsets(%dma_start3A_635 : memref<64xi32, #tpu.memory_space<vmem>>) semaphore(%arg24 : memref<!tpu.dma_semaphore, #tpu.memory_space<semaphore_mem>>)
      } else {
      }
    }
    %scan3A_157 = arith.constant 10 : i32
    %dma_wait3A = arith.constant 0 : i32
    %dma_wait3A_158 = arith.constant 72 : i32
    %dma_wait3A_159 = arith.constant 0 : i32
    %dma_wait3A_160 = arith.constant 0 : i32
    %dma_wait3A_161 = tpu.memref_slice %arg9[%dma_wait3A, %dma_wait3A_159, %dma_wait3A_160] : memref<8x128x64xf32, #tpu.memory_space<vmem>> -> memref<1x128x64xf32, #tpu.memory_space<vmem>>
    %dma_wait3A_162 = tpu.memref_squeeze %dma_wait3A_161 : memref<1x128x64xf32, #tpu.memory_space<vmem>> -> memref<128x64xf32, #tpu.memory_space<vmem>>
    %dma_wait3A_163 = arith.constant 0 : i32
    %dma_wait3A_164 = tpu.memref_slice %arg8[%dma_wait3A_158, %dma_wait3A_163] : memref<80x128xi32, #tpu.memory_space<vmem>> -> memref<1x128xi32, #tpu.memory_space<vmem>>
    %dma_wait3A_165 = tpu.memref_squeeze %dma_wait3A_164 : memref<1x128xi32, #tpu.memory_space<vmem>> -> memref<128xi32, #tpu.memory_space<vmem>>
    %dma_wait3A_166 = arith.constant 0 : i32
    %dma_wait3A_167 = arith.constant 0 : i32
    %dma_wait3A_168 = tpu.memref_slice %arg10[%dma_wait3A_166, %dma_wait3A_167] : memref<10016x64xf32, #tpu.memory_space<vmem_shared>> -> memref<10016x64xf32, #tpu.memory_space<vmem_shared>>
    tpu.wait_indirect_dma semaphore(%arg27 : memref<!tpu.dma_semaphore, #tpu.memory_space<semaphore_mem>>) src(%dma_wait3A_162 : memref<128x64xf32, #tpu.memory_space<vmem>>) dst(%dma_wait3A_168 : memref<10016x64xf32, #tpu.memory_space<vmem_shared>>)
    %dma_wait3A_169 = arith.constant 1 : i32
    %dma_wait3A_170 = arith.constant 73 : i32
    %dma_wait3A_171 = arith.constant 0 : i32
    %dma_wait3A_172 = arith.constant 0 : i32
    %dma_wait3A_173 = tpu.memref_slice %arg9[%dma_wait3A_169, %dma_wait3A_171, %dma_wait3A_172] : memref<8x128x64xf32, #tpu.memory_space<vmem>> -> memref<1x128x64xf32, #tpu.memory_space<vmem>>
    %dma_wait3A_174 = tpu.memref_squeeze %dma_wait3A_173 : memref<1x128x64xf32, #tpu.memory_space<vmem>> -> memref<128x64xf32, #tpu.memory_space<vmem>>
    %dma_wait3A_175 = arith.constant 0 : i32
    %dma_wait3A_176 = tpu.memref_slice %arg8[%dma_wait3A_170, %dma_wait3A_175] : memref<80x128xi32, #tpu.memory_space<vmem>> -> memref<1x128xi32, #tpu.memory_space<vmem>>
    %dma_wait3A_177 = tpu.memref_squeeze %dma_wait3A_176 : memref<1x128xi32, #tpu.memory_space<vmem>> -> memref<128xi32, #tpu.memory_space<vmem>>
    %dma_wait3A_178 = arith.constant 0 : i32
    %dma_wait3A_179 = arith.constant 0 : i32
    %dma_wait3A_180 = tpu.memref_slice %arg10[%dma_wait3A_178, %dma_wait3A_179] : memref<10016x64xf32, #tpu.memory_space<vmem_shared>> -> memref<10016x64xf32, #tpu.memory_space<vmem_shared>>
    tpu.wait_indirect_dma semaphore(%arg28 : memref<!tpu.dma_semaphore, #tpu.memory_space<semaphore_mem>>) src(%dma_wait3A_174 : memref<128x64xf32, #tpu.memory_space<vmem>>) dst(%dma_wait3A_180 : memref<10016x64xf32, #tpu.memory_space<vmem_shared>>)
    %dma_wait3A_181 = arith.constant 2 : i32
    %dma_wait3A_182 = arith.constant 74 : i32
    %dma_wait3A_183 = arith.constant 0 : i32
    %dma_wait3A_184 = arith.constant 0 : i32
    %dma_wait3A_185 = tpu.memref_slice %arg9[%dma_wait3A_181, %dma_wait3A_183, %dma_wait3A_184] : memref<8x128x64xf32, #tpu.memory_space<vmem>> -> memref<1x128x64xf32, #tpu.memory_space<vmem>>
    %dma_wait3A_186 = tpu.memref_squeeze %dma_wait3A_185 : memref<1x128x64xf32, #tpu.memory_space<vmem>> -> memref<128x64xf32, #tpu.memory_space<vmem>>
    %dma_wait3A_187 = arith.constant 0 : i32
    %dma_wait3A_188 = tpu.memref_slice %arg8[%dma_wait3A_182, %dma_wait3A_187] : memref<80x128xi32, #tpu.memory_space<vmem>> -> memref<1x128xi32, #tpu.memory_space<vmem>>
    %dma_wait3A_189 = tpu.memref_squeeze %dma_wait3A_188 : memref<1x128xi32, #tpu.memory_space<vmem>> -> memref<128xi32, #tpu.memory_space<vmem>>
    %dma_wait3A_190 = arith.constant 0 : i32
    %dma_wait3A_191 = arith.constant 0 : i32
    %dma_wait3A_192 = tpu.memref_slice %arg10[%dma_wait3A_190, %dma_wait3A_191] : memref<10016x64xf32, #tpu.memory_space<vmem_shared>> -> memref<10016x64xf32, #tpu.memory_space<vmem_shared>>
    tpu.wait_indirect_dma semaphore(%arg29 : memref<!tpu.dma_semaphore, #tpu.memory_space<semaphore_mem>>) src(%dma_wait3A_186 : memref<128x64xf32, #tpu.memory_space<vmem>>) dst(%dma_wait3A_192 : memref<10016x64xf32, #tpu.memory_space<vmem_shared>>)
    %dma_wait3A_193 = arith.constant 3 : i32
    %dma_wait3A_194 = arith.constant 75 : i32
    %dma_wait3A_195 = arith.constant 0 : i32
    %dma_wait3A_196 = arith.constant 0 : i32
    %dma_wait3A_197 = tpu.memref_slice %arg9[%dma_wait3A_193, %dma_wait3A_195, %dma_wait3A_196] : memref<8x128x64xf32, #tpu.memory_space<vmem>> -> memref<1x128x64xf32, #tpu.memory_space<vmem>>
    %dma_wait3A_198 = tpu.memref_squeeze %dma_wait3A_197 : memref<1x128x64xf32, #tpu.memory_space<vmem>> -> memref<128x64xf32, #tpu.memory_space<vmem>>
    %dma_wait3A_199 = arith.constant 0 : i32
    %dma_wait3A_200 = tpu.memref_slice %arg8[%dma_wait3A_194, %dma_wait3A_199] : memref<80x128xi32, #tpu.memory_space<vmem>> -> memref<1x128xi32, #tpu.memory_space<vmem>>
    %dma_wait3A_201 = tpu.memref_squeeze %dma_wait3A_200 : memref<1x128xi32, #tpu.memory_space<vmem>> -> memref<128xi32, #tpu.memory_space<vmem>>
    %dma_wait3A_202 = arith.constant 0 : i32
    %dma_wait3A_203 = arith.constant 0 : i32
    %dma_wait3A_204 = tpu.memref_slice %arg10[%dma_wait3A_202, %dma_wait3A_203] : memref<10016x64xf32, #tpu.memory_space<vmem_shared>> -> memref<10016x64xf32, #tpu.memory_space<vmem_shared>>
    tpu.wait_indirect_dma semaphore(%arg30 : memref<!tpu.dma_semaphore, #tpu.memory_space<semaphore_mem>>) src(%dma_wait3A_198 : memref<128x64xf32, #tpu.memory_space<vmem>>) dst(%dma_wait3A_204 : memref<10016x64xf32, #tpu.memory_space<vmem_shared>>)
    %dma_wait3A_205 = arith.constant 4 : i32
    %dma_wait3A_206 = arith.constant 76 : i32
    %dma_wait3A_207 = arith.constant 0 : i32
    %dma_wait3A_208 = arith.constant 0 : i32
    %dma_wait3A_209 = tpu.memref_slice %arg9[%dma_wait3A_205, %dma_wait3A_207, %dma_wait3A_208] : memref<8x128x64xf32, #tpu.memory_space<vmem>> -> memref<1x128x64xf32, #tpu.memory_space<vmem>>
    %dma_wait3A_210 = tpu.memref_squeeze %dma_wait3A_209 : memref<1x128x64xf32, #tpu.memory_space<vmem>> -> memref<128x64xf32, #tpu.memory_space<vmem>>
    %dma_wait3A_211 = arith.constant 0 : i32
    %dma_wait3A_212 = tpu.memref_slice %arg8[%dma_wait3A_206, %dma_wait3A_211] : memref<80x128xi32, #tpu.memory_space<vmem>> -> memref<1x128xi32, #tpu.memory_space<vmem>>
    %dma_wait3A_213 = tpu.memref_squeeze %dma_wait3A_212 : memref<1x128xi32, #tpu.memory_space<vmem>> -> memref<128xi32, #tpu.memory_space<vmem>>
    %dma_wait3A_214 = arith.constant 0 : i32
    %dma_wait3A_215 = arith.constant 0 : i32
    %dma_wait3A_216 = tpu.memref_slice %arg10[%dma_wait3A_214, %dma_wait3A_215] : memref<10016x64xf32, #tpu.memory_space<vmem_shared>> -> memref<10016x64xf32, #tpu.memory_space<vmem_shared>>
    tpu.wait_indirect_dma semaphore(%arg31 : memref<!tpu.dma_semaphore, #tpu.memory_space<semaphore_mem>>) src(%dma_wait3A_210 : memref<128x64xf32, #tpu.memory_space<vmem>>) dst(%dma_wait3A_216 : memref<10016x64xf32, #tpu.memory_space<vmem_shared>>)
    %dma_wait3A_217 = arith.constant 5 : i32
    %dma_wait3A_218 = arith.constant 77 : i32
    %dma_wait3A_219 = arith.constant 0 : i32
    %dma_wait3A_220 = arith.constant 0 : i32
    %dma_wait3A_221 = tpu.memref_slice %arg9[%dma_wait3A_217, %dma_wait3A_219, %dma_wait3A_220] : memref<8x128x64xf32, #tpu.memory_space<vmem>> -> memref<1x128x64xf32, #tpu.memory_space<vmem>>
    %dma_wait3A_222 = tpu.memref_squeeze %dma_wait3A_221 : memref<1x128x64xf32, #tpu.memory_space<vmem>> -> memref<128x64xf32, #tpu.memory_space<vmem>>
    %dma_wait3A_223 = arith.constant 0 : i32
    %dma_wait3A_224 = tpu.memref_slice %arg8[%dma_wait3A_218, %dma_wait3A_223] : memref<80x128xi32, #tpu.memory_space<vmem>> -> memref<1x128xi32, #tpu.memory_space<vmem>>
    %dma_wait3A_225 = tpu.memref_squeeze %dma_wait3A_224 : memref<1x128xi32, #tpu.memory_space<vmem>> -> memref<128xi32, #tpu.memory_space<vmem>>
    %dma_wait3A_226 = arith.constant 0 : i32
    %dma_wait3A_227 = arith.constant 0 : i32
    %dma_wait3A_228 = tpu.memref_slice %arg10[%dma_wait3A_226, %dma_wait3A_227] : memref<10016x64xf32, #tpu.memory_space<vmem_shared>> -> memref<10016x64xf32, #tpu.memory_space<vmem_shared>>
    tpu.wait_indirect_dma semaphore(%arg32 : memref<!tpu.dma_semaphore, #tpu.memory_space<semaphore_mem>>) src(%dma_wait3A_222 : memref<128x64xf32, #tpu.memory_space<vmem>>) dst(%dma_wait3A_228 : memref<10016x64xf32, #tpu.memory_space<vmem_shared>>)
    %dma_wait3A_229 = arith.constant 6 : i32
    %dma_wait3A_230 = arith.constant 78 : i32
    %dma_wait3A_231 = arith.constant 0 : i32
    %dma_wait3A_232 = arith.constant 0 : i32
    %dma_wait3A_233 = tpu.memref_slice %arg9[%dma_wait3A_229, %dma_wait3A_231, %dma_wait3A_232] : memref<8x128x64xf32, #tpu.memory_space<vmem>> -> memref<1x128x64xf32, #tpu.memory_space<vmem>>
    %dma_wait3A_234 = tpu.memref_squeeze %dma_wait3A_233 : memref<1x128x64xf32, #tpu.memory_space<vmem>> -> memref<128x64xf32, #tpu.memory_space<vmem>>
    %dma_wait3A_235 = arith.constant 0 : i32
    %dma_wait3A_236 = tpu.memref_slice %arg8[%dma_wait3A_230, %dma_wait3A_235] : memref<80x128xi32, #tpu.memory_space<vmem>> -> memref<1x128xi32, #tpu.memory_space<vmem>>
    %dma_wait3A_237 = tpu.memref_squeeze %dma_wait3A_236 : memref<1x128xi32, #tpu.memory_space<vmem>> -> memref<128xi32, #tpu.memory_space<vmem>>
    %dma_wait3A_238 = arith.constant 0 : i32
    %dma_wait3A_239 = arith.constant 0 : i32
    %dma_wait3A_240 = tpu.memref_slice %arg10[%dma_wait3A_238, %dma_wait3A_239] : memref<10016x64xf32, #tpu.memory_space<vmem_shared>> -> memref<10016x64xf32, #tpu.memory_space<vmem_shared>>
    tpu.wait_indirect_dma semaphore(%arg33 : memref<!tpu.dma_semaphore, #tpu.memory_space<semaphore_mem>>) src(%dma_wait3A_234 : memref<128x64xf32, #tpu.memory_space<vmem>>) dst(%dma_wait3A_240 : memref<10016x64xf32, #tpu.memory_space<vmem_shared>>)
    %dma_wait3A_241 = arith.constant 7 : i32
    %dma_wait3A_242 = arith.constant 79 : i32
    %dma_wait3A_243 = arith.constant 0 : i32
    %dma_wait3A_244 = arith.constant 0 : i32
    %dma_wait3A_245 = tpu.memref_slice %arg9[%dma_wait3A_241, %dma_wait3A_243, %dma_wait3A_244] : memref<8x128x64xf32, #tpu.memory_space<vmem>> -> memref<1x128x64xf32, #tpu.memory_space<vmem>>
    %dma_wait3A_246 = tpu.memref_squeeze %dma_wait3A_245 : memref<1x128x64xf32, #tpu.memory_space<vmem>> -> memref<128x64xf32, #tpu.memory_space<vmem>>
    %dma_wait3A_247 = arith.constant 0 : i32
    %dma_wait3A_248 = tpu.memref_slice %arg8[%dma_wait3A_242, %dma_wait3A_247] : memref<80x128xi32, #tpu.memory_space<vmem>> -> memref<1x128xi32, #tpu.memory_space<vmem>>
    %dma_wait3A_249 = tpu.memref_squeeze %dma_wait3A_248 : memref<1x128xi32, #tpu.memory_space<vmem>> -> memref<128xi32, #tpu.memory_space<vmem>>
    %dma_wait3A_250 = arith.constant 0 : i32
    %dma_wait3A_251 = arith.constant 0 : i32
    %dma_wait3A_252 = tpu.memref_slice %arg10[%dma_wait3A_250, %dma_wait3A_251] : memref<10016x64xf32, #tpu.memory_space<vmem_shared>> -> memref<10016x64xf32, #tpu.memory_space<vmem_shared>>
    tpu.wait_indirect_dma semaphore(%arg34 : memref<!tpu.dma_semaphore, #tpu.memory_space<semaphore_mem>>) src(%dma_wait3A_246 : memref<128x64xf32, #tpu.memory_space<vmem>>) dst(%dma_wait3A_252 : memref<10016x64xf32, #tpu.memory_space<vmem_shared>>)
    %barrier3A_253 = arith.constant 0 : index
    tpu.barrier barrier_id(%barrier3A_253)
    %mul3A_254 = arith.constant 626 : i32
    %mul3A_255 = arith.muli %arg1, %mul3A_254 : i32
    %add3A_256 = arith.constant 0 : i32
    %add3A_257 = arith.addi %add3A_256, %arg0 : i32
    %mul3A_258 = arith.constant 10016 : i32
    %mul3A_259 = arith.muli %add3A_257, %mul3A_258 : i32
    %mul3A_260 = arith.constant 626 : i32
    %mul3A_261 = arith.muli %arg1, %mul3A_260 : i32
    %add3A_262 = arith.addi %mul3A_259, %mul3A_261 : i32
    "tpu.region"() ({
      %run_scoped3A = tpu.sem_alloc : memref<!tpu.dma_semaphore, #tpu.memory_space<semaphore_mem>>
      %dma_start3A_263 = arith.constant 0 : i32
      %dma_start3A_264 = tpu.memref_slice %arg6[%add3A_262, %dma_start3A_263] : memref<20032x64xf32, #tpu.memory_space<hbm>> -> memref<626x64xf32, #tpu.memory_space<hbm>>
      %dma_start3A_265 = arith.constant 0 : i32
      %dma_start3A_266 = tpu.memref_slice %arg10[%mul3A_255, %dma_start3A_265] : memref<10016x64xf32, #tpu.memory_space<vmem_shared>> -> memref<626x64xf32, #tpu.memory_space<vmem_shared>>
      tpu.enqueue_dma source(%dma_start3A_266 : memref<626x64xf32, #tpu.memory_space<vmem_shared>>) target(%dma_start3A_264 : memref<626x64xf32, #tpu.memory_space<hbm>>) target_semaphore(%run_scoped3A : memref<!tpu.dma_semaphore, #tpu.memory_space<semaphore_mem>>)
      %dma_wait3A_267 = arith.constant 0 : i32
      %dma_wait3A_268 = tpu.memref_slice %arg6[%add3A_262, %dma_wait3A_267] : memref<20032x64xf32, #tpu.memory_space<hbm>> -> memref<626x64xf32, #tpu.memory_space<hbm>>
      %dma_wait3A_269 = arith.constant 0 : i32
      %dma_wait3A_270 = tpu.memref_slice %arg10[%mul3A_255, %dma_wait3A_269] : memref<10016x64xf32, #tpu.memory_space<vmem_shared>> -> memref<626x64xf32, #tpu.memory_space<vmem_shared>>
      tpu.wait_dma2 semaphore(%run_scoped3A : memref<!tpu.dma_semaphore, #tpu.memory_space<semaphore_mem>>) src(%dma_wait3A_270 : memref<626x64xf32, #tpu.memory_space<vmem_shared>>) dst(%dma_wait3A_268 : memref<626x64xf32, #tpu.memory_space<hbm>>)
      tpu.yield
    }) : () -> ()
    return
  }
}

#map = affine_map<(d0, d1) -> (0, 0)>
module attributes {stable_mosaic.version = 14 : i64} {
  func.func @scat(%arg0: i32, %arg1: i32, %arg2: memref<40000x64xf32, #tpu.memory_space<hbm>>, %arg3: memref<5120x128xi32, #tpu.memory_space<hbm>>, %arg4: memref<1280x128xi32, #tpu.memory_space<hbm>>, %arg5: memref<10016x64xf32, #tpu.memory_space<hbm>>, %arg6: memref<40064x64xf32, #tpu.memory_space<hbm>>, %arg7: memref<80x128xi32, #tpu.memory_space<vmem>>, %arg8: memref<80x128xi32, #tpu.memory_space<vmem>>, %arg9: memref<8x128x64xf32, #tpu.memory_space<vmem>>, %arg10: memref<10016x64xf32, #tpu.memory_space<vmem_shared>>, %arg11: memref<!tpu.dma_semaphore, #tpu.memory_space<semaphore_mem>>, %arg12: memref<!tpu.dma_semaphore, #tpu.memory_space<semaphore_mem>>, %arg13: memref<!tpu.dma_semaphore, #tpu.memory_space<semaphore_mem>>, %arg14: memref<!tpu.dma_semaphore, #tpu.memory_space<semaphore_mem>>, %arg15: memref<!tpu.dma_semaphore, #tpu.memory_space<semaphore_mem>>, %arg16: memref<!tpu.dma_semaphore, #tpu.memory_space<semaphore_mem>>, %arg17: memref<!tpu.dma_semaphore, #tpu.memory_space<semaphore_mem>>, %arg18: memref<!tpu.dma_semaphore, #tpu.memory_space<semaphore_mem>>, %arg19: memref<!tpu.dma_semaphore, #tpu.memory_space<semaphore_mem>>, %arg20: memref<!tpu.dma_semaphore, #tpu.memory_space<semaphore_mem>>, %arg21: memref<!tpu.dma_semaphore, #tpu.memory_space<semaphore_mem>>, %arg22: memref<!tpu.dma_semaphore, #tpu.memory_space<semaphore_mem>>, %arg23: memref<!tpu.dma_semaphore, #tpu.memory_space<semaphore_mem>>, %arg24: memref<!tpu.dma_semaphore, #tpu.memory_space<semaphore_mem>>, %arg25: memref<!tpu.dma_semaphore, #tpu.memory_space<semaphore_mem>>, %arg26: memref<!tpu.dma_semaphore, #tpu.memory_space<semaphore_mem>>, %arg27: memref<!tpu.dma_semaphore, #tpu.memory_space<semaphore_mem>>, %arg28: memref<!tpu.dma_semaphore, #tpu.memory_space<semaphore_mem>>, %arg29: memref<!tpu.dma_semaphore, #tpu.memory_space<semaphore_mem>>, %arg30: memref<!tpu.dma_semaphore, #tpu.memory_space<semaphore_mem>>, %arg31: memref<!tpu.dma_semaphore, #tpu.memory_space<semaphore_mem>>, %arg32: memref<!tpu.dma_semaphore, #tpu.memory_space<semaphore_mem>>, %arg33: memref<!tpu.dma_semaphore, #tpu.memory_space<semaphore_mem>>, %arg34: memref<!tpu.dma_semaphore, #tpu.memory_space<semaphore_mem>>) attributes {dimension_semantics = [#tpu.dimension_semantics<core_parallel>, #tpu.dimension_semantics<subcore_parallel>], iteration_bounds = array<i64: 2, 16>, scalar_prefetch = 0 : i64, scratch_operands = 28 : i64, tpu.core_type = #tpu.core_type<sc_vector_subcore>, window_params = [{transform_indices = #map}, {transform_indices = #map}, {transform_indices = #map}, {transform_indices = #map}, {transform_indices = #map}]} {
    %mul3A = arith.constant 80 : i32
    %mul3A_0 = arith.muli %arg1, %mul3A : i32
    "tpu.region"() ({
      %run_scoped3A = tpu.sem_alloc : memref<!tpu.dma_semaphore, #tpu.memory_space<semaphore_mem>>
      %dma_start3A_531 = arith.constant 0 : i32
      %dma_start3A_532 = tpu.memref_slice %arg4[%mul3A_0, %dma_start3A_531] : memref<1280x128xi32, #tpu.memory_space<hbm>> -> memref<80x128xi32, #tpu.memory_space<hbm>>
      %dma_start3A_533 = arith.constant 0 : i32
      %dma_start3A_534 = tpu.memref_slice %arg4[%mul3A_0, %dma_start3A_533] : memref<1280x128xi32, #tpu.memory_space<hbm>> -> memref<80x128xi32, #tpu.memory_space<hbm>>
      tpu.enqueue_dma source(%dma_start3A_534 : memref<80x128xi32, #tpu.memory_space<hbm>>) target(%arg8 : memref<80x128xi32, #tpu.memory_space<vmem>>) target_semaphore(%run_scoped3A : memref<!tpu.dma_semaphore, #tpu.memory_space<semaphore_mem>>)
      %dma_wait3A_535 = arith.constant 0 : i32
      %dma_wait3A_536 = tpu.memref_slice %arg4[%mul3A_0, %dma_wait3A_535] : memref<1280x128xi32, #tpu.memory_space<hbm>> -> memref<80x128xi32, #tpu.memory_space<hbm>>
      %dma_wait3A_537 = arith.constant 0 : i32
      %dma_wait3A_538 = tpu.memref_slice %arg4[%mul3A_0, %dma_wait3A_537] : memref<1280x128xi32, #tpu.memory_space<hbm>> -> memref<80x128xi32, #tpu.memory_space<hbm>>
      tpu.wait_dma2 semaphore(%run_scoped3A : memref<!tpu.dma_semaphore, #tpu.memory_space<semaphore_mem>>) src(%dma_wait3A_538 : memref<80x128xi32, #tpu.memory_space<hbm>>) dst(%arg8 : memref<80x128xi32, #tpu.memory_space<vmem>>)
      tpu.yield
    }) : () -> ()
    %add3A = arith.constant 0 : i32
    %add3A_1 = arith.addi %add3A, %arg0 : i32
    %mul3A_2 = arith.constant 1280 : i32
    %mul3A_3 = arith.muli %add3A_1, %mul3A_2 : i32
    %mul3A_4 = arith.constant 80 : i32
    %mul3A_5 = arith.muli %arg1, %mul3A_4 : i32
    %add3A_6 = arith.addi %mul3A_3, %mul3A_5 : i32
    "tpu.region"() ({
      %run_scoped3A = tpu.sem_alloc : memref<!tpu.dma_semaphore, #tpu.memory_space<semaphore_mem>>
      %dma_start3A_531 = arith.constant 0 : i32
      %dma_start3A_532 = tpu.memref_slice %arg3[%add3A_6, %dma_start3A_531] : memref<5120x128xi32, #tpu.memory_space<hbm>> -> memref<80x128xi32, #tpu.memory_space<hbm>>
      %dma_start3A_533 = arith.constant 0 : i32
      %dma_start3A_534 = tpu.memref_slice %arg3[%add3A_6, %dma_start3A_533] : memref<5120x128xi32, #tpu.memory_space<hbm>> -> memref<80x128xi32, #tpu.memory_space<hbm>>
      tpu.enqueue_dma source(%dma_start3A_534 : memref<80x128xi32, #tpu.memory_space<hbm>>) target(%arg7 : memref<80x128xi32, #tpu.memory_space<vmem>>) target_semaphore(%run_scoped3A : memref<!tpu.dma_semaphore, #tpu.memory_space<semaphore_mem>>)
      %dma_wait3A_535 = arith.constant 0 : i32
      %dma_wait3A_536 = tpu.memref_slice %arg3[%add3A_6, %dma_wait3A_535] : memref<5120x128xi32, #tpu.memory_space<hbm>> -> memref<80x128xi32, #tpu.memory_space<hbm>>
      %dma_wait3A_537 = arith.constant 0 : i32
      %dma_wait3A_538 = tpu.memref_slice %arg3[%add3A_6, %dma_wait3A_537] : memref<5120x128xi32, #tpu.memory_space<hbm>> -> memref<80x128xi32, #tpu.memory_space<hbm>>
      tpu.wait_dma2 semaphore(%run_scoped3A : memref<!tpu.dma_semaphore, #tpu.memory_space<semaphore_mem>>) src(%dma_wait3A_538 : memref<80x128xi32, #tpu.memory_space<hbm>>) dst(%arg7 : memref<80x128xi32, #tpu.memory_space<vmem>>)
      tpu.yield
    }) : () -> ()
    %dma_start3A = arith.constant 0 : i32
    %dma_start3A_7 = arith.constant 0 : i32
    %dma_start3A_8 = arith.constant 0 : i32
    %dma_start3A_9 = arith.constant 0 : i32
    %dma_start3A_10 = tpu.memref_slice %arg9[%dma_start3A_7, %dma_start3A_8, %dma_start3A_9] : memref<8x128x64xf32, #tpu.memory_space<vmem>> -> memref<1x64x64xf32, #tpu.memory_space<vmem>>
    %dma_start3A_11 = tpu.memref_squeeze %dma_start3A_10 : memref<1x64x64xf32, #tpu.memory_space<vmem>> -> memref<64x64xf32, #tpu.memory_space<vmem>>
    %dma_start3A_12 = arith.constant 0 : i32
    %dma_start3A_13 = tpu.memref_slice %arg7[%dma_start3A, %dma_start3A_12] : memref<80x128xi32, #tpu.memory_space<vmem>> -> memref<1x64xi32, #tpu.memory_space<vmem>>
    %dma_start3A_14 = tpu.memref_squeeze %dma_start3A_13 : memref<1x64xi32, #tpu.memory_space<vmem>> -> memref<64xi32, #tpu.memory_space<vmem>>
    %dma_start3A_15 = arith.constant 0 : i32
    %dma_start3A_16 = arith.constant 0 : i32
    %dma_start3A_17 = tpu.memref_slice %arg2[%dma_start3A_15, %dma_start3A_16] : memref<40000x64xf32, #tpu.memory_space<hbm>> -> memref<40000x64xf32, #tpu.memory_space<hbm>>
    tpu.enqueue_indirect_dma source(%dma_start3A_17 : memref<40000x64xf32, #tpu.memory_space<hbm>>) target(%dma_start3A_11 : memref<64x64xf32, #tpu.memory_space<vmem>>) offsets(%dma_start3A_14 : memref<64xi32, #tpu.memory_space<vmem>>) semaphore(%arg11 : memref<!tpu.dma_semaphore, #tpu.memory_space<semaphore_mem>>)
    %dma_start3A_18 = arith.constant 0 : i32
    %dma_start3A_19 = arith.constant 0 : i32
    %dma_start3A_20 = arith.constant 64 : i32
    %dma_start3A_21 = arith.constant 0 : i32
    %dma_start3A_22 = tpu.memref_slice %arg9[%dma_start3A_19, %dma_start3A_20, %dma_start3A_21] : memref<8x128x64xf32, #tpu.memory_space<vmem>> -> memref<1x64x64xf32, #tpu.memory_space<vmem>>
    %dma_start3A_23 = tpu.memref_squeeze %dma_start3A_22 : memref<1x64x64xf32, #tpu.memory_space<vmem>> -> memref<64x64xf32, #tpu.memory_space<vmem>>
    %dma_start3A_24 = arith.constant 64 : i32
    %dma_start3A_25 = tpu.memref_slice %arg7[%dma_start3A_18, %dma_start3A_24] : memref<80x128xi32, #tpu.memory_space<vmem>> -> memref<1x64xi32, #tpu.memory_space<vmem>>
    %dma_start3A_26 = tpu.memref_squeeze %dma_start3A_25 : memref<1x64xi32, #tpu.memory_space<vmem>> -> memref<64xi32, #tpu.memory_space<vmem>>
    %dma_start3A_27 = arith.constant 0 : i32
    %dma_start3A_28 = arith.constant 0 : i32
    %dma_start3A_29 = tpu.memref_slice %arg2[%dma_start3A_27, %dma_start3A_28] : memref<40000x64xf32, #tpu.memory_space<hbm>> -> memref<40000x64xf32, #tpu.memory_space<hbm>>
    tpu.enqueue_indirect_dma source(%dma_start3A_29 : memref<40000x64xf32, #tpu.memory_space<hbm>>) target(%dma_start3A_23 : memref<64x64xf32, #tpu.memory_space<vmem>>) offsets(%dma_start3A_26 : memref<64xi32, #tpu.memory_space<vmem>>) semaphore(%arg19 : memref<!tpu.dma_semaphore, #tpu.memory_space<semaphore_mem>>)
    %dma_start3A_30 = arith.constant 1 : i32
    %dma_start3A_31 = arith.constant 1 : i32
    %dma_start3A_32 = arith.constant 0 : i32
    %dma_start3A_33 = arith.constant 0 : i32
    %dma_start3A_34 = tpu.memref_slice %arg9[%dma_start3A_31, %dma_start3A_32, %dma_start3A_33] : memref<8x128x64xf32, #tpu.memory_space<vmem>> -> memref<1x64x64xf32, #tpu.memory_space<vmem>>
    %dma_start3A_35 = tpu.memref_squeeze %dma_start3A_34 : memref<1x64x64xf32, #tpu.memory_space<vmem>> -> memref<64x64xf32, #tpu.memory_space<vmem>>
    %dma_start3A_36 = arith.constant 0 : i32
    %dma_start3A_37 = tpu.memref_slice %arg7[%dma_start3A_30, %dma_start3A_36] : memref<80x128xi32, #tpu.memory_space<vmem>> -> memref<1x64xi32, #tpu.memory_space<vmem>>
    %dma_start3A_38 = tpu.memref_squeeze %dma_start3A_37 : memref<1x64xi32, #tpu.memory_space<vmem>> -> memref<64xi32, #tpu.memory_space<vmem>>
    %dma_start3A_39 = arith.constant 0 : i32
    %dma_start3A_40 = arith.constant 0 : i32
    %dma_start3A_41 = tpu.memref_slice %arg2[%dma_start3A_39, %dma_start3A_40] : memref<40000x64xf32, #tpu.memory_space<hbm>> -> memref<40000x64xf32, #tpu.memory_space<hbm>>
    tpu.enqueue_indirect_dma source(%dma_start3A_41 : memref<40000x64xf32, #tpu.memory_space<hbm>>) target(%dma_start3A_35 : memref<64x64xf32, #tpu.memory_space<vmem>>) offsets(%dma_start3A_38 : memref<64xi32, #tpu.memory_space<vmem>>) semaphore(%arg12 : memref<!tpu.dma_semaphore, #tpu.memory_space<semaphore_mem>>)
    %dma_start3A_42 = arith.constant 1 : i32
    %dma_start3A_43 = arith.constant 1 : i32
    %dma_start3A_44 = arith.constant 64 : i32
    %dma_start3A_45 = arith.constant 0 : i32
    %dma_start3A_46 = tpu.memref_slice %arg9[%dma_start3A_43, %dma_start3A_44, %dma_start3A_45] : memref<8x128x64xf32, #tpu.memory_space<vmem>> -> memref<1x64x64xf32, #tpu.memory_space<vmem>>
    %dma_start3A_47 = tpu.memref_squeeze %dma_start3A_46 : memref<1x64x64xf32, #tpu.memory_space<vmem>> -> memref<64x64xf32, #tpu.memory_space<vmem>>
    %dma_start3A_48 = arith.constant 64 : i32
    %dma_start3A_49 = tpu.memref_slice %arg7[%dma_start3A_42, %dma_start3A_48] : memref<80x128xi32, #tpu.memory_space<vmem>> -> memref<1x64xi32, #tpu.memory_space<vmem>>
    %dma_start3A_50 = tpu.memref_squeeze %dma_start3A_49 : memref<1x64xi32, #tpu.memory_space<vmem>> -> memref<64xi32, #tpu.memory_space<vmem>>
    %dma_start3A_51 = arith.constant 0 : i32
    %dma_start3A_52 = arith.constant 0 : i32
    %dma_start3A_53 = tpu.memref_slice %arg2[%dma_start3A_51, %dma_start3A_52] : memref<40000x64xf32, #tpu.memory_space<hbm>> -> memref<40000x64xf32, #tpu.memory_space<hbm>>
    tpu.enqueue_indirect_dma source(%dma_start3A_53 : memref<40000x64xf32, #tpu.memory_space<hbm>>) target(%dma_start3A_47 : memref<64x64xf32, #tpu.memory_space<vmem>>) offsets(%dma_start3A_50 : memref<64xi32, #tpu.memory_space<vmem>>) semaphore(%arg20 : memref<!tpu.dma_semaphore, #tpu.memory_space<semaphore_mem>>)
    %dma_start3A_54 = arith.constant 2 : i32
    %dma_start3A_55 = arith.constant 2 : i32
    %dma_start3A_56 = arith.constant 0 : i32
    %dma_start3A_57 = arith.constant 0 : i32
    %dma_start3A_58 = tpu.memref_slice %arg9[%dma_start3A_55, %dma_start3A_56, %dma_start3A_57] : memref<8x128x64xf32, #tpu.memory_space<vmem>> -> memref<1x64x64xf32, #tpu.memory_space<vmem>>
    %dma_start3A_59 = tpu.memref_squeeze %dma_start3A_58 : memref<1x64x64xf32, #tpu.memory_space<vmem>> -> memref<64x64xf32, #tpu.memory_space<vmem>>
    %dma_start3A_60 = arith.constant 0 : i32
    %dma_start3A_61 = tpu.memref_slice %arg7[%dma_start3A_54, %dma_start3A_60] : memref<80x128xi32, #tpu.memory_space<vmem>> -> memref<1x64xi32, #tpu.memory_space<vmem>>
    %dma_start3A_62 = tpu.memref_squeeze %dma_start3A_61 : memref<1x64xi32, #tpu.memory_space<vmem>> -> memref<64xi32, #tpu.memory_space<vmem>>
    %dma_start3A_63 = arith.constant 0 : i32
    %dma_start3A_64 = arith.constant 0 : i32
    %dma_start3A_65 = tpu.memref_slice %arg2[%dma_start3A_63, %dma_start3A_64] : memref<40000x64xf32, #tpu.memory_space<hbm>> -> memref<40000x64xf32, #tpu.memory_space<hbm>>
    tpu.enqueue_indirect_dma source(%dma_start3A_65 : memref<40000x64xf32, #tpu.memory_space<hbm>>) target(%dma_start3A_59 : memref<64x64xf32, #tpu.memory_space<vmem>>) offsets(%dma_start3A_62 : memref<64xi32, #tpu.memory_space<vmem>>) semaphore(%arg13 : memref<!tpu.dma_semaphore, #tpu.memory_space<semaphore_mem>>)
    %dma_start3A_66 = arith.constant 2 : i32
    %dma_start3A_67 = arith.constant 2 : i32
    %dma_start3A_68 = arith.constant 64 : i32
    %dma_start3A_69 = arith.constant 0 : i32
    %dma_start3A_70 = tpu.memref_slice %arg9[%dma_start3A_67, %dma_start3A_68, %dma_start3A_69] : memref<8x128x64xf32, #tpu.memory_space<vmem>> -> memref<1x64x64xf32, #tpu.memory_space<vmem>>
    %dma_start3A_71 = tpu.memref_squeeze %dma_start3A_70 : memref<1x64x64xf32, #tpu.memory_space<vmem>> -> memref<64x64xf32, #tpu.memory_space<vmem>>
    %dma_start3A_72 = arith.constant 64 : i32
    %dma_start3A_73 = tpu.memref_slice %arg7[%dma_start3A_66, %dma_start3A_72] : memref<80x128xi32, #tpu.memory_space<vmem>> -> memref<1x64xi32, #tpu.memory_space<vmem>>
    %dma_start3A_74 = tpu.memref_squeeze %dma_start3A_73 : memref<1x64xi32, #tpu.memory_space<vmem>> -> memref<64xi32, #tpu.memory_space<vmem>>
    %dma_start3A_75 = arith.constant 0 : i32
    %dma_start3A_76 = arith.constant 0 : i32
    %dma_start3A_77 = tpu.memref_slice %arg2[%dma_start3A_75, %dma_start3A_76] : memref<40000x64xf32, #tpu.memory_space<hbm>> -> memref<40000x64xf32, #tpu.memory_space<hbm>>
    tpu.enqueue_indirect_dma source(%dma_start3A_77 : memref<40000x64xf32, #tpu.memory_space<hbm>>) target(%dma_start3A_71 : memref<64x64xf32, #tpu.memory_space<vmem>>) offsets(%dma_start3A_74 : memref<64xi32, #tpu.memory_space<vmem>>) semaphore(%arg21 : memref<!tpu.dma_semaphore, #tpu.memory_space<semaphore_mem>>)
    %dma_start3A_78 = arith.constant 3 : i32
    %dma_start3A_79 = arith.constant 3 : i32
    %dma_start3A_80 = arith.constant 0 : i32
    %dma_start3A_81 = arith.constant 0 : i32
    %dma_start3A_82 = tpu.memref_slice %arg9[%dma_start3A_79, %dma_start3A_80, %dma_start3A_81] : memref<8x128x64xf32, #tpu.memory_space<vmem>> -> memref<1x64x64xf32, #tpu.memory_space<vmem>>
    %dma_start3A_83 = tpu.memref_squeeze %dma_start3A_82 : memref<1x64x64xf32, #tpu.memory_space<vmem>> -> memref<64x64xf32, #tpu.memory_space<vmem>>
    %dma_start3A_84 = arith.constant 0 : i32
    %dma_start3A_85 = tpu.memref_slice %arg7[%dma_start3A_78, %dma_start3A_84] : memref<80x128xi32, #tpu.memory_space<vmem>> -> memref<1x64xi32, #tpu.memory_space<vmem>>
    %dma_start3A_86 = tpu.memref_squeeze %dma_start3A_85 : memref<1x64xi32, #tpu.memory_space<vmem>> -> memref<64xi32, #tpu.memory_space<vmem>>
    %dma_start3A_87 = arith.constant 0 : i32
    %dma_start3A_88 = arith.constant 0 : i32
    %dma_start3A_89 = tpu.memref_slice %arg2[%dma_start3A_87, %dma_start3A_88] : memref<40000x64xf32, #tpu.memory_space<hbm>> -> memref<40000x64xf32, #tpu.memory_space<hbm>>
    tpu.enqueue_indirect_dma source(%dma_start3A_89 : memref<40000x64xf32, #tpu.memory_space<hbm>>) target(%dma_start3A_83 : memref<64x64xf32, #tpu.memory_space<vmem>>) offsets(%dma_start3A_86 : memref<64xi32, #tpu.memory_space<vmem>>) semaphore(%arg14 : memref<!tpu.dma_semaphore, #tpu.memory_space<semaphore_mem>>)
    %dma_start3A_90 = arith.constant 3 : i32
    %dma_start3A_91 = arith.constant 3 : i32
    %dma_start3A_92 = arith.constant 64 : i32
    %dma_start3A_93 = arith.constant 0 : i32
    %dma_start3A_94 = tpu.memref_slice %arg9[%dma_start3A_91, %dma_start3A_92, %dma_start3A_93] : memref<8x128x64xf32, #tpu.memory_space<vmem>> -> memref<1x64x64xf32, #tpu.memory_space<vmem>>
    %dma_start3A_95 = tpu.memref_squeeze %dma_start3A_94 : memref<1x64x64xf32, #tpu.memory_space<vmem>> -> memref<64x64xf32, #tpu.memory_space<vmem>>
    %dma_start3A_96 = arith.constant 64 : i32
    %dma_start3A_97 = tpu.memref_slice %arg7[%dma_start3A_90, %dma_start3A_96] : memref<80x128xi32, #tpu.memory_space<vmem>> -> memref<1x64xi32, #tpu.memory_space<vmem>>
    %dma_start3A_98 = tpu.memref_squeeze %dma_start3A_97 : memref<1x64xi32, #tpu.memory_space<vmem>> -> memref<64xi32, #tpu.memory_space<vmem>>
    %dma_start3A_99 = arith.constant 0 : i32
    %dma_start3A_100 = arith.constant 0 : i32
    %dma_start3A_101 = tpu.memref_slice %arg2[%dma_start3A_99, %dma_start3A_100] : memref<40000x64xf32, #tpu.memory_space<hbm>> -> memref<40000x64xf32, #tpu.memory_space<hbm>>
    tpu.enqueue_indirect_dma source(%dma_start3A_101 : memref<40000x64xf32, #tpu.memory_space<hbm>>) target(%dma_start3A_95 : memref<64x64xf32, #tpu.memory_space<vmem>>) offsets(%dma_start3A_98 : memref<64xi32, #tpu.memory_space<vmem>>) semaphore(%arg22 : memref<!tpu.dma_semaphore, #tpu.memory_space<semaphore_mem>>)
    %dma_start3A_102 = arith.constant 4 : i32
    %dma_start3A_103 = arith.constant 4 : i32
    %dma_start3A_104 = arith.constant 0 : i32
    %dma_start3A_105 = arith.constant 0 : i32
    %dma_start3A_106 = tpu.memref_slice %arg9[%dma_start3A_103, %dma_start3A_104, %dma_start3A_105] : memref<8x128x64xf32, #tpu.memory_space<vmem>> -> memref<1x64x64xf32, #tpu.memory_space<vmem>>
    %dma_start3A_107 = tpu.memref_squeeze %dma_start3A_106 : memref<1x64x64xf32, #tpu.memory_space<vmem>> -> memref<64x64xf32, #tpu.memory_space<vmem>>
    %dma_start3A_108 = arith.constant 0 : i32
    %dma_start3A_109 = tpu.memref_slice %arg7[%dma_start3A_102, %dma_start3A_108] : memref<80x128xi32, #tpu.memory_space<vmem>> -> memref<1x64xi32, #tpu.memory_space<vmem>>
    %dma_start3A_110 = tpu.memref_squeeze %dma_start3A_109 : memref<1x64xi32, #tpu.memory_space<vmem>> -> memref<64xi32, #tpu.memory_space<vmem>>
    %dma_start3A_111 = arith.constant 0 : i32
    %dma_start3A_112 = arith.constant 0 : i32
    %dma_start3A_113 = tpu.memref_slice %arg2[%dma_start3A_111, %dma_start3A_112] : memref<40000x64xf32, #tpu.memory_space<hbm>> -> memref<40000x64xf32, #tpu.memory_space<hbm>>
    tpu.enqueue_indirect_dma source(%dma_start3A_113 : memref<40000x64xf32, #tpu.memory_space<hbm>>) target(%dma_start3A_107 : memref<64x64xf32, #tpu.memory_space<vmem>>) offsets(%dma_start3A_110 : memref<64xi32, #tpu.memory_space<vmem>>) semaphore(%arg15 : memref<!tpu.dma_semaphore, #tpu.memory_space<semaphore_mem>>)
    %dma_start3A_114 = arith.constant 4 : i32
    %dma_start3A_115 = arith.constant 4 : i32
    %dma_start3A_116 = arith.constant 64 : i32
    %dma_start3A_117 = arith.constant 0 : i32
    %dma_start3A_118 = tpu.memref_slice %arg9[%dma_start3A_115, %dma_start3A_116, %dma_start3A_117] : memref<8x128x64xf32, #tpu.memory_space<vmem>> -> memref<1x64x64xf32, #tpu.memory_space<vmem>>
    %dma_start3A_119 = tpu.memref_squeeze %dma_start3A_118 : memref<1x64x64xf32, #tpu.memory_space<vmem>> -> memref<64x64xf32, #tpu.memory_space<vmem>>
    %dma_start3A_120 = arith.constant 64 : i32
    %dma_start3A_121 = tpu.memref_slice %arg7[%dma_start3A_114, %dma_start3A_120] : memref<80x128xi32, #tpu.memory_space<vmem>> -> memref<1x64xi32, #tpu.memory_space<vmem>>
    %dma_start3A_122 = tpu.memref_squeeze %dma_start3A_121 : memref<1x64xi32, #tpu.memory_space<vmem>> -> memref<64xi32, #tpu.memory_space<vmem>>
    %dma_start3A_123 = arith.constant 0 : i32
    %dma_start3A_124 = arith.constant 0 : i32
    %dma_start3A_125 = tpu.memref_slice %arg2[%dma_start3A_123, %dma_start3A_124] : memref<40000x64xf32, #tpu.memory_space<hbm>> -> memref<40000x64xf32, #tpu.memory_space<hbm>>
    tpu.enqueue_indirect_dma source(%dma_start3A_125 : memref<40000x64xf32, #tpu.memory_space<hbm>>) target(%dma_start3A_119 : memref<64x64xf32, #tpu.memory_space<vmem>>) offsets(%dma_start3A_122 : memref<64xi32, #tpu.memory_space<vmem>>) semaphore(%arg23 : memref<!tpu.dma_semaphore, #tpu.memory_space<semaphore_mem>>)
    %dma_start3A_126 = arith.constant 5 : i32
    %dma_start3A_127 = arith.constant 5 : i32
    %dma_start3A_128 = arith.constant 0 : i32
    %dma_start3A_129 = arith.constant 0 : i32
    %dma_start3A_130 = tpu.memref_slice %arg9[%dma_start3A_127, %dma_start3A_128, %dma_start3A_129] : memref<8x128x64xf32, #tpu.memory_space<vmem>> -> memref<1x64x64xf32, #tpu.memory_space<vmem>>
    %dma_start3A_131 = tpu.memref_squeeze %dma_start3A_130 : memref<1x64x64xf32, #tpu.memory_space<vmem>> -> memref<64x64xf32, #tpu.memory_space<vmem>>
    %dma_start3A_132 = arith.constant 0 : i32
    %dma_start3A_133 = tpu.memref_slice %arg7[%dma_start3A_126, %dma_start3A_132] : memref<80x128xi32, #tpu.memory_space<vmem>> -> memref<1x64xi32, #tpu.memory_space<vmem>>
    %dma_start3A_134 = tpu.memref_squeeze %dma_start3A_133 : memref<1x64xi32, #tpu.memory_space<vmem>> -> memref<64xi32, #tpu.memory_space<vmem>>
    %dma_start3A_135 = arith.constant 0 : i32
    %dma_start3A_136 = arith.constant 0 : i32
    %dma_start3A_137 = tpu.memref_slice %arg2[%dma_start3A_135, %dma_start3A_136] : memref<40000x64xf32, #tpu.memory_space<hbm>> -> memref<40000x64xf32, #tpu.memory_space<hbm>>
    tpu.enqueue_indirect_dma source(%dma_start3A_137 : memref<40000x64xf32, #tpu.memory_space<hbm>>) target(%dma_start3A_131 : memref<64x64xf32, #tpu.memory_space<vmem>>) offsets(%dma_start3A_134 : memref<64xi32, #tpu.memory_space<vmem>>) semaphore(%arg16 : memref<!tpu.dma_semaphore, #tpu.memory_space<semaphore_mem>>)
    %dma_start3A_138 = arith.constant 5 : i32
    %dma_start3A_139 = arith.constant 5 : i32
    %dma_start3A_140 = arith.constant 64 : i32
    %dma_start3A_141 = arith.constant 0 : i32
    %dma_start3A_142 = tpu.memref_slice %arg9[%dma_start3A_139, %dma_start3A_140, %dma_start3A_141] : memref<8x128x64xf32, #tpu.memory_space<vmem>> -> memref<1x64x64xf32, #tpu.memory_space<vmem>>
    %dma_start3A_143 = tpu.memref_squeeze %dma_start3A_142 : memref<1x64x64xf32, #tpu.memory_space<vmem>> -> memref<64x64xf32, #tpu.memory_space<vmem>>
    %dma_start3A_144 = arith.constant 64 : i32
    %dma_start3A_145 = tpu.memref_slice %arg7[%dma_start3A_138, %dma_start3A_144] : memref<80x128xi32, #tpu.memory_space<vmem>> -> memref<1x64xi32, #tpu.memory_space<vmem>>
    %dma_start3A_146 = tpu.memref_squeeze %dma_start3A_145 : memref<1x64xi32, #tpu.memory_space<vmem>> -> memref<64xi32, #tpu.memory_space<vmem>>
    %dma_start3A_147 = arith.constant 0 : i32
    %dma_start3A_148 = arith.constant 0 : i32
    %dma_start3A_149 = tpu.memref_slice %arg2[%dma_start3A_147, %dma_start3A_148] : memref<40000x64xf32, #tpu.memory_space<hbm>> -> memref<40000x64xf32, #tpu.memory_space<hbm>>
    tpu.enqueue_indirect_dma source(%dma_start3A_149 : memref<40000x64xf32, #tpu.memory_space<hbm>>) target(%dma_start3A_143 : memref<64x64xf32, #tpu.memory_space<vmem>>) offsets(%dma_start3A_146 : memref<64xi32, #tpu.memory_space<vmem>>) semaphore(%arg24 : memref<!tpu.dma_semaphore, #tpu.memory_space<semaphore_mem>>)
    %mul3A_150 = arith.constant 626 : i32
    %mul3A_151 = arith.muli %arg1, %mul3A_150 : i32
    %mul3A_152 = arith.constant 626 : i32
    %mul3A_153 = arith.muli %arg1, %mul3A_152 : i32
    "tpu.region"() ({
      %run_scoped3A = tpu.sem_alloc : memref<!tpu.dma_semaphore, #tpu.memory_space<semaphore_mem>>
      %dma_start3A_531 = arith.constant 0 : i32
      %dma_start3A_532 = tpu.memref_slice %arg10[%mul3A_153, %dma_start3A_531] : memref<10016x64xf32, #tpu.memory_space<vmem_shared>> -> memref<626x64xf32, #tpu.memory_space<vmem_shared>>
      %dma_start3A_533 = arith.constant 0 : i32
      %dma_start3A_534 = tpu.memref_slice %arg5[%mul3A_151, %dma_start3A_533] : memref<10016x64xf32, #tpu.memory_space<hbm>> -> memref<626x64xf32, #tpu.memory_space<hbm>>
      tpu.enqueue_dma source(%dma_start3A_534 : memref<626x64xf32, #tpu.memory_space<hbm>>) target(%dma_start3A_532 : memref<626x64xf32, #tpu.memory_space<vmem_shared>>) target_semaphore(%run_scoped3A : memref<!tpu.dma_semaphore, #tpu.memory_space<semaphore_mem>>)
      %dma_wait3A_535 = arith.constant 0 : i32
      %dma_wait3A_536 = tpu.memref_slice %arg10[%mul3A_153, %dma_wait3A_535] : memref<10016x64xf32, #tpu.memory_space<vmem_shared>> -> memref<626x64xf32, #tpu.memory_space<vmem_shared>>
      %dma_wait3A_537 = arith.constant 0 : i32
      %dma_wait3A_538 = tpu.memref_slice %arg5[%mul3A_151, %dma_wait3A_537] : memref<10016x64xf32, #tpu.memory_space<hbm>> -> memref<626x64xf32, #tpu.memory_space<hbm>>
      tpu.wait_dma2 semaphore(%run_scoped3A : memref<!tpu.dma_semaphore, #tpu.memory_space<semaphore_mem>>) src(%dma_wait3A_538 : memref<626x64xf32, #tpu.memory_space<hbm>>) dst(%dma_wait3A_536 : memref<626x64xf32, #tpu.memory_space<vmem_shared>>)
      tpu.yield
    }) : () -> ()
    %barrier3A = arith.constant 0 : index
    tpu.barrier barrier_id(%barrier3A)
    %scan3A = arith.constant 0 : i32
    %scan3A_154 = arith.constant 10 : i32
    %scan3A_155 = arith.addi %scan3A, %scan3A_154 : i32
    %scan3A_156 = arith.constant 1 : i32
    scf.for %scan3A_531 = %scan3A to %scan3A_155 step %scan3A_156  : i32 {
      %mul3A_532 = arith.constant 8 : i32
      %mul3A_533 = arith.muli %scan3A_531, %mul3A_532 : i32
      %add3A_534 = arith.constant 0 : i32
      %add3A_535 = arith.addi %mul3A_533, %add3A_534 : i32
      %dma_wait3A_536 = arith.constant 0 : i32
      %dma_wait3A_537 = arith.constant 0 : i32
      %dma_wait3A_538 = arith.constant 0 : i32
      %dma_wait3A_539 = tpu.memref_slice %arg9[%dma_wait3A_536, %dma_wait3A_537, %dma_wait3A_538] : memref<8x128x64xf32, #tpu.memory_space<vmem>> -> memref<1x64x64xf32, #tpu.memory_space<vmem>>
      %dma_wait3A_540 = tpu.memref_squeeze %dma_wait3A_539 : memref<1x64x64xf32, #tpu.memory_space<vmem>> -> memref<64x64xf32, #tpu.memory_space<vmem>>
      %dma_wait3A_541 = arith.constant 0 : i32
      %dma_wait3A_542 = tpu.memref_slice %arg7[%add3A_535, %dma_wait3A_541] : memref<80x128xi32, #tpu.memory_space<vmem>> -> memref<1x64xi32, #tpu.memory_space<vmem>>
      %dma_wait3A_543 = tpu.memref_squeeze %dma_wait3A_542 : memref<1x64xi32, #tpu.memory_space<vmem>> -> memref<64xi32, #tpu.memory_space<vmem>>
      %dma_wait3A_544 = arith.constant 0 : i32
      %dma_wait3A_545 = arith.constant 0 : i32
      %dma_wait3A_546 = tpu.memref_slice %arg2[%dma_wait3A_544, %dma_wait3A_545] : memref<40000x64xf32, #tpu.memory_space<hbm>> -> memref<40000x64xf32, #tpu.memory_space<hbm>>
      tpu.wait_indirect_dma semaphore(%arg11 : memref<!tpu.dma_semaphore, #tpu.memory_space<semaphore_mem>>) src(%dma_wait3A_546 : memref<40000x64xf32, #tpu.memory_space<hbm>>) dst(%dma_wait3A_540 : memref<64x64xf32, #tpu.memory_space<vmem>>)
      %dma_wait3A_547 = arith.constant 0 : i32
      %dma_wait3A_548 = arith.constant 64 : i32
      %dma_wait3A_549 = arith.constant 0 : i32
      %dma_wait3A_550 = tpu.memref_slice %arg9[%dma_wait3A_547, %dma_wait3A_548, %dma_wait3A_549] : memref<8x128x64xf32, #tpu.memory_space<vmem>> -> memref<1x64x64xf32, #tpu.memory_space<vmem>>
      %dma_wait3A_551 = tpu.memref_squeeze %dma_wait3A_550 : memref<1x64x64xf32, #tpu.memory_space<vmem>> -> memref<64x64xf32, #tpu.memory_space<vmem>>
      %dma_wait3A_552 = arith.constant 64 : i32
      %dma_wait3A_553 = tpu.memref_slice %arg7[%add3A_535, %dma_wait3A_552] : memref<80x128xi32, #tpu.memory_space<vmem>> -> memref<1x64xi32, #tpu.memory_space<vmem>>
      %dma_wait3A_554 = tpu.memref_squeeze %dma_wait3A_553 : memref<1x64xi32, #tpu.memory_space<vmem>> -> memref<64xi32, #tpu.memory_space<vmem>>
      %dma_wait3A_555 = arith.constant 0 : i32
      %dma_wait3A_556 = arith.constant 0 : i32
      %dma_wait3A_557 = tpu.memref_slice %arg2[%dma_wait3A_555, %dma_wait3A_556] : memref<40000x64xf32, #tpu.memory_space<hbm>> -> memref<40000x64xf32, #tpu.memory_space<hbm>>
      tpu.wait_indirect_dma semaphore(%arg19 : memref<!tpu.dma_semaphore, #tpu.memory_space<semaphore_mem>>) src(%dma_wait3A_557 : memref<40000x64xf32, #tpu.memory_space<hbm>>) dst(%dma_wait3A_551 : memref<64x64xf32, #tpu.memory_space<vmem>>)
      %dma_start3A_558 = arith.constant 0 : i32
      %dma_start3A_559 = arith.constant 0 : i32
      %dma_start3A_560 = arith.constant 0 : i32
      %dma_start3A_561 = tpu.memref_slice %arg9[%dma_start3A_558, %dma_start3A_559, %dma_start3A_560] : memref<8x128x64xf32, #tpu.memory_space<vmem>> -> memref<1x128x64xf32, #tpu.memory_space<vmem>>
      %dma_start3A_562 = tpu.memref_squeeze %dma_start3A_561 : memref<1x128x64xf32, #tpu.memory_space<vmem>> -> memref<128x64xf32, #tpu.memory_space<vmem>>
      %dma_start3A_563 = arith.constant 0 : i32
      %dma_start3A_564 = tpu.memref_slice %arg8[%add3A_535, %dma_start3A_563] : memref<80x128xi32, #tpu.memory_space<vmem>> -> memref<1x128xi32, #tpu.memory_space<vmem>>
      %dma_start3A_565 = tpu.memref_squeeze %dma_start3A_564 : memref<1x128xi32, #tpu.memory_space<vmem>> -> memref<128xi32, #tpu.memory_space<vmem>>
      %dma_start3A_566 = arith.constant 0 : i32
      %dma_start3A_567 = arith.constant 0 : i32
      %dma_start3A_568 = tpu.memref_slice %arg10[%dma_start3A_566, %dma_start3A_567] : memref<10016x64xf32, #tpu.memory_space<vmem_shared>> -> memref<10016x64xf32, #tpu.memory_space<vmem_shared>>
      tpu.enqueue_indirect_dma source(%dma_start3A_562 : memref<128x64xf32, #tpu.memory_space<vmem>>) target(%dma_start3A_568 : memref<10016x64xf32, #tpu.memory_space<vmem_shared>>) offsets(%dma_start3A_565 : memref<128xi32, #tpu.memory_space<vmem>>) semaphore(%arg27 : memref<!tpu.dma_semaphore, #tpu.memory_space<semaphore_mem>>) {add = true}
      %add3A_569 = arith.constant 6 : i32
      %add3A_570 = arith.addi %add3A_535, %add3A_569 : i32
      %lt3A = arith.constant 80 : i32
      %lt3A_571 = arith.cmpi slt, %add3A_570, %lt3A : i32
      %convert_element_type3A = arith.extui %lt3A_571 : i1 to i32
      %cond3A = arith.constant 0 : i32
      %cond3A_572 = arith.cmpi ne, %convert_element_type3A, %cond3A : i32
      scf.if %cond3A_572 {
        %ge3A = arith.constant 8 : i32
        %ge3A_881 = arith.cmpi sge, %add3A_570, %ge3A : i32
        %convert_element_type3A_882 = arith.extui %ge3A_881 : i1 to i32
        %cond3A_883 = arith.constant 0 : i32
        %cond3A_884 = arith.cmpi ne, %convert_element_type3A_882, %cond3A_883 : i32
        scf.if %cond3A_884 {
          %sub3A = arith.constant 8 : i32
          %sub3A_907 = arith.subi %add3A_570, %sub3A : i32
          %dma_wait3A_908 = arith.constant 6 : i32
          %dma_wait3A_909 = arith.constant 0 : i32
          %dma_wait3A_910 = arith.constant 0 : i32
          %dma_wait3A_911 = tpu.memref_slice %arg9[%dma_wait3A_908, %dma_wait3A_909, %dma_wait3A_910] : memref<8x128x64xf32, #tpu.memory_space<vmem>> -> memref<1x128x64xf32, #tpu.memory_space<vmem>>
          %dma_wait3A_912 = tpu.memref_squeeze %dma_wait3A_911 : memref<1x128x64xf32, #tpu.memory_space<vmem>> -> memref<128x64xf32, #tpu.memory_space<vmem>>
          %dma_wait3A_913 = arith.constant 0 : i32
          %dma_wait3A_914 = tpu.memref_slice %arg8[%sub3A_907, %dma_wait3A_913] : memref<80x128xi32, #tpu.memory_space<vmem>> -> memref<1x128xi32, #tpu.memory_space<vmem>>
          %dma_wait3A_915 = tpu.memref_squeeze %dma_wait3A_914 : memref<1x128xi32, #tpu.memory_space<vmem>> -> memref<128xi32, #tpu.memory_space<vmem>>
          %dma_wait3A_916 = arith.constant 0 : i32
          %dma_wait3A_917 = arith.constant 0 : i32
          %dma_wait3A_918 = tpu.memref_slice %arg10[%dma_wait3A_916, %dma_wait3A_917] : memref<10016x64xf32, #tpu.memory_space<vmem_shared>> -> memref<10016x64xf32, #tpu.memory_space<vmem_shared>>
          tpu.wait_indirect_dma semaphore(%arg33 : memref<!tpu.dma_semaphore, #tpu.memory_space<semaphore_mem>>) src(%dma_wait3A_912 : memref<128x64xf32, #tpu.memory_space<vmem>>) dst(%dma_wait3A_918 : memref<10016x64xf32, #tpu.memory_space<vmem_shared>>)
        } else {
        }
        %dma_start3A_885 = arith.constant 6 : i32
        %dma_start3A_886 = arith.constant 0 : i32
        %dma_start3A_887 = arith.constant 0 : i32
        %dma_start3A_888 = tpu.memref_slice %arg9[%dma_start3A_885, %dma_start3A_886, %dma_start3A_887] : memref<8x128x64xf32, #tpu.memory_space<vmem>> -> memref<1x64x64xf32, #tpu.memory_space<vmem>>
        %dma_start3A_889 = tpu.memref_squeeze %dma_start3A_888 : memref<1x64x64xf32, #tpu.memory_space<vmem>> -> memref<64x64xf32, #tpu.memory_space<vmem>>
        %dma_start3A_890 = arith.constant 0 : i32
        %dma_start3A_891 = tpu.memref_slice %arg7[%add3A_570, %dma_start3A_890] : memref<80x128xi32, #tpu.memory_space<vmem>> -> memref<1x64xi32, #tpu.memory_space<vmem>>
        %dma_start3A_892 = tpu.memref_squeeze %dma_start3A_891 : memref<1x64xi32, #tpu.memory_space<vmem>> -> memref<64xi32, #tpu.memory_space<vmem>>
        %dma_start3A_893 = arith.constant 0 : i32
        %dma_start3A_894 = arith.constant 0 : i32
        %dma_start3A_895 = tpu.memref_slice %arg2[%dma_start3A_893, %dma_start3A_894] : memref<40000x64xf32, #tpu.memory_space<hbm>> -> memref<40000x64xf32, #tpu.memory_space<hbm>>
        tpu.enqueue_indirect_dma source(%dma_start3A_895 : memref<40000x64xf32, #tpu.memory_space<hbm>>) target(%dma_start3A_889 : memref<64x64xf32, #tpu.memory_space<vmem>>) offsets(%dma_start3A_892 : memref<64xi32, #tpu.memory_space<vmem>>) semaphore(%arg17 : memref<!tpu.dma_semaphore, #tpu.memory_space<semaphore_mem>>)
        %dma_start3A_896 = arith.constant 6 : i32
        %dma_start3A_897 = arith.constant 64 : i32
        %dma_start3A_898 = arith.constant 0 : i32
        %dma_start3A_899 = tpu.memref_slice %arg9[%dma_start3A_896, %dma_start3A_897, %dma_start3A_898] : memref<8x128x64xf32, #tpu.memory_space<vmem>> -> memref<1x64x64xf32, #tpu.memory_space<vmem>>
        %dma_start3A_900 = tpu.memref_squeeze %dma_start3A_899 : memref<1x64x64xf32, #tpu.memory_space<vmem>> -> memref<64x64xf32, #tpu.memory_space<vmem>>
        %dma_start3A_901 = arith.constant 64 : i32
        %dma_start3A_902 = tpu.memref_slice %arg7[%add3A_570, %dma_start3A_901] : memref<80x128xi32, #tpu.memory_space<vmem>> -> memref<1x64xi32, #tpu.memory_space<vmem>>
        %dma_start3A_903 = tpu.memref_squeeze %dma_start3A_902 : memref<1x64xi32, #tpu.memory_space<vmem>> -> memref<64xi32, #tpu.memory_space<vmem>>
        %dma_start3A_904 = arith.constant 0 : i32
        %dma_start3A_905 = arith.constant 0 : i32
        %dma_start3A_906 = tpu.memref_slice %arg2[%dma_start3A_904, %dma_start3A_905] : memref<40000x64xf32, #tpu.memory_space<hbm>> -> memref<40000x64xf32, #tpu.memory_space<hbm>>
        tpu.enqueue_indirect_dma source(%dma_start3A_906 : memref<40000x64xf32, #tpu.memory_space<hbm>>) target(%dma_start3A_900 : memref<64x64xf32, #tpu.memory_space<vmem>>) offsets(%dma_start3A_903 : memref<64xi32, #tpu.memory_space<vmem>>) semaphore(%arg25 : memref<!tpu.dma_semaphore, #tpu.memory_space<semaphore_mem>>)
      } else {
      }
      %mul3A_573 = arith.constant 8 : i32
      %mul3A_574 = arith.muli %scan3A_531, %mul3A_573 : i32
      %add3A_575 = arith.constant 1 : i32
      %add3A_576 = arith.addi %mul3A_574, %add3A_575 : i32
      %dma_wait3A_577 = arith.constant 1 : i32
      %dma_wait3A_578 = arith.constant 0 : i32
      %dma_wait3A_579 = arith.constant 0 : i32
      %dma_wait3A_580 = tpu.memref_slice %arg9[%dma_wait3A_577, %dma_wait3A_578, %dma_wait3A_579] : memref<8x128x64xf32, #tpu.memory_space<vmem>> -> memref<1x64x64xf32, #tpu.memory_space<vmem>>
      %dma_wait3A_581 = tpu.memref_squeeze %dma_wait3A_580 : memref<1x64x64xf32, #tpu.memory_space<vmem>> -> memref<64x64xf32, #tpu.memory_space<vmem>>
      %dma_wait3A_582 = arith.constant 0 : i32
      %dma_wait3A_583 = tpu.memref_slice %arg7[%add3A_576, %dma_wait3A_582] : memref<80x128xi32, #tpu.memory_space<vmem>> -> memref<1x64xi32, #tpu.memory_space<vmem>>
      %dma_wait3A_584 = tpu.memref_squeeze %dma_wait3A_583 : memref<1x64xi32, #tpu.memory_space<vmem>> -> memref<64xi32, #tpu.memory_space<vmem>>
      %dma_wait3A_585 = arith.constant 0 : i32
      %dma_wait3A_586 = arith.constant 0 : i32
      %dma_wait3A_587 = tpu.memref_slice %arg2[%dma_wait3A_585, %dma_wait3A_586] : memref<40000x64xf32, #tpu.memory_space<hbm>> -> memref<40000x64xf32, #tpu.memory_space<hbm>>
      tpu.wait_indirect_dma semaphore(%arg12 : memref<!tpu.dma_semaphore, #tpu.memory_space<semaphore_mem>>) src(%dma_wait3A_587 : memref<40000x64xf32, #tpu.memory_space<hbm>>) dst(%dma_wait3A_581 : memref<64x64xf32, #tpu.memory_space<vmem>>)
      %dma_wait3A_588 = arith.constant 1 : i32
      %dma_wait3A_589 = arith.constant 64 : i32
      %dma_wait3A_590 = arith.constant 0 : i32
      %dma_wait3A_591 = tpu.memref_slice %arg9[%dma_wait3A_588, %dma_wait3A_589, %dma_wait3A_590] : memref<8x128x64xf32, #tpu.memory_space<vmem>> -> memref<1x64x64xf32, #tpu.memory_space<vmem>>
      %dma_wait3A_592 = tpu.memref_squeeze %dma_wait3A_591 : memref<1x64x64xf32, #tpu.memory_space<vmem>> -> memref<64x64xf32, #tpu.memory_space<vmem>>
      %dma_wait3A_593 = arith.constant 64 : i32
      %dma_wait3A_594 = tpu.memref_slice %arg7[%add3A_576, %dma_wait3A_593] : memref<80x128xi32, #tpu.memory_space<vmem>> -> memref<1x64xi32, #tpu.memory_space<vmem>>
      %dma_wait3A_595 = tpu.memref_squeeze %dma_wait3A_594 : memref<1x64xi32, #tpu.memory_space<vmem>> -> memref<64xi32, #tpu.memory_space<vmem>>
      %dma_wait3A_596 = arith.constant 0 : i32
      %dma_wait3A_597 = arith.constant 0 : i32
      %dma_wait3A_598 = tpu.memref_slice %arg2[%dma_wait3A_596, %dma_wait3A_597] : memref<40000x64xf32, #tpu.memory_space<hbm>> -> memref<40000x64xf32, #tpu.memory_space<hbm>>
      tpu.wait_indirect_dma semaphore(%arg20 : memref<!tpu.dma_semaphore, #tpu.memory_space<semaphore_mem>>) src(%dma_wait3A_598 : memref<40000x64xf32, #tpu.memory_space<hbm>>) dst(%dma_wait3A_592 : memref<64x64xf32, #tpu.memory_space<vmem>>)
      %dma_start3A_599 = arith.constant 1 : i32
      %dma_start3A_600 = arith.constant 0 : i32
      %dma_start3A_601 = arith.constant 0 : i32
      %dma_start3A_602 = tpu.memref_slice %arg9[%dma_start3A_599, %dma_start3A_600, %dma_start3A_601] : memref<8x128x64xf32, #tpu.memory_space<vmem>> -> memref<1x128x64xf32, #tpu.memory_space<vmem>>
      %dma_start3A_603 = tpu.memref_squeeze %dma_start3A_602 : memref<1x128x64xf32, #tpu.memory_space<vmem>> -> memref<128x64xf32, #tpu.memory_space<vmem>>
      %dma_start3A_604 = arith.constant 0 : i32
      %dma_start3A_605 = tpu.memref_slice %arg8[%add3A_576, %dma_start3A_604] : memref<80x128xi32, #tpu.memory_space<vmem>> -> memref<1x128xi32, #tpu.memory_space<vmem>>
      %dma_start3A_606 = tpu.memref_squeeze %dma_start3A_605 : memref<1x128xi32, #tpu.memory_space<vmem>> -> memref<128xi32, #tpu.memory_space<vmem>>
      %dma_start3A_607 = arith.constant 0 : i32
      %dma_start3A_608 = arith.constant 0 : i32
      %dma_start3A_609 = tpu.memref_slice %arg10[%dma_start3A_607, %dma_start3A_608] : memref<10016x64xf32, #tpu.memory_space<vmem_shared>> -> memref<10016x64xf32, #tpu.memory_space<vmem_shared>>
      tpu.enqueue_indirect_dma source(%dma_start3A_603 : memref<128x64xf32, #tpu.memory_space<vmem>>) target(%dma_start3A_609 : memref<10016x64xf32, #tpu.memory_space<vmem_shared>>) offsets(%dma_start3A_606 : memref<128xi32, #tpu.memory_space<vmem>>) semaphore(%arg28 : memref<!tpu.dma_semaphore, #tpu.memory_space<semaphore_mem>>) {add = true}
      %add3A_610 = arith.constant 6 : i32
      %add3A_611 = arith.addi %add3A_576, %add3A_610 : i32
      %lt3A_612 = arith.constant 80 : i32
      %lt3A_613 = arith.cmpi slt, %add3A_611, %lt3A_612 : i32
      %convert_element_type3A_614 = arith.extui %lt3A_613 : i1 to i32
      %cond3A_615 = arith.constant 0 : i32
      %cond3A_616 = arith.cmpi ne, %convert_element_type3A_614, %cond3A_615 : i32
      scf.if %cond3A_616 {
        %ge3A = arith.constant 8 : i32
        %ge3A_881 = arith.cmpi sge, %add3A_611, %ge3A : i32
        %convert_element_type3A_882 = arith.extui %ge3A_881 : i1 to i32
        %cond3A_883 = arith.constant 0 : i32
        %cond3A_884 = arith.cmpi ne, %convert_element_type3A_882, %cond3A_883 : i32
        scf.if %cond3A_884 {
          %sub3A = arith.constant 8 : i32
          %sub3A_907 = arith.subi %add3A_611, %sub3A : i32
          %dma_wait3A_908 = arith.constant 7 : i32
          %dma_wait3A_909 = arith.constant 0 : i32
          %dma_wait3A_910 = arith.constant 0 : i32
          %dma_wait3A_911 = tpu.memref_slice %arg9[%dma_wait3A_908, %dma_wait3A_909, %dma_wait3A_910] : memref<8x128x64xf32, #tpu.memory_space<vmem>> -> memref<1x128x64xf32, #tpu.memory_space<vmem>>
          %dma_wait3A_912 = tpu.memref_squeeze %dma_wait3A_911 : memref<1x128x64xf32, #tpu.memory_space<vmem>> -> memref<128x64xf32, #tpu.memory_space<vmem>>
          %dma_wait3A_913 = arith.constant 0 : i32
          %dma_wait3A_914 = tpu.memref_slice %arg8[%sub3A_907, %dma_wait3A_913] : memref<80x128xi32, #tpu.memory_space<vmem>> -> memref<1x128xi32, #tpu.memory_space<vmem>>
          %dma_wait3A_915 = tpu.memref_squeeze %dma_wait3A_914 : memref<1x128xi32, #tpu.memory_space<vmem>> -> memref<128xi32, #tpu.memory_space<vmem>>
          %dma_wait3A_916 = arith.constant 0 : i32
          %dma_wait3A_917 = arith.constant 0 : i32
          %dma_wait3A_918 = tpu.memref_slice %arg10[%dma_wait3A_916, %dma_wait3A_917] : memref<10016x64xf32, #tpu.memory_space<vmem_shared>> -> memref<10016x64xf32, #tpu.memory_space<vmem_shared>>
          tpu.wait_indirect_dma semaphore(%arg34 : memref<!tpu.dma_semaphore, #tpu.memory_space<semaphore_mem>>) src(%dma_wait3A_912 : memref<128x64xf32, #tpu.memory_space<vmem>>) dst(%dma_wait3A_918 : memref<10016x64xf32, #tpu.memory_space<vmem_shared>>)
        } else {
        }
        %dma_start3A_885 = arith.constant 7 : i32
        %dma_start3A_886 = arith.constant 0 : i32
        %dma_start3A_887 = arith.constant 0 : i32
        %dma_start3A_888 = tpu.memref_slice %arg9[%dma_start3A_885, %dma_start3A_886, %dma_start3A_887] : memref<8x128x64xf32, #tpu.memory_space<vmem>> -> memref<1x64x64xf32, #tpu.memory_space<vmem>>
        %dma_start3A_889 = tpu.memref_squeeze %dma_start3A_888 : memref<1x64x64xf32, #tpu.memory_space<vmem>> -> memref<64x64xf32, #tpu.memory_space<vmem>>
        %dma_start3A_890 = arith.constant 0 : i32
        %dma_start3A_891 = tpu.memref_slice %arg7[%add3A_611, %dma_start3A_890] : memref<80x128xi32, #tpu.memory_space<vmem>> -> memref<1x64xi32, #tpu.memory_space<vmem>>
        %dma_start3A_892 = tpu.memref_squeeze %dma_start3A_891 : memref<1x64xi32, #tpu.memory_space<vmem>> -> memref<64xi32, #tpu.memory_space<vmem>>
        %dma_start3A_893 = arith.constant 0 : i32
        %dma_start3A_894 = arith.constant 0 : i32
        %dma_start3A_895 = tpu.memref_slice %arg2[%dma_start3A_893, %dma_start3A_894] : memref<40000x64xf32, #tpu.memory_space<hbm>> -> memref<40000x64xf32, #tpu.memory_space<hbm>>
        tpu.enqueue_indirect_dma source(%dma_start3A_895 : memref<40000x64xf32, #tpu.memory_space<hbm>>) target(%dma_start3A_889 : memref<64x64xf32, #tpu.memory_space<vmem>>) offsets(%dma_start3A_892 : memref<64xi32, #tpu.memory_space<vmem>>) semaphore(%arg18 : memref<!tpu.dma_semaphore, #tpu.memory_space<semaphore_mem>>)
        %dma_start3A_896 = arith.constant 7 : i32
        %dma_start3A_897 = arith.constant 64 : i32
        %dma_start3A_898 = arith.constant 0 : i32
        %dma_start3A_899 = tpu.memref_slice %arg9[%dma_start3A_896, %dma_start3A_897, %dma_start3A_898] : memref<8x128x64xf32, #tpu.memory_space<vmem>> -> memref<1x64x64xf32, #tpu.memory_space<vmem>>
        %dma_start3A_900 = tpu.memref_squeeze %dma_start3A_899 : memref<1x64x64xf32, #tpu.memory_space<vmem>> -> memref<64x64xf32, #tpu.memory_space<vmem>>
        %dma_start3A_901 = arith.constant 64 : i32
        %dma_start3A_902 = tpu.memref_slice %arg7[%add3A_611, %dma_start3A_901] : memref<80x128xi32, #tpu.memory_space<vmem>> -> memref<1x64xi32, #tpu.memory_space<vmem>>
        %dma_start3A_903 = tpu.memref_squeeze %dma_start3A_902 : memref<1x64xi32, #tpu.memory_space<vmem>> -> memref<64xi32, #tpu.memory_space<vmem>>
        %dma_start3A_904 = arith.constant 0 : i32
        %dma_start3A_905 = arith.constant 0 : i32
        %dma_start3A_906 = tpu.memref_slice %arg2[%dma_start3A_904, %dma_start3A_905] : memref<40000x64xf32, #tpu.memory_space<hbm>> -> memref<40000x64xf32, #tpu.memory_space<hbm>>
        tpu.enqueue_indirect_dma source(%dma_start3A_906 : memref<40000x64xf32, #tpu.memory_space<hbm>>) target(%dma_start3A_900 : memref<64x64xf32, #tpu.memory_space<vmem>>) offsets(%dma_start3A_903 : memref<64xi32, #tpu.memory_space<vmem>>) semaphore(%arg26 : memref<!tpu.dma_semaphore, #tpu.memory_space<semaphore_mem>>)
      } else {
      }
      %mul3A_617 = arith.constant 8 : i32
      %mul3A_618 = arith.muli %scan3A_531, %mul3A_617 : i32
      %add3A_619 = arith.constant 2 : i32
      %add3A_620 = arith.addi %mul3A_618, %add3A_619 : i32
      %dma_wait3A_621 = arith.constant 2 : i32
      %dma_wait3A_622 = arith.constant 0 : i32
      %dma_wait3A_623 = arith.constant 0 : i32
      %dma_wait3A_624 = tpu.memref_slice %arg9[%dma_wait3A_621, %dma_wait3A_622, %dma_wait3A_623] : memref<8x128x64xf32, #tpu.memory_space<vmem>> -> memref<1x64x64xf32, #tpu.memory_space<vmem>>
      %dma_wait3A_625 = tpu.memref_squeeze %dma_wait3A_624 : memref<1x64x64xf32, #tpu.memory_space<vmem>> -> memref<64x64xf32, #tpu.memory_space<vmem>>
      %dma_wait3A_626 = arith.constant 0 : i32
      %dma_wait3A_627 = tpu.memref_slice %arg7[%add3A_620, %dma_wait3A_626] : memref<80x128xi32, #tpu.memory_space<vmem>> -> memref<1x64xi32, #tpu.memory_space<vmem>>
      %dma_wait3A_628 = tpu.memref_squeeze %dma_wait3A_627 : memref<1x64xi32, #tpu.memory_space<vmem>> -> memref<64xi32, #tpu.memory_space<vmem>>
      %dma_wait3A_629 = arith.constant 0 : i32
      %dma_wait3A_630 = arith.constant 0 : i32
      %dma_wait3A_631 = tpu.memref_slice %arg2[%dma_wait3A_629, %dma_wait3A_630] : memref<40000x64xf32, #tpu.memory_space<hbm>> -> memref<40000x64xf32, #tpu.memory_space<hbm>>
      tpu.wait_indirect_dma semaphore(%arg13 : memref<!tpu.dma_semaphore, #tpu.memory_space<semaphore_mem>>) src(%dma_wait3A_631 : memref<40000x64xf32, #tpu.memory_space<hbm>>) dst(%dma_wait3A_625 : memref<64x64xf32, #tpu.memory_space<vmem>>)
      %dma_wait3A_632 = arith.constant 2 : i32
      %dma_wait3A_633 = arith.constant 64 : i32
      %dma_wait3A_634 = arith.constant 0 : i32
      %dma_wait3A_635 = tpu.memref_slice %arg9[%dma_wait3A_632, %dma_wait3A_633, %dma_wait3A_634] : memref<8x128x64xf32, #tpu.memory_space<vmem>> -> memref<1x64x64xf32, #tpu.memory_space<vmem>>
      %dma_wait3A_636 = tpu.memref_squeeze %dma_wait3A_635 : memref<1x64x64xf32, #tpu.memory_space<vmem>> -> memref<64x64xf32, #tpu.memory_space<vmem>>
      %dma_wait3A_637 = arith.constant 64 : i32
      %dma_wait3A_638 = tpu.memref_slice %arg7[%add3A_620, %dma_wait3A_637] : memref<80x128xi32, #tpu.memory_space<vmem>> -> memref<1x64xi32, #tpu.memory_space<vmem>>
      %dma_wait3A_639 = tpu.memref_squeeze %dma_wait3A_638 : memref<1x64xi32, #tpu.memory_space<vmem>> -> memref<64xi32, #tpu.memory_space<vmem>>
      %dma_wait3A_640 = arith.constant 0 : i32
      %dma_wait3A_641 = arith.constant 0 : i32
      %dma_wait3A_642 = tpu.memref_slice %arg2[%dma_wait3A_640, %dma_wait3A_641] : memref<40000x64xf32, #tpu.memory_space<hbm>> -> memref<40000x64xf32, #tpu.memory_space<hbm>>
      tpu.wait_indirect_dma semaphore(%arg21 : memref<!tpu.dma_semaphore, #tpu.memory_space<semaphore_mem>>) src(%dma_wait3A_642 : memref<40000x64xf32, #tpu.memory_space<hbm>>) dst(%dma_wait3A_636 : memref<64x64xf32, #tpu.memory_space<vmem>>)
      %dma_start3A_643 = arith.constant 2 : i32
      %dma_start3A_644 = arith.constant 0 : i32
      %dma_start3A_645 = arith.constant 0 : i32
      %dma_start3A_646 = tpu.memref_slice %arg9[%dma_start3A_643, %dma_start3A_644, %dma_start3A_645] : memref<8x128x64xf32, #tpu.memory_space<vmem>> -> memref<1x128x64xf32, #tpu.memory_space<vmem>>
      %dma_start3A_647 = tpu.memref_squeeze %dma_start3A_646 : memref<1x128x64xf32, #tpu.memory_space<vmem>> -> memref<128x64xf32, #tpu.memory_space<vmem>>
      %dma_start3A_648 = arith.constant 0 : i32
      %dma_start3A_649 = tpu.memref_slice %arg8[%add3A_620, %dma_start3A_648] : memref<80x128xi32, #tpu.memory_space<vmem>> -> memref<1x128xi32, #tpu.memory_space<vmem>>
      %dma_start3A_650 = tpu.memref_squeeze %dma_start3A_649 : memref<1x128xi32, #tpu.memory_space<vmem>> -> memref<128xi32, #tpu.memory_space<vmem>>
      %dma_start3A_651 = arith.constant 0 : i32
      %dma_start3A_652 = arith.constant 0 : i32
      %dma_start3A_653 = tpu.memref_slice %arg10[%dma_start3A_651, %dma_start3A_652] : memref<10016x64xf32, #tpu.memory_space<vmem_shared>> -> memref<10016x64xf32, #tpu.memory_space<vmem_shared>>
      tpu.enqueue_indirect_dma source(%dma_start3A_647 : memref<128x64xf32, #tpu.memory_space<vmem>>) target(%dma_start3A_653 : memref<10016x64xf32, #tpu.memory_space<vmem_shared>>) offsets(%dma_start3A_650 : memref<128xi32, #tpu.memory_space<vmem>>) semaphore(%arg29 : memref<!tpu.dma_semaphore, #tpu.memory_space<semaphore_mem>>) {add = true}
      %add3A_654 = arith.constant 6 : i32
      %add3A_655 = arith.addi %add3A_620, %add3A_654 : i32
      %lt3A_656 = arith.constant 80 : i32
      %lt3A_657 = arith.cmpi slt, %add3A_655, %lt3A_656 : i32
      %convert_element_type3A_658 = arith.extui %lt3A_657 : i1 to i32
      %cond3A_659 = arith.constant 0 : i32
      %cond3A_660 = arith.cmpi ne, %convert_element_type3A_658, %cond3A_659 : i32
      scf.if %cond3A_660 {
        %ge3A = arith.constant 8 : i32
        %ge3A_881 = arith.cmpi sge, %add3A_655, %ge3A : i32
        %convert_element_type3A_882 = arith.extui %ge3A_881 : i1 to i32
        %cond3A_883 = arith.constant 0 : i32
        %cond3A_884 = arith.cmpi ne, %convert_element_type3A_882, %cond3A_883 : i32
        scf.if %cond3A_884 {
          %sub3A = arith.constant 8 : i32
          %sub3A_907 = arith.subi %add3A_655, %sub3A : i32
          %dma_wait3A_908 = arith.constant 0 : i32
          %dma_wait3A_909 = arith.constant 0 : i32
          %dma_wait3A_910 = arith.constant 0 : i32
          %dma_wait3A_911 = tpu.memref_slice %arg9[%dma_wait3A_908, %dma_wait3A_909, %dma_wait3A_910] : memref<8x128x64xf32, #tpu.memory_space<vmem>> -> memref<1x128x64xf32, #tpu.memory_space<vmem>>
          %dma_wait3A_912 = tpu.memref_squeeze %dma_wait3A_911 : memref<1x128x64xf32, #tpu.memory_space<vmem>> -> memref<128x64xf32, #tpu.memory_space<vmem>>
          %dma_wait3A_913 = arith.constant 0 : i32
          %dma_wait3A_914 = tpu.memref_slice %arg8[%sub3A_907, %dma_wait3A_913] : memref<80x128xi32, #tpu.memory_space<vmem>> -> memref<1x128xi32, #tpu.memory_space<vmem>>
          %dma_wait3A_915 = tpu.memref_squeeze %dma_wait3A_914 : memref<1x128xi32, #tpu.memory_space<vmem>> -> memref<128xi32, #tpu.memory_space<vmem>>
          %dma_wait3A_916 = arith.constant 0 : i32
          %dma_wait3A_917 = arith.constant 0 : i32
          %dma_wait3A_918 = tpu.memref_slice %arg10[%dma_wait3A_916, %dma_wait3A_917] : memref<10016x64xf32, #tpu.memory_space<vmem_shared>> -> memref<10016x64xf32, #tpu.memory_space<vmem_shared>>
          tpu.wait_indirect_dma semaphore(%arg27 : memref<!tpu.dma_semaphore, #tpu.memory_space<semaphore_mem>>) src(%dma_wait3A_912 : memref<128x64xf32, #tpu.memory_space<vmem>>) dst(%dma_wait3A_918 : memref<10016x64xf32, #tpu.memory_space<vmem_shared>>)
        } else {
        }
        %dma_start3A_885 = arith.constant 0 : i32
        %dma_start3A_886 = arith.constant 0 : i32
        %dma_start3A_887 = arith.constant 0 : i32
        %dma_start3A_888 = tpu.memref_slice %arg9[%dma_start3A_885, %dma_start3A_886, %dma_start3A_887] : memref<8x128x64xf32, #tpu.memory_space<vmem>> -> memref<1x64x64xf32, #tpu.memory_space<vmem>>
        %dma_start3A_889 = tpu.memref_squeeze %dma_start3A_888 : memref<1x64x64xf32, #tpu.memory_space<vmem>> -> memref<64x64xf32, #tpu.memory_space<vmem>>
        %dma_start3A_890 = arith.constant 0 : i32
        %dma_start3A_891 = tpu.memref_slice %arg7[%add3A_655, %dma_start3A_890] : memref<80x128xi32, #tpu.memory_space<vmem>> -> memref<1x64xi32, #tpu.memory_space<vmem>>
        %dma_start3A_892 = tpu.memref_squeeze %dma_start3A_891 : memref<1x64xi32, #tpu.memory_space<vmem>> -> memref<64xi32, #tpu.memory_space<vmem>>
        %dma_start3A_893 = arith.constant 0 : i32
        %dma_start3A_894 = arith.constant 0 : i32
        %dma_start3A_895 = tpu.memref_slice %arg2[%dma_start3A_893, %dma_start3A_894] : memref<40000x64xf32, #tpu.memory_space<hbm>> -> memref<40000x64xf32, #tpu.memory_space<hbm>>
        tpu.enqueue_indirect_dma source(%dma_start3A_895 : memref<40000x64xf32, #tpu.memory_space<hbm>>) target(%dma_start3A_889 : memref<64x64xf32, #tpu.memory_space<vmem>>) offsets(%dma_start3A_892 : memref<64xi32, #tpu.memory_space<vmem>>) semaphore(%arg11 : memref<!tpu.dma_semaphore, #tpu.memory_space<semaphore_mem>>)
        %dma_start3A_896 = arith.constant 0 : i32
        %dma_start3A_897 = arith.constant 64 : i32
        %dma_start3A_898 = arith.constant 0 : i32
        %dma_start3A_899 = tpu.memref_slice %arg9[%dma_start3A_896, %dma_start3A_897, %dma_start3A_898] : memref<8x128x64xf32, #tpu.memory_space<vmem>> -> memref<1x64x64xf32, #tpu.memory_space<vmem>>
        %dma_start3A_900 = tpu.memref_squeeze %dma_start3A_899 : memref<1x64x64xf32, #tpu.memory_space<vmem>> -> memref<64x64xf32, #tpu.memory_space<vmem>>
        %dma_start3A_901 = arith.constant 64 : i32
        %dma_start3A_902 = tpu.memref_slice %arg7[%add3A_655, %dma_start3A_901] : memref<80x128xi32, #tpu.memory_space<vmem>> -> memref<1x64xi32, #tpu.memory_space<vmem>>
        %dma_start3A_903 = tpu.memref_squeeze %dma_start3A_902 : memref<1x64xi32, #tpu.memory_space<vmem>> -> memref<64xi32, #tpu.memory_space<vmem>>
        %dma_start3A_904 = arith.constant 0 : i32
        %dma_start3A_905 = arith.constant 0 : i32
        %dma_start3A_906 = tpu.memref_slice %arg2[%dma_start3A_904, %dma_start3A_905] : memref<40000x64xf32, #tpu.memory_space<hbm>> -> memref<40000x64xf32, #tpu.memory_space<hbm>>
        tpu.enqueue_indirect_dma source(%dma_start3A_906 : memref<40000x64xf32, #tpu.memory_space<hbm>>) target(%dma_start3A_900 : memref<64x64xf32, #tpu.memory_space<vmem>>) offsets(%dma_start3A_903 : memref<64xi32, #tpu.memory_space<vmem>>) semaphore(%arg19 : memref<!tpu.dma_semaphore, #tpu.memory_space<semaphore_mem>>)
      } else {
      }
      %mul3A_661 = arith.constant 8 : i32
      %mul3A_662 = arith.muli %scan3A_531, %mul3A_661 : i32
      %add3A_663 = arith.constant 3 : i32
      %add3A_664 = arith.addi %mul3A_662, %add3A_663 : i32
      %dma_wait3A_665 = arith.constant 3 : i32
      %dma_wait3A_666 = arith.constant 0 : i32
      %dma_wait3A_667 = arith.constant 0 : i32
      %dma_wait3A_668 = tpu.memref_slice %arg9[%dma_wait3A_665, %dma_wait3A_666, %dma_wait3A_667] : memref<8x128x64xf32, #tpu.memory_space<vmem>> -> memref<1x64x64xf32, #tpu.memory_space<vmem>>
      %dma_wait3A_669 = tpu.memref_squeeze %dma_wait3A_668 : memref<1x64x64xf32, #tpu.memory_space<vmem>> -> memref<64x64xf32, #tpu.memory_space<vmem>>
      %dma_wait3A_670 = arith.constant 0 : i32
      %dma_wait3A_671 = tpu.memref_slice %arg7[%add3A_664, %dma_wait3A_670] : memref<80x128xi32, #tpu.memory_space<vmem>> -> memref<1x64xi32, #tpu.memory_space<vmem>>
      %dma_wait3A_672 = tpu.memref_squeeze %dma_wait3A_671 : memref<1x64xi32, #tpu.memory_space<vmem>> -> memref<64xi32, #tpu.memory_space<vmem>>
      %dma_wait3A_673 = arith.constant 0 : i32
      %dma_wait3A_674 = arith.constant 0 : i32
      %dma_wait3A_675 = tpu.memref_slice %arg2[%dma_wait3A_673, %dma_wait3A_674] : memref<40000x64xf32, #tpu.memory_space<hbm>> -> memref<40000x64xf32, #tpu.memory_space<hbm>>
      tpu.wait_indirect_dma semaphore(%arg14 : memref<!tpu.dma_semaphore, #tpu.memory_space<semaphore_mem>>) src(%dma_wait3A_675 : memref<40000x64xf32, #tpu.memory_space<hbm>>) dst(%dma_wait3A_669 : memref<64x64xf32, #tpu.memory_space<vmem>>)
      %dma_wait3A_676 = arith.constant 3 : i32
      %dma_wait3A_677 = arith.constant 64 : i32
      %dma_wait3A_678 = arith.constant 0 : i32
      %dma_wait3A_679 = tpu.memref_slice %arg9[%dma_wait3A_676, %dma_wait3A_677, %dma_wait3A_678] : memref<8x128x64xf32, #tpu.memory_space<vmem>> -> memref<1x64x64xf32, #tpu.memory_space<vmem>>
      %dma_wait3A_680 = tpu.memref_squeeze %dma_wait3A_679 : memref<1x64x64xf32, #tpu.memory_space<vmem>> -> memref<64x64xf32, #tpu.memory_space<vmem>>
      %dma_wait3A_681 = arith.constant 64 : i32
      %dma_wait3A_682 = tpu.memref_slice %arg7[%add3A_664, %dma_wait3A_681] : memref<80x128xi32, #tpu.memory_space<vmem>> -> memref<1x64xi32, #tpu.memory_space<vmem>>
      %dma_wait3A_683 = tpu.memref_squeeze %dma_wait3A_682 : memref<1x64xi32, #tpu.memory_space<vmem>> -> memref<64xi32, #tpu.memory_space<vmem>>
      %dma_wait3A_684 = arith.constant 0 : i32
      %dma_wait3A_685 = arith.constant 0 : i32
      %dma_wait3A_686 = tpu.memref_slice %arg2[%dma_wait3A_684, %dma_wait3A_685] : memref<40000x64xf32, #tpu.memory_space<hbm>> -> memref<40000x64xf32, #tpu.memory_space<hbm>>
      tpu.wait_indirect_dma semaphore(%arg22 : memref<!tpu.dma_semaphore, #tpu.memory_space<semaphore_mem>>) src(%dma_wait3A_686 : memref<40000x64xf32, #tpu.memory_space<hbm>>) dst(%dma_wait3A_680 : memref<64x64xf32, #tpu.memory_space<vmem>>)
      %dma_start3A_687 = arith.constant 3 : i32
      %dma_start3A_688 = arith.constant 0 : i32
      %dma_start3A_689 = arith.constant 0 : i32
      %dma_start3A_690 = tpu.memref_slice %arg9[%dma_start3A_687, %dma_start3A_688, %dma_start3A_689] : memref<8x128x64xf32, #tpu.memory_space<vmem>> -> memref<1x128x64xf32, #tpu.memory_space<vmem>>
      %dma_start3A_691 = tpu.memref_squeeze %dma_start3A_690 : memref<1x128x64xf32, #tpu.memory_space<vmem>> -> memref<128x64xf32, #tpu.memory_space<vmem>>
      %dma_start3A_692 = arith.constant 0 : i32
      %dma_start3A_693 = tpu.memref_slice %arg8[%add3A_664, %dma_start3A_692] : memref<80x128xi32, #tpu.memory_space<vmem>> -> memref<1x128xi32, #tpu.memory_space<vmem>>
      %dma_start3A_694 = tpu.memref_squeeze %dma_start3A_693 : memref<1x128xi32, #tpu.memory_space<vmem>> -> memref<128xi32, #tpu.memory_space<vmem>>
      %dma_start3A_695 = arith.constant 0 : i32
      %dma_start3A_696 = arith.constant 0 : i32
      %dma_start3A_697 = tpu.memref_slice %arg10[%dma_start3A_695, %dma_start3A_696] : memref<10016x64xf32, #tpu.memory_space<vmem_shared>> -> memref<10016x64xf32, #tpu.memory_space<vmem_shared>>
      tpu.enqueue_indirect_dma source(%dma_start3A_691 : memref<128x64xf32, #tpu.memory_space<vmem>>) target(%dma_start3A_697 : memref<10016x64xf32, #tpu.memory_space<vmem_shared>>) offsets(%dma_start3A_694 : memref<128xi32, #tpu.memory_space<vmem>>) semaphore(%arg30 : memref<!tpu.dma_semaphore, #tpu.memory_space<semaphore_mem>>) {add = true}
      %add3A_698 = arith.constant 6 : i32
      %add3A_699 = arith.addi %add3A_664, %add3A_698 : i32
      %lt3A_700 = arith.constant 80 : i32
      %lt3A_701 = arith.cmpi slt, %add3A_699, %lt3A_700 : i32
      %convert_element_type3A_702 = arith.extui %lt3A_701 : i1 to i32
      %cond3A_703 = arith.constant 0 : i32
      %cond3A_704 = arith.cmpi ne, %convert_element_type3A_702, %cond3A_703 : i32
      scf.if %cond3A_704 {
        %ge3A = arith.constant 8 : i32
        %ge3A_881 = arith.cmpi sge, %add3A_699, %ge3A : i32
        %convert_element_type3A_882 = arith.extui %ge3A_881 : i1 to i32
        %cond3A_883 = arith.constant 0 : i32
        %cond3A_884 = arith.cmpi ne, %convert_element_type3A_882, %cond3A_883 : i32
        scf.if %cond3A_884 {
          %sub3A = arith.constant 8 : i32
          %sub3A_907 = arith.subi %add3A_699, %sub3A : i32
          %dma_wait3A_908 = arith.constant 1 : i32
          %dma_wait3A_909 = arith.constant 0 : i32
          %dma_wait3A_910 = arith.constant 0 : i32
          %dma_wait3A_911 = tpu.memref_slice %arg9[%dma_wait3A_908, %dma_wait3A_909, %dma_wait3A_910] : memref<8x128x64xf32, #tpu.memory_space<vmem>> -> memref<1x128x64xf32, #tpu.memory_space<vmem>>
          %dma_wait3A_912 = tpu.memref_squeeze %dma_wait3A_911 : memref<1x128x64xf32, #tpu.memory_space<vmem>> -> memref<128x64xf32, #tpu.memory_space<vmem>>
          %dma_wait3A_913 = arith.constant 0 : i32
          %dma_wait3A_914 = tpu.memref_slice %arg8[%sub3A_907, %dma_wait3A_913] : memref<80x128xi32, #tpu.memory_space<vmem>> -> memref<1x128xi32, #tpu.memory_space<vmem>>
          %dma_wait3A_915 = tpu.memref_squeeze %dma_wait3A_914 : memref<1x128xi32, #tpu.memory_space<vmem>> -> memref<128xi32, #tpu.memory_space<vmem>>
          %dma_wait3A_916 = arith.constant 0 : i32
          %dma_wait3A_917 = arith.constant 0 : i32
          %dma_wait3A_918 = tpu.memref_slice %arg10[%dma_wait3A_916, %dma_wait3A_917] : memref<10016x64xf32, #tpu.memory_space<vmem_shared>> -> memref<10016x64xf32, #tpu.memory_space<vmem_shared>>
          tpu.wait_indirect_dma semaphore(%arg28 : memref<!tpu.dma_semaphore, #tpu.memory_space<semaphore_mem>>) src(%dma_wait3A_912 : memref<128x64xf32, #tpu.memory_space<vmem>>) dst(%dma_wait3A_918 : memref<10016x64xf32, #tpu.memory_space<vmem_shared>>)
        } else {
        }
        %dma_start3A_885 = arith.constant 1 : i32
        %dma_start3A_886 = arith.constant 0 : i32
        %dma_start3A_887 = arith.constant 0 : i32
        %dma_start3A_888 = tpu.memref_slice %arg9[%dma_start3A_885, %dma_start3A_886, %dma_start3A_887] : memref<8x128x64xf32, #tpu.memory_space<vmem>> -> memref<1x64x64xf32, #tpu.memory_space<vmem>>
        %dma_start3A_889 = tpu.memref_squeeze %dma_start3A_888 : memref<1x64x64xf32, #tpu.memory_space<vmem>> -> memref<64x64xf32, #tpu.memory_space<vmem>>
        %dma_start3A_890 = arith.constant 0 : i32
        %dma_start3A_891 = tpu.memref_slice %arg7[%add3A_699, %dma_start3A_890] : memref<80x128xi32, #tpu.memory_space<vmem>> -> memref<1x64xi32, #tpu.memory_space<vmem>>
        %dma_start3A_892 = tpu.memref_squeeze %dma_start3A_891 : memref<1x64xi32, #tpu.memory_space<vmem>> -> memref<64xi32, #tpu.memory_space<vmem>>
        %dma_start3A_893 = arith.constant 0 : i32
        %dma_start3A_894 = arith.constant 0 : i32
        %dma_start3A_895 = tpu.memref_slice %arg2[%dma_start3A_893, %dma_start3A_894] : memref<40000x64xf32, #tpu.memory_space<hbm>> -> memref<40000x64xf32, #tpu.memory_space<hbm>>
        tpu.enqueue_indirect_dma source(%dma_start3A_895 : memref<40000x64xf32, #tpu.memory_space<hbm>>) target(%dma_start3A_889 : memref<64x64xf32, #tpu.memory_space<vmem>>) offsets(%dma_start3A_892 : memref<64xi32, #tpu.memory_space<vmem>>) semaphore(%arg12 : memref<!tpu.dma_semaphore, #tpu.memory_space<semaphore_mem>>)
        %dma_start3A_896 = arith.constant 1 : i32
        %dma_start3A_897 = arith.constant 64 : i32
        %dma_start3A_898 = arith.constant 0 : i32
        %dma_start3A_899 = tpu.memref_slice %arg9[%dma_start3A_896, %dma_start3A_897, %dma_start3A_898] : memref<8x128x64xf32, #tpu.memory_space<vmem>> -> memref<1x64x64xf32, #tpu.memory_space<vmem>>
        %dma_start3A_900 = tpu.memref_squeeze %dma_start3A_899 : memref<1x64x64xf32, #tpu.memory_space<vmem>> -> memref<64x64xf32, #tpu.memory_space<vmem>>
        %dma_start3A_901 = arith.constant 64 : i32
        %dma_start3A_902 = tpu.memref_slice %arg7[%add3A_699, %dma_start3A_901] : memref<80x128xi32, #tpu.memory_space<vmem>> -> memref<1x64xi32, #tpu.memory_space<vmem>>
        %dma_start3A_903 = tpu.memref_squeeze %dma_start3A_902 : memref<1x64xi32, #tpu.memory_space<vmem>> -> memref<64xi32, #tpu.memory_space<vmem>>
        %dma_start3A_904 = arith.constant 0 : i32
        %dma_start3A_905 = arith.constant 0 : i32
        %dma_start3A_906 = tpu.memref_slice %arg2[%dma_start3A_904, %dma_start3A_905] : memref<40000x64xf32, #tpu.memory_space<hbm>> -> memref<40000x64xf32, #tpu.memory_space<hbm>>
        tpu.enqueue_indirect_dma source(%dma_start3A_906 : memref<40000x64xf32, #tpu.memory_space<hbm>>) target(%dma_start3A_900 : memref<64x64xf32, #tpu.memory_space<vmem>>) offsets(%dma_start3A_903 : memref<64xi32, #tpu.memory_space<vmem>>) semaphore(%arg20 : memref<!tpu.dma_semaphore, #tpu.memory_space<semaphore_mem>>)
      } else {
      }
      %mul3A_705 = arith.constant 8 : i32
      %mul3A_706 = arith.muli %scan3A_531, %mul3A_705 : i32
      %add3A_707 = arith.constant 4 : i32
      %add3A_708 = arith.addi %mul3A_706, %add3A_707 : i32
      %dma_wait3A_709 = arith.constant 4 : i32
      %dma_wait3A_710 = arith.constant 0 : i32
      %dma_wait3A_711 = arith.constant 0 : i32
      %dma_wait3A_712 = tpu.memref_slice %arg9[%dma_wait3A_709, %dma_wait3A_710, %dma_wait3A_711] : memref<8x128x64xf32, #tpu.memory_space<vmem>> -> memref<1x64x64xf32, #tpu.memory_space<vmem>>
      %dma_wait3A_713 = tpu.memref_squeeze %dma_wait3A_712 : memref<1x64x64xf32, #tpu.memory_space<vmem>> -> memref<64x64xf32, #tpu.memory_space<vmem>>
      %dma_wait3A_714 = arith.constant 0 : i32
      %dma_wait3A_715 = tpu.memref_slice %arg7[%add3A_708, %dma_wait3A_714] : memref<80x128xi32, #tpu.memory_space<vmem>> -> memref<1x64xi32, #tpu.memory_space<vmem>>
      %dma_wait3A_716 = tpu.memref_squeeze %dma_wait3A_715 : memref<1x64xi32, #tpu.memory_space<vmem>> -> memref<64xi32, #tpu.memory_space<vmem>>
      %dma_wait3A_717 = arith.constant 0 : i32
      %dma_wait3A_718 = arith.constant 0 : i32
      %dma_wait3A_719 = tpu.memref_slice %arg2[%dma_wait3A_717, %dma_wait3A_718] : memref<40000x64xf32, #tpu.memory_space<hbm>> -> memref<40000x64xf32, #tpu.memory_space<hbm>>
      tpu.wait_indirect_dma semaphore(%arg15 : memref<!tpu.dma_semaphore, #tpu.memory_space<semaphore_mem>>) src(%dma_wait3A_719 : memref<40000x64xf32, #tpu.memory_space<hbm>>) dst(%dma_wait3A_713 : memref<64x64xf32, #tpu.memory_space<vmem>>)
      %dma_wait3A_720 = arith.constant 4 : i32
      %dma_wait3A_721 = arith.constant 64 : i32
      %dma_wait3A_722 = arith.constant 0 : i32
      %dma_wait3A_723 = tpu.memref_slice %arg9[%dma_wait3A_720, %dma_wait3A_721, %dma_wait3A_722] : memref<8x128x64xf32, #tpu.memory_space<vmem>> -> memref<1x64x64xf32, #tpu.memory_space<vmem>>
      %dma_wait3A_724 = tpu.memref_squeeze %dma_wait3A_723 : memref<1x64x64xf32, #tpu.memory_space<vmem>> -> memref<64x64xf32, #tpu.memory_space<vmem>>
      %dma_wait3A_725 = arith.constant 64 : i32
      %dma_wait3A_726 = tpu.memref_slice %arg7[%add3A_708, %dma_wait3A_725] : memref<80x128xi32, #tpu.memory_space<vmem>> -> memref<1x64xi32, #tpu.memory_space<vmem>>
      %dma_wait3A_727 = tpu.memref_squeeze %dma_wait3A_726 : memref<1x64xi32, #tpu.memory_space<vmem>> -> memref<64xi32, #tpu.memory_space<vmem>>
      %dma_wait3A_728 = arith.constant 0 : i32
      %dma_wait3A_729 = arith.constant 0 : i32
      %dma_wait3A_730 = tpu.memref_slice %arg2[%dma_wait3A_728, %dma_wait3A_729] : memref<40000x64xf32, #tpu.memory_space<hbm>> -> memref<40000x64xf32, #tpu.memory_space<hbm>>
      tpu.wait_indirect_dma semaphore(%arg23 : memref<!tpu.dma_semaphore, #tpu.memory_space<semaphore_mem>>) src(%dma_wait3A_730 : memref<40000x64xf32, #tpu.memory_space<hbm>>) dst(%dma_wait3A_724 : memref<64x64xf32, #tpu.memory_space<vmem>>)
      %dma_start3A_731 = arith.constant 4 : i32
      %dma_start3A_732 = arith.constant 0 : i32
      %dma_start3A_733 = arith.constant 0 : i32
      %dma_start3A_734 = tpu.memref_slice %arg9[%dma_start3A_731, %dma_start3A_732, %dma_start3A_733] : memref<8x128x64xf32, #tpu.memory_space<vmem>> -> memref<1x128x64xf32, #tpu.memory_space<vmem>>
      %dma_start3A_735 = tpu.memref_squeeze %dma_start3A_734 : memref<1x128x64xf32, #tpu.memory_space<vmem>> -> memref<128x64xf32, #tpu.memory_space<vmem>>
      %dma_start3A_736 = arith.constant 0 : i32
      %dma_start3A_737 = tpu.memref_slice %arg8[%add3A_708, %dma_start3A_736] : memref<80x128xi32, #tpu.memory_space<vmem>> -> memref<1x128xi32, #tpu.memory_space<vmem>>
      %dma_start3A_738 = tpu.memref_squeeze %dma_start3A_737 : memref<1x128xi32, #tpu.memory_space<vmem>> -> memref<128xi32, #tpu.memory_space<vmem>>
      %dma_start3A_739 = arith.constant 0 : i32
      %dma_start3A_740 = arith.constant 0 : i32
      %dma_start3A_741 = tpu.memref_slice %arg10[%dma_start3A_739, %dma_start3A_740] : memref<10016x64xf32, #tpu.memory_space<vmem_shared>> -> memref<10016x64xf32, #tpu.memory_space<vmem_shared>>
      tpu.enqueue_indirect_dma source(%dma_start3A_735 : memref<128x64xf32, #tpu.memory_space<vmem>>) target(%dma_start3A_741 : memref<10016x64xf32, #tpu.memory_space<vmem_shared>>) offsets(%dma_start3A_738 : memref<128xi32, #tpu.memory_space<vmem>>) semaphore(%arg31 : memref<!tpu.dma_semaphore, #tpu.memory_space<semaphore_mem>>) {add = true}
      %add3A_742 = arith.constant 6 : i32
      %add3A_743 = arith.addi %add3A_708, %add3A_742 : i32
      %lt3A_744 = arith.constant 80 : i32
      %lt3A_745 = arith.cmpi slt, %add3A_743, %lt3A_744 : i32
      %convert_element_type3A_746 = arith.extui %lt3A_745 : i1 to i32
      %cond3A_747 = arith.constant 0 : i32
      %cond3A_748 = arith.cmpi ne, %convert_element_type3A_746, %cond3A_747 : i32
      scf.if %cond3A_748 {
        %ge3A = arith.constant 8 : i32
        %ge3A_881 = arith.cmpi sge, %add3A_743, %ge3A : i32
        %convert_element_type3A_882 = arith.extui %ge3A_881 : i1 to i32
        %cond3A_883 = arith.constant 0 : i32
        %cond3A_884 = arith.cmpi ne, %convert_element_type3A_882, %cond3A_883 : i32
        scf.if %cond3A_884 {
          %sub3A = arith.constant 8 : i32
          %sub3A_907 = arith.subi %add3A_743, %sub3A : i32
          %dma_wait3A_908 = arith.constant 2 : i32
          %dma_wait3A_909 = arith.constant 0 : i32
          %dma_wait3A_910 = arith.constant 0 : i32
          %dma_wait3A_911 = tpu.memref_slice %arg9[%dma_wait3A_908, %dma_wait3A_909, %dma_wait3A_910] : memref<8x128x64xf32, #tpu.memory_space<vmem>> -> memref<1x128x64xf32, #tpu.memory_space<vmem>>
          %dma_wait3A_912 = tpu.memref_squeeze %dma_wait3A_911 : memref<1x128x64xf32, #tpu.memory_space<vmem>> -> memref<128x64xf32, #tpu.memory_space<vmem>>
          %dma_wait3A_913 = arith.constant 0 : i32
          %dma_wait3A_914 = tpu.memref_slice %arg8[%sub3A_907, %dma_wait3A_913] : memref<80x128xi32, #tpu.memory_space<vmem>> -> memref<1x128xi32, #tpu.memory_space<vmem>>
          %dma_wait3A_915 = tpu.memref_squeeze %dma_wait3A_914 : memref<1x128xi32, #tpu.memory_space<vmem>> -> memref<128xi32, #tpu.memory_space<vmem>>
          %dma_wait3A_916 = arith.constant 0 : i32
          %dma_wait3A_917 = arith.constant 0 : i32
          %dma_wait3A_918 = tpu.memref_slice %arg10[%dma_wait3A_916, %dma_wait3A_917] : memref<10016x64xf32, #tpu.memory_space<vmem_shared>> -> memref<10016x64xf32, #tpu.memory_space<vmem_shared>>
          tpu.wait_indirect_dma semaphore(%arg29 : memref<!tpu.dma_semaphore, #tpu.memory_space<semaphore_mem>>) src(%dma_wait3A_912 : memref<128x64xf32, #tpu.memory_space<vmem>>) dst(%dma_wait3A_918 : memref<10016x64xf32, #tpu.memory_space<vmem_shared>>)
        } else {
        }
        %dma_start3A_885 = arith.constant 2 : i32
        %dma_start3A_886 = arith.constant 0 : i32
        %dma_start3A_887 = arith.constant 0 : i32
        %dma_start3A_888 = tpu.memref_slice %arg9[%dma_start3A_885, %dma_start3A_886, %dma_start3A_887] : memref<8x128x64xf32, #tpu.memory_space<vmem>> -> memref<1x64x64xf32, #tpu.memory_space<vmem>>
        %dma_start3A_889 = tpu.memref_squeeze %dma_start3A_888 : memref<1x64x64xf32, #tpu.memory_space<vmem>> -> memref<64x64xf32, #tpu.memory_space<vmem>>
        %dma_start3A_890 = arith.constant 0 : i32
        %dma_start3A_891 = tpu.memref_slice %arg7[%add3A_743, %dma_start3A_890] : memref<80x128xi32, #tpu.memory_space<vmem>> -> memref<1x64xi32, #tpu.memory_space<vmem>>
        %dma_start3A_892 = tpu.memref_squeeze %dma_start3A_891 : memref<1x64xi32, #tpu.memory_space<vmem>> -> memref<64xi32, #tpu.memory_space<vmem>>
        %dma_start3A_893 = arith.constant 0 : i32
        %dma_start3A_894 = arith.constant 0 : i32
        %dma_start3A_895 = tpu.memref_slice %arg2[%dma_start3A_893, %dma_start3A_894] : memref<40000x64xf32, #tpu.memory_space<hbm>> -> memref<40000x64xf32, #tpu.memory_space<hbm>>
        tpu.enqueue_indirect_dma source(%dma_start3A_895 : memref<40000x64xf32, #tpu.memory_space<hbm>>) target(%dma_start3A_889 : memref<64x64xf32, #tpu.memory_space<vmem>>) offsets(%dma_start3A_892 : memref<64xi32, #tpu.memory_space<vmem>>) semaphore(%arg13 : memref<!tpu.dma_semaphore, #tpu.memory_space<semaphore_mem>>)
        %dma_start3A_896 = arith.constant 2 : i32
        %dma_start3A_897 = arith.constant 64 : i32
        %dma_start3A_898 = arith.constant 0 : i32
        %dma_start3A_899 = tpu.memref_slice %arg9[%dma_start3A_896, %dma_start3A_897, %dma_start3A_898] : memref<8x128x64xf32, #tpu.memory_space<vmem>> -> memref<1x64x64xf32, #tpu.memory_space<vmem>>
        %dma_start3A_900 = tpu.memref_squeeze %dma_start3A_899 : memref<1x64x64xf32, #tpu.memory_space<vmem>> -> memref<64x64xf32, #tpu.memory_space<vmem>>
        %dma_start3A_901 = arith.constant 64 : i32
        %dma_start3A_902 = tpu.memref_slice %arg7[%add3A_743, %dma_start3A_901] : memref<80x128xi32, #tpu.memory_space<vmem>> -> memref<1x64xi32, #tpu.memory_space<vmem>>
        %dma_start3A_903 = tpu.memref_squeeze %dma_start3A_902 : memref<1x64xi32, #tpu.memory_space<vmem>> -> memref<64xi32, #tpu.memory_space<vmem>>
        %dma_start3A_904 = arith.constant 0 : i32
        %dma_start3A_905 = arith.constant 0 : i32
        %dma_start3A_906 = tpu.memref_slice %arg2[%dma_start3A_904, %dma_start3A_905] : memref<40000x64xf32, #tpu.memory_space<hbm>> -> memref<40000x64xf32, #tpu.memory_space<hbm>>
        tpu.enqueue_indirect_dma source(%dma_start3A_906 : memref<40000x64xf32, #tpu.memory_space<hbm>>) target(%dma_start3A_900 : memref<64x64xf32, #tpu.memory_space<vmem>>) offsets(%dma_start3A_903 : memref<64xi32, #tpu.memory_space<vmem>>) semaphore(%arg21 : memref<!tpu.dma_semaphore, #tpu.memory_space<semaphore_mem>>)
      } else {
      }
      %mul3A_749 = arith.constant 8 : i32
      %mul3A_750 = arith.muli %scan3A_531, %mul3A_749 : i32
      %add3A_751 = arith.constant 5 : i32
      %add3A_752 = arith.addi %mul3A_750, %add3A_751 : i32
      %dma_wait3A_753 = arith.constant 5 : i32
      %dma_wait3A_754 = arith.constant 0 : i32
      %dma_wait3A_755 = arith.constant 0 : i32
      %dma_wait3A_756 = tpu.memref_slice %arg9[%dma_wait3A_753, %dma_wait3A_754, %dma_wait3A_755] : memref<8x128x64xf32, #tpu.memory_space<vmem>> -> memref<1x64x64xf32, #tpu.memory_space<vmem>>
      %dma_wait3A_757 = tpu.memref_squeeze %dma_wait3A_756 : memref<1x64x64xf32, #tpu.memory_space<vmem>> -> memref<64x64xf32, #tpu.memory_space<vmem>>
      %dma_wait3A_758 = arith.constant 0 : i32
      %dma_wait3A_759 = tpu.memref_slice %arg7[%add3A_752, %dma_wait3A_758] : memref<80x128xi32, #tpu.memory_space<vmem>> -> memref<1x64xi32, #tpu.memory_space<vmem>>
      %dma_wait3A_760 = tpu.memref_squeeze %dma_wait3A_759 : memref<1x64xi32, #tpu.memory_space<vmem>> -> memref<64xi32, #tpu.memory_space<vmem>>
      %dma_wait3A_761 = arith.constant 0 : i32
      %dma_wait3A_762 = arith.constant 0 : i32
      %dma_wait3A_763 = tpu.memref_slice %arg2[%dma_wait3A_761, %dma_wait3A_762] : memref<40000x64xf32, #tpu.memory_space<hbm>> -> memref<40000x64xf32, #tpu.memory_space<hbm>>
      tpu.wait_indirect_dma semaphore(%arg16 : memref<!tpu.dma_semaphore, #tpu.memory_space<semaphore_mem>>) src(%dma_wait3A_763 : memref<40000x64xf32, #tpu.memory_space<hbm>>) dst(%dma_wait3A_757 : memref<64x64xf32, #tpu.memory_space<vmem>>)
      %dma_wait3A_764 = arith.constant 5 : i32
      %dma_wait3A_765 = arith.constant 64 : i32
      %dma_wait3A_766 = arith.constant 0 : i32
      %dma_wait3A_767 = tpu.memref_slice %arg9[%dma_wait3A_764, %dma_wait3A_765, %dma_wait3A_766] : memref<8x128x64xf32, #tpu.memory_space<vmem>> -> memref<1x64x64xf32, #tpu.memory_space<vmem>>
      %dma_wait3A_768 = tpu.memref_squeeze %dma_wait3A_767 : memref<1x64x64xf32, #tpu.memory_space<vmem>> -> memref<64x64xf32, #tpu.memory_space<vmem>>
      %dma_wait3A_769 = arith.constant 64 : i32
      %dma_wait3A_770 = tpu.memref_slice %arg7[%add3A_752, %dma_wait3A_769] : memref<80x128xi32, #tpu.memory_space<vmem>> -> memref<1x64xi32, #tpu.memory_space<vmem>>
      %dma_wait3A_771 = tpu.memref_squeeze %dma_wait3A_770 : memref<1x64xi32, #tpu.memory_space<vmem>> -> memref<64xi32, #tpu.memory_space<vmem>>
      %dma_wait3A_772 = arith.constant 0 : i32
      %dma_wait3A_773 = arith.constant 0 : i32
      %dma_wait3A_774 = tpu.memref_slice %arg2[%dma_wait3A_772, %dma_wait3A_773] : memref<40000x64xf32, #tpu.memory_space<hbm>> -> memref<40000x64xf32, #tpu.memory_space<hbm>>
      tpu.wait_indirect_dma semaphore(%arg24 : memref<!tpu.dma_semaphore, #tpu.memory_space<semaphore_mem>>) src(%dma_wait3A_774 : memref<40000x64xf32, #tpu.memory_space<hbm>>) dst(%dma_wait3A_768 : memref<64x64xf32, #tpu.memory_space<vmem>>)
      %dma_start3A_775 = arith.constant 5 : i32
      %dma_start3A_776 = arith.constant 0 : i32
      %dma_start3A_777 = arith.constant 0 : i32
      %dma_start3A_778 = tpu.memref_slice %arg9[%dma_start3A_775, %dma_start3A_776, %dma_start3A_777] : memref<8x128x64xf32, #tpu.memory_space<vmem>> -> memref<1x128x64xf32, #tpu.memory_space<vmem>>
      %dma_start3A_779 = tpu.memref_squeeze %dma_start3A_778 : memref<1x128x64xf32, #tpu.memory_space<vmem>> -> memref<128x64xf32, #tpu.memory_space<vmem>>
      %dma_start3A_780 = arith.constant 0 : i32
      %dma_start3A_781 = tpu.memref_slice %arg8[%add3A_752, %dma_start3A_780] : memref<80x128xi32, #tpu.memory_space<vmem>> -> memref<1x128xi32, #tpu.memory_space<vmem>>
      %dma_start3A_782 = tpu.memref_squeeze %dma_start3A_781 : memref<1x128xi32, #tpu.memory_space<vmem>> -> memref<128xi32, #tpu.memory_space<vmem>>
      %dma_start3A_783 = arith.constant 0 : i32
      %dma_start3A_784 = arith.constant 0 : i32
      %dma_start3A_785 = tpu.memref_slice %arg10[%dma_start3A_783, %dma_start3A_784] : memref<10016x64xf32, #tpu.memory_space<vmem_shared>> -> memref<10016x64xf32, #tpu.memory_space<vmem_shared>>
      tpu.enqueue_indirect_dma source(%dma_start3A_779 : memref<128x64xf32, #tpu.memory_space<vmem>>) target(%dma_start3A_785 : memref<10016x64xf32, #tpu.memory_space<vmem_shared>>) offsets(%dma_start3A_782 : memref<128xi32, #tpu.memory_space<vmem>>) semaphore(%arg32 : memref<!tpu.dma_semaphore, #tpu.memory_space<semaphore_mem>>) {add = true}
      %add3A_786 = arith.constant 6 : i32
      %add3A_787 = arith.addi %add3A_752, %add3A_786 : i32
      %lt3A_788 = arith.constant 80 : i32
      %lt3A_789 = arith.cmpi slt, %add3A_787, %lt3A_788 : i32
      %convert_element_type3A_790 = arith.extui %lt3A_789 : i1 to i32
      %cond3A_791 = arith.constant 0 : i32
      %cond3A_792 = arith.cmpi ne, %convert_element_type3A_790, %cond3A_791 : i32
      scf.if %cond3A_792 {
        %ge3A = arith.constant 8 : i32
        %ge3A_881 = arith.cmpi sge, %add3A_787, %ge3A : i32
        %convert_element_type3A_882 = arith.extui %ge3A_881 : i1 to i32
        %cond3A_883 = arith.constant 0 : i32
        %cond3A_884 = arith.cmpi ne, %convert_element_type3A_882, %cond3A_883 : i32
        scf.if %cond3A_884 {
          %sub3A = arith.constant 8 : i32
          %sub3A_907 = arith.subi %add3A_787, %sub3A : i32
          %dma_wait3A_908 = arith.constant 3 : i32
          %dma_wait3A_909 = arith.constant 0 : i32
          %dma_wait3A_910 = arith.constant 0 : i32
          %dma_wait3A_911 = tpu.memref_slice %arg9[%dma_wait3A_908, %dma_wait3A_909, %dma_wait3A_910] : memref<8x128x64xf32, #tpu.memory_space<vmem>> -> memref<1x128x64xf32, #tpu.memory_space<vmem>>
          %dma_wait3A_912 = tpu.memref_squeeze %dma_wait3A_911 : memref<1x128x64xf32, #tpu.memory_space<vmem>> -> memref<128x64xf32, #tpu.memory_space<vmem>>
          %dma_wait3A_913 = arith.constant 0 : i32
          %dma_wait3A_914 = tpu.memref_slice %arg8[%sub3A_907, %dma_wait3A_913] : memref<80x128xi32, #tpu.memory_space<vmem>> -> memref<1x128xi32, #tpu.memory_space<vmem>>
          %dma_wait3A_915 = tpu.memref_squeeze %dma_wait3A_914 : memref<1x128xi32, #tpu.memory_space<vmem>> -> memref<128xi32, #tpu.memory_space<vmem>>
          %dma_wait3A_916 = arith.constant 0 : i32
          %dma_wait3A_917 = arith.constant 0 : i32
          %dma_wait3A_918 = tpu.memref_slice %arg10[%dma_wait3A_916, %dma_wait3A_917] : memref<10016x64xf32, #tpu.memory_space<vmem_shared>> -> memref<10016x64xf32, #tpu.memory_space<vmem_shared>>
          tpu.wait_indirect_dma semaphore(%arg30 : memref<!tpu.dma_semaphore, #tpu.memory_space<semaphore_mem>>) src(%dma_wait3A_912 : memref<128x64xf32, #tpu.memory_space<vmem>>) dst(%dma_wait3A_918 : memref<10016x64xf32, #tpu.memory_space<vmem_shared>>)
        } else {
        }
        %dma_start3A_885 = arith.constant 3 : i32
        %dma_start3A_886 = arith.constant 0 : i32
        %dma_start3A_887 = arith.constant 0 : i32
        %dma_start3A_888 = tpu.memref_slice %arg9[%dma_start3A_885, %dma_start3A_886, %dma_start3A_887] : memref<8x128x64xf32, #tpu.memory_space<vmem>> -> memref<1x64x64xf32, #tpu.memory_space<vmem>>
        %dma_start3A_889 = tpu.memref_squeeze %dma_start3A_888 : memref<1x64x64xf32, #tpu.memory_space<vmem>> -> memref<64x64xf32, #tpu.memory_space<vmem>>
        %dma_start3A_890 = arith.constant 0 : i32
        %dma_start3A_891 = tpu.memref_slice %arg7[%add3A_787, %dma_start3A_890] : memref<80x128xi32, #tpu.memory_space<vmem>> -> memref<1x64xi32, #tpu.memory_space<vmem>>
        %dma_start3A_892 = tpu.memref_squeeze %dma_start3A_891 : memref<1x64xi32, #tpu.memory_space<vmem>> -> memref<64xi32, #tpu.memory_space<vmem>>
        %dma_start3A_893 = arith.constant 0 : i32
        %dma_start3A_894 = arith.constant 0 : i32
        %dma_start3A_895 = tpu.memref_slice %arg2[%dma_start3A_893, %dma_start3A_894] : memref<40000x64xf32, #tpu.memory_space<hbm>> -> memref<40000x64xf32, #tpu.memory_space<hbm>>
        tpu.enqueue_indirect_dma source(%dma_start3A_895 : memref<40000x64xf32, #tpu.memory_space<hbm>>) target(%dma_start3A_889 : memref<64x64xf32, #tpu.memory_space<vmem>>) offsets(%dma_start3A_892 : memref<64xi32, #tpu.memory_space<vmem>>) semaphore(%arg14 : memref<!tpu.dma_semaphore, #tpu.memory_space<semaphore_mem>>)
        %dma_start3A_896 = arith.constant 3 : i32
        %dma_start3A_897 = arith.constant 64 : i32
        %dma_start3A_898 = arith.constant 0 : i32
        %dma_start3A_899 = tpu.memref_slice %arg9[%dma_start3A_896, %dma_start3A_897, %dma_start3A_898] : memref<8x128x64xf32, #tpu.memory_space<vmem>> -> memref<1x64x64xf32, #tpu.memory_space<vmem>>
        %dma_start3A_900 = tpu.memref_squeeze %dma_start3A_899 : memref<1x64x64xf32, #tpu.memory_space<vmem>> -> memref<64x64xf32, #tpu.memory_space<vmem>>
        %dma_start3A_901 = arith.constant 64 : i32
        %dma_start3A_902 = tpu.memref_slice %arg7[%add3A_787, %dma_start3A_901] : memref<80x128xi32, #tpu.memory_space<vmem>> -> memref<1x64xi32, #tpu.memory_space<vmem>>
        %dma_start3A_903 = tpu.memref_squeeze %dma_start3A_902 : memref<1x64xi32, #tpu.memory_space<vmem>> -> memref<64xi32, #tpu.memory_space<vmem>>
        %dma_start3A_904 = arith.constant 0 : i32
        %dma_start3A_905 = arith.constant 0 : i32
        %dma_start3A_906 = tpu.memref_slice %arg2[%dma_start3A_904, %dma_start3A_905] : memref<40000x64xf32, #tpu.memory_space<hbm>> -> memref<40000x64xf32, #tpu.memory_space<hbm>>
        tpu.enqueue_indirect_dma source(%dma_start3A_906 : memref<40000x64xf32, #tpu.memory_space<hbm>>) target(%dma_start3A_900 : memref<64x64xf32, #tpu.memory_space<vmem>>) offsets(%dma_start3A_903 : memref<64xi32, #tpu.memory_space<vmem>>) semaphore(%arg22 : memref<!tpu.dma_semaphore, #tpu.memory_space<semaphore_mem>>)
      } else {
      }
      %mul3A_793 = arith.constant 8 : i32
      %mul3A_794 = arith.muli %scan3A_531, %mul3A_793 : i32
      %add3A_795 = arith.constant 6 : i32
      %add3A_796 = arith.addi %mul3A_794, %add3A_795 : i32
      %dma_wait3A_797 = arith.constant 6 : i32
      %dma_wait3A_798 = arith.constant 0 : i32
      %dma_wait3A_799 = arith.constant 0 : i32
      %dma_wait3A_800 = tpu.memref_slice %arg9[%dma_wait3A_797, %dma_wait3A_798, %dma_wait3A_799] : memref<8x128x64xf32, #tpu.memory_space<vmem>> -> memref<1x64x64xf32, #tpu.memory_space<vmem>>
      %dma_wait3A_801 = tpu.memref_squeeze %dma_wait3A_800 : memref<1x64x64xf32, #tpu.memory_space<vmem>> -> memref<64x64xf32, #tpu.memory_space<vmem>>
      %dma_wait3A_802 = arith.constant 0 : i32
      %dma_wait3A_803 = tpu.memref_slice %arg7[%add3A_796, %dma_wait3A_802] : memref<80x128xi32, #tpu.memory_space<vmem>> -> memref<1x64xi32, #tpu.memory_space<vmem>>
      %dma_wait3A_804 = tpu.memref_squeeze %dma_wait3A_803 : memref<1x64xi32, #tpu.memory_space<vmem>> -> memref<64xi32, #tpu.memory_space<vmem>>
      %dma_wait3A_805 = arith.constant 0 : i32
      %dma_wait3A_806 = arith.constant 0 : i32
      %dma_wait3A_807 = tpu.memref_slice %arg2[%dma_wait3A_805, %dma_wait3A_806] : memref<40000x64xf32, #tpu.memory_space<hbm>> -> memref<40000x64xf32, #tpu.memory_space<hbm>>
      tpu.wait_indirect_dma semaphore(%arg17 : memref<!tpu.dma_semaphore, #tpu.memory_space<semaphore_mem>>) src(%dma_wait3A_807 : memref<40000x64xf32, #tpu.memory_space<hbm>>) dst(%dma_wait3A_801 : memref<64x64xf32, #tpu.memory_space<vmem>>)
      %dma_wait3A_808 = arith.constant 6 : i32
      %dma_wait3A_809 = arith.constant 64 : i32
      %dma_wait3A_810 = arith.constant 0 : i32
      %dma_wait3A_811 = tpu.memref_slice %arg9[%dma_wait3A_808, %dma_wait3A_809, %dma_wait3A_810] : memref<8x128x64xf32, #tpu.memory_space<vmem>> -> memref<1x64x64xf32, #tpu.memory_space<vmem>>
      %dma_wait3A_812 = tpu.memref_squeeze %dma_wait3A_811 : memref<1x64x64xf32, #tpu.memory_space<vmem>> -> memref<64x64xf32, #tpu.memory_space<vmem>>
      %dma_wait3A_813 = arith.constant 64 : i32
      %dma_wait3A_814 = tpu.memref_slice %arg7[%add3A_796, %dma_wait3A_813] : memref<80x128xi32, #tpu.memory_space<vmem>> -> memref<1x64xi32, #tpu.memory_space<vmem>>
      %dma_wait3A_815 = tpu.memref_squeeze %dma_wait3A_814 : memref<1x64xi32, #tpu.memory_space<vmem>> -> memref<64xi32, #tpu.memory_space<vmem>>
      %dma_wait3A_816 = arith.constant 0 : i32
      %dma_wait3A_817 = arith.constant 0 : i32
      %dma_wait3A_818 = tpu.memref_slice %arg2[%dma_wait3A_816, %dma_wait3A_817] : memref<40000x64xf32, #tpu.memory_space<hbm>> -> memref<40000x64xf32, #tpu.memory_space<hbm>>
      tpu.wait_indirect_dma semaphore(%arg25 : memref<!tpu.dma_semaphore, #tpu.memory_space<semaphore_mem>>) src(%dma_wait3A_818 : memref<40000x64xf32, #tpu.memory_space<hbm>>) dst(%dma_wait3A_812 : memref<64x64xf32, #tpu.memory_space<vmem>>)
      %dma_start3A_819 = arith.constant 6 : i32
      %dma_start3A_820 = arith.constant 0 : i32
      %dma_start3A_821 = arith.constant 0 : i32
      %dma_start3A_822 = tpu.memref_slice %arg9[%dma_start3A_819, %dma_start3A_820, %dma_start3A_821] : memref<8x128x64xf32, #tpu.memory_space<vmem>> -> memref<1x128x64xf32, #tpu.memory_space<vmem>>
      %dma_start3A_823 = tpu.memref_squeeze %dma_start3A_822 : memref<1x128x64xf32, #tpu.memory_space<vmem>> -> memref<128x64xf32, #tpu.memory_space<vmem>>
      %dma_start3A_824 = arith.constant 0 : i32
      %dma_start3A_825 = tpu.memref_slice %arg8[%add3A_796, %dma_start3A_824] : memref<80x128xi32, #tpu.memory_space<vmem>> -> memref<1x128xi32, #tpu.memory_space<vmem>>
      %dma_start3A_826 = tpu.memref_squeeze %dma_start3A_825 : memref<1x128xi32, #tpu.memory_space<vmem>> -> memref<128xi32, #tpu.memory_space<vmem>>
      %dma_start3A_827 = arith.constant 0 : i32
      %dma_start3A_828 = arith.constant 0 : i32
      %dma_start3A_829 = tpu.memref_slice %arg10[%dma_start3A_827, %dma_start3A_828] : memref<10016x64xf32, #tpu.memory_space<vmem_shared>> -> memref<10016x64xf32, #tpu.memory_space<vmem_shared>>
      tpu.enqueue_indirect_dma source(%dma_start3A_823 : memref<128x64xf32, #tpu.memory_space<vmem>>) target(%dma_start3A_829 : memref<10016x64xf32, #tpu.memory_space<vmem_shared>>) offsets(%dma_start3A_826 : memref<128xi32, #tpu.memory_space<vmem>>) semaphore(%arg33 : memref<!tpu.dma_semaphore, #tpu.memory_space<semaphore_mem>>) {add = true}
      %add3A_830 = arith.constant 6 : i32
      %add3A_831 = arith.addi %add3A_796, %add3A_830 : i32
      %lt3A_832 = arith.constant 80 : i32
      %lt3A_833 = arith.cmpi slt, %add3A_831, %lt3A_832 : i32
      %convert_element_type3A_834 = arith.extui %lt3A_833 : i1 to i32
      %cond3A_835 = arith.constant 0 : i32
      %cond3A_836 = arith.cmpi ne, %convert_element_type3A_834, %cond3A_835 : i32
      scf.if %cond3A_836 {
        %ge3A = arith.constant 8 : i32
        %ge3A_881 = arith.cmpi sge, %add3A_831, %ge3A : i32
        %convert_element_type3A_882 = arith.extui %ge3A_881 : i1 to i32
        %cond3A_883 = arith.constant 0 : i32
        %cond3A_884 = arith.cmpi ne, %convert_element_type3A_882, %cond3A_883 : i32
        scf.if %cond3A_884 {
          %sub3A = arith.constant 8 : i32
          %sub3A_907 = arith.subi %add3A_831, %sub3A : i32
          %dma_wait3A_908 = arith.constant 4 : i32
          %dma_wait3A_909 = arith.constant 0 : i32
          %dma_wait3A_910 = arith.constant 0 : i32
          %dma_wait3A_911 = tpu.memref_slice %arg9[%dma_wait3A_908, %dma_wait3A_909, %dma_wait3A_910] : memref<8x128x64xf32, #tpu.memory_space<vmem>> -> memref<1x128x64xf32, #tpu.memory_space<vmem>>
          %dma_wait3A_912 = tpu.memref_squeeze %dma_wait3A_911 : memref<1x128x64xf32, #tpu.memory_space<vmem>> -> memref<128x64xf32, #tpu.memory_space<vmem>>
          %dma_wait3A_913 = arith.constant 0 : i32
          %dma_wait3A_914 = tpu.memref_slice %arg8[%sub3A_907, %dma_wait3A_913] : memref<80x128xi32, #tpu.memory_space<vmem>> -> memref<1x128xi32, #tpu.memory_space<vmem>>
          %dma_wait3A_915 = tpu.memref_squeeze %dma_wait3A_914 : memref<1x128xi32, #tpu.memory_space<vmem>> -> memref<128xi32, #tpu.memory_space<vmem>>
          %dma_wait3A_916 = arith.constant 0 : i32
          %dma_wait3A_917 = arith.constant 0 : i32
          %dma_wait3A_918 = tpu.memref_slice %arg10[%dma_wait3A_916, %dma_wait3A_917] : memref<10016x64xf32, #tpu.memory_space<vmem_shared>> -> memref<10016x64xf32, #tpu.memory_space<vmem_shared>>
          tpu.wait_indirect_dma semaphore(%arg31 : memref<!tpu.dma_semaphore, #tpu.memory_space<semaphore_mem>>) src(%dma_wait3A_912 : memref<128x64xf32, #tpu.memory_space<vmem>>) dst(%dma_wait3A_918 : memref<10016x64xf32, #tpu.memory_space<vmem_shared>>)
        } else {
        }
        %dma_start3A_885 = arith.constant 4 : i32
        %dma_start3A_886 = arith.constant 0 : i32
        %dma_start3A_887 = arith.constant 0 : i32
        %dma_start3A_888 = tpu.memref_slice %arg9[%dma_start3A_885, %dma_start3A_886, %dma_start3A_887] : memref<8x128x64xf32, #tpu.memory_space<vmem>> -> memref<1x64x64xf32, #tpu.memory_space<vmem>>
        %dma_start3A_889 = tpu.memref_squeeze %dma_start3A_888 : memref<1x64x64xf32, #tpu.memory_space<vmem>> -> memref<64x64xf32, #tpu.memory_space<vmem>>
        %dma_start3A_890 = arith.constant 0 : i32
        %dma_start3A_891 = tpu.memref_slice %arg7[%add3A_831, %dma_start3A_890] : memref<80x128xi32, #tpu.memory_space<vmem>> -> memref<1x64xi32, #tpu.memory_space<vmem>>
        %dma_start3A_892 = tpu.memref_squeeze %dma_start3A_891 : memref<1x64xi32, #tpu.memory_space<vmem>> -> memref<64xi32, #tpu.memory_space<vmem>>
        %dma_start3A_893 = arith.constant 0 : i32
        %dma_start3A_894 = arith.constant 0 : i32
        %dma_start3A_895 = tpu.memref_slice %arg2[%dma_start3A_893, %dma_start3A_894] : memref<40000x64xf32, #tpu.memory_space<hbm>> -> memref<40000x64xf32, #tpu.memory_space<hbm>>
        tpu.enqueue_indirect_dma source(%dma_start3A_895 : memref<40000x64xf32, #tpu.memory_space<hbm>>) target(%dma_start3A_889 : memref<64x64xf32, #tpu.memory_space<vmem>>) offsets(%dma_start3A_892 : memref<64xi32, #tpu.memory_space<vmem>>) semaphore(%arg15 : memref<!tpu.dma_semaphore, #tpu.memory_space<semaphore_mem>>)
        %dma_start3A_896 = arith.constant 4 : i32
        %dma_start3A_897 = arith.constant 64 : i32
        %dma_start3A_898 = arith.constant 0 : i32
        %dma_start3A_899 = tpu.memref_slice %arg9[%dma_start3A_896, %dma_start3A_897, %dma_start3A_898] : memref<8x128x64xf32, #tpu.memory_space<vmem>> -> memref<1x64x64xf32, #tpu.memory_space<vmem>>
        %dma_start3A_900 = tpu.memref_squeeze %dma_start3A_899 : memref<1x64x64xf32, #tpu.memory_space<vmem>> -> memref<64x64xf32, #tpu.memory_space<vmem>>
        %dma_start3A_901 = arith.constant 64 : i32
        %dma_start3A_902 = tpu.memref_slice %arg7[%add3A_831, %dma_start3A_901] : memref<80x128xi32, #tpu.memory_space<vmem>> -> memref<1x64xi32, #tpu.memory_space<vmem>>
        %dma_start3A_903 = tpu.memref_squeeze %dma_start3A_902 : memref<1x64xi32, #tpu.memory_space<vmem>> -> memref<64xi32, #tpu.memory_space<vmem>>
        %dma_start3A_904 = arith.constant 0 : i32
        %dma_start3A_905 = arith.constant 0 : i32
        %dma_start3A_906 = tpu.memref_slice %arg2[%dma_start3A_904, %dma_start3A_905] : memref<40000x64xf32, #tpu.memory_space<hbm>> -> memref<40000x64xf32, #tpu.memory_space<hbm>>
        tpu.enqueue_indirect_dma source(%dma_start3A_906 : memref<40000x64xf32, #tpu.memory_space<hbm>>) target(%dma_start3A_900 : memref<64x64xf32, #tpu.memory_space<vmem>>) offsets(%dma_start3A_903 : memref<64xi32, #tpu.memory_space<vmem>>) semaphore(%arg23 : memref<!tpu.dma_semaphore, #tpu.memory_space<semaphore_mem>>)
      } else {
      }
      %mul3A_837 = arith.constant 8 : i32
      %mul3A_838 = arith.muli %scan3A_531, %mul3A_837 : i32
      %add3A_839 = arith.constant 7 : i32
      %add3A_840 = arith.addi %mul3A_838, %add3A_839 : i32
      %dma_wait3A_841 = arith.constant 7 : i32
      %dma_wait3A_842 = arith.constant 0 : i32
      %dma_wait3A_843 = arith.constant 0 : i32
      %dma_wait3A_844 = tpu.memref_slice %arg9[%dma_wait3A_841, %dma_wait3A_842, %dma_wait3A_843] : memref<8x128x64xf32, #tpu.memory_space<vmem>> -> memref<1x64x64xf32, #tpu.memory_space<vmem>>
      %dma_wait3A_845 = tpu.memref_squeeze %dma_wait3A_844 : memref<1x64x64xf32, #tpu.memory_space<vmem>> -> memref<64x64xf32, #tpu.memory_space<vmem>>
      %dma_wait3A_846 = arith.constant 0 : i32
      %dma_wait3A_847 = tpu.memref_slice %arg7[%add3A_840, %dma_wait3A_846] : memref<80x128xi32, #tpu.memory_space<vmem>> -> memref<1x64xi32, #tpu.memory_space<vmem>>
      %dma_wait3A_848 = tpu.memref_squeeze %dma_wait3A_847 : memref<1x64xi32, #tpu.memory_space<vmem>> -> memref<64xi32, #tpu.memory_space<vmem>>
      %dma_wait3A_849 = arith.constant 0 : i32
      %dma_wait3A_850 = arith.constant 0 : i32
      %dma_wait3A_851 = tpu.memref_slice %arg2[%dma_wait3A_849, %dma_wait3A_850] : memref<40000x64xf32, #tpu.memory_space<hbm>> -> memref<40000x64xf32, #tpu.memory_space<hbm>>
      tpu.wait_indirect_dma semaphore(%arg18 : memref<!tpu.dma_semaphore, #tpu.memory_space<semaphore_mem>>) src(%dma_wait3A_851 : memref<40000x64xf32, #tpu.memory_space<hbm>>) dst(%dma_wait3A_845 : memref<64x64xf32, #tpu.memory_space<vmem>>)
      %dma_wait3A_852 = arith.constant 7 : i32
      %dma_wait3A_853 = arith.constant 64 : i32
      %dma_wait3A_854 = arith.constant 0 : i32
      %dma_wait3A_855 = tpu.memref_slice %arg9[%dma_wait3A_852, %dma_wait3A_853, %dma_wait3A_854] : memref<8x128x64xf32, #tpu.memory_space<vmem>> -> memref<1x64x64xf32, #tpu.memory_space<vmem>>
      %dma_wait3A_856 = tpu.memref_squeeze %dma_wait3A_855 : memref<1x64x64xf32, #tpu.memory_space<vmem>> -> memref<64x64xf32, #tpu.memory_space<vmem>>
      %dma_wait3A_857 = arith.constant 64 : i32
      %dma_wait3A_858 = tpu.memref_slice %arg7[%add3A_840, %dma_wait3A_857] : memref<80x128xi32, #tpu.memory_space<vmem>> -> memref<1x64xi32, #tpu.memory_space<vmem>>
      %dma_wait3A_859 = tpu.memref_squeeze %dma_wait3A_858 : memref<1x64xi32, #tpu.memory_space<vmem>> -> memref<64xi32, #tpu.memory_space<vmem>>
      %dma_wait3A_860 = arith.constant 0 : i32
      %dma_wait3A_861 = arith.constant 0 : i32
      %dma_wait3A_862 = tpu.memref_slice %arg2[%dma_wait3A_860, %dma_wait3A_861] : memref<40000x64xf32, #tpu.memory_space<hbm>> -> memref<40000x64xf32, #tpu.memory_space<hbm>>
      tpu.wait_indirect_dma semaphore(%arg26 : memref<!tpu.dma_semaphore, #tpu.memory_space<semaphore_mem>>) src(%dma_wait3A_862 : memref<40000x64xf32, #tpu.memory_space<hbm>>) dst(%dma_wait3A_856 : memref<64x64xf32, #tpu.memory_space<vmem>>)
      %dma_start3A_863 = arith.constant 7 : i32
      %dma_start3A_864 = arith.constant 0 : i32
      %dma_start3A_865 = arith.constant 0 : i32
      %dma_start3A_866 = tpu.memref_slice %arg9[%dma_start3A_863, %dma_start3A_864, %dma_start3A_865] : memref<8x128x64xf32, #tpu.memory_space<vmem>> -> memref<1x128x64xf32, #tpu.memory_space<vmem>>
      %dma_start3A_867 = tpu.memref_squeeze %dma_start3A_866 : memref<1x128x64xf32, #tpu.memory_space<vmem>> -> memref<128x64xf32, #tpu.memory_space<vmem>>
      %dma_start3A_868 = arith.constant 0 : i32
      %dma_start3A_869 = tpu.memref_slice %arg8[%add3A_840, %dma_start3A_868] : memref<80x128xi32, #tpu.memory_space<vmem>> -> memref<1x128xi32, #tpu.memory_space<vmem>>
      %dma_start3A_870 = tpu.memref_squeeze %dma_start3A_869 : memref<1x128xi32, #tpu.memory_space<vmem>> -> memref<128xi32, #tpu.memory_space<vmem>>
      %dma_start3A_871 = arith.constant 0 : i32
      %dma_start3A_872 = arith.constant 0 : i32
      %dma_start3A_873 = tpu.memref_slice %arg10[%dma_start3A_871, %dma_start3A_872] : memref<10016x64xf32, #tpu.memory_space<vmem_shared>> -> memref<10016x64xf32, #tpu.memory_space<vmem_shared>>
      tpu.enqueue_indirect_dma source(%dma_start3A_867 : memref<128x64xf32, #tpu.memory_space<vmem>>) target(%dma_start3A_873 : memref<10016x64xf32, #tpu.memory_space<vmem_shared>>) offsets(%dma_start3A_870 : memref<128xi32, #tpu.memory_space<vmem>>) semaphore(%arg34 : memref<!tpu.dma_semaphore, #tpu.memory_space<semaphore_mem>>) {add = true}
      %add3A_874 = arith.constant 6 : i32
      %add3A_875 = arith.addi %add3A_840, %add3A_874 : i32
      %lt3A_876 = arith.constant 80 : i32
      %lt3A_877 = arith.cmpi slt, %add3A_875, %lt3A_876 : i32
      %convert_element_type3A_878 = arith.extui %lt3A_877 : i1 to i32
      %cond3A_879 = arith.constant 0 : i32
      %cond3A_880 = arith.cmpi ne, %convert_element_type3A_878, %cond3A_879 : i32
      scf.if %cond3A_880 {
        %ge3A = arith.constant 8 : i32
        %ge3A_881 = arith.cmpi sge, %add3A_875, %ge3A : i32
        %convert_element_type3A_882 = arith.extui %ge3A_881 : i1 to i32
        %cond3A_883 = arith.constant 0 : i32
        %cond3A_884 = arith.cmpi ne, %convert_element_type3A_882, %cond3A_883 : i32
        scf.if %cond3A_884 {
          %sub3A = arith.constant 8 : i32
          %sub3A_907 = arith.subi %add3A_875, %sub3A : i32
          %dma_wait3A_908 = arith.constant 5 : i32
          %dma_wait3A_909 = arith.constant 0 : i32
          %dma_wait3A_910 = arith.constant 0 : i32
          %dma_wait3A_911 = tpu.memref_slice %arg9[%dma_wait3A_908, %dma_wait3A_909, %dma_wait3A_910] : memref<8x128x64xf32, #tpu.memory_space<vmem>> -> memref<1x128x64xf32, #tpu.memory_space<vmem>>
          %dma_wait3A_912 = tpu.memref_squeeze %dma_wait3A_911 : memref<1x128x64xf32, #tpu.memory_space<vmem>> -> memref<128x64xf32, #tpu.memory_space<vmem>>
          %dma_wait3A_913 = arith.constant 0 : i32
          %dma_wait3A_914 = tpu.memref_slice %arg8[%sub3A_907, %dma_wait3A_913] : memref<80x128xi32, #tpu.memory_space<vmem>> -> memref<1x128xi32, #tpu.memory_space<vmem>>
          %dma_wait3A_915 = tpu.memref_squeeze %dma_wait3A_914 : memref<1x128xi32, #tpu.memory_space<vmem>> -> memref<128xi32, #tpu.memory_space<vmem>>
          %dma_wait3A_916 = arith.constant 0 : i32
          %dma_wait3A_917 = arith.constant 0 : i32
          %dma_wait3A_918 = tpu.memref_slice %arg10[%dma_wait3A_916, %dma_wait3A_917] : memref<10016x64xf32, #tpu.memory_space<vmem_shared>> -> memref<10016x64xf32, #tpu.memory_space<vmem_shared>>
          tpu.wait_indirect_dma semaphore(%arg32 : memref<!tpu.dma_semaphore, #tpu.memory_space<semaphore_mem>>) src(%dma_wait3A_912 : memref<128x64xf32, #tpu.memory_space<vmem>>) dst(%dma_wait3A_918 : memref<10016x64xf32, #tpu.memory_space<vmem_shared>>)
        } else {
        }
        %dma_start3A_885 = arith.constant 5 : i32
        %dma_start3A_886 = arith.constant 0 : i32
        %dma_start3A_887 = arith.constant 0 : i32
        %dma_start3A_888 = tpu.memref_slice %arg9[%dma_start3A_885, %dma_start3A_886, %dma_start3A_887] : memref<8x128x64xf32, #tpu.memory_space<vmem>> -> memref<1x64x64xf32, #tpu.memory_space<vmem>>
        %dma_start3A_889 = tpu.memref_squeeze %dma_start3A_888 : memref<1x64x64xf32, #tpu.memory_space<vmem>> -> memref<64x64xf32, #tpu.memory_space<vmem>>
        %dma_start3A_890 = arith.constant 0 : i32
        %dma_start3A_891 = tpu.memref_slice %arg7[%add3A_875, %dma_start3A_890] : memref<80x128xi32, #tpu.memory_space<vmem>> -> memref<1x64xi32, #tpu.memory_space<vmem>>
        %dma_start3A_892 = tpu.memref_squeeze %dma_start3A_891 : memref<1x64xi32, #tpu.memory_space<vmem>> -> memref<64xi32, #tpu.memory_space<vmem>>
        %dma_start3A_893 = arith.constant 0 : i32
        %dma_start3A_894 = arith.constant 0 : i32
        %dma_start3A_895 = tpu.memref_slice %arg2[%dma_start3A_893, %dma_start3A_894] : memref<40000x64xf32, #tpu.memory_space<hbm>> -> memref<40000x64xf32, #tpu.memory_space<hbm>>
        tpu.enqueue_indirect_dma source(%dma_start3A_895 : memref<40000x64xf32, #tpu.memory_space<hbm>>) target(%dma_start3A_889 : memref<64x64xf32, #tpu.memory_space<vmem>>) offsets(%dma_start3A_892 : memref<64xi32, #tpu.memory_space<vmem>>) semaphore(%arg16 : memref<!tpu.dma_semaphore, #tpu.memory_space<semaphore_mem>>)
        %dma_start3A_896 = arith.constant 5 : i32
        %dma_start3A_897 = arith.constant 64 : i32
        %dma_start3A_898 = arith.constant 0 : i32
        %dma_start3A_899 = tpu.memref_slice %arg9[%dma_start3A_896, %dma_start3A_897, %dma_start3A_898] : memref<8x128x64xf32, #tpu.memory_space<vmem>> -> memref<1x64x64xf32, #tpu.memory_space<vmem>>
        %dma_start3A_900 = tpu.memref_squeeze %dma_start3A_899 : memref<1x64x64xf32, #tpu.memory_space<vmem>> -> memref<64x64xf32, #tpu.memory_space<vmem>>
        %dma_start3A_901 = arith.constant 64 : i32
        %dma_start3A_902 = tpu.memref_slice %arg7[%add3A_875, %dma_start3A_901] : memref<80x128xi32, #tpu.memory_space<vmem>> -> memref<1x64xi32, #tpu.memory_space<vmem>>
        %dma_start3A_903 = tpu.memref_squeeze %dma_start3A_902 : memref<1x64xi32, #tpu.memory_space<vmem>> -> memref<64xi32, #tpu.memory_space<vmem>>
        %dma_start3A_904 = arith.constant 0 : i32
        %dma_start3A_905 = arith.constant 0 : i32
        %dma_start3A_906 = tpu.memref_slice %arg2[%dma_start3A_904, %dma_start3A_905] : memref<40000x64xf32, #tpu.memory_space<hbm>> -> memref<40000x64xf32, #tpu.memory_space<hbm>>
        tpu.enqueue_indirect_dma source(%dma_start3A_906 : memref<40000x64xf32, #tpu.memory_space<hbm>>) target(%dma_start3A_900 : memref<64x64xf32, #tpu.memory_space<vmem>>) offsets(%dma_start3A_903 : memref<64xi32, #tpu.memory_space<vmem>>) semaphore(%arg24 : memref<!tpu.dma_semaphore, #tpu.memory_space<semaphore_mem>>)
      } else {
      }
    }
    %scan3A_157 = arith.constant 10 : i32
    %dma_wait3A = arith.constant 0 : i32
    %dma_wait3A_158 = arith.constant 72 : i32
    %dma_wait3A_159 = arith.constant 0 : i32
    %dma_wait3A_160 = arith.constant 0 : i32
    %dma_wait3A_161 = tpu.memref_slice %arg9[%dma_wait3A, %dma_wait3A_159, %dma_wait3A_160] : memref<8x128x64xf32, #tpu.memory_space<vmem>> -> memref<1x128x64xf32, #tpu.memory_space<vmem>>
    %dma_wait3A_162 = tpu.memref_squeeze %dma_wait3A_161 : memref<1x128x64xf32, #tpu.memory_space<vmem>> -> memref<128x64xf32, #tpu.memory_space<vmem>>
    %dma_wait3A_163 = arith.constant 0 : i32
    %dma_wait3A_164 = tpu.memref_slice %arg8[%dma_wait3A_158, %dma_wait3A_163] : memref<80x128xi32, #tpu.memory_space<vmem>> -> memref<1x128xi32, #tpu.memory_space<vmem>>
    %dma_wait3A_165 = tpu.memref_squeeze %dma_wait3A_164 : memref<1x128xi32, #tpu.memory_space<vmem>> -> memref<128xi32, #tpu.memory_space<vmem>>
    %dma_wait3A_166 = arith.constant 0 : i32
    %dma_wait3A_167 = arith.constant 0 : i32
    %dma_wait3A_168 = tpu.memref_slice %arg10[%dma_wait3A_166, %dma_wait3A_167] : memref<10016x64xf32, #tpu.memory_space<vmem_shared>> -> memref<10016x64xf32, #tpu.memory_space<vmem_shared>>
    tpu.wait_indirect_dma semaphore(%arg27 : memref<!tpu.dma_semaphore, #tpu.memory_space<semaphore_mem>>) src(%dma_wait3A_162 : memref<128x64xf32, #tpu.memory_space<vmem>>) dst(%dma_wait3A_168 : memref<10016x64xf32, #tpu.memory_space<vmem_shared>>)
    %dma_wait3A_169 = arith.constant 1 : i32
    %dma_wait3A_170 = arith.constant 73 : i32
    %dma_wait3A_171 = arith.constant 0 : i32
    %dma_wait3A_172 = arith.constant 0 : i32
    %dma_wait3A_173 = tpu.memref_slice %arg9[%dma_wait3A_169, %dma_wait3A_171, %dma_wait3A_172] : memref<8x128x64xf32, #tpu.memory_space<vmem>> -> memref<1x128x64xf32, #tpu.memory_space<vmem>>
    %dma_wait3A_174 = tpu.memref_squeeze %dma_wait3A_173 : memref<1x128x64xf32, #tpu.memory_space<vmem>> -> memref<128x64xf32, #tpu.memory_space<vmem>>
    %dma_wait3A_175 = arith.constant 0 : i32
    %dma_wait3A_176 = tpu.memref_slice %arg8[%dma_wait3A_170, %dma_wait3A_175] : memref<80x128xi32, #tpu.memory_space<vmem>> -> memref<1x128xi32, #tpu.memory_space<vmem>>
    %dma_wait3A_177 = tpu.memref_squeeze %dma_wait3A_176 : memref<1x128xi32, #tpu.memory_space<vmem>> -> memref<128xi32, #tpu.memory_space<vmem>>
    %dma_wait3A_178 = arith.constant 0 : i32
    %dma_wait3A_179 = arith.constant 0 : i32
    %dma_wait3A_180 = tpu.memref_slice %arg10[%dma_wait3A_178, %dma_wait3A_179] : memref<10016x64xf32, #tpu.memory_space<vmem_shared>> -> memref<10016x64xf32, #tpu.memory_space<vmem_shared>>
    tpu.wait_indirect_dma semaphore(%arg28 : memref<!tpu.dma_semaphore, #tpu.memory_space<semaphore_mem>>) src(%dma_wait3A_174 : memref<128x64xf32, #tpu.memory_space<vmem>>) dst(%dma_wait3A_180 : memref<10016x64xf32, #tpu.memory_space<vmem_shared>>)
    %dma_wait3A_181 = arith.constant 2 : i32
    %dma_wait3A_182 = arith.constant 74 : i32
    %dma_wait3A_183 = arith.constant 0 : i32
    %dma_wait3A_184 = arith.constant 0 : i32
    %dma_wait3A_185 = tpu.memref_slice %arg9[%dma_wait3A_181, %dma_wait3A_183, %dma_wait3A_184] : memref<8x128x64xf32, #tpu.memory_space<vmem>> -> memref<1x128x64xf32, #tpu.memory_space<vmem>>
    %dma_wait3A_186 = tpu.memref_squeeze %dma_wait3A_185 : memref<1x128x64xf32, #tpu.memory_space<vmem>> -> memref<128x64xf32, #tpu.memory_space<vmem>>
    %dma_wait3A_187 = arith.constant 0 : i32
    %dma_wait3A_188 = tpu.memref_slice %arg8[%dma_wait3A_182, %dma_wait3A_187] : memref<80x128xi32, #tpu.memory_space<vmem>> -> memref<1x128xi32, #tpu.memory_space<vmem>>
    %dma_wait3A_189 = tpu.memref_squeeze %dma_wait3A_188 : memref<1x128xi32, #tpu.memory_space<vmem>> -> memref<128xi32, #tpu.memory_space<vmem>>
    %dma_wait3A_190 = arith.constant 0 : i32
    %dma_wait3A_191 = arith.constant 0 : i32
    %dma_wait3A_192 = tpu.memref_slice %arg10[%dma_wait3A_190, %dma_wait3A_191] : memref<10016x64xf32, #tpu.memory_space<vmem_shared>> -> memref<10016x64xf32, #tpu.memory_space<vmem_shared>>
    tpu.wait_indirect_dma semaphore(%arg29 : memref<!tpu.dma_semaphore, #tpu.memory_space<semaphore_mem>>) src(%dma_wait3A_186 : memref<128x64xf32, #tpu.memory_space<vmem>>) dst(%dma_wait3A_192 : memref<10016x64xf32, #tpu.memory_space<vmem_shared>>)
    %dma_wait3A_193 = arith.constant 3 : i32
    %dma_wait3A_194 = arith.constant 75 : i32
    %dma_wait3A_195 = arith.constant 0 : i32
    %dma_wait3A_196 = arith.constant 0 : i32
    %dma_wait3A_197 = tpu.memref_slice %arg9[%dma_wait3A_193, %dma_wait3A_195, %dma_wait3A_196] : memref<8x128x64xf32, #tpu.memory_space<vmem>> -> memref<1x128x64xf32, #tpu.memory_space<vmem>>
    %dma_wait3A_198 = tpu.memref_squeeze %dma_wait3A_197 : memref<1x128x64xf32, #tpu.memory_space<vmem>> -> memref<128x64xf32, #tpu.memory_space<vmem>>
    %dma_wait3A_199 = arith.constant 0 : i32
    %dma_wait3A_200 = tpu.memref_slice %arg8[%dma_wait3A_194, %dma_wait3A_199] : memref<80x128xi32, #tpu.memory_space<vmem>> -> memref<1x128xi32, #tpu.memory_space<vmem>>
    %dma_wait3A_201 = tpu.memref_squeeze %dma_wait3A_200 : memref<1x128xi32, #tpu.memory_space<vmem>> -> memref<128xi32, #tpu.memory_space<vmem>>
    %dma_wait3A_202 = arith.constant 0 : i32
    %dma_wait3A_203 = arith.constant 0 : i32
    %dma_wait3A_204 = tpu.memref_slice %arg10[%dma_wait3A_202, %dma_wait3A_203] : memref<10016x64xf32, #tpu.memory_space<vmem_shared>> -> memref<10016x64xf32, #tpu.memory_space<vmem_shared>>
    tpu.wait_indirect_dma semaphore(%arg30 : memref<!tpu.dma_semaphore, #tpu.memory_space<semaphore_mem>>) src(%dma_wait3A_198 : memref<128x64xf32, #tpu.memory_space<vmem>>) dst(%dma_wait3A_204 : memref<10016x64xf32, #tpu.memory_space<vmem_shared>>)
    %dma_wait3A_205 = arith.constant 4 : i32
    %dma_wait3A_206 = arith.constant 76 : i32
    %dma_wait3A_207 = arith.constant 0 : i32
    %dma_wait3A_208 = arith.constant 0 : i32
    %dma_wait3A_209 = tpu.memref_slice %arg9[%dma_wait3A_205, %dma_wait3A_207, %dma_wait3A_208] : memref<8x128x64xf32, #tpu.memory_space<vmem>> -> memref<1x128x64xf32, #tpu.memory_space<vmem>>
    %dma_wait3A_210 = tpu.memref_squeeze %dma_wait3A_209 : memref<1x128x64xf32, #tpu.memory_space<vmem>> -> memref<128x64xf32, #tpu.memory_space<vmem>>
    %dma_wait3A_211 = arith.constant 0 : i32
    %dma_wait3A_212 = tpu.memref_slice %arg8[%dma_wait3A_206, %dma_wait3A_211] : memref<80x128xi32, #tpu.memory_space<vmem>> -> memref<1x128xi32, #tpu.memory_space<vmem>>
    %dma_wait3A_213 = tpu.memref_squeeze %dma_wait3A_212 : memref<1x128xi32, #tpu.memory_space<vmem>> -> memref<128xi32, #tpu.memory_space<vmem>>
    %dma_wait3A_214 = arith.constant 0 : i32
    %dma_wait3A_215 = arith.constant 0 : i32
    %dma_wait3A_216 = tpu.memref_slice %arg10[%dma_wait3A_214, %dma_wait3A_215] : memref<10016x64xf32, #tpu.memory_space<vmem_shared>> -> memref<10016x64xf32, #tpu.memory_space<vmem_shared>>
    tpu.wait_indirect_dma semaphore(%arg31 : memref<!tpu.dma_semaphore, #tpu.memory_space<semaphore_mem>>) src(%dma_wait3A_210 : memref<128x64xf32, #tpu.memory_space<vmem>>) dst(%dma_wait3A_216 : memref<10016x64xf32, #tpu.memory_space<vmem_shared>>)
    %dma_wait3A_217 = arith.constant 5 : i32
    %dma_wait3A_218 = arith.constant 77 : i32
    %dma_wait3A_219 = arith.constant 0 : i32
    %dma_wait3A_220 = arith.constant 0 : i32
    %dma_wait3A_221 = tpu.memref_slice %arg9[%dma_wait3A_217, %dma_wait3A_219, %dma_wait3A_220] : memref<8x128x64xf32, #tpu.memory_space<vmem>> -> memref<1x128x64xf32, #tpu.memory_space<vmem>>
    %dma_wait3A_222 = tpu.memref_squeeze %dma_wait3A_221 : memref<1x128x64xf32, #tpu.memory_space<vmem>> -> memref<128x64xf32, #tpu.memory_space<vmem>>
    %dma_wait3A_223 = arith.constant 0 : i32
    %dma_wait3A_224 = tpu.memref_slice %arg8[%dma_wait3A_218, %dma_wait3A_223] : memref<80x128xi32, #tpu.memory_space<vmem>> -> memref<1x128xi32, #tpu.memory_space<vmem>>
    %dma_wait3A_225 = tpu.memref_squeeze %dma_wait3A_224 : memref<1x128xi32, #tpu.memory_space<vmem>> -> memref<128xi32, #tpu.memory_space<vmem>>
    %dma_wait3A_226 = arith.constant 0 : i32
    %dma_wait3A_227 = arith.constant 0 : i32
    %dma_wait3A_228 = tpu.memref_slice %arg10[%dma_wait3A_226, %dma_wait3A_227] : memref<10016x64xf32, #tpu.memory_space<vmem_shared>> -> memref<10016x64xf32, #tpu.memory_space<vmem_shared>>
    tpu.wait_indirect_dma semaphore(%arg32 : memref<!tpu.dma_semaphore, #tpu.memory_space<semaphore_mem>>) src(%dma_wait3A_222 : memref<128x64xf32, #tpu.memory_space<vmem>>) dst(%dma_wait3A_228 : memref<10016x64xf32, #tpu.memory_space<vmem_shared>>)
    %dma_wait3A_229 = arith.constant 6 : i32
    %dma_wait3A_230 = arith.constant 78 : i32
    %dma_wait3A_231 = arith.constant 0 : i32
    %dma_wait3A_232 = arith.constant 0 : i32
    %dma_wait3A_233 = tpu.memref_slice %arg9[%dma_wait3A_229, %dma_wait3A_231, %dma_wait3A_232] : memref<8x128x64xf32, #tpu.memory_space<vmem>> -> memref<1x128x64xf32, #tpu.memory_space<vmem>>
    %dma_wait3A_234 = tpu.memref_squeeze %dma_wait3A_233 : memref<1x128x64xf32, #tpu.memory_space<vmem>> -> memref<128x64xf32, #tpu.memory_space<vmem>>
    %dma_wait3A_235 = arith.constant 0 : i32
    %dma_wait3A_236 = tpu.memref_slice %arg8[%dma_wait3A_230, %dma_wait3A_235] : memref<80x128xi32, #tpu.memory_space<vmem>> -> memref<1x128xi32, #tpu.memory_space<vmem>>
    %dma_wait3A_237 = tpu.memref_squeeze %dma_wait3A_236 : memref<1x128xi32, #tpu.memory_space<vmem>> -> memref<128xi32, #tpu.memory_space<vmem>>
    %dma_wait3A_238 = arith.constant 0 : i32
    %dma_wait3A_239 = arith.constant 0 : i32
    %dma_wait3A_240 = tpu.memref_slice %arg10[%dma_wait3A_238, %dma_wait3A_239] : memref<10016x64xf32, #tpu.memory_space<vmem_shared>> -> memref<10016x64xf32, #tpu.memory_space<vmem_shared>>
    tpu.wait_indirect_dma semaphore(%arg33 : memref<!tpu.dma_semaphore, #tpu.memory_space<semaphore_mem>>) src(%dma_wait3A_234 : memref<128x64xf32, #tpu.memory_space<vmem>>) dst(%dma_wait3A_240 : memref<10016x64xf32, #tpu.memory_space<vmem_shared>>)
    %dma_wait3A_241 = arith.constant 7 : i32
    %dma_wait3A_242 = arith.constant 79 : i32
    %dma_wait3A_243 = arith.constant 0 : i32
    %dma_wait3A_244 = arith.constant 0 : i32
    %dma_wait3A_245 = tpu.memref_slice %arg9[%dma_wait3A_241, %dma_wait3A_243, %dma_wait3A_244] : memref<8x128x64xf32, #tpu.memory_space<vmem>> -> memref<1x128x64xf32, #tpu.memory_space<vmem>>
    %dma_wait3A_246 = tpu.memref_squeeze %dma_wait3A_245 : memref<1x128x64xf32, #tpu.memory_space<vmem>> -> memref<128x64xf32, #tpu.memory_space<vmem>>
    %dma_wait3A_247 = arith.constant 0 : i32
    %dma_wait3A_248 = tpu.memref_slice %arg8[%dma_wait3A_242, %dma_wait3A_247] : memref<80x128xi32, #tpu.memory_space<vmem>> -> memref<1x128xi32, #tpu.memory_space<vmem>>
    %dma_wait3A_249 = tpu.memref_squeeze %dma_wait3A_248 : memref<1x128xi32, #tpu.memory_space<vmem>> -> memref<128xi32, #tpu.memory_space<vmem>>
    %dma_wait3A_250 = arith.constant 0 : i32
    %dma_wait3A_251 = arith.constant 0 : i32
    %dma_wait3A_252 = tpu.memref_slice %arg10[%dma_wait3A_250, %dma_wait3A_251] : memref<10016x64xf32, #tpu.memory_space<vmem_shared>> -> memref<10016x64xf32, #tpu.memory_space<vmem_shared>>
    tpu.wait_indirect_dma semaphore(%arg34 : memref<!tpu.dma_semaphore, #tpu.memory_space<semaphore_mem>>) src(%dma_wait3A_246 : memref<128x64xf32, #tpu.memory_space<vmem>>) dst(%dma_wait3A_252 : memref<10016x64xf32, #tpu.memory_space<vmem_shared>>)
    %barrier3A_253 = arith.constant 0 : index
    tpu.barrier barrier_id(%barrier3A_253)
    %mul3A_254 = arith.constant 626 : i32
    %mul3A_255 = arith.muli %arg1, %mul3A_254 : i32
    %add3A_256 = arith.constant 0 : i32
    %add3A_257 = arith.addi %add3A_256, %arg0 : i32
    %mul3A_258 = arith.constant 10016 : i32
    %mul3A_259 = arith.muli %add3A_257, %mul3A_258 : i32
    %mul3A_260 = arith.constant 626 : i32
    %mul3A_261 = arith.muli %arg1, %mul3A_260 : i32
    %add3A_262 = arith.addi %mul3A_259, %mul3A_261 : i32
    "tpu.region"() ({
      %run_scoped3A = tpu.sem_alloc : memref<!tpu.dma_semaphore, #tpu.memory_space<semaphore_mem>>
      %dma_start3A_531 = arith.constant 0 : i32
      %dma_start3A_532 = tpu.memref_slice %arg6[%add3A_262, %dma_start3A_531] : memref<40064x64xf32, #tpu.memory_space<hbm>> -> memref<626x64xf32, #tpu.memory_space<hbm>>
      %dma_start3A_533 = arith.constant 0 : i32
      %dma_start3A_534 = tpu.memref_slice %arg10[%mul3A_255, %dma_start3A_533] : memref<10016x64xf32, #tpu.memory_space<vmem_shared>> -> memref<626x64xf32, #tpu.memory_space<vmem_shared>>
      tpu.enqueue_dma source(%dma_start3A_534 : memref<626x64xf32, #tpu.memory_space<vmem_shared>>) target(%dma_start3A_532 : memref<626x64xf32, #tpu.memory_space<hbm>>) target_semaphore(%run_scoped3A : memref<!tpu.dma_semaphore, #tpu.memory_space<semaphore_mem>>)
      %dma_wait3A_535 = arith.constant 0 : i32
      %dma_wait3A_536 = tpu.memref_slice %arg6[%add3A_262, %dma_wait3A_535] : memref<40064x64xf32, #tpu.memory_space<hbm>> -> memref<626x64xf32, #tpu.memory_space<hbm>>
      %dma_wait3A_537 = arith.constant 0 : i32
      %dma_wait3A_538 = tpu.memref_slice %arg10[%mul3A_255, %dma_wait3A_537] : memref<10016x64xf32, #tpu.memory_space<vmem_shared>> -> memref<626x64xf32, #tpu.memory_space<vmem_shared>>
      tpu.wait_dma2 semaphore(%run_scoped3A : memref<!tpu.dma_semaphore, #tpu.memory_space<semaphore_mem>>) src(%dma_wait3A_538 : memref<626x64xf32, #tpu.memory_space<vmem_shared>>) dst(%dma_wait3A_536 : memref<626x64xf32, #tpu.memory_space<hbm>>)
      tpu.yield
    }) : () -> ()
    %barrier3A_263 = arith.constant 0 : index
    tpu.barrier barrier_id(%barrier3A_263)
    %add3A_264 = arith.constant 2 : i32
    %add3A_265 = arith.addi %add3A_264, %arg0 : i32
    %mul3A_266 = arith.constant 1280 : i32
    %mul3A_267 = arith.muli %add3A_265, %mul3A_266 : i32
    %mul3A_268 = arith.constant 80 : i32
    %mul3A_269 = arith.muli %arg1, %mul3A_268 : i32
    %add3A_270 = arith.addi %mul3A_267, %mul3A_269 : i32
    "tpu.region"() ({
      %run_scoped3A = tpu.sem_alloc : memref<!tpu.dma_semaphore, #tpu.memory_space<semaphore_mem>>
      %dma_start3A_531 = arith.constant 0 : i32
      %dma_start3A_532 = tpu.memref_slice %arg3[%add3A_270, %dma_start3A_531] : memref<5120x128xi32, #tpu.memory_space<hbm>> -> memref<80x128xi32, #tpu.memory_space<hbm>>
      %dma_start3A_533 = arith.constant 0 : i32
      %dma_start3A_534 = tpu.memref_slice %arg3[%add3A_270, %dma_start3A_533] : memref<5120x128xi32, #tpu.memory_space<hbm>> -> memref<80x128xi32, #tpu.memory_space<hbm>>
      tpu.enqueue_dma source(%dma_start3A_534 : memref<80x128xi32, #tpu.memory_space<hbm>>) target(%arg7 : memref<80x128xi32, #tpu.memory_space<vmem>>) target_semaphore(%run_scoped3A : memref<!tpu.dma_semaphore, #tpu.memory_space<semaphore_mem>>)
      %dma_wait3A_535 = arith.constant 0 : i32
      %dma_wait3A_536 = tpu.memref_slice %arg3[%add3A_270, %dma_wait3A_535] : memref<5120x128xi32, #tpu.memory_space<hbm>> -> memref<80x128xi32, #tpu.memory_space<hbm>>
      %dma_wait3A_537 = arith.constant 0 : i32
      %dma_wait3A_538 = tpu.memref_slice %arg3[%add3A_270, %dma_wait3A_537] : memref<5120x128xi32, #tpu.memory_space<hbm>> -> memref<80x128xi32, #tpu.memory_space<hbm>>
      tpu.wait_dma2 semaphore(%run_scoped3A : memref<!tpu.dma_semaphore, #tpu.memory_space<semaphore_mem>>) src(%dma_wait3A_538 : memref<80x128xi32, #tpu.memory_space<hbm>>) dst(%arg7 : memref<80x128xi32, #tpu.memory_space<vmem>>)
      tpu.yield
    }) : () -> ()
    %dma_start3A_271 = arith.constant 0 : i32
    %dma_start3A_272 = arith.constant 0 : i32
    %dma_start3A_273 = arith.constant 0 : i32
    %dma_start3A_274 = arith.constant 0 : i32
    %dma_start3A_275 = tpu.memref_slice %arg9[%dma_start3A_272, %dma_start3A_273, %dma_start3A_274] : memref<8x128x64xf32, #tpu.memory_space<vmem>> -> memref<1x64x64xf32, #tpu.memory_space<vmem>>
    %dma_start3A_276 = tpu.memref_squeeze %dma_start3A_275 : memref<1x64x64xf32, #tpu.memory_space<vmem>> -> memref<64x64xf32, #tpu.memory_space<vmem>>
    %dma_start3A_277 = arith.constant 0 : i32
    %dma_start3A_278 = tpu.memref_slice %arg7[%dma_start3A_271, %dma_start3A_277] : memref<80x128xi32, #tpu.memory_space<vmem>> -> memref<1x64xi32, #tpu.memory_space<vmem>>
    %dma_start3A_279 = tpu.memref_squeeze %dma_start3A_278 : memref<1x64xi32, #tpu.memory_space<vmem>> -> memref<64xi32, #tpu.memory_space<vmem>>
    %dma_start3A_280 = arith.constant 0 : i32
    %dma_start3A_281 = arith.constant 0 : i32
    %dma_start3A_282 = tpu.memref_slice %arg2[%dma_start3A_280, %dma_start3A_281] : memref<40000x64xf32, #tpu.memory_space<hbm>> -> memref<40000x64xf32, #tpu.memory_space<hbm>>
    tpu.enqueue_indirect_dma source(%dma_start3A_282 : memref<40000x64xf32, #tpu.memory_space<hbm>>) target(%dma_start3A_276 : memref<64x64xf32, #tpu.memory_space<vmem>>) offsets(%dma_start3A_279 : memref<64xi32, #tpu.memory_space<vmem>>) semaphore(%arg11 : memref<!tpu.dma_semaphore, #tpu.memory_space<semaphore_mem>>)
    %dma_start3A_283 = arith.constant 0 : i32
    %dma_start3A_284 = arith.constant 0 : i32
    %dma_start3A_285 = arith.constant 64 : i32
    %dma_start3A_286 = arith.constant 0 : i32
    %dma_start3A_287 = tpu.memref_slice %arg9[%dma_start3A_284, %dma_start3A_285, %dma_start3A_286] : memref<8x128x64xf32, #tpu.memory_space<vmem>> -> memref<1x64x64xf32, #tpu.memory_space<vmem>>
    %dma_start3A_288 = tpu.memref_squeeze %dma_start3A_287 : memref<1x64x64xf32, #tpu.memory_space<vmem>> -> memref<64x64xf32, #tpu.memory_space<vmem>>
    %dma_start3A_289 = arith.constant 64 : i32
    %dma_start3A_290 = tpu.memref_slice %arg7[%dma_start3A_283, %dma_start3A_289] : memref<80x128xi32, #tpu.memory_space<vmem>> -> memref<1x64xi32, #tpu.memory_space<vmem>>
    %dma_start3A_291 = tpu.memref_squeeze %dma_start3A_290 : memref<1x64xi32, #tpu.memory_space<vmem>> -> memref<64xi32, #tpu.memory_space<vmem>>
    %dma_start3A_292 = arith.constant 0 : i32
    %dma_start3A_293 = arith.constant 0 : i32
    %dma_start3A_294 = tpu.memref_slice %arg2[%dma_start3A_292, %dma_start3A_293] : memref<40000x64xf32, #tpu.memory_space<hbm>> -> memref<40000x64xf32, #tpu.memory_space<hbm>>
    tpu.enqueue_indirect_dma source(%dma_start3A_294 : memref<40000x64xf32, #tpu.memory_space<hbm>>) target(%dma_start3A_288 : memref<64x64xf32, #tpu.memory_space<vmem>>) offsets(%dma_start3A_291 : memref<64xi32, #tpu.memory_space<vmem>>) semaphore(%arg19 : memref<!tpu.dma_semaphore, #tpu.memory_space<semaphore_mem>>)
    %dma_start3A_295 = arith.constant 1 : i32
    %dma_start3A_296 = arith.constant 1 : i32
    %dma_start3A_297 = arith.constant 0 : i32
    %dma_start3A_298 = arith.constant 0 : i32
    %dma_start3A_299 = tpu.memref_slice %arg9[%dma_start3A_296, %dma_start3A_297, %dma_start3A_298] : memref<8x128x64xf32, #tpu.memory_space<vmem>> -> memref<1x64x64xf32, #tpu.memory_space<vmem>>
    %dma_start3A_300 = tpu.memref_squeeze %dma_start3A_299 : memref<1x64x64xf32, #tpu.memory_space<vmem>> -> memref<64x64xf32, #tpu.memory_space<vmem>>
    %dma_start3A_301 = arith.constant 0 : i32
    %dma_start3A_302 = tpu.memref_slice %arg7[%dma_start3A_295, %dma_start3A_301] : memref<80x128xi32, #tpu.memory_space<vmem>> -> memref<1x64xi32, #tpu.memory_space<vmem>>
    %dma_start3A_303 = tpu.memref_squeeze %dma_start3A_302 : memref<1x64xi32, #tpu.memory_space<vmem>> -> memref<64xi32, #tpu.memory_space<vmem>>
    %dma_start3A_304 = arith.constant 0 : i32
    %dma_start3A_305 = arith.constant 0 : i32
    %dma_start3A_306 = tpu.memref_slice %arg2[%dma_start3A_304, %dma_start3A_305] : memref<40000x64xf32, #tpu.memory_space<hbm>> -> memref<40000x64xf32, #tpu.memory_space<hbm>>
    tpu.enqueue_indirect_dma source(%dma_start3A_306 : memref<40000x64xf32, #tpu.memory_space<hbm>>) target(%dma_start3A_300 : memref<64x64xf32, #tpu.memory_space<vmem>>) offsets(%dma_start3A_303 : memref<64xi32, #tpu.memory_space<vmem>>) semaphore(%arg12 : memref<!tpu.dma_semaphore, #tpu.memory_space<semaphore_mem>>)
    %dma_start3A_307 = arith.constant 1 : i32
    %dma_start3A_308 = arith.constant 1 : i32
    %dma_start3A_309 = arith.constant 64 : i32
    %dma_start3A_310 = arith.constant 0 : i32
    %dma_start3A_311 = tpu.memref_slice %arg9[%dma_start3A_308, %dma_start3A_309, %dma_start3A_310] : memref<8x128x64xf32, #tpu.memory_space<vmem>> -> memref<1x64x64xf32, #tpu.memory_space<vmem>>
    %dma_start3A_312 = tpu.memref_squeeze %dma_start3A_311 : memref<1x64x64xf32, #tpu.memory_space<vmem>> -> memref<64x64xf32, #tpu.memory_space<vmem>>
    %dma_start3A_313 = arith.constant 64 : i32
    %dma_start3A_314 = tpu.memref_slice %arg7[%dma_start3A_307, %dma_start3A_313] : memref<80x128xi32, #tpu.memory_space<vmem>> -> memref<1x64xi32, #tpu.memory_space<vmem>>
    %dma_start3A_315 = tpu.memref_squeeze %dma_start3A_314 : memref<1x64xi32, #tpu.memory_space<vmem>> -> memref<64xi32, #tpu.memory_space<vmem>>
    %dma_start3A_316 = arith.constant 0 : i32
    %dma_start3A_317 = arith.constant 0 : i32
    %dma_start3A_318 = tpu.memref_slice %arg2[%dma_start3A_316, %dma_start3A_317] : memref<40000x64xf32, #tpu.memory_space<hbm>> -> memref<40000x64xf32, #tpu.memory_space<hbm>>
    tpu.enqueue_indirect_dma source(%dma_start3A_318 : memref<40000x64xf32, #tpu.memory_space<hbm>>) target(%dma_start3A_312 : memref<64x64xf32, #tpu.memory_space<vmem>>) offsets(%dma_start3A_315 : memref<64xi32, #tpu.memory_space<vmem>>) semaphore(%arg20 : memref<!tpu.dma_semaphore, #tpu.memory_space<semaphore_mem>>)
    %dma_start3A_319 = arith.constant 2 : i32
    %dma_start3A_320 = arith.constant 2 : i32
    %dma_start3A_321 = arith.constant 0 : i32
    %dma_start3A_322 = arith.constant 0 : i32
    %dma_start3A_323 = tpu.memref_slice %arg9[%dma_start3A_320, %dma_start3A_321, %dma_start3A_322] : memref<8x128x64xf32, #tpu.memory_space<vmem>> -> memref<1x64x64xf32, #tpu.memory_space<vmem>>
    %dma_start3A_324 = tpu.memref_squeeze %dma_start3A_323 : memref<1x64x64xf32, #tpu.memory_space<vmem>> -> memref<64x64xf32, #tpu.memory_space<vmem>>
    %dma_start3A_325 = arith.constant 0 : i32
    %dma_start3A_326 = tpu.memref_slice %arg7[%dma_start3A_319, %dma_start3A_325] : memref<80x128xi32, #tpu.memory_space<vmem>> -> memref<1x64xi32, #tpu.memory_space<vmem>>
    %dma_start3A_327 = tpu.memref_squeeze %dma_start3A_326 : memref<1x64xi32, #tpu.memory_space<vmem>> -> memref<64xi32, #tpu.memory_space<vmem>>
    %dma_start3A_328 = arith.constant 0 : i32
    %dma_start3A_329 = arith.constant 0 : i32
    %dma_start3A_330 = tpu.memref_slice %arg2[%dma_start3A_328, %dma_start3A_329] : memref<40000x64xf32, #tpu.memory_space<hbm>> -> memref<40000x64xf32, #tpu.memory_space<hbm>>
    tpu.enqueue_indirect_dma source(%dma_start3A_330 : memref<40000x64xf32, #tpu.memory_space<hbm>>) target(%dma_start3A_324 : memref<64x64xf32, #tpu.memory_space<vmem>>) offsets(%dma_start3A_327 : memref<64xi32, #tpu.memory_space<vmem>>) semaphore(%arg13 : memref<!tpu.dma_semaphore, #tpu.memory_space<semaphore_mem>>)
    %dma_start3A_331 = arith.constant 2 : i32
    %dma_start3A_332 = arith.constant 2 : i32
    %dma_start3A_333 = arith.constant 64 : i32
    %dma_start3A_334 = arith.constant 0 : i32
    %dma_start3A_335 = tpu.memref_slice %arg9[%dma_start3A_332, %dma_start3A_333, %dma_start3A_334] : memref<8x128x64xf32, #tpu.memory_space<vmem>> -> memref<1x64x64xf32, #tpu.memory_space<vmem>>
    %dma_start3A_336 = tpu.memref_squeeze %dma_start3A_335 : memref<1x64x64xf32, #tpu.memory_space<vmem>> -> memref<64x64xf32, #tpu.memory_space<vmem>>
    %dma_start3A_337 = arith.constant 64 : i32
    %dma_start3A_338 = tpu.memref_slice %arg7[%dma_start3A_331, %dma_start3A_337] : memref<80x128xi32, #tpu.memory_space<vmem>> -> memref<1x64xi32, #tpu.memory_space<vmem>>
    %dma_start3A_339 = tpu.memref_squeeze %dma_start3A_338 : memref<1x64xi32, #tpu.memory_space<vmem>> -> memref<64xi32, #tpu.memory_space<vmem>>
    %dma_start3A_340 = arith.constant 0 : i32
    %dma_start3A_341 = arith.constant 0 : i32
    %dma_start3A_342 = tpu.memref_slice %arg2[%dma_start3A_340, %dma_start3A_341] : memref<40000x64xf32, #tpu.memory_space<hbm>> -> memref<40000x64xf32, #tpu.memory_space<hbm>>
    tpu.enqueue_indirect_dma source(%dma_start3A_342 : memref<40000x64xf32, #tpu.memory_space<hbm>>) target(%dma_start3A_336 : memref<64x64xf32, #tpu.memory_space<vmem>>) offsets(%dma_start3A_339 : memref<64xi32, #tpu.memory_space<vmem>>) semaphore(%arg21 : memref<!tpu.dma_semaphore, #tpu.memory_space<semaphore_mem>>)
    %dma_start3A_343 = arith.constant 3 : i32
    %dma_start3A_344 = arith.constant 3 : i32
    %dma_start3A_345 = arith.constant 0 : i32
    %dma_start3A_346 = arith.constant 0 : i32
    %dma_start3A_347 = tpu.memref_slice %arg9[%dma_start3A_344, %dma_start3A_345, %dma_start3A_346] : memref<8x128x64xf32, #tpu.memory_space<vmem>> -> memref<1x64x64xf32, #tpu.memory_space<vmem>>
    %dma_start3A_348 = tpu.memref_squeeze %dma_start3A_347 : memref<1x64x64xf32, #tpu.memory_space<vmem>> -> memref<64x64xf32, #tpu.memory_space<vmem>>
    %dma_start3A_349 = arith.constant 0 : i32
    %dma_start3A_350 = tpu.memref_slice %arg7[%dma_start3A_343, %dma_start3A_349] : memref<80x128xi32, #tpu.memory_space<vmem>> -> memref<1x64xi32, #tpu.memory_space<vmem>>
    %dma_start3A_351 = tpu.memref_squeeze %dma_start3A_350 : memref<1x64xi32, #tpu.memory_space<vmem>> -> memref<64xi32, #tpu.memory_space<vmem>>
    %dma_start3A_352 = arith.constant 0 : i32
    %dma_start3A_353 = arith.constant 0 : i32
    %dma_start3A_354 = tpu.memref_slice %arg2[%dma_start3A_352, %dma_start3A_353] : memref<40000x64xf32, #tpu.memory_space<hbm>> -> memref<40000x64xf32, #tpu.memory_space<hbm>>
    tpu.enqueue_indirect_dma source(%dma_start3A_354 : memref<40000x64xf32, #tpu.memory_space<hbm>>) target(%dma_start3A_348 : memref<64x64xf32, #tpu.memory_space<vmem>>) offsets(%dma_start3A_351 : memref<64xi32, #tpu.memory_space<vmem>>) semaphore(%arg14 : memref<!tpu.dma_semaphore, #tpu.memory_space<semaphore_mem>>)
    %dma_start3A_355 = arith.constant 3 : i32
    %dma_start3A_356 = arith.constant 3 : i32
    %dma_start3A_357 = arith.constant 64 : i32
    %dma_start3A_358 = arith.constant 0 : i32
    %dma_start3A_359 = tpu.memref_slice %arg9[%dma_start3A_356, %dma_start3A_357, %dma_start3A_358] : memref<8x128x64xf32, #tpu.memory_space<vmem>> -> memref<1x64x64xf32, #tpu.memory_space<vmem>>
    %dma_start3A_360 = tpu.memref_squeeze %dma_start3A_359 : memref<1x64x64xf32, #tpu.memory_space<vmem>> -> memref<64x64xf32, #tpu.memory_space<vmem>>
    %dma_start3A_361 = arith.constant 64 : i32
    %dma_start3A_362 = tpu.memref_slice %arg7[%dma_start3A_355, %dma_start3A_361] : memref<80x128xi32, #tpu.memory_space<vmem>> -> memref<1x64xi32, #tpu.memory_space<vmem>>
    %dma_start3A_363 = tpu.memref_squeeze %dma_start3A_362 : memref<1x64xi32, #tpu.memory_space<vmem>> -> memref<64xi32, #tpu.memory_space<vmem>>
    %dma_start3A_364 = arith.constant 0 : i32
    %dma_start3A_365 = arith.constant 0 : i32
    %dma_start3A_366 = tpu.memref_slice %arg2[%dma_start3A_364, %dma_start3A_365] : memref<40000x64xf32, #tpu.memory_space<hbm>> -> memref<40000x64xf32, #tpu.memory_space<hbm>>
    tpu.enqueue_indirect_dma source(%dma_start3A_366 : memref<40000x64xf32, #tpu.memory_space<hbm>>) target(%dma_start3A_360 : memref<64x64xf32, #tpu.memory_space<vmem>>) offsets(%dma_start3A_363 : memref<64xi32, #tpu.memory_space<vmem>>) semaphore(%arg22 : memref<!tpu.dma_semaphore, #tpu.memory_space<semaphore_mem>>)
    %dma_start3A_367 = arith.constant 4 : i32
    %dma_start3A_368 = arith.constant 4 : i32
    %dma_start3A_369 = arith.constant 0 : i32
    %dma_start3A_370 = arith.constant 0 : i32
    %dma_start3A_371 = tpu.memref_slice %arg9[%dma_start3A_368, %dma_start3A_369, %dma_start3A_370] : memref<8x128x64xf32, #tpu.memory_space<vmem>> -> memref<1x64x64xf32, #tpu.memory_space<vmem>>
    %dma_start3A_372 = tpu.memref_squeeze %dma_start3A_371 : memref<1x64x64xf32, #tpu.memory_space<vmem>> -> memref<64x64xf32, #tpu.memory_space<vmem>>
    %dma_start3A_373 = arith.constant 0 : i32
    %dma_start3A_374 = tpu.memref_slice %arg7[%dma_start3A_367, %dma_start3A_373] : memref<80x128xi32, #tpu.memory_space<vmem>> -> memref<1x64xi32, #tpu.memory_space<vmem>>
    %dma_start3A_375 = tpu.memref_squeeze %dma_start3A_374 : memref<1x64xi32, #tpu.memory_space<vmem>> -> memref<64xi32, #tpu.memory_space<vmem>>
    %dma_start3A_376 = arith.constant 0 : i32
    %dma_start3A_377 = arith.constant 0 : i32
    %dma_start3A_378 = tpu.memref_slice %arg2[%dma_start3A_376, %dma_start3A_377] : memref<40000x64xf32, #tpu.memory_space<hbm>> -> memref<40000x64xf32, #tpu.memory_space<hbm>>
    tpu.enqueue_indirect_dma source(%dma_start3A_378 : memref<40000x64xf32, #tpu.memory_space<hbm>>) target(%dma_start3A_372 : memref<64x64xf32, #tpu.memory_space<vmem>>) offsets(%dma_start3A_375 : memref<64xi32, #tpu.memory_space<vmem>>) semaphore(%arg15 : memref<!tpu.dma_semaphore, #tpu.memory_space<semaphore_mem>>)
    %dma_start3A_379 = arith.constant 4 : i32
    %dma_start3A_380 = arith.constant 4 : i32
    %dma_start3A_381 = arith.constant 64 : i32
    %dma_start3A_382 = arith.constant 0 : i32
    %dma_start3A_383 = tpu.memref_slice %arg9[%dma_start3A_380, %dma_start3A_381, %dma_start3A_382] : memref<8x128x64xf32, #tpu.memory_space<vmem>> -> memref<1x64x64xf32, #tpu.memory_space<vmem>>
    %dma_start3A_384 = tpu.memref_squeeze %dma_start3A_383 : memref<1x64x64xf32, #tpu.memory_space<vmem>> -> memref<64x64xf32, #tpu.memory_space<vmem>>
    %dma_start3A_385 = arith.constant 64 : i32
    %dma_start3A_386 = tpu.memref_slice %arg7[%dma_start3A_379, %dma_start3A_385] : memref<80x128xi32, #tpu.memory_space<vmem>> -> memref<1x64xi32, #tpu.memory_space<vmem>>
    %dma_start3A_387 = tpu.memref_squeeze %dma_start3A_386 : memref<1x64xi32, #tpu.memory_space<vmem>> -> memref<64xi32, #tpu.memory_space<vmem>>
    %dma_start3A_388 = arith.constant 0 : i32
    %dma_start3A_389 = arith.constant 0 : i32
    %dma_start3A_390 = tpu.memref_slice %arg2[%dma_start3A_388, %dma_start3A_389] : memref<40000x64xf32, #tpu.memory_space<hbm>> -> memref<40000x64xf32, #tpu.memory_space<hbm>>
    tpu.enqueue_indirect_dma source(%dma_start3A_390 : memref<40000x64xf32, #tpu.memory_space<hbm>>) target(%dma_start3A_384 : memref<64x64xf32, #tpu.memory_space<vmem>>) offsets(%dma_start3A_387 : memref<64xi32, #tpu.memory_space<vmem>>) semaphore(%arg23 : memref<!tpu.dma_semaphore, #tpu.memory_space<semaphore_mem>>)
    %dma_start3A_391 = arith.constant 5 : i32
    %dma_start3A_392 = arith.constant 5 : i32
    %dma_start3A_393 = arith.constant 0 : i32
    %dma_start3A_394 = arith.constant 0 : i32
    %dma_start3A_395 = tpu.memref_slice %arg9[%dma_start3A_392, %dma_start3A_393, %dma_start3A_394] : memref<8x128x64xf32, #tpu.memory_space<vmem>> -> memref<1x64x64xf32, #tpu.memory_space<vmem>>
    %dma_start3A_396 = tpu.memref_squeeze %dma_start3A_395 : memref<1x64x64xf32, #tpu.memory_space<vmem>> -> memref<64x64xf32, #tpu.memory_space<vmem>>
    %dma_start3A_397 = arith.constant 0 : i32
    %dma_start3A_398 = tpu.memref_slice %arg7[%dma_start3A_391, %dma_start3A_397] : memref<80x128xi32, #tpu.memory_space<vmem>> -> memref<1x64xi32, #tpu.memory_space<vmem>>
    %dma_start3A_399 = tpu.memref_squeeze %dma_start3A_398 : memref<1x64xi32, #tpu.memory_space<vmem>> -> memref<64xi32, #tpu.memory_space<vmem>>
    %dma_start3A_400 = arith.constant 0 : i32
    %dma_start3A_401 = arith.constant 0 : i32
    %dma_start3A_402 = tpu.memref_slice %arg2[%dma_start3A_400, %dma_start3A_401] : memref<40000x64xf32, #tpu.memory_space<hbm>> -> memref<40000x64xf32, #tpu.memory_space<hbm>>
    tpu.enqueue_indirect_dma source(%dma_start3A_402 : memref<40000x64xf32, #tpu.memory_space<hbm>>) target(%dma_start3A_396 : memref<64x64xf32, #tpu.memory_space<vmem>>) offsets(%dma_start3A_399 : memref<64xi32, #tpu.memory_space<vmem>>) semaphore(%arg16 : memref<!tpu.dma_semaphore, #tpu.memory_space<semaphore_mem>>)
    %dma_start3A_403 = arith.constant 5 : i32
    %dma_start3A_404 = arith.constant 5 : i32
    %dma_start3A_405 = arith.constant 64 : i32
    %dma_start3A_406 = arith.constant 0 : i32
    %dma_start3A_407 = tpu.memref_slice %arg9[%dma_start3A_404, %dma_start3A_405, %dma_start3A_406] : memref<8x128x64xf32, #tpu.memory_space<vmem>> -> memref<1x64x64xf32, #tpu.memory_space<vmem>>
    %dma_start3A_408 = tpu.memref_squeeze %dma_start3A_407 : memref<1x64x64xf32, #tpu.memory_space<vmem>> -> memref<64x64xf32, #tpu.memory_space<vmem>>
    %dma_start3A_409 = arith.constant 64 : i32
    %dma_start3A_410 = tpu.memref_slice %arg7[%dma_start3A_403, %dma_start3A_409] : memref<80x128xi32, #tpu.memory_space<vmem>> -> memref<1x64xi32, #tpu.memory_space<vmem>>
    %dma_start3A_411 = tpu.memref_squeeze %dma_start3A_410 : memref<1x64xi32, #tpu.memory_space<vmem>> -> memref<64xi32, #tpu.memory_space<vmem>>
    %dma_start3A_412 = arith.constant 0 : i32
    %dma_start3A_413 = arith.constant 0 : i32
    %dma_start3A_414 = tpu.memref_slice %arg2[%dma_start3A_412, %dma_start3A_413] : memref<40000x64xf32, #tpu.memory_space<hbm>> -> memref<40000x64xf32, #tpu.memory_space<hbm>>
    tpu.enqueue_indirect_dma source(%dma_start3A_414 : memref<40000x64xf32, #tpu.memory_space<hbm>>) target(%dma_start3A_408 : memref<64x64xf32, #tpu.memory_space<vmem>>) offsets(%dma_start3A_411 : memref<64xi32, #tpu.memory_space<vmem>>) semaphore(%arg24 : memref<!tpu.dma_semaphore, #tpu.memory_space<semaphore_mem>>)
    %mul3A_415 = arith.constant 626 : i32
    %mul3A_416 = arith.muli %arg1, %mul3A_415 : i32
    %mul3A_417 = arith.constant 626 : i32
    %mul3A_418 = arith.muli %arg1, %mul3A_417 : i32
    "tpu.region"() ({
      %run_scoped3A = tpu.sem_alloc : memref<!tpu.dma_semaphore, #tpu.memory_space<semaphore_mem>>
      %dma_start3A_531 = arith.constant 0 : i32
      %dma_start3A_532 = tpu.memref_slice %arg10[%mul3A_418, %dma_start3A_531] : memref<10016x64xf32, #tpu.memory_space<vmem_shared>> -> memref<626x64xf32, #tpu.memory_space<vmem_shared>>
      %dma_start3A_533 = arith.constant 0 : i32
      %dma_start3A_534 = tpu.memref_slice %arg5[%mul3A_416, %dma_start3A_533] : memref<10016x64xf32, #tpu.memory_space<hbm>> -> memref<626x64xf32, #tpu.memory_space<hbm>>
      tpu.enqueue_dma source(%dma_start3A_534 : memref<626x64xf32, #tpu.memory_space<hbm>>) target(%dma_start3A_532 : memref<626x64xf32, #tpu.memory_space<vmem_shared>>) target_semaphore(%run_scoped3A : memref<!tpu.dma_semaphore, #tpu.memory_space<semaphore_mem>>)
      %dma_wait3A_535 = arith.constant 0 : i32
      %dma_wait3A_536 = tpu.memref_slice %arg10[%mul3A_418, %dma_wait3A_535] : memref<10016x64xf32, #tpu.memory_space<vmem_shared>> -> memref<626x64xf32, #tpu.memory_space<vmem_shared>>
      %dma_wait3A_537 = arith.constant 0 : i32
      %dma_wait3A_538 = tpu.memref_slice %arg5[%mul3A_416, %dma_wait3A_537] : memref<10016x64xf32, #tpu.memory_space<hbm>> -> memref<626x64xf32, #tpu.memory_space<hbm>>
      tpu.wait_dma2 semaphore(%run_scoped3A : memref<!tpu.dma_semaphore, #tpu.memory_space<semaphore_mem>>) src(%dma_wait3A_538 : memref<626x64xf32, #tpu.memory_space<hbm>>) dst(%dma_wait3A_536 : memref<626x64xf32, #tpu.memory_space<vmem_shared>>)
      tpu.yield
    }) : () -> ()
    %barrier3A_419 = arith.constant 0 : index
    tpu.barrier barrier_id(%barrier3A_419)
    %scan3A_420 = arith.constant 0 : i32
    %scan3A_421 = arith.constant 10 : i32
    %scan3A_422 = arith.addi %scan3A_420, %scan3A_421 : i32
    %scan3A_423 = arith.constant 1 : i32
    scf.for %scan3A_531 = %scan3A_420 to %scan3A_422 step %scan3A_423  : i32 {
      %mul3A_532 = arith.constant 8 : i32
      %mul3A_533 = arith.muli %scan3A_531, %mul3A_532 : i32
      %add3A_534 = arith.constant 0 : i32
      %add3A_535 = arith.addi %mul3A_533, %add3A_534 : i32
      %dma_wait3A_536 = arith.constant 0 : i32
      %dma_wait3A_537 = arith.constant 0 : i32
      %dma_wait3A_538 = arith.constant 0 : i32
      %dma_wait3A_539 = tpu.memref_slice %arg9[%dma_wait3A_536, %dma_wait3A_537, %dma_wait3A_538] : memref<8x128x64xf32, #tpu.memory_space<vmem>> -> memref<1x64x64xf32, #tpu.memory_space<vmem>>
      %dma_wait3A_540 = tpu.memref_squeeze %dma_wait3A_539 : memref<1x64x64xf32, #tpu.memory_space<vmem>> -> memref<64x64xf32, #tpu.memory_space<vmem>>
      %dma_wait3A_541 = arith.constant 0 : i32
      %dma_wait3A_542 = tpu.memref_slice %arg7[%add3A_535, %dma_wait3A_541] : memref<80x128xi32, #tpu.memory_space<vmem>> -> memref<1x64xi32, #tpu.memory_space<vmem>>
      %dma_wait3A_543 = tpu.memref_squeeze %dma_wait3A_542 : memref<1x64xi32, #tpu.memory_space<vmem>> -> memref<64xi32, #tpu.memory_space<vmem>>
      %dma_wait3A_544 = arith.constant 0 : i32
      %dma_wait3A_545 = arith.constant 0 : i32
      %dma_wait3A_546 = tpu.memref_slice %arg2[%dma_wait3A_544, %dma_wait3A_545] : memref<40000x64xf32, #tpu.memory_space<hbm>> -> memref<40000x64xf32, #tpu.memory_space<hbm>>
      tpu.wait_indirect_dma semaphore(%arg11 : memref<!tpu.dma_semaphore, #tpu.memory_space<semaphore_mem>>) src(%dma_wait3A_546 : memref<40000x64xf32, #tpu.memory_space<hbm>>) dst(%dma_wait3A_540 : memref<64x64xf32, #tpu.memory_space<vmem>>)
      %dma_wait3A_547 = arith.constant 0 : i32
      %dma_wait3A_548 = arith.constant 64 : i32
      %dma_wait3A_549 = arith.constant 0 : i32
      %dma_wait3A_550 = tpu.memref_slice %arg9[%dma_wait3A_547, %dma_wait3A_548, %dma_wait3A_549] : memref<8x128x64xf32, #tpu.memory_space<vmem>> -> memref<1x64x64xf32, #tpu.memory_space<vmem>>
      %dma_wait3A_551 = tpu.memref_squeeze %dma_wait3A_550 : memref<1x64x64xf32, #tpu.memory_space<vmem>> -> memref<64x64xf32, #tpu.memory_space<vmem>>
      %dma_wait3A_552 = arith.constant 64 : i32
      %dma_wait3A_553 = tpu.memref_slice %arg7[%add3A_535, %dma_wait3A_552] : memref<80x128xi32, #tpu.memory_space<vmem>> -> memref<1x64xi32, #tpu.memory_space<vmem>>
      %dma_wait3A_554 = tpu.memref_squeeze %dma_wait3A_553 : memref<1x64xi32, #tpu.memory_space<vmem>> -> memref<64xi32, #tpu.memory_space<vmem>>
      %dma_wait3A_555 = arith.constant 0 : i32
      %dma_wait3A_556 = arith.constant 0 : i32
      %dma_wait3A_557 = tpu.memref_slice %arg2[%dma_wait3A_555, %dma_wait3A_556] : memref<40000x64xf32, #tpu.memory_space<hbm>> -> memref<40000x64xf32, #tpu.memory_space<hbm>>
      tpu.wait_indirect_dma semaphore(%arg19 : memref<!tpu.dma_semaphore, #tpu.memory_space<semaphore_mem>>) src(%dma_wait3A_557 : memref<40000x64xf32, #tpu.memory_space<hbm>>) dst(%dma_wait3A_551 : memref<64x64xf32, #tpu.memory_space<vmem>>)
      %dma_start3A_558 = arith.constant 0 : i32
      %dma_start3A_559 = arith.constant 0 : i32
      %dma_start3A_560 = arith.constant 0 : i32
      %dma_start3A_561 = tpu.memref_slice %arg9[%dma_start3A_558, %dma_start3A_559, %dma_start3A_560] : memref<8x128x64xf32, #tpu.memory_space<vmem>> -> memref<1x128x64xf32, #tpu.memory_space<vmem>>
      %dma_start3A_562 = tpu.memref_squeeze %dma_start3A_561 : memref<1x128x64xf32, #tpu.memory_space<vmem>> -> memref<128x64xf32, #tpu.memory_space<vmem>>
      %dma_start3A_563 = arith.constant 0 : i32
      %dma_start3A_564 = tpu.memref_slice %arg8[%add3A_535, %dma_start3A_563] : memref<80x128xi32, #tpu.memory_space<vmem>> -> memref<1x128xi32, #tpu.memory_space<vmem>>
      %dma_start3A_565 = tpu.memref_squeeze %dma_start3A_564 : memref<1x128xi32, #tpu.memory_space<vmem>> -> memref<128xi32, #tpu.memory_space<vmem>>
      %dma_start3A_566 = arith.constant 0 : i32
      %dma_start3A_567 = arith.constant 0 : i32
      %dma_start3A_568 = tpu.memref_slice %arg10[%dma_start3A_566, %dma_start3A_567] : memref<10016x64xf32, #tpu.memory_space<vmem_shared>> -> memref<10016x64xf32, #tpu.memory_space<vmem_shared>>
      tpu.enqueue_indirect_dma source(%dma_start3A_562 : memref<128x64xf32, #tpu.memory_space<vmem>>) target(%dma_start3A_568 : memref<10016x64xf32, #tpu.memory_space<vmem_shared>>) offsets(%dma_start3A_565 : memref<128xi32, #tpu.memory_space<vmem>>) semaphore(%arg27 : memref<!tpu.dma_semaphore, #tpu.memory_space<semaphore_mem>>) {add = true}
      %add3A_569 = arith.constant 6 : i32
      %add3A_570 = arith.addi %add3A_535, %add3A_569 : i32
      %lt3A = arith.constant 80 : i32
      %lt3A_571 = arith.cmpi slt, %add3A_570, %lt3A : i32
      %convert_element_type3A = arith.extui %lt3A_571 : i1 to i32
      %cond3A = arith.constant 0 : i32
      %cond3A_572 = arith.cmpi ne, %convert_element_type3A, %cond3A : i32
      scf.if %cond3A_572 {
        %ge3A = arith.constant 8 : i32
        %ge3A_881 = arith.cmpi sge, %add3A_570, %ge3A : i32
        %convert_element_type3A_882 = arith.extui %ge3A_881 : i1 to i32
        %cond3A_883 = arith.constant 0 : i32
        %cond3A_884 = arith.cmpi ne, %convert_element_type3A_882, %cond3A_883 : i32
        scf.if %cond3A_884 {
          %sub3A = arith.constant 8 : i32
          %sub3A_907 = arith.subi %add3A_570, %sub3A : i32
          %dma_wait3A_908 = arith.constant 6 : i32
          %dma_wait3A_909 = arith.constant 0 : i32
          %dma_wait3A_910 = arith.constant 0 : i32
          %dma_wait3A_911 = tpu.memref_slice %arg9[%dma_wait3A_908, %dma_wait3A_909, %dma_wait3A_910] : memref<8x128x64xf32, #tpu.memory_space<vmem>> -> memref<1x128x64xf32, #tpu.memory_space<vmem>>
          %dma_wait3A_912 = tpu.memref_squeeze %dma_wait3A_911 : memref<1x128x64xf32, #tpu.memory_space<vmem>> -> memref<128x64xf32, #tpu.memory_space<vmem>>
          %dma_wait3A_913 = arith.constant 0 : i32
          %dma_wait3A_914 = tpu.memref_slice %arg8[%sub3A_907, %dma_wait3A_913] : memref<80x128xi32, #tpu.memory_space<vmem>> -> memref<1x128xi32, #tpu.memory_space<vmem>>
          %dma_wait3A_915 = tpu.memref_squeeze %dma_wait3A_914 : memref<1x128xi32, #tpu.memory_space<vmem>> -> memref<128xi32, #tpu.memory_space<vmem>>
          %dma_wait3A_916 = arith.constant 0 : i32
          %dma_wait3A_917 = arith.constant 0 : i32
          %dma_wait3A_918 = tpu.memref_slice %arg10[%dma_wait3A_916, %dma_wait3A_917] : memref<10016x64xf32, #tpu.memory_space<vmem_shared>> -> memref<10016x64xf32, #tpu.memory_space<vmem_shared>>
          tpu.wait_indirect_dma semaphore(%arg33 : memref<!tpu.dma_semaphore, #tpu.memory_space<semaphore_mem>>) src(%dma_wait3A_912 : memref<128x64xf32, #tpu.memory_space<vmem>>) dst(%dma_wait3A_918 : memref<10016x64xf32, #tpu.memory_space<vmem_shared>>)
        } else {
        }
        %dma_start3A_885 = arith.constant 6 : i32
        %dma_start3A_886 = arith.constant 0 : i32
        %dma_start3A_887 = arith.constant 0 : i32
        %dma_start3A_888 = tpu.memref_slice %arg9[%dma_start3A_885, %dma_start3A_886, %dma_start3A_887] : memref<8x128x64xf32, #tpu.memory_space<vmem>> -> memref<1x64x64xf32, #tpu.memory_space<vmem>>
        %dma_start3A_889 = tpu.memref_squeeze %dma_start3A_888 : memref<1x64x64xf32, #tpu.memory_space<vmem>> -> memref<64x64xf32, #tpu.memory_space<vmem>>
        %dma_start3A_890 = arith.constant 0 : i32
        %dma_start3A_891 = tpu.memref_slice %arg7[%add3A_570, %dma_start3A_890] : memref<80x128xi32, #tpu.memory_space<vmem>> -> memref<1x64xi32, #tpu.memory_space<vmem>>
        %dma_start3A_892 = tpu.memref_squeeze %dma_start3A_891 : memref<1x64xi32, #tpu.memory_space<vmem>> -> memref<64xi32, #tpu.memory_space<vmem>>
        %dma_start3A_893 = arith.constant 0 : i32
        %dma_start3A_894 = arith.constant 0 : i32
        %dma_start3A_895 = tpu.memref_slice %arg2[%dma_start3A_893, %dma_start3A_894] : memref<40000x64xf32, #tpu.memory_space<hbm>> -> memref<40000x64xf32, #tpu.memory_space<hbm>>
        tpu.enqueue_indirect_dma source(%dma_start3A_895 : memref<40000x64xf32, #tpu.memory_space<hbm>>) target(%dma_start3A_889 : memref<64x64xf32, #tpu.memory_space<vmem>>) offsets(%dma_start3A_892 : memref<64xi32, #tpu.memory_space<vmem>>) semaphore(%arg17 : memref<!tpu.dma_semaphore, #tpu.memory_space<semaphore_mem>>)
        %dma_start3A_896 = arith.constant 6 : i32
        %dma_start3A_897 = arith.constant 64 : i32
        %dma_start3A_898 = arith.constant 0 : i32
        %dma_start3A_899 = tpu.memref_slice %arg9[%dma_start3A_896, %dma_start3A_897, %dma_start3A_898] : memref<8x128x64xf32, #tpu.memory_space<vmem>> -> memref<1x64x64xf32, #tpu.memory_space<vmem>>
        %dma_start3A_900 = tpu.memref_squeeze %dma_start3A_899 : memref<1x64x64xf32, #tpu.memory_space<vmem>> -> memref<64x64xf32, #tpu.memory_space<vmem>>
        %dma_start3A_901 = arith.constant 64 : i32
        %dma_start3A_902 = tpu.memref_slice %arg7[%add3A_570, %dma_start3A_901] : memref<80x128xi32, #tpu.memory_space<vmem>> -> memref<1x64xi32, #tpu.memory_space<vmem>>
        %dma_start3A_903 = tpu.memref_squeeze %dma_start3A_902 : memref<1x64xi32, #tpu.memory_space<vmem>> -> memref<64xi32, #tpu.memory_space<vmem>>
        %dma_start3A_904 = arith.constant 0 : i32
        %dma_start3A_905 = arith.constant 0 : i32
        %dma_start3A_906 = tpu.memref_slice %arg2[%dma_start3A_904, %dma_start3A_905] : memref<40000x64xf32, #tpu.memory_space<hbm>> -> memref<40000x64xf32, #tpu.memory_space<hbm>>
        tpu.enqueue_indirect_dma source(%dma_start3A_906 : memref<40000x64xf32, #tpu.memory_space<hbm>>) target(%dma_start3A_900 : memref<64x64xf32, #tpu.memory_space<vmem>>) offsets(%dma_start3A_903 : memref<64xi32, #tpu.memory_space<vmem>>) semaphore(%arg25 : memref<!tpu.dma_semaphore, #tpu.memory_space<semaphore_mem>>)
      } else {
      }
      %mul3A_573 = arith.constant 8 : i32
      %mul3A_574 = arith.muli %scan3A_531, %mul3A_573 : i32
      %add3A_575 = arith.constant 1 : i32
      %add3A_576 = arith.addi %mul3A_574, %add3A_575 : i32
      %dma_wait3A_577 = arith.constant 1 : i32
      %dma_wait3A_578 = arith.constant 0 : i32
      %dma_wait3A_579 = arith.constant 0 : i32
      %dma_wait3A_580 = tpu.memref_slice %arg9[%dma_wait3A_577, %dma_wait3A_578, %dma_wait3A_579] : memref<8x128x64xf32, #tpu.memory_space<vmem>> -> memref<1x64x64xf32, #tpu.memory_space<vmem>>
      %dma_wait3A_581 = tpu.memref_squeeze %dma_wait3A_580 : memref<1x64x64xf32, #tpu.memory_space<vmem>> -> memref<64x64xf32, #tpu.memory_space<vmem>>
      %dma_wait3A_582 = arith.constant 0 : i32
      %dma_wait3A_583 = tpu.memref_slice %arg7[%add3A_576, %dma_wait3A_582] : memref<80x128xi32, #tpu.memory_space<vmem>> -> memref<1x64xi32, #tpu.memory_space<vmem>>
      %dma_wait3A_584 = tpu.memref_squeeze %dma_wait3A_583 : memref<1x64xi32, #tpu.memory_space<vmem>> -> memref<64xi32, #tpu.memory_space<vmem>>
      %dma_wait3A_585 = arith.constant 0 : i32
      %dma_wait3A_586 = arith.constant 0 : i32
      %dma_wait3A_587 = tpu.memref_slice %arg2[%dma_wait3A_585, %dma_wait3A_586] : memref<40000x64xf32, #tpu.memory_space<hbm>> -> memref<40000x64xf32, #tpu.memory_space<hbm>>
      tpu.wait_indirect_dma semaphore(%arg12 : memref<!tpu.dma_semaphore, #tpu.memory_space<semaphore_mem>>) src(%dma_wait3A_587 : memref<40000x64xf32, #tpu.memory_space<hbm>>) dst(%dma_wait3A_581 : memref<64x64xf32, #tpu.memory_space<vmem>>)
      %dma_wait3A_588 = arith.constant 1 : i32
      %dma_wait3A_589 = arith.constant 64 : i32
      %dma_wait3A_590 = arith.constant 0 : i32
      %dma_wait3A_591 = tpu.memref_slice %arg9[%dma_wait3A_588, %dma_wait3A_589, %dma_wait3A_590] : memref<8x128x64xf32, #tpu.memory_space<vmem>> -> memref<1x64x64xf32, #tpu.memory_space<vmem>>
      %dma_wait3A_592 = tpu.memref_squeeze %dma_wait3A_591 : memref<1x64x64xf32, #tpu.memory_space<vmem>> -> memref<64x64xf32, #tpu.memory_space<vmem>>
      %dma_wait3A_593 = arith.constant 64 : i32
      %dma_wait3A_594 = tpu.memref_slice %arg7[%add3A_576, %dma_wait3A_593] : memref<80x128xi32, #tpu.memory_space<vmem>> -> memref<1x64xi32, #tpu.memory_space<vmem>>
      %dma_wait3A_595 = tpu.memref_squeeze %dma_wait3A_594 : memref<1x64xi32, #tpu.memory_space<vmem>> -> memref<64xi32, #tpu.memory_space<vmem>>
      %dma_wait3A_596 = arith.constant 0 : i32
      %dma_wait3A_597 = arith.constant 0 : i32
      %dma_wait3A_598 = tpu.memref_slice %arg2[%dma_wait3A_596, %dma_wait3A_597] : memref<40000x64xf32, #tpu.memory_space<hbm>> -> memref<40000x64xf32, #tpu.memory_space<hbm>>
      tpu.wait_indirect_dma semaphore(%arg20 : memref<!tpu.dma_semaphore, #tpu.memory_space<semaphore_mem>>) src(%dma_wait3A_598 : memref<40000x64xf32, #tpu.memory_space<hbm>>) dst(%dma_wait3A_592 : memref<64x64xf32, #tpu.memory_space<vmem>>)
      %dma_start3A_599 = arith.constant 1 : i32
      %dma_start3A_600 = arith.constant 0 : i32
      %dma_start3A_601 = arith.constant 0 : i32
      %dma_start3A_602 = tpu.memref_slice %arg9[%dma_start3A_599, %dma_start3A_600, %dma_start3A_601] : memref<8x128x64xf32, #tpu.memory_space<vmem>> -> memref<1x128x64xf32, #tpu.memory_space<vmem>>
      %dma_start3A_603 = tpu.memref_squeeze %dma_start3A_602 : memref<1x128x64xf32, #tpu.memory_space<vmem>> -> memref<128x64xf32, #tpu.memory_space<vmem>>
      %dma_start3A_604 = arith.constant 0 : i32
      %dma_start3A_605 = tpu.memref_slice %arg8[%add3A_576, %dma_start3A_604] : memref<80x128xi32, #tpu.memory_space<vmem>> -> memref<1x128xi32, #tpu.memory_space<vmem>>
      %dma_start3A_606 = tpu.memref_squeeze %dma_start3A_605 : memref<1x128xi32, #tpu.memory_space<vmem>> -> memref<128xi32, #tpu.memory_space<vmem>>
      %dma_start3A_607 = arith.constant 0 : i32
      %dma_start3A_608 = arith.constant 0 : i32
      %dma_start3A_609 = tpu.memref_slice %arg10[%dma_start3A_607, %dma_start3A_608] : memref<10016x64xf32, #tpu.memory_space<vmem_shared>> -> memref<10016x64xf32, #tpu.memory_space<vmem_shared>>
      tpu.enqueue_indirect_dma source(%dma_start3A_603 : memref<128x64xf32, #tpu.memory_space<vmem>>) target(%dma_start3A_609 : memref<10016x64xf32, #tpu.memory_space<vmem_shared>>) offsets(%dma_start3A_606 : memref<128xi32, #tpu.memory_space<vmem>>) semaphore(%arg28 : memref<!tpu.dma_semaphore, #tpu.memory_space<semaphore_mem>>) {add = true}
      %add3A_610 = arith.constant 6 : i32
      %add3A_611 = arith.addi %add3A_576, %add3A_610 : i32
      %lt3A_612 = arith.constant 80 : i32
      %lt3A_613 = arith.cmpi slt, %add3A_611, %lt3A_612 : i32
      %convert_element_type3A_614 = arith.extui %lt3A_613 : i1 to i32
      %cond3A_615 = arith.constant 0 : i32
      %cond3A_616 = arith.cmpi ne, %convert_element_type3A_614, %cond3A_615 : i32
      scf.if %cond3A_616 {
        %ge3A = arith.constant 8 : i32
        %ge3A_881 = arith.cmpi sge, %add3A_611, %ge3A : i32
        %convert_element_type3A_882 = arith.extui %ge3A_881 : i1 to i32
        %cond3A_883 = arith.constant 0 : i32
        %cond3A_884 = arith.cmpi ne, %convert_element_type3A_882, %cond3A_883 : i32
        scf.if %cond3A_884 {
          %sub3A = arith.constant 8 : i32
          %sub3A_907 = arith.subi %add3A_611, %sub3A : i32
          %dma_wait3A_908 = arith.constant 7 : i32
          %dma_wait3A_909 = arith.constant 0 : i32
          %dma_wait3A_910 = arith.constant 0 : i32
          %dma_wait3A_911 = tpu.memref_slice %arg9[%dma_wait3A_908, %dma_wait3A_909, %dma_wait3A_910] : memref<8x128x64xf32, #tpu.memory_space<vmem>> -> memref<1x128x64xf32, #tpu.memory_space<vmem>>
          %dma_wait3A_912 = tpu.memref_squeeze %dma_wait3A_911 : memref<1x128x64xf32, #tpu.memory_space<vmem>> -> memref<128x64xf32, #tpu.memory_space<vmem>>
          %dma_wait3A_913 = arith.constant 0 : i32
          %dma_wait3A_914 = tpu.memref_slice %arg8[%sub3A_907, %dma_wait3A_913] : memref<80x128xi32, #tpu.memory_space<vmem>> -> memref<1x128xi32, #tpu.memory_space<vmem>>
          %dma_wait3A_915 = tpu.memref_squeeze %dma_wait3A_914 : memref<1x128xi32, #tpu.memory_space<vmem>> -> memref<128xi32, #tpu.memory_space<vmem>>
          %dma_wait3A_916 = arith.constant 0 : i32
          %dma_wait3A_917 = arith.constant 0 : i32
          %dma_wait3A_918 = tpu.memref_slice %arg10[%dma_wait3A_916, %dma_wait3A_917] : memref<10016x64xf32, #tpu.memory_space<vmem_shared>> -> memref<10016x64xf32, #tpu.memory_space<vmem_shared>>
          tpu.wait_indirect_dma semaphore(%arg34 : memref<!tpu.dma_semaphore, #tpu.memory_space<semaphore_mem>>) src(%dma_wait3A_912 : memref<128x64xf32, #tpu.memory_space<vmem>>) dst(%dma_wait3A_918 : memref<10016x64xf32, #tpu.memory_space<vmem_shared>>)
        } else {
        }
        %dma_start3A_885 = arith.constant 7 : i32
        %dma_start3A_886 = arith.constant 0 : i32
        %dma_start3A_887 = arith.constant 0 : i32
        %dma_start3A_888 = tpu.memref_slice %arg9[%dma_start3A_885, %dma_start3A_886, %dma_start3A_887] : memref<8x128x64xf32, #tpu.memory_space<vmem>> -> memref<1x64x64xf32, #tpu.memory_space<vmem>>
        %dma_start3A_889 = tpu.memref_squeeze %dma_start3A_888 : memref<1x64x64xf32, #tpu.memory_space<vmem>> -> memref<64x64xf32, #tpu.memory_space<vmem>>
        %dma_start3A_890 = arith.constant 0 : i32
        %dma_start3A_891 = tpu.memref_slice %arg7[%add3A_611, %dma_start3A_890] : memref<80x128xi32, #tpu.memory_space<vmem>> -> memref<1x64xi32, #tpu.memory_space<vmem>>
        %dma_start3A_892 = tpu.memref_squeeze %dma_start3A_891 : memref<1x64xi32, #tpu.memory_space<vmem>> -> memref<64xi32, #tpu.memory_space<vmem>>
        %dma_start3A_893 = arith.constant 0 : i32
        %dma_start3A_894 = arith.constant 0 : i32
        %dma_start3A_895 = tpu.memref_slice %arg2[%dma_start3A_893, %dma_start3A_894] : memref<40000x64xf32, #tpu.memory_space<hbm>> -> memref<40000x64xf32, #tpu.memory_space<hbm>>
        tpu.enqueue_indirect_dma source(%dma_start3A_895 : memref<40000x64xf32, #tpu.memory_space<hbm>>) target(%dma_start3A_889 : memref<64x64xf32, #tpu.memory_space<vmem>>) offsets(%dma_start3A_892 : memref<64xi32, #tpu.memory_space<vmem>>) semaphore(%arg18 : memref<!tpu.dma_semaphore, #tpu.memory_space<semaphore_mem>>)
        %dma_start3A_896 = arith.constant 7 : i32
        %dma_start3A_897 = arith.constant 64 : i32
        %dma_start3A_898 = arith.constant 0 : i32
        %dma_start3A_899 = tpu.memref_slice %arg9[%dma_start3A_896, %dma_start3A_897, %dma_start3A_898] : memref<8x128x64xf32, #tpu.memory_space<vmem>> -> memref<1x64x64xf32, #tpu.memory_space<vmem>>
        %dma_start3A_900 = tpu.memref_squeeze %dma_start3A_899 : memref<1x64x64xf32, #tpu.memory_space<vmem>> -> memref<64x64xf32, #tpu.memory_space<vmem>>
        %dma_start3A_901 = arith.constant 64 : i32
        %dma_start3A_902 = tpu.memref_slice %arg7[%add3A_611, %dma_start3A_901] : memref<80x128xi32, #tpu.memory_space<vmem>> -> memref<1x64xi32, #tpu.memory_space<vmem>>
        %dma_start3A_903 = tpu.memref_squeeze %dma_start3A_902 : memref<1x64xi32, #tpu.memory_space<vmem>> -> memref<64xi32, #tpu.memory_space<vmem>>
        %dma_start3A_904 = arith.constant 0 : i32
        %dma_start3A_905 = arith.constant 0 : i32
        %dma_start3A_906 = tpu.memref_slice %arg2[%dma_start3A_904, %dma_start3A_905] : memref<40000x64xf32, #tpu.memory_space<hbm>> -> memref<40000x64xf32, #tpu.memory_space<hbm>>
        tpu.enqueue_indirect_dma source(%dma_start3A_906 : memref<40000x64xf32, #tpu.memory_space<hbm>>) target(%dma_start3A_900 : memref<64x64xf32, #tpu.memory_space<vmem>>) offsets(%dma_start3A_903 : memref<64xi32, #tpu.memory_space<vmem>>) semaphore(%arg26 : memref<!tpu.dma_semaphore, #tpu.memory_space<semaphore_mem>>)
      } else {
      }
      %mul3A_617 = arith.constant 8 : i32
      %mul3A_618 = arith.muli %scan3A_531, %mul3A_617 : i32
      %add3A_619 = arith.constant 2 : i32
      %add3A_620 = arith.addi %mul3A_618, %add3A_619 : i32
      %dma_wait3A_621 = arith.constant 2 : i32
      %dma_wait3A_622 = arith.constant 0 : i32
      %dma_wait3A_623 = arith.constant 0 : i32
      %dma_wait3A_624 = tpu.memref_slice %arg9[%dma_wait3A_621, %dma_wait3A_622, %dma_wait3A_623] : memref<8x128x64xf32, #tpu.memory_space<vmem>> -> memref<1x64x64xf32, #tpu.memory_space<vmem>>
      %dma_wait3A_625 = tpu.memref_squeeze %dma_wait3A_624 : memref<1x64x64xf32, #tpu.memory_space<vmem>> -> memref<64x64xf32, #tpu.memory_space<vmem>>
      %dma_wait3A_626 = arith.constant 0 : i32
      %dma_wait3A_627 = tpu.memref_slice %arg7[%add3A_620, %dma_wait3A_626] : memref<80x128xi32, #tpu.memory_space<vmem>> -> memref<1x64xi32, #tpu.memory_space<vmem>>
      %dma_wait3A_628 = tpu.memref_squeeze %dma_wait3A_627 : memref<1x64xi32, #tpu.memory_space<vmem>> -> memref<64xi32, #tpu.memory_space<vmem>>
      %dma_wait3A_629 = arith.constant 0 : i32
      %dma_wait3A_630 = arith.constant 0 : i32
      %dma_wait3A_631 = tpu.memref_slice %arg2[%dma_wait3A_629, %dma_wait3A_630] : memref<40000x64xf32, #tpu.memory_space<hbm>> -> memref<40000x64xf32, #tpu.memory_space<hbm>>
      tpu.wait_indirect_dma semaphore(%arg13 : memref<!tpu.dma_semaphore, #tpu.memory_space<semaphore_mem>>) src(%dma_wait3A_631 : memref<40000x64xf32, #tpu.memory_space<hbm>>) dst(%dma_wait3A_625 : memref<64x64xf32, #tpu.memory_space<vmem>>)
      %dma_wait3A_632 = arith.constant 2 : i32
      %dma_wait3A_633 = arith.constant 64 : i32
      %dma_wait3A_634 = arith.constant 0 : i32
      %dma_wait3A_635 = tpu.memref_slice %arg9[%dma_wait3A_632, %dma_wait3A_633, %dma_wait3A_634] : memref<8x128x64xf32, #tpu.memory_space<vmem>> -> memref<1x64x64xf32, #tpu.memory_space<vmem>>
      %dma_wait3A_636 = tpu.memref_squeeze %dma_wait3A_635 : memref<1x64x64xf32, #tpu.memory_space<vmem>> -> memref<64x64xf32, #tpu.memory_space<vmem>>
      %dma_wait3A_637 = arith.constant 64 : i32
      %dma_wait3A_638 = tpu.memref_slice %arg7[%add3A_620, %dma_wait3A_637] : memref<80x128xi32, #tpu.memory_space<vmem>> -> memref<1x64xi32, #tpu.memory_space<vmem>>
      %dma_wait3A_639 = tpu.memref_squeeze %dma_wait3A_638 : memref<1x64xi32, #tpu.memory_space<vmem>> -> memref<64xi32, #tpu.memory_space<vmem>>
      %dma_wait3A_640 = arith.constant 0 : i32
      %dma_wait3A_641 = arith.constant 0 : i32
      %dma_wait3A_642 = tpu.memref_slice %arg2[%dma_wait3A_640, %dma_wait3A_641] : memref<40000x64xf32, #tpu.memory_space<hbm>> -> memref<40000x64xf32, #tpu.memory_space<hbm>>
      tpu.wait_indirect_dma semaphore(%arg21 : memref<!tpu.dma_semaphore, #tpu.memory_space<semaphore_mem>>) src(%dma_wait3A_642 : memref<40000x64xf32, #tpu.memory_space<hbm>>) dst(%dma_wait3A_636 : memref<64x64xf32, #tpu.memory_space<vmem>>)
      %dma_start3A_643 = arith.constant 2 : i32
      %dma_start3A_644 = arith.constant 0 : i32
      %dma_start3A_645 = arith.constant 0 : i32
      %dma_start3A_646 = tpu.memref_slice %arg9[%dma_start3A_643, %dma_start3A_644, %dma_start3A_645] : memref<8x128x64xf32, #tpu.memory_space<vmem>> -> memref<1x128x64xf32, #tpu.memory_space<vmem>>
      %dma_start3A_647 = tpu.memref_squeeze %dma_start3A_646 : memref<1x128x64xf32, #tpu.memory_space<vmem>> -> memref<128x64xf32, #tpu.memory_space<vmem>>
      %dma_start3A_648 = arith.constant 0 : i32
      %dma_start3A_649 = tpu.memref_slice %arg8[%add3A_620, %dma_start3A_648] : memref<80x128xi32, #tpu.memory_space<vmem>> -> memref<1x128xi32, #tpu.memory_space<vmem>>
      %dma_start3A_650 = tpu.memref_squeeze %dma_start3A_649 : memref<1x128xi32, #tpu.memory_space<vmem>> -> memref<128xi32, #tpu.memory_space<vmem>>
      %dma_start3A_651 = arith.constant 0 : i32
      %dma_start3A_652 = arith.constant 0 : i32
      %dma_start3A_653 = tpu.memref_slice %arg10[%dma_start3A_651, %dma_start3A_652] : memref<10016x64xf32, #tpu.memory_space<vmem_shared>> -> memref<10016x64xf32, #tpu.memory_space<vmem_shared>>
      tpu.enqueue_indirect_dma source(%dma_start3A_647 : memref<128x64xf32, #tpu.memory_space<vmem>>) target(%dma_start3A_653 : memref<10016x64xf32, #tpu.memory_space<vmem_shared>>) offsets(%dma_start3A_650 : memref<128xi32, #tpu.memory_space<vmem>>) semaphore(%arg29 : memref<!tpu.dma_semaphore, #tpu.memory_space<semaphore_mem>>) {add = true}
      %add3A_654 = arith.constant 6 : i32
      %add3A_655 = arith.addi %add3A_620, %add3A_654 : i32
      %lt3A_656 = arith.constant 80 : i32
      %lt3A_657 = arith.cmpi slt, %add3A_655, %lt3A_656 : i32
      %convert_element_type3A_658 = arith.extui %lt3A_657 : i1 to i32
      %cond3A_659 = arith.constant 0 : i32
      %cond3A_660 = arith.cmpi ne, %convert_element_type3A_658, %cond3A_659 : i32
      scf.if %cond3A_660 {
        %ge3A = arith.constant 8 : i32
        %ge3A_881 = arith.cmpi sge, %add3A_655, %ge3A : i32
        %convert_element_type3A_882 = arith.extui %ge3A_881 : i1 to i32
        %cond3A_883 = arith.constant 0 : i32
        %cond3A_884 = arith.cmpi ne, %convert_element_type3A_882, %cond3A_883 : i32
        scf.if %cond3A_884 {
          %sub3A = arith.constant 8 : i32
          %sub3A_907 = arith.subi %add3A_655, %sub3A : i32
          %dma_wait3A_908 = arith.constant 0 : i32
          %dma_wait3A_909 = arith.constant 0 : i32
          %dma_wait3A_910 = arith.constant 0 : i32
          %dma_wait3A_911 = tpu.memref_slice %arg9[%dma_wait3A_908, %dma_wait3A_909, %dma_wait3A_910] : memref<8x128x64xf32, #tpu.memory_space<vmem>> -> memref<1x128x64xf32, #tpu.memory_space<vmem>>
          %dma_wait3A_912 = tpu.memref_squeeze %dma_wait3A_911 : memref<1x128x64xf32, #tpu.memory_space<vmem>> -> memref<128x64xf32, #tpu.memory_space<vmem>>
          %dma_wait3A_913 = arith.constant 0 : i32
          %dma_wait3A_914 = tpu.memref_slice %arg8[%sub3A_907, %dma_wait3A_913] : memref<80x128xi32, #tpu.memory_space<vmem>> -> memref<1x128xi32, #tpu.memory_space<vmem>>
          %dma_wait3A_915 = tpu.memref_squeeze %dma_wait3A_914 : memref<1x128xi32, #tpu.memory_space<vmem>> -> memref<128xi32, #tpu.memory_space<vmem>>
          %dma_wait3A_916 = arith.constant 0 : i32
          %dma_wait3A_917 = arith.constant 0 : i32
          %dma_wait3A_918 = tpu.memref_slice %arg10[%dma_wait3A_916, %dma_wait3A_917] : memref<10016x64xf32, #tpu.memory_space<vmem_shared>> -> memref<10016x64xf32, #tpu.memory_space<vmem_shared>>
          tpu.wait_indirect_dma semaphore(%arg27 : memref<!tpu.dma_semaphore, #tpu.memory_space<semaphore_mem>>) src(%dma_wait3A_912 : memref<128x64xf32, #tpu.memory_space<vmem>>) dst(%dma_wait3A_918 : memref<10016x64xf32, #tpu.memory_space<vmem_shared>>)
        } else {
        }
        %dma_start3A_885 = arith.constant 0 : i32
        %dma_start3A_886 = arith.constant 0 : i32
        %dma_start3A_887 = arith.constant 0 : i32
        %dma_start3A_888 = tpu.memref_slice %arg9[%dma_start3A_885, %dma_start3A_886, %dma_start3A_887] : memref<8x128x64xf32, #tpu.memory_space<vmem>> -> memref<1x64x64xf32, #tpu.memory_space<vmem>>
        %dma_start3A_889 = tpu.memref_squeeze %dma_start3A_888 : memref<1x64x64xf32, #tpu.memory_space<vmem>> -> memref<64x64xf32, #tpu.memory_space<vmem>>
        %dma_start3A_890 = arith.constant 0 : i32
        %dma_start3A_891 = tpu.memref_slice %arg7[%add3A_655, %dma_start3A_890] : memref<80x128xi32, #tpu.memory_space<vmem>> -> memref<1x64xi32, #tpu.memory_space<vmem>>
        %dma_start3A_892 = tpu.memref_squeeze %dma_start3A_891 : memref<1x64xi32, #tpu.memory_space<vmem>> -> memref<64xi32, #tpu.memory_space<vmem>>
        %dma_start3A_893 = arith.constant 0 : i32
        %dma_start3A_894 = arith.constant 0 : i32
        %dma_start3A_895 = tpu.memref_slice %arg2[%dma_start3A_893, %dma_start3A_894] : memref<40000x64xf32, #tpu.memory_space<hbm>> -> memref<40000x64xf32, #tpu.memory_space<hbm>>
        tpu.enqueue_indirect_dma source(%dma_start3A_895 : memref<40000x64xf32, #tpu.memory_space<hbm>>) target(%dma_start3A_889 : memref<64x64xf32, #tpu.memory_space<vmem>>) offsets(%dma_start3A_892 : memref<64xi32, #tpu.memory_space<vmem>>) semaphore(%arg11 : memref<!tpu.dma_semaphore, #tpu.memory_space<semaphore_mem>>)
        %dma_start3A_896 = arith.constant 0 : i32
        %dma_start3A_897 = arith.constant 64 : i32
        %dma_start3A_898 = arith.constant 0 : i32
        %dma_start3A_899 = tpu.memref_slice %arg9[%dma_start3A_896, %dma_start3A_897, %dma_start3A_898] : memref<8x128x64xf32, #tpu.memory_space<vmem>> -> memref<1x64x64xf32, #tpu.memory_space<vmem>>
        %dma_start3A_900 = tpu.memref_squeeze %dma_start3A_899 : memref<1x64x64xf32, #tpu.memory_space<vmem>> -> memref<64x64xf32, #tpu.memory_space<vmem>>
        %dma_start3A_901 = arith.constant 64 : i32
        %dma_start3A_902 = tpu.memref_slice %arg7[%add3A_655, %dma_start3A_901] : memref<80x128xi32, #tpu.memory_space<vmem>> -> memref<1x64xi32, #tpu.memory_space<vmem>>
        %dma_start3A_903 = tpu.memref_squeeze %dma_start3A_902 : memref<1x64xi32, #tpu.memory_space<vmem>> -> memref<64xi32, #tpu.memory_space<vmem>>
        %dma_start3A_904 = arith.constant 0 : i32
        %dma_start3A_905 = arith.constant 0 : i32
        %dma_start3A_906 = tpu.memref_slice %arg2[%dma_start3A_904, %dma_start3A_905] : memref<40000x64xf32, #tpu.memory_space<hbm>> -> memref<40000x64xf32, #tpu.memory_space<hbm>>
        tpu.enqueue_indirect_dma source(%dma_start3A_906 : memref<40000x64xf32, #tpu.memory_space<hbm>>) target(%dma_start3A_900 : memref<64x64xf32, #tpu.memory_space<vmem>>) offsets(%dma_start3A_903 : memref<64xi32, #tpu.memory_space<vmem>>) semaphore(%arg19 : memref<!tpu.dma_semaphore, #tpu.memory_space<semaphore_mem>>)
      } else {
      }
      %mul3A_661 = arith.constant 8 : i32
      %mul3A_662 = arith.muli %scan3A_531, %mul3A_661 : i32
      %add3A_663 = arith.constant 3 : i32
      %add3A_664 = arith.addi %mul3A_662, %add3A_663 : i32
      %dma_wait3A_665 = arith.constant 3 : i32
      %dma_wait3A_666 = arith.constant 0 : i32
      %dma_wait3A_667 = arith.constant 0 : i32
      %dma_wait3A_668 = tpu.memref_slice %arg9[%dma_wait3A_665, %dma_wait3A_666, %dma_wait3A_667] : memref<8x128x64xf32, #tpu.memory_space<vmem>> -> memref<1x64x64xf32, #tpu.memory_space<vmem>>
      %dma_wait3A_669 = tpu.memref_squeeze %dma_wait3A_668 : memref<1x64x64xf32, #tpu.memory_space<vmem>> -> memref<64x64xf32, #tpu.memory_space<vmem>>
      %dma_wait3A_670 = arith.constant 0 : i32
      %dma_wait3A_671 = tpu.memref_slice %arg7[%add3A_664, %dma_wait3A_670] : memref<80x128xi32, #tpu.memory_space<vmem>> -> memref<1x64xi32, #tpu.memory_space<vmem>>
      %dma_wait3A_672 = tpu.memref_squeeze %dma_wait3A_671 : memref<1x64xi32, #tpu.memory_space<vmem>> -> memref<64xi32, #tpu.memory_space<vmem>>
      %dma_wait3A_673 = arith.constant 0 : i32
      %dma_wait3A_674 = arith.constant 0 : i32
      %dma_wait3A_675 = tpu.memref_slice %arg2[%dma_wait3A_673, %dma_wait3A_674] : memref<40000x64xf32, #tpu.memory_space<hbm>> -> memref<40000x64xf32, #tpu.memory_space<hbm>>
      tpu.wait_indirect_dma semaphore(%arg14 : memref<!tpu.dma_semaphore, #tpu.memory_space<semaphore_mem>>) src(%dma_wait3A_675 : memref<40000x64xf32, #tpu.memory_space<hbm>>) dst(%dma_wait3A_669 : memref<64x64xf32, #tpu.memory_space<vmem>>)
      %dma_wait3A_676 = arith.constant 3 : i32
      %dma_wait3A_677 = arith.constant 64 : i32
      %dma_wait3A_678 = arith.constant 0 : i32
      %dma_wait3A_679 = tpu.memref_slice %arg9[%dma_wait3A_676, %dma_wait3A_677, %dma_wait3A_678] : memref<8x128x64xf32, #tpu.memory_space<vmem>> -> memref<1x64x64xf32, #tpu.memory_space<vmem>>
      %dma_wait3A_680 = tpu.memref_squeeze %dma_wait3A_679 : memref<1x64x64xf32, #tpu.memory_space<vmem>> -> memref<64x64xf32, #tpu.memory_space<vmem>>
      %dma_wait3A_681 = arith.constant 64 : i32
      %dma_wait3A_682 = tpu.memref_slice %arg7[%add3A_664, %dma_wait3A_681] : memref<80x128xi32, #tpu.memory_space<vmem>> -> memref<1x64xi32, #tpu.memory_space<vmem>>
      %dma_wait3A_683 = tpu.memref_squeeze %dma_wait3A_682 : memref<1x64xi32, #tpu.memory_space<vmem>> -> memref<64xi32, #tpu.memory_space<vmem>>
      %dma_wait3A_684 = arith.constant 0 : i32
      %dma_wait3A_685 = arith.constant 0 : i32
      %dma_wait3A_686 = tpu.memref_slice %arg2[%dma_wait3A_684, %dma_wait3A_685] : memref<40000x64xf32, #tpu.memory_space<hbm>> -> memref<40000x64xf32, #tpu.memory_space<hbm>>
      tpu.wait_indirect_dma semaphore(%arg22 : memref<!tpu.dma_semaphore, #tpu.memory_space<semaphore_mem>>) src(%dma_wait3A_686 : memref<40000x64xf32, #tpu.memory_space<hbm>>) dst(%dma_wait3A_680 : memref<64x64xf32, #tpu.memory_space<vmem>>)
      %dma_start3A_687 = arith.constant 3 : i32
      %dma_start3A_688 = arith.constant 0 : i32
      %dma_start3A_689 = arith.constant 0 : i32
      %dma_start3A_690 = tpu.memref_slice %arg9[%dma_start3A_687, %dma_start3A_688, %dma_start3A_689] : memref<8x128x64xf32, #tpu.memory_space<vmem>> -> memref<1x128x64xf32, #tpu.memory_space<vmem>>
      %dma_start3A_691 = tpu.memref_squeeze %dma_start3A_690 : memref<1x128x64xf32, #tpu.memory_space<vmem>> -> memref<128x64xf32, #tpu.memory_space<vmem>>
      %dma_start3A_692 = arith.constant 0 : i32
      %dma_start3A_693 = tpu.memref_slice %arg8[%add3A_664, %dma_start3A_692] : memref<80x128xi32, #tpu.memory_space<vmem>> -> memref<1x128xi32, #tpu.memory_space<vmem>>
      %dma_start3A_694 = tpu.memref_squeeze %dma_start3A_693 : memref<1x128xi32, #tpu.memory_space<vmem>> -> memref<128xi32, #tpu.memory_space<vmem>>
      %dma_start3A_695 = arith.constant 0 : i32
      %dma_start3A_696 = arith.constant 0 : i32
      %dma_start3A_697 = tpu.memref_slice %arg10[%dma_start3A_695, %dma_start3A_696] : memref<10016x64xf32, #tpu.memory_space<vmem_shared>> -> memref<10016x64xf32, #tpu.memory_space<vmem_shared>>
      tpu.enqueue_indirect_dma source(%dma_start3A_691 : memref<128x64xf32, #tpu.memory_space<vmem>>) target(%dma_start3A_697 : memref<10016x64xf32, #tpu.memory_space<vmem_shared>>) offsets(%dma_start3A_694 : memref<128xi32, #tpu.memory_space<vmem>>) semaphore(%arg30 : memref<!tpu.dma_semaphore, #tpu.memory_space<semaphore_mem>>) {add = true}
      %add3A_698 = arith.constant 6 : i32
      %add3A_699 = arith.addi %add3A_664, %add3A_698 : i32
      %lt3A_700 = arith.constant 80 : i32
      %lt3A_701 = arith.cmpi slt, %add3A_699, %lt3A_700 : i32
      %convert_element_type3A_702 = arith.extui %lt3A_701 : i1 to i32
      %cond3A_703 = arith.constant 0 : i32
      %cond3A_704 = arith.cmpi ne, %convert_element_type3A_702, %cond3A_703 : i32
      scf.if %cond3A_704 {
        %ge3A = arith.constant 8 : i32
        %ge3A_881 = arith.cmpi sge, %add3A_699, %ge3A : i32
        %convert_element_type3A_882 = arith.extui %ge3A_881 : i1 to i32
        %cond3A_883 = arith.constant 0 : i32
        %cond3A_884 = arith.cmpi ne, %convert_element_type3A_882, %cond3A_883 : i32
        scf.if %cond3A_884 {
          %sub3A = arith.constant 8 : i32
          %sub3A_907 = arith.subi %add3A_699, %sub3A : i32
          %dma_wait3A_908 = arith.constant 1 : i32
          %dma_wait3A_909 = arith.constant 0 : i32
          %dma_wait3A_910 = arith.constant 0 : i32
          %dma_wait3A_911 = tpu.memref_slice %arg9[%dma_wait3A_908, %dma_wait3A_909, %dma_wait3A_910] : memref<8x128x64xf32, #tpu.memory_space<vmem>> -> memref<1x128x64xf32, #tpu.memory_space<vmem>>
          %dma_wait3A_912 = tpu.memref_squeeze %dma_wait3A_911 : memref<1x128x64xf32, #tpu.memory_space<vmem>> -> memref<128x64xf32, #tpu.memory_space<vmem>>
          %dma_wait3A_913 = arith.constant 0 : i32
          %dma_wait3A_914 = tpu.memref_slice %arg8[%sub3A_907, %dma_wait3A_913] : memref<80x128xi32, #tpu.memory_space<vmem>> -> memref<1x128xi32, #tpu.memory_space<vmem>>
          %dma_wait3A_915 = tpu.memref_squeeze %dma_wait3A_914 : memref<1x128xi32, #tpu.memory_space<vmem>> -> memref<128xi32, #tpu.memory_space<vmem>>
          %dma_wait3A_916 = arith.constant 0 : i32
          %dma_wait3A_917 = arith.constant 0 : i32
          %dma_wait3A_918 = tpu.memref_slice %arg10[%dma_wait3A_916, %dma_wait3A_917] : memref<10016x64xf32, #tpu.memory_space<vmem_shared>> -> memref<10016x64xf32, #tpu.memory_space<vmem_shared>>
          tpu.wait_indirect_dma semaphore(%arg28 : memref<!tpu.dma_semaphore, #tpu.memory_space<semaphore_mem>>) src(%dma_wait3A_912 : memref<128x64xf32, #tpu.memory_space<vmem>>) dst(%dma_wait3A_918 : memref<10016x64xf32, #tpu.memory_space<vmem_shared>>)
        } else {
        }
        %dma_start3A_885 = arith.constant 1 : i32
        %dma_start3A_886 = arith.constant 0 : i32
        %dma_start3A_887 = arith.constant 0 : i32
        %dma_start3A_888 = tpu.memref_slice %arg9[%dma_start3A_885, %dma_start3A_886, %dma_start3A_887] : memref<8x128x64xf32, #tpu.memory_space<vmem>> -> memref<1x64x64xf32, #tpu.memory_space<vmem>>
        %dma_start3A_889 = tpu.memref_squeeze %dma_start3A_888 : memref<1x64x64xf32, #tpu.memory_space<vmem>> -> memref<64x64xf32, #tpu.memory_space<vmem>>
        %dma_start3A_890 = arith.constant 0 : i32
        %dma_start3A_891 = tpu.memref_slice %arg7[%add3A_699, %dma_start3A_890] : memref<80x128xi32, #tpu.memory_space<vmem>> -> memref<1x64xi32, #tpu.memory_space<vmem>>
        %dma_start3A_892 = tpu.memref_squeeze %dma_start3A_891 : memref<1x64xi32, #tpu.memory_space<vmem>> -> memref<64xi32, #tpu.memory_space<vmem>>
        %dma_start3A_893 = arith.constant 0 : i32
        %dma_start3A_894 = arith.constant 0 : i32
        %dma_start3A_895 = tpu.memref_slice %arg2[%dma_start3A_893, %dma_start3A_894] : memref<40000x64xf32, #tpu.memory_space<hbm>> -> memref<40000x64xf32, #tpu.memory_space<hbm>>
        tpu.enqueue_indirect_dma source(%dma_start3A_895 : memref<40000x64xf32, #tpu.memory_space<hbm>>) target(%dma_start3A_889 : memref<64x64xf32, #tpu.memory_space<vmem>>) offsets(%dma_start3A_892 : memref<64xi32, #tpu.memory_space<vmem>>) semaphore(%arg12 : memref<!tpu.dma_semaphore, #tpu.memory_space<semaphore_mem>>)
        %dma_start3A_896 = arith.constant 1 : i32
        %dma_start3A_897 = arith.constant 64 : i32
        %dma_start3A_898 = arith.constant 0 : i32
        %dma_start3A_899 = tpu.memref_slice %arg9[%dma_start3A_896, %dma_start3A_897, %dma_start3A_898] : memref<8x128x64xf32, #tpu.memory_space<vmem>> -> memref<1x64x64xf32, #tpu.memory_space<vmem>>
        %dma_start3A_900 = tpu.memref_squeeze %dma_start3A_899 : memref<1x64x64xf32, #tpu.memory_space<vmem>> -> memref<64x64xf32, #tpu.memory_space<vmem>>
        %dma_start3A_901 = arith.constant 64 : i32
        %dma_start3A_902 = tpu.memref_slice %arg7[%add3A_699, %dma_start3A_901] : memref<80x128xi32, #tpu.memory_space<vmem>> -> memref<1x64xi32, #tpu.memory_space<vmem>>
        %dma_start3A_903 = tpu.memref_squeeze %dma_start3A_902 : memref<1x64xi32, #tpu.memory_space<vmem>> -> memref<64xi32, #tpu.memory_space<vmem>>
        %dma_start3A_904 = arith.constant 0 : i32
        %dma_start3A_905 = arith.constant 0 : i32
        %dma_start3A_906 = tpu.memref_slice %arg2[%dma_start3A_904, %dma_start3A_905] : memref<40000x64xf32, #tpu.memory_space<hbm>> -> memref<40000x64xf32, #tpu.memory_space<hbm>>
        tpu.enqueue_indirect_dma source(%dma_start3A_906 : memref<40000x64xf32, #tpu.memory_space<hbm>>) target(%dma_start3A_900 : memref<64x64xf32, #tpu.memory_space<vmem>>) offsets(%dma_start3A_903 : memref<64xi32, #tpu.memory_space<vmem>>) semaphore(%arg20 : memref<!tpu.dma_semaphore, #tpu.memory_space<semaphore_mem>>)
      } else {
      }
      %mul3A_705 = arith.constant 8 : i32
      %mul3A_706 = arith.muli %scan3A_531, %mul3A_705 : i32
      %add3A_707 = arith.constant 4 : i32
      %add3A_708 = arith.addi %mul3A_706, %add3A_707 : i32
      %dma_wait3A_709 = arith.constant 4 : i32
      %dma_wait3A_710 = arith.constant 0 : i32
      %dma_wait3A_711 = arith.constant 0 : i32
      %dma_wait3A_712 = tpu.memref_slice %arg9[%dma_wait3A_709, %dma_wait3A_710, %dma_wait3A_711] : memref<8x128x64xf32, #tpu.memory_space<vmem>> -> memref<1x64x64xf32, #tpu.memory_space<vmem>>
      %dma_wait3A_713 = tpu.memref_squeeze %dma_wait3A_712 : memref<1x64x64xf32, #tpu.memory_space<vmem>> -> memref<64x64xf32, #tpu.memory_space<vmem>>
      %dma_wait3A_714 = arith.constant 0 : i32
      %dma_wait3A_715 = tpu.memref_slice %arg7[%add3A_708, %dma_wait3A_714] : memref<80x128xi32, #tpu.memory_space<vmem>> -> memref<1x64xi32, #tpu.memory_space<vmem>>
      %dma_wait3A_716 = tpu.memref_squeeze %dma_wait3A_715 : memref<1x64xi32, #tpu.memory_space<vmem>> -> memref<64xi32, #tpu.memory_space<vmem>>
      %dma_wait3A_717 = arith.constant 0 : i32
      %dma_wait3A_718 = arith.constant 0 : i32
      %dma_wait3A_719 = tpu.memref_slice %arg2[%dma_wait3A_717, %dma_wait3A_718] : memref<40000x64xf32, #tpu.memory_space<hbm>> -> memref<40000x64xf32, #tpu.memory_space<hbm>>
      tpu.wait_indirect_dma semaphore(%arg15 : memref<!tpu.dma_semaphore, #tpu.memory_space<semaphore_mem>>) src(%dma_wait3A_719 : memref<40000x64xf32, #tpu.memory_space<hbm>>) dst(%dma_wait3A_713 : memref<64x64xf32, #tpu.memory_space<vmem>>)
      %dma_wait3A_720 = arith.constant 4 : i32
      %dma_wait3A_721 = arith.constant 64 : i32
      %dma_wait3A_722 = arith.constant 0 : i32
      %dma_wait3A_723 = tpu.memref_slice %arg9[%dma_wait3A_720, %dma_wait3A_721, %dma_wait3A_722] : memref<8x128x64xf32, #tpu.memory_space<vmem>> -> memref<1x64x64xf32, #tpu.memory_space<vmem>>
      %dma_wait3A_724 = tpu.memref_squeeze %dma_wait3A_723 : memref<1x64x64xf32, #tpu.memory_space<vmem>> -> memref<64x64xf32, #tpu.memory_space<vmem>>
      %dma_wait3A_725 = arith.constant 64 : i32
      %dma_wait3A_726 = tpu.memref_slice %arg7[%add3A_708, %dma_wait3A_725] : memref<80x128xi32, #tpu.memory_space<vmem>> -> memref<1x64xi32, #tpu.memory_space<vmem>>
      %dma_wait3A_727 = tpu.memref_squeeze %dma_wait3A_726 : memref<1x64xi32, #tpu.memory_space<vmem>> -> memref<64xi32, #tpu.memory_space<vmem>>
      %dma_wait3A_728 = arith.constant 0 : i32
      %dma_wait3A_729 = arith.constant 0 : i32
      %dma_wait3A_730 = tpu.memref_slice %arg2[%dma_wait3A_728, %dma_wait3A_729] : memref<40000x64xf32, #tpu.memory_space<hbm>> -> memref<40000x64xf32, #tpu.memory_space<hbm>>
      tpu.wait_indirect_dma semaphore(%arg23 : memref<!tpu.dma_semaphore, #tpu.memory_space<semaphore_mem>>) src(%dma_wait3A_730 : memref<40000x64xf32, #tpu.memory_space<hbm>>) dst(%dma_wait3A_724 : memref<64x64xf32, #tpu.memory_space<vmem>>)
      %dma_start3A_731 = arith.constant 4 : i32
      %dma_start3A_732 = arith.constant 0 : i32
      %dma_start3A_733 = arith.constant 0 : i32
      %dma_start3A_734 = tpu.memref_slice %arg9[%dma_start3A_731, %dma_start3A_732, %dma_start3A_733] : memref<8x128x64xf32, #tpu.memory_space<vmem>> -> memref<1x128x64xf32, #tpu.memory_space<vmem>>
      %dma_start3A_735 = tpu.memref_squeeze %dma_start3A_734 : memref<1x128x64xf32, #tpu.memory_space<vmem>> -> memref<128x64xf32, #tpu.memory_space<vmem>>
      %dma_start3A_736 = arith.constant 0 : i32
      %dma_start3A_737 = tpu.memref_slice %arg8[%add3A_708, %dma_start3A_736] : memref<80x128xi32, #tpu.memory_space<vmem>> -> memref<1x128xi32, #tpu.memory_space<vmem>>
      %dma_start3A_738 = tpu.memref_squeeze %dma_start3A_737 : memref<1x128xi32, #tpu.memory_space<vmem>> -> memref<128xi32, #tpu.memory_space<vmem>>
      %dma_start3A_739 = arith.constant 0 : i32
      %dma_start3A_740 = arith.constant 0 : i32
      %dma_start3A_741 = tpu.memref_slice %arg10[%dma_start3A_739, %dma_start3A_740] : memref<10016x64xf32, #tpu.memory_space<vmem_shared>> -> memref<10016x64xf32, #tpu.memory_space<vmem_shared>>
      tpu.enqueue_indirect_dma source(%dma_start3A_735 : memref<128x64xf32, #tpu.memory_space<vmem>>) target(%dma_start3A_741 : memref<10016x64xf32, #tpu.memory_space<vmem_shared>>) offsets(%dma_start3A_738 : memref<128xi32, #tpu.memory_space<vmem>>) semaphore(%arg31 : memref<!tpu.dma_semaphore, #tpu.memory_space<semaphore_mem>>) {add = true}
      %add3A_742 = arith.constant 6 : i32
      %add3A_743 = arith.addi %add3A_708, %add3A_742 : i32
      %lt3A_744 = arith.constant 80 : i32
      %lt3A_745 = arith.cmpi slt, %add3A_743, %lt3A_744 : i32
      %convert_element_type3A_746 = arith.extui %lt3A_745 : i1 to i32
      %cond3A_747 = arith.constant 0 : i32
      %cond3A_748 = arith.cmpi ne, %convert_element_type3A_746, %cond3A_747 : i32
      scf.if %cond3A_748 {
        %ge3A = arith.constant 8 : i32
        %ge3A_881 = arith.cmpi sge, %add3A_743, %ge3A : i32
        %convert_element_type3A_882 = arith.extui %ge3A_881 : i1 to i32
        %cond3A_883 = arith.constant 0 : i32
        %cond3A_884 = arith.cmpi ne, %convert_element_type3A_882, %cond3A_883 : i32
        scf.if %cond3A_884 {
          %sub3A = arith.constant 8 : i32
          %sub3A_907 = arith.subi %add3A_743, %sub3A : i32
          %dma_wait3A_908 = arith.constant 2 : i32
          %dma_wait3A_909 = arith.constant 0 : i32
          %dma_wait3A_910 = arith.constant 0 : i32
          %dma_wait3A_911 = tpu.memref_slice %arg9[%dma_wait3A_908, %dma_wait3A_909, %dma_wait3A_910] : memref<8x128x64xf32, #tpu.memory_space<vmem>> -> memref<1x128x64xf32, #tpu.memory_space<vmem>>
          %dma_wait3A_912 = tpu.memref_squeeze %dma_wait3A_911 : memref<1x128x64xf32, #tpu.memory_space<vmem>> -> memref<128x64xf32, #tpu.memory_space<vmem>>
          %dma_wait3A_913 = arith.constant 0 : i32
          %dma_wait3A_914 = tpu.memref_slice %arg8[%sub3A_907, %dma_wait3A_913] : memref<80x128xi32, #tpu.memory_space<vmem>> -> memref<1x128xi32, #tpu.memory_space<vmem>>
          %dma_wait3A_915 = tpu.memref_squeeze %dma_wait3A_914 : memref<1x128xi32, #tpu.memory_space<vmem>> -> memref<128xi32, #tpu.memory_space<vmem>>
          %dma_wait3A_916 = arith.constant 0 : i32
          %dma_wait3A_917 = arith.constant 0 : i32
          %dma_wait3A_918 = tpu.memref_slice %arg10[%dma_wait3A_916, %dma_wait3A_917] : memref<10016x64xf32, #tpu.memory_space<vmem_shared>> -> memref<10016x64xf32, #tpu.memory_space<vmem_shared>>
          tpu.wait_indirect_dma semaphore(%arg29 : memref<!tpu.dma_semaphore, #tpu.memory_space<semaphore_mem>>) src(%dma_wait3A_912 : memref<128x64xf32, #tpu.memory_space<vmem>>) dst(%dma_wait3A_918 : memref<10016x64xf32, #tpu.memory_space<vmem_shared>>)
        } else {
        }
        %dma_start3A_885 = arith.constant 2 : i32
        %dma_start3A_886 = arith.constant 0 : i32
        %dma_start3A_887 = arith.constant 0 : i32
        %dma_start3A_888 = tpu.memref_slice %arg9[%dma_start3A_885, %dma_start3A_886, %dma_start3A_887] : memref<8x128x64xf32, #tpu.memory_space<vmem>> -> memref<1x64x64xf32, #tpu.memory_space<vmem>>
        %dma_start3A_889 = tpu.memref_squeeze %dma_start3A_888 : memref<1x64x64xf32, #tpu.memory_space<vmem>> -> memref<64x64xf32, #tpu.memory_space<vmem>>
        %dma_start3A_890 = arith.constant 0 : i32
        %dma_start3A_891 = tpu.memref_slice %arg7[%add3A_743, %dma_start3A_890] : memref<80x128xi32, #tpu.memory_space<vmem>> -> memref<1x64xi32, #tpu.memory_space<vmem>>
        %dma_start3A_892 = tpu.memref_squeeze %dma_start3A_891 : memref<1x64xi32, #tpu.memory_space<vmem>> -> memref<64xi32, #tpu.memory_space<vmem>>
        %dma_start3A_893 = arith.constant 0 : i32
        %dma_start3A_894 = arith.constant 0 : i32
        %dma_start3A_895 = tpu.memref_slice %arg2[%dma_start3A_893, %dma_start3A_894] : memref<40000x64xf32, #tpu.memory_space<hbm>> -> memref<40000x64xf32, #tpu.memory_space<hbm>>
        tpu.enqueue_indirect_dma source(%dma_start3A_895 : memref<40000x64xf32, #tpu.memory_space<hbm>>) target(%dma_start3A_889 : memref<64x64xf32, #tpu.memory_space<vmem>>) offsets(%dma_start3A_892 : memref<64xi32, #tpu.memory_space<vmem>>) semaphore(%arg13 : memref<!tpu.dma_semaphore, #tpu.memory_space<semaphore_mem>>)
        %dma_start3A_896 = arith.constant 2 : i32
        %dma_start3A_897 = arith.constant 64 : i32
        %dma_start3A_898 = arith.constant 0 : i32
        %dma_start3A_899 = tpu.memref_slice %arg9[%dma_start3A_896, %dma_start3A_897, %dma_start3A_898] : memref<8x128x64xf32, #tpu.memory_space<vmem>> -> memref<1x64x64xf32, #tpu.memory_space<vmem>>
        %dma_start3A_900 = tpu.memref_squeeze %dma_start3A_899 : memref<1x64x64xf32, #tpu.memory_space<vmem>> -> memref<64x64xf32, #tpu.memory_space<vmem>>
        %dma_start3A_901 = arith.constant 64 : i32
        %dma_start3A_902 = tpu.memref_slice %arg7[%add3A_743, %dma_start3A_901] : memref<80x128xi32, #tpu.memory_space<vmem>> -> memref<1x64xi32, #tpu.memory_space<vmem>>
        %dma_start3A_903 = tpu.memref_squeeze %dma_start3A_902 : memref<1x64xi32, #tpu.memory_space<vmem>> -> memref<64xi32, #tpu.memory_space<vmem>>
        %dma_start3A_904 = arith.constant 0 : i32
        %dma_start3A_905 = arith.constant 0 : i32
        %dma_start3A_906 = tpu.memref_slice %arg2[%dma_start3A_904, %dma_start3A_905] : memref<40000x64xf32, #tpu.memory_space<hbm>> -> memref<40000x64xf32, #tpu.memory_space<hbm>>
        tpu.enqueue_indirect_dma source(%dma_start3A_906 : memref<40000x64xf32, #tpu.memory_space<hbm>>) target(%dma_start3A_900 : memref<64x64xf32, #tpu.memory_space<vmem>>) offsets(%dma_start3A_903 : memref<64xi32, #tpu.memory_space<vmem>>) semaphore(%arg21 : memref<!tpu.dma_semaphore, #tpu.memory_space<semaphore_mem>>)
      } else {
      }
      %mul3A_749 = arith.constant 8 : i32
      %mul3A_750 = arith.muli %scan3A_531, %mul3A_749 : i32
      %add3A_751 = arith.constant 5 : i32
      %add3A_752 = arith.addi %mul3A_750, %add3A_751 : i32
      %dma_wait3A_753 = arith.constant 5 : i32
      %dma_wait3A_754 = arith.constant 0 : i32
      %dma_wait3A_755 = arith.constant 0 : i32
      %dma_wait3A_756 = tpu.memref_slice %arg9[%dma_wait3A_753, %dma_wait3A_754, %dma_wait3A_755] : memref<8x128x64xf32, #tpu.memory_space<vmem>> -> memref<1x64x64xf32, #tpu.memory_space<vmem>>
      %dma_wait3A_757 = tpu.memref_squeeze %dma_wait3A_756 : memref<1x64x64xf32, #tpu.memory_space<vmem>> -> memref<64x64xf32, #tpu.memory_space<vmem>>
      %dma_wait3A_758 = arith.constant 0 : i32
      %dma_wait3A_759 = tpu.memref_slice %arg7[%add3A_752, %dma_wait3A_758] : memref<80x128xi32, #tpu.memory_space<vmem>> -> memref<1x64xi32, #tpu.memory_space<vmem>>
      %dma_wait3A_760 = tpu.memref_squeeze %dma_wait3A_759 : memref<1x64xi32, #tpu.memory_space<vmem>> -> memref<64xi32, #tpu.memory_space<vmem>>
      %dma_wait3A_761 = arith.constant 0 : i32
      %dma_wait3A_762 = arith.constant 0 : i32
      %dma_wait3A_763 = tpu.memref_slice %arg2[%dma_wait3A_761, %dma_wait3A_762] : memref<40000x64xf32, #tpu.memory_space<hbm>> -> memref<40000x64xf32, #tpu.memory_space<hbm>>
      tpu.wait_indirect_dma semaphore(%arg16 : memref<!tpu.dma_semaphore, #tpu.memory_space<semaphore_mem>>) src(%dma_wait3A_763 : memref<40000x64xf32, #tpu.memory_space<hbm>>) dst(%dma_wait3A_757 : memref<64x64xf32, #tpu.memory_space<vmem>>)
      %dma_wait3A_764 = arith.constant 5 : i32
      %dma_wait3A_765 = arith.constant 64 : i32
      %dma_wait3A_766 = arith.constant 0 : i32
      %dma_wait3A_767 = tpu.memref_slice %arg9[%dma_wait3A_764, %dma_wait3A_765, %dma_wait3A_766] : memref<8x128x64xf32, #tpu.memory_space<vmem>> -> memref<1x64x64xf32, #tpu.memory_space<vmem>>
      %dma_wait3A_768 = tpu.memref_squeeze %dma_wait3A_767 : memref<1x64x64xf32, #tpu.memory_space<vmem>> -> memref<64x64xf32, #tpu.memory_space<vmem>>
      %dma_wait3A_769 = arith.constant 64 : i32
      %dma_wait3A_770 = tpu.memref_slice %arg7[%add3A_752, %dma_wait3A_769] : memref<80x128xi32, #tpu.memory_space<vmem>> -> memref<1x64xi32, #tpu.memory_space<vmem>>
      %dma_wait3A_771 = tpu.memref_squeeze %dma_wait3A_770 : memref<1x64xi32, #tpu.memory_space<vmem>> -> memref<64xi32, #tpu.memory_space<vmem>>
      %dma_wait3A_772 = arith.constant 0 : i32
      %dma_wait3A_773 = arith.constant 0 : i32
      %dma_wait3A_774 = tpu.memref_slice %arg2[%dma_wait3A_772, %dma_wait3A_773] : memref<40000x64xf32, #tpu.memory_space<hbm>> -> memref<40000x64xf32, #tpu.memory_space<hbm>>
      tpu.wait_indirect_dma semaphore(%arg24 : memref<!tpu.dma_semaphore, #tpu.memory_space<semaphore_mem>>) src(%dma_wait3A_774 : memref<40000x64xf32, #tpu.memory_space<hbm>>) dst(%dma_wait3A_768 : memref<64x64xf32, #tpu.memory_space<vmem>>)
      %dma_start3A_775 = arith.constant 5 : i32
      %dma_start3A_776 = arith.constant 0 : i32
      %dma_start3A_777 = arith.constant 0 : i32
      %dma_start3A_778 = tpu.memref_slice %arg9[%dma_start3A_775, %dma_start3A_776, %dma_start3A_777] : memref<8x128x64xf32, #tpu.memory_space<vmem>> -> memref<1x128x64xf32, #tpu.memory_space<vmem>>
      %dma_start3A_779 = tpu.memref_squeeze %dma_start3A_778 : memref<1x128x64xf32, #tpu.memory_space<vmem>> -> memref<128x64xf32, #tpu.memory_space<vmem>>
      %dma_start3A_780 = arith.constant 0 : i32
      %dma_start3A_781 = tpu.memref_slice %arg8[%add3A_752, %dma_start3A_780] : memref<80x128xi32, #tpu.memory_space<vmem>> -> memref<1x128xi32, #tpu.memory_space<vmem>>
      %dma_start3A_782 = tpu.memref_squeeze %dma_start3A_781 : memref<1x128xi32, #tpu.memory_space<vmem>> -> memref<128xi32, #tpu.memory_space<vmem>>
      %dma_start3A_783 = arith.constant 0 : i32
      %dma_start3A_784 = arith.constant 0 : i32
      %dma_start3A_785 = tpu.memref_slice %arg10[%dma_start3A_783, %dma_start3A_784] : memref<10016x64xf32, #tpu.memory_space<vmem_shared>> -> memref<10016x64xf32, #tpu.memory_space<vmem_shared>>
      tpu.enqueue_indirect_dma source(%dma_start3A_779 : memref<128x64xf32, #tpu.memory_space<vmem>>) target(%dma_start3A_785 : memref<10016x64xf32, #tpu.memory_space<vmem_shared>>) offsets(%dma_start3A_782 : memref<128xi32, #tpu.memory_space<vmem>>) semaphore(%arg32 : memref<!tpu.dma_semaphore, #tpu.memory_space<semaphore_mem>>) {add = true}
      %add3A_786 = arith.constant 6 : i32
      %add3A_787 = arith.addi %add3A_752, %add3A_786 : i32
      %lt3A_788 = arith.constant 80 : i32
      %lt3A_789 = arith.cmpi slt, %add3A_787, %lt3A_788 : i32
      %convert_element_type3A_790 = arith.extui %lt3A_789 : i1 to i32
      %cond3A_791 = arith.constant 0 : i32
      %cond3A_792 = arith.cmpi ne, %convert_element_type3A_790, %cond3A_791 : i32
      scf.if %cond3A_792 {
        %ge3A = arith.constant 8 : i32
        %ge3A_881 = arith.cmpi sge, %add3A_787, %ge3A : i32
        %convert_element_type3A_882 = arith.extui %ge3A_881 : i1 to i32
        %cond3A_883 = arith.constant 0 : i32
        %cond3A_884 = arith.cmpi ne, %convert_element_type3A_882, %cond3A_883 : i32
        scf.if %cond3A_884 {
          %sub3A = arith.constant 8 : i32
          %sub3A_907 = arith.subi %add3A_787, %sub3A : i32
          %dma_wait3A_908 = arith.constant 3 : i32
          %dma_wait3A_909 = arith.constant 0 : i32
          %dma_wait3A_910 = arith.constant 0 : i32
          %dma_wait3A_911 = tpu.memref_slice %arg9[%dma_wait3A_908, %dma_wait3A_909, %dma_wait3A_910] : memref<8x128x64xf32, #tpu.memory_space<vmem>> -> memref<1x128x64xf32, #tpu.memory_space<vmem>>
          %dma_wait3A_912 = tpu.memref_squeeze %dma_wait3A_911 : memref<1x128x64xf32, #tpu.memory_space<vmem>> -> memref<128x64xf32, #tpu.memory_space<vmem>>
          %dma_wait3A_913 = arith.constant 0 : i32
          %dma_wait3A_914 = tpu.memref_slice %arg8[%sub3A_907, %dma_wait3A_913] : memref<80x128xi32, #tpu.memory_space<vmem>> -> memref<1x128xi32, #tpu.memory_space<vmem>>
          %dma_wait3A_915 = tpu.memref_squeeze %dma_wait3A_914 : memref<1x128xi32, #tpu.memory_space<vmem>> -> memref<128xi32, #tpu.memory_space<vmem>>
          %dma_wait3A_916 = arith.constant 0 : i32
          %dma_wait3A_917 = arith.constant 0 : i32
          %dma_wait3A_918 = tpu.memref_slice %arg10[%dma_wait3A_916, %dma_wait3A_917] : memref<10016x64xf32, #tpu.memory_space<vmem_shared>> -> memref<10016x64xf32, #tpu.memory_space<vmem_shared>>
          tpu.wait_indirect_dma semaphore(%arg30 : memref<!tpu.dma_semaphore, #tpu.memory_space<semaphore_mem>>) src(%dma_wait3A_912 : memref<128x64xf32, #tpu.memory_space<vmem>>) dst(%dma_wait3A_918 : memref<10016x64xf32, #tpu.memory_space<vmem_shared>>)
        } else {
        }
        %dma_start3A_885 = arith.constant 3 : i32
        %dma_start3A_886 = arith.constant 0 : i32
        %dma_start3A_887 = arith.constant 0 : i32
        %dma_start3A_888 = tpu.memref_slice %arg9[%dma_start3A_885, %dma_start3A_886, %dma_start3A_887] : memref<8x128x64xf32, #tpu.memory_space<vmem>> -> memref<1x64x64xf32, #tpu.memory_space<vmem>>
        %dma_start3A_889 = tpu.memref_squeeze %dma_start3A_888 : memref<1x64x64xf32, #tpu.memory_space<vmem>> -> memref<64x64xf32, #tpu.memory_space<vmem>>
        %dma_start3A_890 = arith.constant 0 : i32
        %dma_start3A_891 = tpu.memref_slice %arg7[%add3A_787, %dma_start3A_890] : memref<80x128xi32, #tpu.memory_space<vmem>> -> memref<1x64xi32, #tpu.memory_space<vmem>>
        %dma_start3A_892 = tpu.memref_squeeze %dma_start3A_891 : memref<1x64xi32, #tpu.memory_space<vmem>> -> memref<64xi32, #tpu.memory_space<vmem>>
        %dma_start3A_893 = arith.constant 0 : i32
        %dma_start3A_894 = arith.constant 0 : i32
        %dma_start3A_895 = tpu.memref_slice %arg2[%dma_start3A_893, %dma_start3A_894] : memref<40000x64xf32, #tpu.memory_space<hbm>> -> memref<40000x64xf32, #tpu.memory_space<hbm>>
        tpu.enqueue_indirect_dma source(%dma_start3A_895 : memref<40000x64xf32, #tpu.memory_space<hbm>>) target(%dma_start3A_889 : memref<64x64xf32, #tpu.memory_space<vmem>>) offsets(%dma_start3A_892 : memref<64xi32, #tpu.memory_space<vmem>>) semaphore(%arg14 : memref<!tpu.dma_semaphore, #tpu.memory_space<semaphore_mem>>)
        %dma_start3A_896 = arith.constant 3 : i32
        %dma_start3A_897 = arith.constant 64 : i32
        %dma_start3A_898 = arith.constant 0 : i32
        %dma_start3A_899 = tpu.memref_slice %arg9[%dma_start3A_896, %dma_start3A_897, %dma_start3A_898] : memref<8x128x64xf32, #tpu.memory_space<vmem>> -> memref<1x64x64xf32, #tpu.memory_space<vmem>>
        %dma_start3A_900 = tpu.memref_squeeze %dma_start3A_899 : memref<1x64x64xf32, #tpu.memory_space<vmem>> -> memref<64x64xf32, #tpu.memory_space<vmem>>
        %dma_start3A_901 = arith.constant 64 : i32
        %dma_start3A_902 = tpu.memref_slice %arg7[%add3A_787, %dma_start3A_901] : memref<80x128xi32, #tpu.memory_space<vmem>> -> memref<1x64xi32, #tpu.memory_space<vmem>>
        %dma_start3A_903 = tpu.memref_squeeze %dma_start3A_902 : memref<1x64xi32, #tpu.memory_space<vmem>> -> memref<64xi32, #tpu.memory_space<vmem>>
        %dma_start3A_904 = arith.constant 0 : i32
        %dma_start3A_905 = arith.constant 0 : i32
        %dma_start3A_906 = tpu.memref_slice %arg2[%dma_start3A_904, %dma_start3A_905] : memref<40000x64xf32, #tpu.memory_space<hbm>> -> memref<40000x64xf32, #tpu.memory_space<hbm>>
        tpu.enqueue_indirect_dma source(%dma_start3A_906 : memref<40000x64xf32, #tpu.memory_space<hbm>>) target(%dma_start3A_900 : memref<64x64xf32, #tpu.memory_space<vmem>>) offsets(%dma_start3A_903 : memref<64xi32, #tpu.memory_space<vmem>>) semaphore(%arg22 : memref<!tpu.dma_semaphore, #tpu.memory_space<semaphore_mem>>)
      } else {
      }
      %mul3A_793 = arith.constant 8 : i32
      %mul3A_794 = arith.muli %scan3A_531, %mul3A_793 : i32
      %add3A_795 = arith.constant 6 : i32
      %add3A_796 = arith.addi %mul3A_794, %add3A_795 : i32
      %dma_wait3A_797 = arith.constant 6 : i32
      %dma_wait3A_798 = arith.constant 0 : i32
      %dma_wait3A_799 = arith.constant 0 : i32
      %dma_wait3A_800 = tpu.memref_slice %arg9[%dma_wait3A_797, %dma_wait3A_798, %dma_wait3A_799] : memref<8x128x64xf32, #tpu.memory_space<vmem>> -> memref<1x64x64xf32, #tpu.memory_space<vmem>>
      %dma_wait3A_801 = tpu.memref_squeeze %dma_wait3A_800 : memref<1x64x64xf32, #tpu.memory_space<vmem>> -> memref<64x64xf32, #tpu.memory_space<vmem>>
      %dma_wait3A_802 = arith.constant 0 : i32
      %dma_wait3A_803 = tpu.memref_slice %arg7[%add3A_796, %dma_wait3A_802] : memref<80x128xi32, #tpu.memory_space<vmem>> -> memref<1x64xi32, #tpu.memory_space<vmem>>
      %dma_wait3A_804 = tpu.memref_squeeze %dma_wait3A_803 : memref<1x64xi32, #tpu.memory_space<vmem>> -> memref<64xi32, #tpu.memory_space<vmem>>
      %dma_wait3A_805 = arith.constant 0 : i32
      %dma_wait3A_806 = arith.constant 0 : i32
      %dma_wait3A_807 = tpu.memref_slice %arg2[%dma_wait3A_805, %dma_wait3A_806] : memref<40000x64xf32, #tpu.memory_space<hbm>> -> memref<40000x64xf32, #tpu.memory_space<hbm>>
      tpu.wait_indirect_dma semaphore(%arg17 : memref<!tpu.dma_semaphore, #tpu.memory_space<semaphore_mem>>) src(%dma_wait3A_807 : memref<40000x64xf32, #tpu.memory_space<hbm>>) dst(%dma_wait3A_801 : memref<64x64xf32, #tpu.memory_space<vmem>>)
      %dma_wait3A_808 = arith.constant 6 : i32
      %dma_wait3A_809 = arith.constant 64 : i32
      %dma_wait3A_810 = arith.constant 0 : i32
      %dma_wait3A_811 = tpu.memref_slice %arg9[%dma_wait3A_808, %dma_wait3A_809, %dma_wait3A_810] : memref<8x128x64xf32, #tpu.memory_space<vmem>> -> memref<1x64x64xf32, #tpu.memory_space<vmem>>
      %dma_wait3A_812 = tpu.memref_squeeze %dma_wait3A_811 : memref<1x64x64xf32, #tpu.memory_space<vmem>> -> memref<64x64xf32, #tpu.memory_space<vmem>>
      %dma_wait3A_813 = arith.constant 64 : i32
      %dma_wait3A_814 = tpu.memref_slice %arg7[%add3A_796, %dma_wait3A_813] : memref<80x128xi32, #tpu.memory_space<vmem>> -> memref<1x64xi32, #tpu.memory_space<vmem>>
      %dma_wait3A_815 = tpu.memref_squeeze %dma_wait3A_814 : memref<1x64xi32, #tpu.memory_space<vmem>> -> memref<64xi32, #tpu.memory_space<vmem>>
      %dma_wait3A_816 = arith.constant 0 : i32
      %dma_wait3A_817 = arith.constant 0 : i32
      %dma_wait3A_818 = tpu.memref_slice %arg2[%dma_wait3A_816, %dma_wait3A_817] : memref<40000x64xf32, #tpu.memory_space<hbm>> -> memref<40000x64xf32, #tpu.memory_space<hbm>>
      tpu.wait_indirect_dma semaphore(%arg25 : memref<!tpu.dma_semaphore, #tpu.memory_space<semaphore_mem>>) src(%dma_wait3A_818 : memref<40000x64xf32, #tpu.memory_space<hbm>>) dst(%dma_wait3A_812 : memref<64x64xf32, #tpu.memory_space<vmem>>)
      %dma_start3A_819 = arith.constant 6 : i32
      %dma_start3A_820 = arith.constant 0 : i32
      %dma_start3A_821 = arith.constant 0 : i32
      %dma_start3A_822 = tpu.memref_slice %arg9[%dma_start3A_819, %dma_start3A_820, %dma_start3A_821] : memref<8x128x64xf32, #tpu.memory_space<vmem>> -> memref<1x128x64xf32, #tpu.memory_space<vmem>>
      %dma_start3A_823 = tpu.memref_squeeze %dma_start3A_822 : memref<1x128x64xf32, #tpu.memory_space<vmem>> -> memref<128x64xf32, #tpu.memory_space<vmem>>
      %dma_start3A_824 = arith.constant 0 : i32
      %dma_start3A_825 = tpu.memref_slice %arg8[%add3A_796, %dma_start3A_824] : memref<80x128xi32, #tpu.memory_space<vmem>> -> memref<1x128xi32, #tpu.memory_space<vmem>>
      %dma_start3A_826 = tpu.memref_squeeze %dma_start3A_825 : memref<1x128xi32, #tpu.memory_space<vmem>> -> memref<128xi32, #tpu.memory_space<vmem>>
      %dma_start3A_827 = arith.constant 0 : i32
      %dma_start3A_828 = arith.constant 0 : i32
      %dma_start3A_829 = tpu.memref_slice %arg10[%dma_start3A_827, %dma_start3A_828] : memref<10016x64xf32, #tpu.memory_space<vmem_shared>> -> memref<10016x64xf32, #tpu.memory_space<vmem_shared>>
      tpu.enqueue_indirect_dma source(%dma_start3A_823 : memref<128x64xf32, #tpu.memory_space<vmem>>) target(%dma_start3A_829 : memref<10016x64xf32, #tpu.memory_space<vmem_shared>>) offsets(%dma_start3A_826 : memref<128xi32, #tpu.memory_space<vmem>>) semaphore(%arg33 : memref<!tpu.dma_semaphore, #tpu.memory_space<semaphore_mem>>) {add = true}
      %add3A_830 = arith.constant 6 : i32
      %add3A_831 = arith.addi %add3A_796, %add3A_830 : i32
      %lt3A_832 = arith.constant 80 : i32
      %lt3A_833 = arith.cmpi slt, %add3A_831, %lt3A_832 : i32
      %convert_element_type3A_834 = arith.extui %lt3A_833 : i1 to i32
      %cond3A_835 = arith.constant 0 : i32
      %cond3A_836 = arith.cmpi ne, %convert_element_type3A_834, %cond3A_835 : i32
      scf.if %cond3A_836 {
        %ge3A = arith.constant 8 : i32
        %ge3A_881 = arith.cmpi sge, %add3A_831, %ge3A : i32
        %convert_element_type3A_882 = arith.extui %ge3A_881 : i1 to i32
        %cond3A_883 = arith.constant 0 : i32
        %cond3A_884 = arith.cmpi ne, %convert_element_type3A_882, %cond3A_883 : i32
        scf.if %cond3A_884 {
          %sub3A = arith.constant 8 : i32
          %sub3A_907 = arith.subi %add3A_831, %sub3A : i32
          %dma_wait3A_908 = arith.constant 4 : i32
          %dma_wait3A_909 = arith.constant 0 : i32
          %dma_wait3A_910 = arith.constant 0 : i32
          %dma_wait3A_911 = tpu.memref_slice %arg9[%dma_wait3A_908, %dma_wait3A_909, %dma_wait3A_910] : memref<8x128x64xf32, #tpu.memory_space<vmem>> -> memref<1x128x64xf32, #tpu.memory_space<vmem>>
          %dma_wait3A_912 = tpu.memref_squeeze %dma_wait3A_911 : memref<1x128x64xf32, #tpu.memory_space<vmem>> -> memref<128x64xf32, #tpu.memory_space<vmem>>
          %dma_wait3A_913 = arith.constant 0 : i32
          %dma_wait3A_914 = tpu.memref_slice %arg8[%sub3A_907, %dma_wait3A_913] : memref<80x128xi32, #tpu.memory_space<vmem>> -> memref<1x128xi32, #tpu.memory_space<vmem>>
          %dma_wait3A_915 = tpu.memref_squeeze %dma_wait3A_914 : memref<1x128xi32, #tpu.memory_space<vmem>> -> memref<128xi32, #tpu.memory_space<vmem>>
          %dma_wait3A_916 = arith.constant 0 : i32
          %dma_wait3A_917 = arith.constant 0 : i32
          %dma_wait3A_918 = tpu.memref_slice %arg10[%dma_wait3A_916, %dma_wait3A_917] : memref<10016x64xf32, #tpu.memory_space<vmem_shared>> -> memref<10016x64xf32, #tpu.memory_space<vmem_shared>>
          tpu.wait_indirect_dma semaphore(%arg31 : memref<!tpu.dma_semaphore, #tpu.memory_space<semaphore_mem>>) src(%dma_wait3A_912 : memref<128x64xf32, #tpu.memory_space<vmem>>) dst(%dma_wait3A_918 : memref<10016x64xf32, #tpu.memory_space<vmem_shared>>)
        } else {
        }
        %dma_start3A_885 = arith.constant 4 : i32
        %dma_start3A_886 = arith.constant 0 : i32
        %dma_start3A_887 = arith.constant 0 : i32
        %dma_start3A_888 = tpu.memref_slice %arg9[%dma_start3A_885, %dma_start3A_886, %dma_start3A_887] : memref<8x128x64xf32, #tpu.memory_space<vmem>> -> memref<1x64x64xf32, #tpu.memory_space<vmem>>
        %dma_start3A_889 = tpu.memref_squeeze %dma_start3A_888 : memref<1x64x64xf32, #tpu.memory_space<vmem>> -> memref<64x64xf32, #tpu.memory_space<vmem>>
        %dma_start3A_890 = arith.constant 0 : i32
        %dma_start3A_891 = tpu.memref_slice %arg7[%add3A_831, %dma_start3A_890] : memref<80x128xi32, #tpu.memory_space<vmem>> -> memref<1x64xi32, #tpu.memory_space<vmem>>
        %dma_start3A_892 = tpu.memref_squeeze %dma_start3A_891 : memref<1x64xi32, #tpu.memory_space<vmem>> -> memref<64xi32, #tpu.memory_space<vmem>>
        %dma_start3A_893 = arith.constant 0 : i32
        %dma_start3A_894 = arith.constant 0 : i32
        %dma_start3A_895 = tpu.memref_slice %arg2[%dma_start3A_893, %dma_start3A_894] : memref<40000x64xf32, #tpu.memory_space<hbm>> -> memref<40000x64xf32, #tpu.memory_space<hbm>>
        tpu.enqueue_indirect_dma source(%dma_start3A_895 : memref<40000x64xf32, #tpu.memory_space<hbm>>) target(%dma_start3A_889 : memref<64x64xf32, #tpu.memory_space<vmem>>) offsets(%dma_start3A_892 : memref<64xi32, #tpu.memory_space<vmem>>) semaphore(%arg15 : memref<!tpu.dma_semaphore, #tpu.memory_space<semaphore_mem>>)
        %dma_start3A_896 = arith.constant 4 : i32
        %dma_start3A_897 = arith.constant 64 : i32
        %dma_start3A_898 = arith.constant 0 : i32
        %dma_start3A_899 = tpu.memref_slice %arg9[%dma_start3A_896, %dma_start3A_897, %dma_start3A_898] : memref<8x128x64xf32, #tpu.memory_space<vmem>> -> memref<1x64x64xf32, #tpu.memory_space<vmem>>
        %dma_start3A_900 = tpu.memref_squeeze %dma_start3A_899 : memref<1x64x64xf32, #tpu.memory_space<vmem>> -> memref<64x64xf32, #tpu.memory_space<vmem>>
        %dma_start3A_901 = arith.constant 64 : i32
        %dma_start3A_902 = tpu.memref_slice %arg7[%add3A_831, %dma_start3A_901] : memref<80x128xi32, #tpu.memory_space<vmem>> -> memref<1x64xi32, #tpu.memory_space<vmem>>
        %dma_start3A_903 = tpu.memref_squeeze %dma_start3A_902 : memref<1x64xi32, #tpu.memory_space<vmem>> -> memref<64xi32, #tpu.memory_space<vmem>>
        %dma_start3A_904 = arith.constant 0 : i32
        %dma_start3A_905 = arith.constant 0 : i32
        %dma_start3A_906 = tpu.memref_slice %arg2[%dma_start3A_904, %dma_start3A_905] : memref<40000x64xf32, #tpu.memory_space<hbm>> -> memref<40000x64xf32, #tpu.memory_space<hbm>>
        tpu.enqueue_indirect_dma source(%dma_start3A_906 : memref<40000x64xf32, #tpu.memory_space<hbm>>) target(%dma_start3A_900 : memref<64x64xf32, #tpu.memory_space<vmem>>) offsets(%dma_start3A_903 : memref<64xi32, #tpu.memory_space<vmem>>) semaphore(%arg23 : memref<!tpu.dma_semaphore, #tpu.memory_space<semaphore_mem>>)
      } else {
      }
      %mul3A_837 = arith.constant 8 : i32
      %mul3A_838 = arith.muli %scan3A_531, %mul3A_837 : i32
      %add3A_839 = arith.constant 7 : i32
      %add3A_840 = arith.addi %mul3A_838, %add3A_839 : i32
      %dma_wait3A_841 = arith.constant 7 : i32
      %dma_wait3A_842 = arith.constant 0 : i32
      %dma_wait3A_843 = arith.constant 0 : i32
      %dma_wait3A_844 = tpu.memref_slice %arg9[%dma_wait3A_841, %dma_wait3A_842, %dma_wait3A_843] : memref<8x128x64xf32, #tpu.memory_space<vmem>> -> memref<1x64x64xf32, #tpu.memory_space<vmem>>
      %dma_wait3A_845 = tpu.memref_squeeze %dma_wait3A_844 : memref<1x64x64xf32, #tpu.memory_space<vmem>> -> memref<64x64xf32, #tpu.memory_space<vmem>>
      %dma_wait3A_846 = arith.constant 0 : i32
      %dma_wait3A_847 = tpu.memref_slice %arg7[%add3A_840, %dma_wait3A_846] : memref<80x128xi32, #tpu.memory_space<vmem>> -> memref<1x64xi32, #tpu.memory_space<vmem>>
      %dma_wait3A_848 = tpu.memref_squeeze %dma_wait3A_847 : memref<1x64xi32, #tpu.memory_space<vmem>> -> memref<64xi32, #tpu.memory_space<vmem>>
      %dma_wait3A_849 = arith.constant 0 : i32
      %dma_wait3A_850 = arith.constant 0 : i32
      %dma_wait3A_851 = tpu.memref_slice %arg2[%dma_wait3A_849, %dma_wait3A_850] : memref<40000x64xf32, #tpu.memory_space<hbm>> -> memref<40000x64xf32, #tpu.memory_space<hbm>>
      tpu.wait_indirect_dma semaphore(%arg18 : memref<!tpu.dma_semaphore, #tpu.memory_space<semaphore_mem>>) src(%dma_wait3A_851 : memref<40000x64xf32, #tpu.memory_space<hbm>>) dst(%dma_wait3A_845 : memref<64x64xf32, #tpu.memory_space<vmem>>)
      %dma_wait3A_852 = arith.constant 7 : i32
      %dma_wait3A_853 = arith.constant 64 : i32
      %dma_wait3A_854 = arith.constant 0 : i32
      %dma_wait3A_855 = tpu.memref_slice %arg9[%dma_wait3A_852, %dma_wait3A_853, %dma_wait3A_854] : memref<8x128x64xf32, #tpu.memory_space<vmem>> -> memref<1x64x64xf32, #tpu.memory_space<vmem>>
      %dma_wait3A_856 = tpu.memref_squeeze %dma_wait3A_855 : memref<1x64x64xf32, #tpu.memory_space<vmem>> -> memref<64x64xf32, #tpu.memory_space<vmem>>
      %dma_wait3A_857 = arith.constant 64 : i32
      %dma_wait3A_858 = tpu.memref_slice %arg7[%add3A_840, %dma_wait3A_857] : memref<80x128xi32, #tpu.memory_space<vmem>> -> memref<1x64xi32, #tpu.memory_space<vmem>>
      %dma_wait3A_859 = tpu.memref_squeeze %dma_wait3A_858 : memref<1x64xi32, #tpu.memory_space<vmem>> -> memref<64xi32, #tpu.memory_space<vmem>>
      %dma_wait3A_860 = arith.constant 0 : i32
      %dma_wait3A_861 = arith.constant 0 : i32
      %dma_wait3A_862 = tpu.memref_slice %arg2[%dma_wait3A_860, %dma_wait3A_861] : memref<40000x64xf32, #tpu.memory_space<hbm>> -> memref<40000x64xf32, #tpu.memory_space<hbm>>
      tpu.wait_indirect_dma semaphore(%arg26 : memref<!tpu.dma_semaphore, #tpu.memory_space<semaphore_mem>>) src(%dma_wait3A_862 : memref<40000x64xf32, #tpu.memory_space<hbm>>) dst(%dma_wait3A_856 : memref<64x64xf32, #tpu.memory_space<vmem>>)
      %dma_start3A_863 = arith.constant 7 : i32
      %dma_start3A_864 = arith.constant 0 : i32
      %dma_start3A_865 = arith.constant 0 : i32
      %dma_start3A_866 = tpu.memref_slice %arg9[%dma_start3A_863, %dma_start3A_864, %dma_start3A_865] : memref<8x128x64xf32, #tpu.memory_space<vmem>> -> memref<1x128x64xf32, #tpu.memory_space<vmem>>
      %dma_start3A_867 = tpu.memref_squeeze %dma_start3A_866 : memref<1x128x64xf32, #tpu.memory_space<vmem>> -> memref<128x64xf32, #tpu.memory_space<vmem>>
      %dma_start3A_868 = arith.constant 0 : i32
      %dma_start3A_869 = tpu.memref_slice %arg8[%add3A_840, %dma_start3A_868] : memref<80x128xi32, #tpu.memory_space<vmem>> -> memref<1x128xi32, #tpu.memory_space<vmem>>
      %dma_start3A_870 = tpu.memref_squeeze %dma_start3A_869 : memref<1x128xi32, #tpu.memory_space<vmem>> -> memref<128xi32, #tpu.memory_space<vmem>>
      %dma_start3A_871 = arith.constant 0 : i32
      %dma_start3A_872 = arith.constant 0 : i32
      %dma_start3A_873 = tpu.memref_slice %arg10[%dma_start3A_871, %dma_start3A_872] : memref<10016x64xf32, #tpu.memory_space<vmem_shared>> -> memref<10016x64xf32, #tpu.memory_space<vmem_shared>>
      tpu.enqueue_indirect_dma source(%dma_start3A_867 : memref<128x64xf32, #tpu.memory_space<vmem>>) target(%dma_start3A_873 : memref<10016x64xf32, #tpu.memory_space<vmem_shared>>) offsets(%dma_start3A_870 : memref<128xi32, #tpu.memory_space<vmem>>) semaphore(%arg34 : memref<!tpu.dma_semaphore, #tpu.memory_space<semaphore_mem>>) {add = true}
      %add3A_874 = arith.constant 6 : i32
      %add3A_875 = arith.addi %add3A_840, %add3A_874 : i32
      %lt3A_876 = arith.constant 80 : i32
      %lt3A_877 = arith.cmpi slt, %add3A_875, %lt3A_876 : i32
      %convert_element_type3A_878 = arith.extui %lt3A_877 : i1 to i32
      %cond3A_879 = arith.constant 0 : i32
      %cond3A_880 = arith.cmpi ne, %convert_element_type3A_878, %cond3A_879 : i32
      scf.if %cond3A_880 {
        %ge3A = arith.constant 8 : i32
        %ge3A_881 = arith.cmpi sge, %add3A_875, %ge3A : i32
        %convert_element_type3A_882 = arith.extui %ge3A_881 : i1 to i32
        %cond3A_883 = arith.constant 0 : i32
        %cond3A_884 = arith.cmpi ne, %convert_element_type3A_882, %cond3A_883 : i32
        scf.if %cond3A_884 {
          %sub3A = arith.constant 8 : i32
          %sub3A_907 = arith.subi %add3A_875, %sub3A : i32
          %dma_wait3A_908 = arith.constant 5 : i32
          %dma_wait3A_909 = arith.constant 0 : i32
          %dma_wait3A_910 = arith.constant 0 : i32
          %dma_wait3A_911 = tpu.memref_slice %arg9[%dma_wait3A_908, %dma_wait3A_909, %dma_wait3A_910] : memref<8x128x64xf32, #tpu.memory_space<vmem>> -> memref<1x128x64xf32, #tpu.memory_space<vmem>>
          %dma_wait3A_912 = tpu.memref_squeeze %dma_wait3A_911 : memref<1x128x64xf32, #tpu.memory_space<vmem>> -> memref<128x64xf32, #tpu.memory_space<vmem>>
          %dma_wait3A_913 = arith.constant 0 : i32
          %dma_wait3A_914 = tpu.memref_slice %arg8[%sub3A_907, %dma_wait3A_913] : memref<80x128xi32, #tpu.memory_space<vmem>> -> memref<1x128xi32, #tpu.memory_space<vmem>>
          %dma_wait3A_915 = tpu.memref_squeeze %dma_wait3A_914 : memref<1x128xi32, #tpu.memory_space<vmem>> -> memref<128xi32, #tpu.memory_space<vmem>>
          %dma_wait3A_916 = arith.constant 0 : i32
          %dma_wait3A_917 = arith.constant 0 : i32
          %dma_wait3A_918 = tpu.memref_slice %arg10[%dma_wait3A_916, %dma_wait3A_917] : memref<10016x64xf32, #tpu.memory_space<vmem_shared>> -> memref<10016x64xf32, #tpu.memory_space<vmem_shared>>
          tpu.wait_indirect_dma semaphore(%arg32 : memref<!tpu.dma_semaphore, #tpu.memory_space<semaphore_mem>>) src(%dma_wait3A_912 : memref<128x64xf32, #tpu.memory_space<vmem>>) dst(%dma_wait3A_918 : memref<10016x64xf32, #tpu.memory_space<vmem_shared>>)
        } else {
        }
        %dma_start3A_885 = arith.constant 5 : i32
        %dma_start3A_886 = arith.constant 0 : i32
        %dma_start3A_887 = arith.constant 0 : i32
        %dma_start3A_888 = tpu.memref_slice %arg9[%dma_start3A_885, %dma_start3A_886, %dma_start3A_887] : memref<8x128x64xf32, #tpu.memory_space<vmem>> -> memref<1x64x64xf32, #tpu.memory_space<vmem>>
        %dma_start3A_889 = tpu.memref_squeeze %dma_start3A_888 : memref<1x64x64xf32, #tpu.memory_space<vmem>> -> memref<64x64xf32, #tpu.memory_space<vmem>>
        %dma_start3A_890 = arith.constant 0 : i32
        %dma_start3A_891 = tpu.memref_slice %arg7[%add3A_875, %dma_start3A_890] : memref<80x128xi32, #tpu.memory_space<vmem>> -> memref<1x64xi32, #tpu.memory_space<vmem>>
        %dma_start3A_892 = tpu.memref_squeeze %dma_start3A_891 : memref<1x64xi32, #tpu.memory_space<vmem>> -> memref<64xi32, #tpu.memory_space<vmem>>
        %dma_start3A_893 = arith.constant 0 : i32
        %dma_start3A_894 = arith.constant 0 : i32
        %dma_start3A_895 = tpu.memref_slice %arg2[%dma_start3A_893, %dma_start3A_894] : memref<40000x64xf32, #tpu.memory_space<hbm>> -> memref<40000x64xf32, #tpu.memory_space<hbm>>
        tpu.enqueue_indirect_dma source(%dma_start3A_895 : memref<40000x64xf32, #tpu.memory_space<hbm>>) target(%dma_start3A_889 : memref<64x64xf32, #tpu.memory_space<vmem>>) offsets(%dma_start3A_892 : memref<64xi32, #tpu.memory_space<vmem>>) semaphore(%arg16 : memref<!tpu.dma_semaphore, #tpu.memory_space<semaphore_mem>>)
        %dma_start3A_896 = arith.constant 5 : i32
        %dma_start3A_897 = arith.constant 64 : i32
        %dma_start3A_898 = arith.constant 0 : i32
        %dma_start3A_899 = tpu.memref_slice %arg9[%dma_start3A_896, %dma_start3A_897, %dma_start3A_898] : memref<8x128x64xf32, #tpu.memory_space<vmem>> -> memref<1x64x64xf32, #tpu.memory_space<vmem>>
        %dma_start3A_900 = tpu.memref_squeeze %dma_start3A_899 : memref<1x64x64xf32, #tpu.memory_space<vmem>> -> memref<64x64xf32, #tpu.memory_space<vmem>>
        %dma_start3A_901 = arith.constant 64 : i32
        %dma_start3A_902 = tpu.memref_slice %arg7[%add3A_875, %dma_start3A_901] : memref<80x128xi32, #tpu.memory_space<vmem>> -> memref<1x64xi32, #tpu.memory_space<vmem>>
        %dma_start3A_903 = tpu.memref_squeeze %dma_start3A_902 : memref<1x64xi32, #tpu.memory_space<vmem>> -> memref<64xi32, #tpu.memory_space<vmem>>
        %dma_start3A_904 = arith.constant 0 : i32
        %dma_start3A_905 = arith.constant 0 : i32
        %dma_start3A_906 = tpu.memref_slice %arg2[%dma_start3A_904, %dma_start3A_905] : memref<40000x64xf32, #tpu.memory_space<hbm>> -> memref<40000x64xf32, #tpu.memory_space<hbm>>
        tpu.enqueue_indirect_dma source(%dma_start3A_906 : memref<40000x64xf32, #tpu.memory_space<hbm>>) target(%dma_start3A_900 : memref<64x64xf32, #tpu.memory_space<vmem>>) offsets(%dma_start3A_903 : memref<64xi32, #tpu.memory_space<vmem>>) semaphore(%arg24 : memref<!tpu.dma_semaphore, #tpu.memory_space<semaphore_mem>>)
      } else {
      }
    }
    %scan3A_424 = arith.constant 10 : i32
    %dma_wait3A_425 = arith.constant 0 : i32
    %dma_wait3A_426 = arith.constant 72 : i32
    %dma_wait3A_427 = arith.constant 0 : i32
    %dma_wait3A_428 = arith.constant 0 : i32
    %dma_wait3A_429 = tpu.memref_slice %arg9[%dma_wait3A_425, %dma_wait3A_427, %dma_wait3A_428] : memref<8x128x64xf32, #tpu.memory_space<vmem>> -> memref<1x128x64xf32, #tpu.memory_space<vmem>>
    %dma_wait3A_430 = tpu.memref_squeeze %dma_wait3A_429 : memref<1x128x64xf32, #tpu.memory_space<vmem>> -> memref<128x64xf32, #tpu.memory_space<vmem>>
    %dma_wait3A_431 = arith.constant 0 : i32
    %dma_wait3A_432 = tpu.memref_slice %arg8[%dma_wait3A_426, %dma_wait3A_431] : memref<80x128xi32, #tpu.memory_space<vmem>> -> memref<1x128xi32, #tpu.memory_space<vmem>>
    %dma_wait3A_433 = tpu.memref_squeeze %dma_wait3A_432 : memref<1x128xi32, #tpu.memory_space<vmem>> -> memref<128xi32, #tpu.memory_space<vmem>>
    %dma_wait3A_434 = arith.constant 0 : i32
    %dma_wait3A_435 = arith.constant 0 : i32
    %dma_wait3A_436 = tpu.memref_slice %arg10[%dma_wait3A_434, %dma_wait3A_435] : memref<10016x64xf32, #tpu.memory_space<vmem_shared>> -> memref<10016x64xf32, #tpu.memory_space<vmem_shared>>
    tpu.wait_indirect_dma semaphore(%arg27 : memref<!tpu.dma_semaphore, #tpu.memory_space<semaphore_mem>>) src(%dma_wait3A_430 : memref<128x64xf32, #tpu.memory_space<vmem>>) dst(%dma_wait3A_436 : memref<10016x64xf32, #tpu.memory_space<vmem_shared>>)
    %dma_wait3A_437 = arith.constant 1 : i32
    %dma_wait3A_438 = arith.constant 73 : i32
    %dma_wait3A_439 = arith.constant 0 : i32
    %dma_wait3A_440 = arith.constant 0 : i32
    %dma_wait3A_441 = tpu.memref_slice %arg9[%dma_wait3A_437, %dma_wait3A_439, %dma_wait3A_440] : memref<8x128x64xf32, #tpu.memory_space<vmem>> -> memref<1x128x64xf32, #tpu.memory_space<vmem>>
    %dma_wait3A_442 = tpu.memref_squeeze %dma_wait3A_441 : memref<1x128x64xf32, #tpu.memory_space<vmem>> -> memref<128x64xf32, #tpu.memory_space<vmem>>
    %dma_wait3A_443 = arith.constant 0 : i32
    %dma_wait3A_444 = tpu.memref_slice %arg8[%dma_wait3A_438, %dma_wait3A_443] : memref<80x128xi32, #tpu.memory_space<vmem>> -> memref<1x128xi32, #tpu.memory_space<vmem>>
    %dma_wait3A_445 = tpu.memref_squeeze %dma_wait3A_444 : memref<1x128xi32, #tpu.memory_space<vmem>> -> memref<128xi32, #tpu.memory_space<vmem>>
    %dma_wait3A_446 = arith.constant 0 : i32
    %dma_wait3A_447 = arith.constant 0 : i32
    %dma_wait3A_448 = tpu.memref_slice %arg10[%dma_wait3A_446, %dma_wait3A_447] : memref<10016x64xf32, #tpu.memory_space<vmem_shared>> -> memref<10016x64xf32, #tpu.memory_space<vmem_shared>>
    tpu.wait_indirect_dma semaphore(%arg28 : memref<!tpu.dma_semaphore, #tpu.memory_space<semaphore_mem>>) src(%dma_wait3A_442 : memref<128x64xf32, #tpu.memory_space<vmem>>) dst(%dma_wait3A_448 : memref<10016x64xf32, #tpu.memory_space<vmem_shared>>)
    %dma_wait3A_449 = arith.constant 2 : i32
    %dma_wait3A_450 = arith.constant 74 : i32
    %dma_wait3A_451 = arith.constant 0 : i32
    %dma_wait3A_452 = arith.constant 0 : i32
    %dma_wait3A_453 = tpu.memref_slice %arg9[%dma_wait3A_449, %dma_wait3A_451, %dma_wait3A_452] : memref<8x128x64xf32, #tpu.memory_space<vmem>> -> memref<1x128x64xf32, #tpu.memory_space<vmem>>
    %dma_wait3A_454 = tpu.memref_squeeze %dma_wait3A_453 : memref<1x128x64xf32, #tpu.memory_space<vmem>> -> memref<128x64xf32, #tpu.memory_space<vmem>>
    %dma_wait3A_455 = arith.constant 0 : i32
    %dma_wait3A_456 = tpu.memref_slice %arg8[%dma_wait3A_450, %dma_wait3A_455] : memref<80x128xi32, #tpu.memory_space<vmem>> -> memref<1x128xi32, #tpu.memory_space<vmem>>
    %dma_wait3A_457 = tpu.memref_squeeze %dma_wait3A_456 : memref<1x128xi32, #tpu.memory_space<vmem>> -> memref<128xi32, #tpu.memory_space<vmem>>
    %dma_wait3A_458 = arith.constant 0 : i32
    %dma_wait3A_459 = arith.constant 0 : i32
    %dma_wait3A_460 = tpu.memref_slice %arg10[%dma_wait3A_458, %dma_wait3A_459] : memref<10016x64xf32, #tpu.memory_space<vmem_shared>> -> memref<10016x64xf32, #tpu.memory_space<vmem_shared>>
    tpu.wait_indirect_dma semaphore(%arg29 : memref<!tpu.dma_semaphore, #tpu.memory_space<semaphore_mem>>) src(%dma_wait3A_454 : memref<128x64xf32, #tpu.memory_space<vmem>>) dst(%dma_wait3A_460 : memref<10016x64xf32, #tpu.memory_space<vmem_shared>>)
    %dma_wait3A_461 = arith.constant 3 : i32
    %dma_wait3A_462 = arith.constant 75 : i32
    %dma_wait3A_463 = arith.constant 0 : i32
    %dma_wait3A_464 = arith.constant 0 : i32
    %dma_wait3A_465 = tpu.memref_slice %arg9[%dma_wait3A_461, %dma_wait3A_463, %dma_wait3A_464] : memref<8x128x64xf32, #tpu.memory_space<vmem>> -> memref<1x128x64xf32, #tpu.memory_space<vmem>>
    %dma_wait3A_466 = tpu.memref_squeeze %dma_wait3A_465 : memref<1x128x64xf32, #tpu.memory_space<vmem>> -> memref<128x64xf32, #tpu.memory_space<vmem>>
    %dma_wait3A_467 = arith.constant 0 : i32
    %dma_wait3A_468 = tpu.memref_slice %arg8[%dma_wait3A_462, %dma_wait3A_467] : memref<80x128xi32, #tpu.memory_space<vmem>> -> memref<1x128xi32, #tpu.memory_space<vmem>>
    %dma_wait3A_469 = tpu.memref_squeeze %dma_wait3A_468 : memref<1x128xi32, #tpu.memory_space<vmem>> -> memref<128xi32, #tpu.memory_space<vmem>>
    %dma_wait3A_470 = arith.constant 0 : i32
    %dma_wait3A_471 = arith.constant 0 : i32
    %dma_wait3A_472 = tpu.memref_slice %arg10[%dma_wait3A_470, %dma_wait3A_471] : memref<10016x64xf32, #tpu.memory_space<vmem_shared>> -> memref<10016x64xf32, #tpu.memory_space<vmem_shared>>
    tpu.wait_indirect_dma semaphore(%arg30 : memref<!tpu.dma_semaphore, #tpu.memory_space<semaphore_mem>>) src(%dma_wait3A_466 : memref<128x64xf32, #tpu.memory_space<vmem>>) dst(%dma_wait3A_472 : memref<10016x64xf32, #tpu.memory_space<vmem_shared>>)
    %dma_wait3A_473 = arith.constant 4 : i32
    %dma_wait3A_474 = arith.constant 76 : i32
    %dma_wait3A_475 = arith.constant 0 : i32
    %dma_wait3A_476 = arith.constant 0 : i32
    %dma_wait3A_477 = tpu.memref_slice %arg9[%dma_wait3A_473, %dma_wait3A_475, %dma_wait3A_476] : memref<8x128x64xf32, #tpu.memory_space<vmem>> -> memref<1x128x64xf32, #tpu.memory_space<vmem>>
    %dma_wait3A_478 = tpu.memref_squeeze %dma_wait3A_477 : memref<1x128x64xf32, #tpu.memory_space<vmem>> -> memref<128x64xf32, #tpu.memory_space<vmem>>
    %dma_wait3A_479 = arith.constant 0 : i32
    %dma_wait3A_480 = tpu.memref_slice %arg8[%dma_wait3A_474, %dma_wait3A_479] : memref<80x128xi32, #tpu.memory_space<vmem>> -> memref<1x128xi32, #tpu.memory_space<vmem>>
    %dma_wait3A_481 = tpu.memref_squeeze %dma_wait3A_480 : memref<1x128xi32, #tpu.memory_space<vmem>> -> memref<128xi32, #tpu.memory_space<vmem>>
    %dma_wait3A_482 = arith.constant 0 : i32
    %dma_wait3A_483 = arith.constant 0 : i32
    %dma_wait3A_484 = tpu.memref_slice %arg10[%dma_wait3A_482, %dma_wait3A_483] : memref<10016x64xf32, #tpu.memory_space<vmem_shared>> -> memref<10016x64xf32, #tpu.memory_space<vmem_shared>>
    tpu.wait_indirect_dma semaphore(%arg31 : memref<!tpu.dma_semaphore, #tpu.memory_space<semaphore_mem>>) src(%dma_wait3A_478 : memref<128x64xf32, #tpu.memory_space<vmem>>) dst(%dma_wait3A_484 : memref<10016x64xf32, #tpu.memory_space<vmem_shared>>)
    %dma_wait3A_485 = arith.constant 5 : i32
    %dma_wait3A_486 = arith.constant 77 : i32
    %dma_wait3A_487 = arith.constant 0 : i32
    %dma_wait3A_488 = arith.constant 0 : i32
    %dma_wait3A_489 = tpu.memref_slice %arg9[%dma_wait3A_485, %dma_wait3A_487, %dma_wait3A_488] : memref<8x128x64xf32, #tpu.memory_space<vmem>> -> memref<1x128x64xf32, #tpu.memory_space<vmem>>
    %dma_wait3A_490 = tpu.memref_squeeze %dma_wait3A_489 : memref<1x128x64xf32, #tpu.memory_space<vmem>> -> memref<128x64xf32, #tpu.memory_space<vmem>>
    %dma_wait3A_491 = arith.constant 0 : i32
    %dma_wait3A_492 = tpu.memref_slice %arg8[%dma_wait3A_486, %dma_wait3A_491] : memref<80x128xi32, #tpu.memory_space<vmem>> -> memref<1x128xi32, #tpu.memory_space<vmem>>
    %dma_wait3A_493 = tpu.memref_squeeze %dma_wait3A_492 : memref<1x128xi32, #tpu.memory_space<vmem>> -> memref<128xi32, #tpu.memory_space<vmem>>
    %dma_wait3A_494 = arith.constant 0 : i32
    %dma_wait3A_495 = arith.constant 0 : i32
    %dma_wait3A_496 = tpu.memref_slice %arg10[%dma_wait3A_494, %dma_wait3A_495] : memref<10016x64xf32, #tpu.memory_space<vmem_shared>> -> memref<10016x64xf32, #tpu.memory_space<vmem_shared>>
    tpu.wait_indirect_dma semaphore(%arg32 : memref<!tpu.dma_semaphore, #tpu.memory_space<semaphore_mem>>) src(%dma_wait3A_490 : memref<128x64xf32, #tpu.memory_space<vmem>>) dst(%dma_wait3A_496 : memref<10016x64xf32, #tpu.memory_space<vmem_shared>>)
    %dma_wait3A_497 = arith.constant 6 : i32
    %dma_wait3A_498 = arith.constant 78 : i32
    %dma_wait3A_499 = arith.constant 0 : i32
    %dma_wait3A_500 = arith.constant 0 : i32
    %dma_wait3A_501 = tpu.memref_slice %arg9[%dma_wait3A_497, %dma_wait3A_499, %dma_wait3A_500] : memref<8x128x64xf32, #tpu.memory_space<vmem>> -> memref<1x128x64xf32, #tpu.memory_space<vmem>>
    %dma_wait3A_502 = tpu.memref_squeeze %dma_wait3A_501 : memref<1x128x64xf32, #tpu.memory_space<vmem>> -> memref<128x64xf32, #tpu.memory_space<vmem>>
    %dma_wait3A_503 = arith.constant 0 : i32
    %dma_wait3A_504 = tpu.memref_slice %arg8[%dma_wait3A_498, %dma_wait3A_503] : memref<80x128xi32, #tpu.memory_space<vmem>> -> memref<1x128xi32, #tpu.memory_space<vmem>>
    %dma_wait3A_505 = tpu.memref_squeeze %dma_wait3A_504 : memref<1x128xi32, #tpu.memory_space<vmem>> -> memref<128xi32, #tpu.memory_space<vmem>>
    %dma_wait3A_506 = arith.constant 0 : i32
    %dma_wait3A_507 = arith.constant 0 : i32
    %dma_wait3A_508 = tpu.memref_slice %arg10[%dma_wait3A_506, %dma_wait3A_507] : memref<10016x64xf32, #tpu.memory_space<vmem_shared>> -> memref<10016x64xf32, #tpu.memory_space<vmem_shared>>
    tpu.wait_indirect_dma semaphore(%arg33 : memref<!tpu.dma_semaphore, #tpu.memory_space<semaphore_mem>>) src(%dma_wait3A_502 : memref<128x64xf32, #tpu.memory_space<vmem>>) dst(%dma_wait3A_508 : memref<10016x64xf32, #tpu.memory_space<vmem_shared>>)
    %dma_wait3A_509 = arith.constant 7 : i32
    %dma_wait3A_510 = arith.constant 79 : i32
    %dma_wait3A_511 = arith.constant 0 : i32
    %dma_wait3A_512 = arith.constant 0 : i32
    %dma_wait3A_513 = tpu.memref_slice %arg9[%dma_wait3A_509, %dma_wait3A_511, %dma_wait3A_512] : memref<8x128x64xf32, #tpu.memory_space<vmem>> -> memref<1x128x64xf32, #tpu.memory_space<vmem>>
    %dma_wait3A_514 = tpu.memref_squeeze %dma_wait3A_513 : memref<1x128x64xf32, #tpu.memory_space<vmem>> -> memref<128x64xf32, #tpu.memory_space<vmem>>
    %dma_wait3A_515 = arith.constant 0 : i32
    %dma_wait3A_516 = tpu.memref_slice %arg8[%dma_wait3A_510, %dma_wait3A_515] : memref<80x128xi32, #tpu.memory_space<vmem>> -> memref<1x128xi32, #tpu.memory_space<vmem>>
    %dma_wait3A_517 = tpu.memref_squeeze %dma_wait3A_516 : memref<1x128xi32, #tpu.memory_space<vmem>> -> memref<128xi32, #tpu.memory_space<vmem>>
    %dma_wait3A_518 = arith.constant 0 : i32
    %dma_wait3A_519 = arith.constant 0 : i32
    %dma_wait3A_520 = tpu.memref_slice %arg10[%dma_wait3A_518, %dma_wait3A_519] : memref<10016x64xf32, #tpu.memory_space<vmem_shared>> -> memref<10016x64xf32, #tpu.memory_space<vmem_shared>>
    tpu.wait_indirect_dma semaphore(%arg34 : memref<!tpu.dma_semaphore, #tpu.memory_space<semaphore_mem>>) src(%dma_wait3A_514 : memref<128x64xf32, #tpu.memory_space<vmem>>) dst(%dma_wait3A_520 : memref<10016x64xf32, #tpu.memory_space<vmem_shared>>)
    %barrier3A_521 = arith.constant 0 : index
    tpu.barrier barrier_id(%barrier3A_521)
    %mul3A_522 = arith.constant 626 : i32
    %mul3A_523 = arith.muli %arg1, %mul3A_522 : i32
    %add3A_524 = arith.constant 2 : i32
    %add3A_525 = arith.addi %add3A_524, %arg0 : i32
    %mul3A_526 = arith.constant 10016 : i32
    %mul3A_527 = arith.muli %add3A_525, %mul3A_526 : i32
    %mul3A_528 = arith.constant 626 : i32
    %mul3A_529 = arith.muli %arg1, %mul3A_528 : i32
    %add3A_530 = arith.addi %mul3A_527, %mul3A_529 : i32
    "tpu.region"() ({
      %run_scoped3A = tpu.sem_alloc : memref<!tpu.dma_semaphore, #tpu.memory_space<semaphore_mem>>
      %dma_start3A_531 = arith.constant 0 : i32
      %dma_start3A_532 = tpu.memref_slice %arg6[%add3A_530, %dma_start3A_531] : memref<40064x64xf32, #tpu.memory_space<hbm>> -> memref<626x64xf32, #tpu.memory_space<hbm>>
      %dma_start3A_533 = arith.constant 0 : i32
      %dma_start3A_534 = tpu.memref_slice %arg10[%mul3A_523, %dma_start3A_533] : memref<10016x64xf32, #tpu.memory_space<vmem_shared>> -> memref<626x64xf32, #tpu.memory_space<vmem_shared>>
      tpu.enqueue_dma source(%dma_start3A_534 : memref<626x64xf32, #tpu.memory_space<vmem_shared>>) target(%dma_start3A_532 : memref<626x64xf32, #tpu.memory_space<hbm>>) target_semaphore(%run_scoped3A : memref<!tpu.dma_semaphore, #tpu.memory_space<semaphore_mem>>)
      %dma_wait3A_535 = arith.constant 0 : i32
      %dma_wait3A_536 = tpu.memref_slice %arg6[%add3A_530, %dma_wait3A_535] : memref<40064x64xf32, #tpu.memory_space<hbm>> -> memref<626x64xf32, #tpu.memory_space<hbm>>
      %dma_wait3A_537 = arith.constant 0 : i32
      %dma_wait3A_538 = tpu.memref_slice %arg10[%mul3A_523, %dma_wait3A_537] : memref<10016x64xf32, #tpu.memory_space<vmem_shared>> -> memref<626x64xf32, #tpu.memory_space<vmem_shared>>
      tpu.wait_dma2 semaphore(%run_scoped3A : memref<!tpu.dma_semaphore, #tpu.memory_space<semaphore_mem>>) src(%dma_wait3A_538 : memref<626x64xf32, #tpu.memory_space<vmem_shared>>) dst(%dma_wait3A_536 : memref<626x64xf32, #tpu.memory_space<hbm>>)
      tpu.yield
    }) : () -> ()
    return
  }
}

module attributes {stable_mosaic.version = 14 : i64} {
  func.func @_tc_pre(%arg0: i32, %arg1: memref<1000x256xf32, #tpu.memory_space<vmem>>, %arg2: memref<256x256xf32, #tpu.memory_space<vmem>>, %arg3: memref<2x1000x1xi32, #tpu.memory_space<vmem>>, %arg4: memref<4x1000x64xf32, #tpu.memory_space<vmem>>) attributes {dimension_semantics = [#tpu.dimension_semantics<arbitrary>], iteration_bounds = array<i64: 10>, scalar_prefetch = 0 : i64, scratch_operands = 0 : i64, tpu.core_type = #tpu.core_type<tc>, window_params = [{transform_indices = @transform_0, window_bounds = array<i64: 1000, 256>}, {pipeline_mode = #tpu.pipeline_mode<synchronous>, transform_indices = @transform_1, window_bounds = array<i64: 256, 256>}, {transform_indices = @transform_2, window_bounds = array<i64: 2, 1000, 1>}, {transform_indices = @transform_3, window_bounds = array<i64: 4, 1000, 64>}]} {
    %get3A = arith.constant 0 : index
    %get3A_0 = arith.constant 0 : index
    %get3A_1 = vector.load %arg1[%get3A, %get3A_0] : memref<1000x256xf32, #tpu.memory_space<vmem>>, vector<1000x256xf32>
    %get3A_2 = arith.constant 0 : index
    %get3A_3 = arith.constant 0 : index
    %get3A_4 = vector.load %arg2[%get3A_2, %get3A_3] : memref<256x256xf32, #tpu.memory_space<vmem>>, vector<256x256xf32>
    %dot_general3A = arith.constant dense<0.000000e+00> : vector<1000x256xf32>
    %dot_general3A_5 = tpu.matmul %get3A_1, %get3A_4, %dot_general3A {dimension_numbers = #tpu.dot_dimension_numbers<[1], [0], [0], [1], [0, 0, 1, 1], [], []>, transpose_lhs_hint = false} : vector<1000x256xf32>, vector<256x256xf32>, vector<1000x256xf32> -> vector<1000x256xf32>
    %get3A_6 = arith.constant 0 : index
    %get3A_7 = arith.constant 0 : index
    %get3A_8 = arith.constant 0 : index
    %get3A_9 = vector.load %arg3[%get3A_6, %get3A_7, %get3A_8] : memref<2x1000x1xi32, #tpu.memory_space<vmem>>, vector<1x1000x1xi32>
    %get3A_10 = vector.shape_cast %get3A_9 : vector<1x1000x1xi32> to vector<1000x1xi32>
    %get3A_11 = arith.constant 1 : index
    %get3A_12 = arith.constant 0 : index
    %get3A_13 = arith.constant 0 : index
    %get3A_14 = vector.load %arg3[%get3A_11, %get3A_12, %get3A_13] : memref<2x1000x1xi32, #tpu.memory_space<vmem>>, vector<1x1000x1xi32>
    %get3A_15 = vector.shape_cast %get3A_14 : vector<1x1000x1xi32> to vector<1000x1xi32>
    %add3A = arith.addi %get3A_10, %get3A_15 : vector<1000x1xi32>
    %convert_element_type3A = arith.sitofp %add3A : vector<1000x1xi32> to vector<1000x1xf32>
    %add3A_16 = arith.constant 1.000000e+00 : f32
    %add3A_17 = vector.broadcast %add3A_16 : f32 to vector<1000x1xf32>
    %add3A_18 = arith.addf %convert_element_type3A, %add3A_17 : vector<1000x1xf32>
    %rsqrt3A = math.rsqrt %add3A_18 : vector<1000x1xf32>
    %mul3A = vector.broadcast %rsqrt3A : vector<1000x1xf32> to vector<1000x256xf32>
    %mul3A_19 = arith.mulf %dot_general3A_5, %mul3A : vector<1000x256xf32>
    %slice3A = vector.extract_strided_slice %mul3A_19 {offsets = [0, 0], sizes = [1000, 64], strides = [1, 1]} : vector<1000x256xf32> to vector<1000x64xf32>
    %swap3A = arith.constant 0 : index
    %swap3A_20 = arith.constant 0 : index
    %swap3A_21 = arith.constant 0 : index
    %swap3A_22 = vector.load %arg4[%swap3A, %swap3A_20, %swap3A_21] : memref<4x1000x64xf32, #tpu.memory_space<vmem>>, vector<1x1000x64xf32>
    %swap3A_23 = vector.shape_cast %swap3A_22 : vector<1x1000x64xf32> to vector<1000x64xf32>
    %swap3A_24 = vector.shape_cast %slice3A : vector<1000x64xf32> to vector<1x1000x64xf32>
    tpu.vector_store %arg4[%swap3A, %swap3A_20, %swap3A_21], %swap3A_24 {strides = array<i32>} : memref<4x1000x64xf32, #tpu.memory_space<vmem>>, vector<1x1000x64xf32>,
    %slice3A_25 = vector.extract_strided_slice %mul3A_19 {offsets = [0, 64], sizes = [1000, 64], strides = [1, 1]} : vector<1000x256xf32> to vector<1000x64xf32>
    %swap3A_26 = arith.constant 1 : index
    %swap3A_27 = arith.constant 0 : index
    %swap3A_28 = arith.constant 0 : index
    %swap3A_29 = vector.load %arg4[%swap3A_26, %swap3A_27, %swap3A_28] : memref<4x1000x64xf32, #tpu.memory_space<vmem>>, vector<1x1000x64xf32>
    %swap3A_30 = vector.shape_cast %swap3A_29 : vector<1x1000x64xf32> to vector<1000x64xf32>
    %swap3A_31 = vector.shape_cast %slice3A_25 : vector<1000x64xf32> to vector<1x1000x64xf32>
    tpu.vector_store %arg4[%swap3A_26, %swap3A_27, %swap3A_28], %swap3A_31 {strides = array<i32>} : memref<4x1000x64xf32, #tpu.memory_space<vmem>>, vector<1x1000x64xf32>,
    %slice3A_32 = vector.extract_strided_slice %mul3A_19 {offsets = [0, 128], sizes = [1000, 64], strides = [1, 1]} : vector<1000x256xf32> to vector<1000x64xf32>
    %swap3A_33 = arith.constant 2 : index
    %swap3A_34 = arith.constant 0 : index
    %swap3A_35 = arith.constant 0 : index
    %swap3A_36 = vector.load %arg4[%swap3A_33, %swap3A_34, %swap3A_35] : memref<4x1000x64xf32, #tpu.memory_space<vmem>>, vector<1x1000x64xf32>
    %swap3A_37 = vector.shape_cast %swap3A_36 : vector<1x1000x64xf32> to vector<1000x64xf32>
    %swap3A_38 = vector.shape_cast %slice3A_32 : vector<1000x64xf32> to vector<1x1000x64xf32>
    tpu.vector_store %arg4[%swap3A_33, %swap3A_34, %swap3A_35], %swap3A_38 {strides = array<i32>} : memref<4x1000x64xf32, #tpu.memory_space<vmem>>, vector<1x1000x64xf32>,
    %slice3A_39 = vector.extract_strided_slice %mul3A_19 {offsets = [0, 192], sizes = [1000, 64], strides = [1, 1]} : vector<1000x256xf32> to vector<1000x64xf32>
    %swap3A_40 = arith.constant 3 : index
    %swap3A_41 = arith.constant 0 : index
    %swap3A_42 = arith.constant 0 : index
    %swap3A_43 = vector.load %arg4[%swap3A_40, %swap3A_41, %swap3A_42] : memref<4x1000x64xf32, #tpu.memory_space<vmem>>, vector<1x1000x64xf32>
    %swap3A_44 = vector.shape_cast %swap3A_43 : vector<1x1000x64xf32> to vector<1000x64xf32>
    %swap3A_45 = vector.shape_cast %slice3A_39 : vector<1000x64xf32> to vector<1x1000x64xf32>
    tpu.vector_store %arg4[%swap3A_40, %swap3A_41, %swap3A_42], %swap3A_45 {strides = array<i32>} : memref<4x1000x64xf32, #tpu.memory_space<vmem>>, vector<1x1000x64xf32>,
    return
  }
  func.func @transform_0(%arg0: i32) -> (i32, i32) {
    %c0_i32 = arith.constant 0 : i32
    %c0_i32_0 = arith.constant 0 : i32
    return %arg0, %c0_i32 : i32, i32
  }
  func.func @transform_1(%arg0: i32) -> (i32, i32) {
    %c0_i32 = arith.constant 0 : i32
    %c0_i32_0 = arith.constant 0 : i32
    %c0_i32_1 = arith.constant 0 : i32
    return %c0_i32, %c0_i32_0 : i32, i32
  }
  func.func @transform_2(%arg0: i32) -> (i32, i32, i32) {
    %c0_i32 = arith.constant 0 : i32
    %c0_i32_0 = arith.constant 0 : i32
    %c0_i32_1 = arith.constant 0 : i32
    return %c0_i32, %arg0, %c0_i32_0 : i32, i32, i32
  }
  func.func @transform_3(%arg0: i32) -> (i32, i32, i32) {
    %c0_i32 = arith.constant 0 : i32
    %c0_i32_0 = arith.constant 0 : i32
    %c0_i32_1 = arith.constant 0 : i32
    return %c0_i32, %arg0, %c0_i32_0 : i32, i32, i32
  }
}

module attributes {stable_mosaic.version = 14 : i64} {
  func.func @_tc_mid_a(%arg0: i32, %arg1: memref<4x1000x64xf32, #tpu.memory_space<vmem>>, %arg2: memref<4x1000x64xf32, #tpu.memory_space<vmem>>, %arg3: memref<2x1000x1xi32, #tpu.memory_space<vmem>>, %arg4: memref<1x256xf32, #tpu.memory_space<vmem>>, %arg5: memref<1000x256xf32, #tpu.memory_space<vmem>>, %arg6: memref<8x128xf32, #tpu.memory_space<vmem>>) attributes {dimension_semantics = [#tpu.dimension_semantics<arbitrary>], iteration_bounds = array<i64: 10>, scalar_prefetch = 0 : i64, scratch_operands = 0 : i64, tpu.core_type = #tpu.core_type<tc>, window_params = [{transform_indices = @transform_0, window_bounds = array<i64: 4, 1000, 64>}, {transform_indices = @transform_1, window_bounds = array<i64: 4, 1000, 64>}, {transform_indices = @transform_2, window_bounds = array<i64: 2, 1000, 1>}, {pipeline_mode = #tpu.pipeline_mode<synchronous>, transform_indices = @transform_3, window_bounds = array<i64: 1, 256>}, {transform_indices = @transform_4, window_bounds = array<i64: 1000, 256>}, {pipeline_mode = #tpu.pipeline_mode<synchronous>, transform_indices = @transform_5, window_bounds = array<i64: 8, 128>}]} {
    %get3A = arith.constant 0 : index
    %get3A_0 = arith.constant 0 : index
    %get3A_1 = arith.constant 0 : index
    %get3A_2 = vector.load %arg3[%get3A, %get3A_0, %get3A_1] : memref<2x1000x1xi32, #tpu.memory_space<vmem>>, vector<1x1000x1xi32>
    %get3A_3 = vector.shape_cast %get3A_2 : vector<1x1000x1xi32> to vector<1000x1xi32>
    %get3A_4 = arith.constant 1 : index
    %get3A_5 = arith.constant 0 : index
    %get3A_6 = arith.constant 0 : index
    %get3A_7 = vector.load %arg3[%get3A_4, %get3A_5, %get3A_6] : memref<2x1000x1xi32, #tpu.memory_space<vmem>>, vector<1x1000x1xi32>
    %get3A_8 = vector.shape_cast %get3A_7 : vector<1x1000x1xi32> to vector<1000x1xi32>
    %add3A = arith.addi %get3A_3, %get3A_8 : vector<1000x1xi32>
    %convert_element_type3A = arith.sitofp %add3A : vector<1000x1xi32> to vector<1000x1xf32>
    %add3A_9 = arith.constant 1.000000e+00 : f32
    %add3A_10 = vector.broadcast %add3A_9 : f32 to vector<1000x1xf32>
    %add3A_11 = arith.addf %convert_element_type3A, %add3A_10 : vector<1000x1xf32>
    %rsqrt3A = math.rsqrt %add3A_11 : vector<1000x1xf32>
    %get3A_12 = arith.constant 0 : index
    %get3A_13 = arith.constant 0 : index
    %get3A_14 = arith.constant 0 : index
    %get3A_15 = vector.load %arg1[%get3A_12, %get3A_13, %get3A_14] : memref<4x1000x64xf32, #tpu.memory_space<vmem>>, vector<1x1000x64xf32>
    %get3A_16 = vector.shape_cast %get3A_15 : vector<1x1000x64xf32> to vector<1000x64xf32>
    %get3A_17 = arith.constant 1 : index
    %get3A_18 = arith.constant 0 : index
    %get3A_19 = arith.constant 0 : index
    %get3A_20 = vector.load %arg1[%get3A_17, %get3A_18, %get3A_19] : memref<4x1000x64xf32, #tpu.memory_space<vmem>>, vector<1x1000x64xf32>
    %get3A_21 = vector.shape_cast %get3A_20 : vector<1x1000x64xf32> to vector<1000x64xf32>
    %get3A_22 = arith.constant 2 : index
    %get3A_23 = arith.constant 0 : index
    %get3A_24 = arith.constant 0 : index
    %get3A_25 = vector.load %arg1[%get3A_22, %get3A_23, %get3A_24] : memref<4x1000x64xf32, #tpu.memory_space<vmem>>, vector<1x1000x64xf32>
    %get3A_26 = vector.shape_cast %get3A_25 : vector<1x1000x64xf32> to vector<1000x64xf32>
    %get3A_27 = arith.constant 3 : index
    %get3A_28 = arith.constant 0 : index
    %get3A_29 = arith.constant 0 : index
    %get3A_30 = vector.load %arg1[%get3A_27, %get3A_28, %get3A_29] : memref<4x1000x64xf32, #tpu.memory_space<vmem>>, vector<1x1000x64xf32>
    %get3A_31 = vector.shape_cast %get3A_30 : vector<1x1000x64xf32> to vector<1000x64xf32>
    %concatenate3A = tpu.concatenate %get3A_16, %get3A_21, %get3A_26, %get3A_31 in 1 : vector<1000x64xf32>, vector<1000x64xf32>, vector<1000x64xf32>, vector<1000x64xf32> -> vector<1000x256xf32>
    %get3A_32 = arith.constant 0 : index
    %get3A_33 = arith.constant 0 : index
    %get3A_34 = arith.constant 0 : index
    %get3A_35 = vector.load %arg2[%get3A_32, %get3A_33, %get3A_34] : memref<4x1000x64xf32, #tpu.memory_space<vmem>>, vector<1x1000x64xf32>
    %get3A_36 = vector.shape_cast %get3A_35 : vector<1x1000x64xf32> to vector<1000x64xf32>
    %get3A_37 = arith.constant 1 : index
    %get3A_38 = arith.constant 0 : index
    %get3A_39 = arith.constant 0 : index
    %get3A_40 = vector.load %arg2[%get3A_37, %get3A_38, %get3A_39] : memref<4x1000x64xf32, #tpu.memory_space<vmem>>, vector<1x1000x64xf32>
    %get3A_41 = vector.shape_cast %get3A_40 : vector<1x1000x64xf32> to vector<1000x64xf32>
    %get3A_42 = arith.constant 2 : index
    %get3A_43 = arith.constant 0 : index
    %get3A_44 = arith.constant 0 : index
    %get3A_45 = vector.load %arg2[%get3A_42, %get3A_43, %get3A_44] : memref<4x1000x64xf32, #tpu.memory_space<vmem>>, vector<1x1000x64xf32>
    %get3A_46 = vector.shape_cast %get3A_45 : vector<1x1000x64xf32> to vector<1000x64xf32>
    %get3A_47 = arith.constant 3 : index
    %get3A_48 = arith.constant 0 : index
    %get3A_49 = arith.constant 0 : index
    %get3A_50 = vector.load %arg2[%get3A_47, %get3A_48, %get3A_49] : memref<4x1000x64xf32, #tpu.memory_space<vmem>>, vector<1x1000x64xf32>
    %get3A_51 = vector.shape_cast %get3A_50 : vector<1x1000x64xf32> to vector<1000x64xf32>
    %concatenate3A_52 = tpu.concatenate %get3A_36, %get3A_41, %get3A_46, %get3A_51 in 1 : vector<1000x64xf32>, vector<1000x64xf32>, vector<1000x64xf32>, vector<1000x64xf32> -> vector<1000x256xf32>
    %add3A_53 = arith.addf %concatenate3A, %concatenate3A_52 : vector<1000x256xf32>
    %mul3A = vector.broadcast %rsqrt3A : vector<1000x1xf32> to vector<1000x256xf32>
    %mul3A_54 = arith.mulf %add3A_53, %mul3A : vector<1000x256xf32>
    %get3A_55 = arith.constant 0 : index
    %get3A_56 = arith.constant 0 : index
    %get3A_57 = vector.load %arg4[%get3A_55, %get3A_56] : memref<1x256xf32, #tpu.memory_space<vmem>>, vector<1x256xf32>
    %add3A_58 = vector.broadcast %get3A_57 : vector<1x256xf32> to vector<1000x256xf32>
    %add3A_59 = arith.addf %mul3A_54, %add3A_58 : vector<1000x256xf32>
    %swap3A = arith.constant 0 : index
    %swap3A_60 = arith.constant 0 : index
    %swap3A_61 = vector.load %arg5[%swap3A, %swap3A_60] : memref<1000x256xf32, #tpu.memory_space<vmem>>, vector<1000x256xf32>
    tpu.vector_store %arg5[%swap3A, %swap3A_60], %add3A_59 {strides = array<i32>} : memref<1000x256xf32, #tpu.memory_space<vmem>>, vector<1000x256xf32>,
    %iota3A = tpu.iota {dimensions = array<i32: 0>} : vector<8x128xi32>
    %iota3A_62 = tpu.iota {dimensions = array<i32: 1>} : vector<8x128xi32>
    %eq3A = arith.constant 0 : i32
    %eq3A_63 = vector.broadcast %eq3A : i32 to vector<8x128xi32>
    %eq3A_64 = arith.cmpi eq, %iota3A, %eq3A_63 : vector<8x128xi32>
    %eq3A_65 = arith.constant 0 : i32
    %eq3A_66 = vector.broadcast %eq3A_65 : i32 to vector<8x128xi32>
    %eq3A_67 = arith.cmpi eq, %iota3A_62, %eq3A_66 : vector<8x128xi32>
    %and3A = arith.andi %eq3A_64, %eq3A_67 : vector<8x128xi1>
    %reduce_sum3A = vector.shape_cast %add3A_59 : vector<1000x256xf32> to vector<1x1000x256xf32>
    %reduce_sum3A_68 = arith.constant dense<0.000000e+00> : vector<1xf32>
    %reduce_sum3A_69 = vector.multi_reduction <add>, %reduce_sum3A, %reduce_sum3A_68 [1, 2] : vector<1x1000x256xf32> to vector<1xf32>
    %reduce_sum3A_70 = vector.shape_cast %reduce_sum3A_69 : vector<1xf32> to vector<1x1x1xf32>
    %reduce_sum3A_71 = vector.extract %reduce_sum3A_70[0, 0, 0] : f32 from vector<1x1x1xf32>
    %jit3A = arith.constant 0.000000e+00 : f32
    %broadcast_in_dim3A = vector.broadcast %reduce_sum3A_71 : f32 to vector<8x128xf32>
    %broadcast_in_dim3A_72 = vector.broadcast %jit3A : f32 to vector<8x128xf32>
    %select_n3A = arith.select %and3A, %broadcast_in_dim3A, %broadcast_in_dim3A_72 : vector<8x128xi1>, vector<8x128xf32>
    %eq3A_73 = arith.constant 0 : i32
    %eq3A_74 = vector.broadcast %eq3A_73 : i32 to vector<8x128xi32>
    %eq3A_75 = arith.cmpi eq, %iota3A, %eq3A_74 : vector<8x128xi32>
    %eq3A_76 = arith.constant 1 : i32
    %eq3A_77 = vector.broadcast %eq3A_76 : i32 to vector<8x128xi32>
    %eq3A_78 = arith.cmpi eq, %iota3A_62, %eq3A_77 : vector<8x128xi32>
    %and3A_79 = arith.andi %eq3A_75, %eq3A_78 : vector<8x128xi1>
    %mul3A_80 = arith.mulf %add3A_59, %add3A_59 : vector<1000x256xf32>
    %reduce_sum3A_81 = vector.shape_cast %mul3A_80 : vector<1000x256xf32> to vector<1x1000x256xf32>
    %reduce_sum3A_82 = arith.constant dense<0.000000e+00> : vector<1xf32>
    %reduce_sum3A_83 = vector.multi_reduction <add>, %reduce_sum3A_81, %reduce_sum3A_82 [1, 2] : vector<1x1000x256xf32> to vector<1xf32>
    %reduce_sum3A_84 = vector.shape_cast %reduce_sum3A_83 : vector<1xf32> to vector<1x1x1xf32>
    %reduce_sum3A_85 = vector.extract %reduce_sum3A_84[0, 0, 0] : f32 from vector<1x1x1xf32>
    %jit3A_86 = arith.constant 0.000000e+00 : f32
    %broadcast_in_dim3A_87 = vector.broadcast %reduce_sum3A_85 : f32 to vector<8x128xf32>
    %broadcast_in_dim3A_88 = vector.broadcast %jit3A_86 : f32 to vector<8x128xf32>
    %select_n3A_89 = arith.select %and3A_79, %broadcast_in_dim3A_87, %broadcast_in_dim3A_88 : vector<8x128xi1>, vector<8x128xf32>
    %add3A_90 = arith.addf %select_n3A, %select_n3A_89 : vector<8x128xf32>
    %eq3A_91 = arith.constant 0 : i32
    %eq3A_92 = arith.cmpi eq, %arg0, %eq3A_91 : i32
    %convert_element_type3A_93 = arith.extui %eq3A_92 : i1 to i32
    %cond3A = arith.constant 0 : i32
    %cond3A_94 = arith.cmpi ne, %convert_element_type3A_93, %cond3A : i32
    scf.if %cond3A_94 {
      %swap3A_99 = arith.constant 0 : index
      %swap3A_100 = arith.constant 0 : index
      %swap3A_101 = vector.load %arg6[%swap3A_99, %swap3A_100] : memref<8x128xf32, #tpu.memory_space<vmem>>, vector<8x128xf32>
      tpu.vector_store %arg6[%swap3A_99, %swap3A_100], %add3A_90 {strides = array<i32>} : memref<8x128xf32, #tpu.memory_space<vmem>>, vector<8x128xf32>,
    } else {
    }
    %gt3A = arith.constant 0 : i32
    %gt3A_95 = arith.cmpi sgt, %arg0, %gt3A : i32
    %convert_element_type3A_96 = arith.extui %gt3A_95 : i1 to i32
    %cond3A_97 = arith.constant 0 : i32
    %cond3A_98 = arith.cmpi ne, %convert_element_type3A_96, %cond3A_97 : i32
    scf.if %cond3A_98 {
      %get3A_99 = arith.constant 0 : index
      %get3A_100 = arith.constant 0 : index
      %get3A_101 = vector.load %arg6[%get3A_99, %get3A_100] : memref<8x128xf32, #tpu.memory_space<vmem>>, vector<8x128xf32>
      %add3A_102 = arith.addf %get3A_101, %add3A_90 : vector<8x128xf32>
      %swap3A_103 = arith.constant 0 : index
      %swap3A_104 = arith.constant 0 : index
      %swap3A_105 = vector.load %arg6[%swap3A_103, %swap3A_104] : memref<8x128xf32, #tpu.memory_space<vmem>>, vector<8x128xf32>
      tpu.vector_store %arg6[%swap3A_103, %swap3A_104], %add3A_102 {strides = array<i32>} : memref<8x128xf32, #tpu.memory_space<vmem>>, vector<8x128xf32>,
    } else {
    }
    return
  }
  func.func @transform_0(%arg0: i32) -> (i32, i32, i32) {
    %c0_i32 = arith.constant 0 : i32
    %c0_i32_0 = arith.constant 0 : i32
    %c0_i32_1 = arith.constant 0 : i32
    return %c0_i32, %arg0, %c0_i32_0 : i32, i32, i32
  }
  func.func @transform_1(%arg0: i32) -> (i32, i32, i32) {
    %c0_i32 = arith.constant 0 : i32
    %c0_i32_0 = arith.constant 0 : i32
    %c0_i32_1 = arith.constant 0 : i32
    return %c0_i32, %arg0, %c0_i32_0 : i32, i32, i32
  }
  func.func @transform_2(%arg0: i32) -> (i32, i32, i32) {
    %c0_i32 = arith.constant 0 : i32
    %c0_i32_0 = arith.constant 0 : i32
    %c0_i32_1 = arith.constant 0 : i32
    return %c0_i32, %arg0, %c0_i32_0 : i32, i32, i32
  }
  func.func @transform_3(%arg0: i32) -> (i32, i32) {
    %c0_i32 = arith.constant 0 : i32
    %c0_i32_0 = arith.constant 0 : i32
    %c0_i32_1 = arith.constant 0 : i32
    return %c0_i32, %c0_i32_0 : i32, i32
  }
  func.func @transform_4(%arg0: i32) -> (i32, i32) {
    %c0_i32 = arith.constant 0 : i32
    %c0_i32_0 = arith.constant 0 : i32
    return %arg0, %c0_i32 : i32, i32
  }
  func.func @transform_5(%arg0: i32) -> (i32, i32) {
    %c0_i32 = arith.constant 0 : i32
    %c0_i32_0 = arith.constant 0 : i32
    %c0_i32_1 = arith.constant 0 : i32
    return %c0_i32, %c0_i32_0 : i32, i32
  }
}

module attributes {stable_mosaic.version = 14 : i64} {
  func.func @_tc_mid_b(%arg0: i32, %arg1: memref<1000x256xf32, #tpu.memory_space<vmem>>, %arg2: memref<8x128xf32, #tpu.memory_space<smem>>, %arg3: memref<1x256xf32, #tpu.memory_space<vmem>>, %arg4: memref<1x256xf32, #tpu.memory_space<vmem>>, %arg5: memref<256x128xf32, #tpu.memory_space<vmem>>, %arg6: memref<256x128xf32, #tpu.memory_space<vmem>>, %arg7: memref<2x1000x64xf32, #tpu.memory_space<vmem>>, %arg8: memref<1000x128xf32, #tpu.memory_space<vmem>>) attributes {dimension_semantics = [#tpu.dimension_semantics<arbitrary>], iteration_bounds = array<i64: 10>, scalar_prefetch = 0 : i64, scratch_operands = 0 : i64, tpu.core_type = #tpu.core_type<tc>, window_params = [{transform_indices = @transform_0, window_bounds = array<i64: 1000, 256>}, {transform_indices = @transform_1, window_bounds = array<i64: 8, 128>}, {pipeline_mode = #tpu.pipeline_mode<synchronous>, transform_indices = @transform_2, window_bounds = array<i64: 1, 256>}, {pipeline_mode = #tpu.pipeline_mode<synchronous>, transform_indices = @transform_3, window_bounds = array<i64: 1, 256>}, {pipeline_mode = #tpu.pipeline_mode<synchronous>, transform_indices = @transform_4, window_bounds = array<i64: 256, 128>}, {pipeline_mode = #tpu.pipeline_mode<synchronous>, transform_indices = @transform_5, window_bounds = array<i64: 256, 128>}, {transform_indices = @transform_6, window_bounds = array<i64: 2, 1000, 64>}, {transform_indices = @transform_7, window_bounds = array<i64: 1000, 128>}]} {
    %get3A = arith.constant 0 : index
    %get3A_0 = arith.constant 0 : index
    %get3A_1 = memref.load %arg2[%get3A, %get3A_0] : memref<8x128xf32, #tpu.memory_space<smem>>
    %div3A = arith.constant 2.560000e+06 : f32
    %div3A_2 = arith.divf %get3A_1, %div3A : f32
    %get3A_3 = arith.constant 0 : index
    %get3A_4 = arith.constant 1 : index
    %get3A_5 = memref.load %arg2[%get3A_3, %get3A_4] : memref<8x128xf32, #tpu.memory_space<smem>>
    %div3A_6 = arith.constant 2.560000e+06 : f32
    %div3A_7 = arith.divf %get3A_5, %div3A_6 : f32
    %mul3A = arith.mulf %div3A_2, %div3A_2 : f32
    %sub3A = arith.subf %div3A_7, %mul3A : f32
    %max3A = arith.constant 0.000000e+00 : f32
    %max3A_8 = arith.maximumf %sub3A, %max3A : f32
    %sqrt3A = math.sqrt %max3A_8 : f32
    %get3A_9 = arith.constant 0 : index
    %get3A_10 = arith.constant 0 : index
    %get3A_11 = vector.load %arg1[%get3A_9, %get3A_10] : memref<1000x256xf32, #tpu.memory_space<vmem>>, vector<1000x256xf32>
    %sub3A_12 = vector.broadcast %div3A_2 : f32 to vector<1000x256xf32>
    %sub3A_13 = arith.subf %get3A_11, %sub3A_12 : vector<1000x256xf32>
    %add3A = arith.constant 9.99999974E-6 : f32
    %add3A_14 = arith.addf %sqrt3A, %add3A : f32
    %div3A_15 = vector.broadcast %add3A_14 : f32 to vector<1000x256xf32>
    %div3A_16 = arith.divf %sub3A_13, %div3A_15 : vector<1000x256xf32>
    %get3A_17 = arith.constant 0 : index
    %get3A_18 = arith.constant 0 : index
    %get3A_19 = vector.load %arg3[%get3A_17, %get3A_18] : memref<1x256xf32, #tpu.memory_space<vmem>>, vector<1x256xf32>
    %mul3A_20 = vector.broadcast %get3A_19 : vector<1x256xf32> to vector<1000x256xf32>
    %mul3A_21 = arith.mulf %div3A_16, %mul3A_20 : vector<1000x256xf32>
    %get3A_22 = arith.constant 0 : index
    %get3A_23 = arith.constant 0 : index
    %get3A_24 = vector.load %arg4[%get3A_22, %get3A_23] : memref<1x256xf32, #tpu.memory_space<vmem>>, vector<1x256xf32>
    %add3A_25 = vector.broadcast %get3A_24 : vector<1x256xf32> to vector<1000x256xf32>
    %add3A_26 = arith.addf %mul3A_21, %add3A_25 : vector<1000x256xf32>
    %max3A_27 = arith.constant 0.000000e+00 : f32
    %max3A_28 = vector.broadcast %max3A_27 : f32 to vector<1000x256xf32>
    %max3A_29 = arith.maximumf %add3A_26, %max3A_28 : vector<1000x256xf32>
    %get3A_30 = arith.constant 0 : index
    %get3A_31 = arith.constant 0 : index
    %get3A_32 = vector.load %arg5[%get3A_30, %get3A_31] : memref<256x128xf32, #tpu.memory_space<vmem>>, vector<256x128xf32>
    %dot_general3A = arith.constant dense<0.000000e+00> : vector<1000x128xf32>
    %dot_general3A_33 = tpu.matmul %max3A_29, %get3A_32, %dot_general3A {dimension_numbers = #tpu.dot_dimension_numbers<[1], [0], [0], [1], [0, 0, 1, 1], [], []>, transpose_lhs_hint = false} : vector<1000x256xf32>, vector<256x128xf32>, vector<1000x128xf32> -> vector<1000x128xf32>
    %get3A_34 = arith.constant 0 : index
    %get3A_35 = arith.constant 0 : index
    %get3A_36 = vector.load %arg6[%get3A_34, %get3A_35] : memref<256x128xf32, #tpu.memory_space<vmem>>, vector<256x128xf32>
    %dot_general3A_37 = arith.constant dense<0.000000e+00> : vector<1000x128xf32>
    %dot_general3A_38 = tpu.matmul %max3A_29, %get3A_36, %dot_general3A_37 {dimension_numbers = #tpu.dot_dimension_numbers<[1], [0], [0], [1], [0, 0, 1, 1], [], []>, transpose_lhs_hint = false} : vector<1000x256xf32>, vector<256x128xf32>, vector<1000x128xf32> -> vector<1000x128xf32>
    %swap3A = arith.constant 0 : index
    %swap3A_39 = arith.constant 0 : index
    %swap3A_40 = vector.load %arg8[%swap3A, %swap3A_39] : memref<1000x128xf32, #tpu.memory_space<vmem>>, vector<1000x128xf32>
    tpu.vector_store %arg8[%swap3A, %swap3A_39], %dot_general3A_38 {strides = array<i32>} : memref<1000x128xf32, #tpu.memory_space<vmem>>, vector<1000x128xf32>,
    %slice3A = vector.extract_strided_slice %dot_general3A_33 {offsets = [0, 0], sizes = [1000, 64], strides = [1, 1]} : vector<1000x128xf32> to vector<1000x64xf32>
    %swap3A_41 = arith.constant 0 : index
    %swap3A_42 = arith.constant 0 : index
    %swap3A_43 = arith.constant 0 : index
    %swap3A_44 = vector.load %arg7[%swap3A_41, %swap3A_42, %swap3A_43] : memref<2x1000x64xf32, #tpu.memory_space<vmem>>, vector<1x1000x64xf32>
    %swap3A_45 = vector.shape_cast %swap3A_44 : vector<1x1000x64xf32> to vector<1000x64xf32>
    %swap3A_46 = vector.shape_cast %slice3A : vector<1000x64xf32> to vector<1x1000x64xf32>
    tpu.vector_store %arg7[%swap3A_41, %swap3A_42, %swap3A_43], %swap3A_46 {strides = array<i32>} : memref<2x1000x64xf32, #tpu.memory_space<vmem>>, vector<1x1000x64xf32>,
    %slice3A_47 = vector.extract_strided_slice %dot_general3A_33 {offsets = [0, 64], sizes = [1000, 64], strides = [1, 1]} : vector<1000x128xf32> to vector<1000x64xf32>
    %swap3A_48 = arith.constant 1 : index
    %swap3A_49 = arith.constant 0 : index
    %swap3A_50 = arith.constant 0 : index
    %swap3A_51 = vector.load %arg7[%swap3A_48, %swap3A_49, %swap3A_50] : memref<2x1000x64xf32, #tpu.memory_space<vmem>>, vector<1x1000x64xf32>
    %swap3A_52 = vector.shape_cast %swap3A_51 : vector<1x1000x64xf32> to vector<1000x64xf32>
    %swap3A_53 = vector.shape_cast %slice3A_47 : vector<1000x64xf32> to vector<1x1000x64xf32>
    tpu.vector_store %arg7[%swap3A_48, %swap3A_49, %swap3A_50], %swap3A_53 {strides = array<i32>} : memref<2x1000x64xf32, #tpu.memory_space<vmem>>, vector<1x1000x64xf32>,
    return
  }
  func.func @transform_0(%arg0: i32) -> (i32, i32) {
    %c0_i32 = arith.constant 0 : i32
    %c0_i32_0 = arith.constant 0 : i32
    return %arg0, %c0_i32 : i32, i32
  }
  func.func @transform_1(%arg0: i32) -> (i32, i32) {
    %c0_i32 = arith.constant 0 : i32
    %c0_i32_0 = arith.constant 0 : i32
    %c0_i32_1 = arith.constant 0 : i32
    return %c0_i32, %c0_i32_0 : i32, i32
  }
  func.func @transform_2(%arg0: i32) -> (i32, i32) {
    %c0_i32 = arith.constant 0 : i32
    %c0_i32_0 = arith.constant 0 : i32
    %c0_i32_1 = arith.constant 0 : i32
    return %c0_i32, %c0_i32_0 : i32, i32
  }
  func.func @transform_3(%arg0: i32) -> (i32, i32) {
    %c0_i32 = arith.constant 0 : i32
    %c0_i32_0 = arith.constant 0 : i32
    %c0_i32_1 = arith.constant 0 : i32
    return %c0_i32, %c0_i32_0 : i32, i32
  }
  func.func @transform_4(%arg0: i32) -> (i32, i32) {
    %c0_i32 = arith.constant 0 : i32
    %c0_i32_0 = arith.constant 0 : i32
    %c0_i32_1 = arith.constant 0 : i32
    return %c0_i32, %c0_i32_0 : i32, i32
  }
  func.func @transform_5(%arg0: i32) -> (i32, i32) {
    %c0_i32 = arith.constant 0 : i32
    %c0_i32_0 = arith.constant 0 : i32
    %c0_i32_1 = arith.constant 0 : i32
    return %c0_i32, %c0_i32_0 : i32, i32
  }
  func.func @transform_6(%arg0: i32) -> (i32, i32, i32) {
    %c0_i32 = arith.constant 0 : i32
    %c0_i32_0 = arith.constant 0 : i32
    %c0_i32_1 = arith.constant 0 : i32
    return %c0_i32, %arg0, %c0_i32_0 : i32, i32, i32
  }
  func.func @transform_7(%arg0: i32) -> (i32, i32) {
    %c0_i32 = arith.constant 0 : i32
    %c0_i32_0 = arith.constant 0 : i32
    return %arg0, %c0_i32 : i32, i32
  }
}

module attributes {stable_mosaic.version = 14 : i64} {
  func.func @_tc_post(%arg0: i32, %arg1: memref<2x1000x64xf32, #tpu.memory_space<vmem>>, %arg2: memref<1000x128xf32, #tpu.memory_space<vmem>>, %arg3: memref<2x1000x1xi32, #tpu.memory_space<vmem>>, %arg4: memref<1x128xf32, #tpu.memory_space<vmem>>, %arg5: memref<1000x128xf32, #tpu.memory_space<vmem>>, %arg6: memref<1000x128xf32, #tpu.memory_space<vmem>>) attributes {dimension_semantics = [#tpu.dimension_semantics<arbitrary>], iteration_bounds = array<i64: 10>, scalar_prefetch = 0 : i64, scratch_operands = 0 : i64, tpu.core_type = #tpu.core_type<tc>, window_params = [{transform_indices = @transform_0, window_bounds = array<i64: 2, 1000, 64>}, {transform_indices = @transform_1, window_bounds = array<i64: 1000, 128>}, {transform_indices = @transform_2, window_bounds = array<i64: 2, 1000, 1>}, {pipeline_mode = #tpu.pipeline_mode<synchronous>, transform_indices = @transform_3, window_bounds = array<i64: 1, 128>}, {transform_indices = @transform_4, window_bounds = array<i64: 1000, 128>}, {transform_indices = @transform_5, window_bounds = array<i64: 1000, 128>}]} {
    %get3A = arith.constant 0 : index
    %get3A_0 = arith.constant 0 : index
    %get3A_1 = arith.constant 0 : index
    %get3A_2 = vector.load %arg3[%get3A, %get3A_0, %get3A_1] : memref<2x1000x1xi32, #tpu.memory_space<vmem>>, vector<1x1000x1xi32>
    %get3A_3 = vector.shape_cast %get3A_2 : vector<1x1000x1xi32> to vector<1000x1xi32>
    %get3A_4 = arith.constant 1 : index
    %get3A_5 = arith.constant 0 : index
    %get3A_6 = arith.constant 0 : index
    %get3A_7 = vector.load %arg3[%get3A_4, %get3A_5, %get3A_6] : memref<2x1000x1xi32, #tpu.memory_space<vmem>>, vector<1x1000x1xi32>
    %get3A_8 = vector.shape_cast %get3A_7 : vector<1x1000x1xi32> to vector<1000x1xi32>
    %add3A = arith.addi %get3A_3, %get3A_8 : vector<1000x1xi32>
    %convert_element_type3A = arith.sitofp %add3A : vector<1000x1xi32> to vector<1000x1xf32>
    %get3A_9 = arith.constant 0 : index
    %get3A_10 = arith.constant 0 : index
    %get3A_11 = arith.constant 0 : index
    %get3A_12 = vector.load %arg1[%get3A_9, %get3A_10, %get3A_11] : memref<2x1000x64xf32, #tpu.memory_space<vmem>>, vector<1x1000x64xf32>
    %get3A_13 = vector.shape_cast %get3A_12 : vector<1x1000x64xf32> to vector<1000x64xf32>
    %get3A_14 = arith.constant 1 : index
    %get3A_15 = arith.constant 0 : index
    %get3A_16 = arith.constant 0 : index
    %get3A_17 = vector.load %arg1[%get3A_14, %get3A_15, %get3A_16] : memref<2x1000x64xf32, #tpu.memory_space<vmem>>, vector<1x1000x64xf32>
    %get3A_18 = vector.shape_cast %get3A_17 : vector<1x1000x64xf32> to vector<1000x64xf32>
    %concatenate3A = tpu.concatenate %get3A_13, %get3A_18 in 1 : vector<1000x64xf32>, vector<1000x64xf32> -> vector<1000x128xf32>
    %max3A = arith.constant 1.000000e+00 : f32
    %max3A_19 = vector.broadcast %max3A : f32 to vector<1000x1xf32>
    %max3A_20 = arith.maximumf %convert_element_type3A, %max3A_19 : vector<1000x1xf32>
    %div3A = vector.broadcast %max3A_20 : vector<1000x1xf32> to vector<1000x128xf32>
    %div3A_21 = arith.divf %concatenate3A, %div3A : vector<1000x128xf32>
    %get3A_22 = arith.constant 0 : index
    %get3A_23 = arith.constant 0 : index
    %get3A_24 = vector.load %arg4[%get3A_22, %get3A_23] : memref<1x128xf32, #tpu.memory_space<vmem>>, vector<1x128xf32>
    %add3A_25 = vector.broadcast %get3A_24 : vector<1x128xf32> to vector<1000x128xf32>
    %add3A_26 = arith.addf %div3A_21, %add3A_25 : vector<1000x128xf32>
    %get3A_27 = arith.constant 0 : index
    %get3A_28 = arith.constant 0 : index
    %get3A_29 = vector.load %arg2[%get3A_27, %get3A_28] : memref<1000x128xf32, #tpu.memory_space<vmem>>, vector<1000x128xf32>
    %add3A_30 = arith.addf %add3A_26, %get3A_29 : vector<1000x128xf32>
    %swap3A = arith.constant 0 : index
    %swap3A_31 = arith.constant 0 : index
    %swap3A_32 = vector.load %arg5[%swap3A, %swap3A_31] : memref<1000x128xf32, #tpu.memory_space<vmem>>, vector<1000x128xf32>
    tpu.vector_store %arg5[%swap3A, %swap3A_31], %add3A_30 {strides = array<i32>} : memref<1000x128xf32, #tpu.memory_space<vmem>>, vector<1000x128xf32>,
    %reduce_max3A = arith.constant dense<0xFF800000> : vector<1000xf32>
    %reduce_max3A_33 = vector.multi_reduction <maximumf>, %add3A_30, %reduce_max3A [1] : vector<1000x128xf32> to vector<1000xf32>
    %broadcast_in_dim3A = vector.shape_cast %reduce_max3A_33 : vector<1000xf32> to vector<1000x1xf32>
    %sub3A = vector.broadcast %broadcast_in_dim3A : vector<1000x1xf32> to vector<1000x128xf32>
    %sub3A_34 = arith.subf %add3A_30, %sub3A : vector<1000x128xf32>
    %exp3A = math.exp %sub3A_34 : vector<1000x128xf32>
    %reduce_sum3A = arith.constant dense<0.000000e+00> : vector<1000xf32>
    %reduce_sum3A_35 = vector.multi_reduction <add>, %exp3A, %reduce_sum3A [1] : vector<1000x128xf32> to vector<1000xf32>
    %broadcast_in_dim3A_36 = vector.shape_cast %reduce_sum3A_35 : vector<1000xf32> to vector<1000x1xf32>
    %log3A = math.log %broadcast_in_dim3A_36 : vector<1000x1xf32>
    %sub3A_37 = vector.broadcast %log3A : vector<1000x1xf32> to vector<1000x128xf32>
    %sub3A_38 = arith.subf %sub3A_34, %sub3A_37 : vector<1000x128xf32>
    %swap3A_39 = arith.constant 0 : index
    %swap3A_40 = arith.constant 0 : index
    %swap3A_41 = vector.load %arg6[%swap3A_39, %swap3A_40] : memref<1000x128xf32, #tpu.memory_space<vmem>>, vector<1000x128xf32>
    tpu.vector_store %arg6[%swap3A_39, %swap3A_40], %sub3A_38 {strides = array<i32>} : memref<1000x128xf32, #tpu.memory_space<vmem>>, vector<1000x128xf32>,
    return
  }
  func.func @transform_0(%arg0: i32) -> (i32, i32, i32) {
    %c0_i32 = arith.constant 0 : i32
    %c0_i32_0 = arith.constant 0 : i32
    %c0_i32_1 = arith.constant 0 : i32
    return %c0_i32, %arg0, %c0_i32_0 : i32, i32, i32
  }
  func.func @transform_1(%arg0: i32) -> (i32, i32) {
    %c0_i32 = arith.constant 0 : i32
    %c0_i32_0 = arith.constant 0 : i32
    return %arg0, %c0_i32 : i32, i32
  }
  func.func @transform_2(%arg0: i32) -> (i32, i32, i32) {
    %c0_i32 = arith.constant 0 : i32
    %c0_i32_0 = arith.constant 0 : i32
    %c0_i32_1 = arith.constant 0 : i32
    return %c0_i32, %arg0, %c0_i32_0 : i32, i32, i32
  }
  func.func @transform_3(%arg0: i32) -> (i32, i32) {
    %c0_i32 = arith.constant 0 : i32
    %c0_i32_0 = arith.constant 0 : i32
    %c0_i32_1 = arith.constant 0 : i32
    return %c0_i32, %c0_i32_0 : i32, i32
  }
  func.func @transform_4(%arg0: i32) -> (i32, i32) {
    %c0_i32 = arith.constant 0 : i32
    %c0_i32_0 = arith.constant 0 : i32
    return %arg0, %c0_i32 : i32, i32
  }
  func.func @transform_5(%arg0: i32) -> (i32, i32) {
    %c0_i32 = arith.constant 0 : i32
    %c0_i32_0 = arith.constant 0 : i32
    return %arg0, %c0_i32 : i32, i32
  }
}

</mosaic_0001>

<sc_bundles>
// kernel: kernel.12.cloned.1.call-start
scs
__scs_entry_jumppad:
0x0: {  	(pc) =	sbr.rel $0x88, $3  }
0x1: {  	(tag) =	ssettag $0x0;
	lr =	simm.s32 $0x1  }
0x2: {  	[smem:$0x3F98] =	sst lr;
	_ =	strace $0xD0000000  }
0x3: {  	_ = 	snop  }
0x4: {  	_ = 	snop  }
0x5: {  	_ = 	snop  }
0x6: {  	_ = 	snop  }
0x7: {  	_ = 	snop  }
__scs_overlays_trampoline_lowered:
0x8: {  	[smem:$0x3FA7] =	sst s0  }
0x9: {  	[smem:$0x3FA8] =	sst s1  }
0xa: {  	[smem:$0x3FA9] =	sst s2  }
0xb: {  	[smem:$0x3FAA] =	sst s3  }
0xc: {  	[smem:$0x3FAB] =	sst s4  }
0xd: {  	[smem:$0x3FAC] =	sst s5  }
0xe: {  	[smem:$0x3FAD] =	sst s6  }
0xf: {  	[smem:$0x3FAE] =	sst s7  }
0x10: {  	[smem:$0x3FAF] =	sst s8  }
0x11: {  	[smem:$0x3FB0] =	sst s9;
	s0 =	simm.s32 @!p0 $0x0  }
0x12: {  	s1 =	sld [smem:$0x3F96];
	s0 =	simm.s32 @p0 $0x1  }
0x13: {  	[smem:$0x3FB1] =	sst s0;
	s0 =	simm.s32 @!p1 $0x0  }
0x14: {  	s2 =	sld [smem:$0x3F95];
	s0 =	simm.s32 @p1 $0x1  }
0x15: {  	[smem:$0x3FB2] =	sst s0;
	s0 =	simm.s32 @!p2 $0x0  }
0x16: {  	s3 =	sld [smem:$0x3FDB];
	s0 =	simm.s32 @p2 $0x1  }
0x17: {  	s4 =	simm.s32 $0x1BF5;
	[smem:$0x3FB4] =	sst s0  }
0x18: {  	s0 =	sld [smem:$0x3F97];
	_ =	swait.ge [sflag:s4], $0x0  }
0x19: {  	s7 =	sld [smem:$0x3F98]  }
0x1a: {  	s8 =	sadd.s32 $0xFFFFE003, lr  }
0x1b: {  	s9 =	sadd.s32 $0xFFFFFEF7, lr;
	s5 =	simm.s32 $0xFFFFFFFF;
	p2 =	slt.u32 s8, $0xFFFFF086  }
0x1c: {  	p1 =	slt.u32 s9, $0xF7A;
	s5 =	simm.s32 @!p2 $0x0  }
0x1d: {  	s5 =	simm.s32 @p1 $0x1;
	p0 =	seq.s32 s7, s2  }
0x1e: {  	s7 =	smul.u32 @!p0 $0xF7A, s2;
	p2 =	seq.s32 @!p0 s5, $0x0  }
0x1f: {  	s9 =	smul.u32 $0xF7A, s1;
	s8 =	simm.s32 @!p0 $0x1BF5;
	p2 =	por !p2, p0  }
0x20: {  	[sflag:s8] =	ssyncset.s32 @!p0 $0xFFFFF086;
	s6 =	sadd.s32 @!p0 s3, s7;
	s7 =	simm.s32 @!p0 $0x108  }
0x21: {  	s3 =	sadd.s32 s3, s9;
	s6 =	sadd.s32 @!p0 $0x88, s6;
	s7 =	simm.s32 @p2 $0x1082  }
0x22: {  	[simem:s7], [sflag:s8] =	dma.local @!p0 [hbm:s6], $0xF7A  }
0x23: {  	s9 =	sor.u32 $0xD0000000, s2;
	s6 =	simm.s32 $0x108;
	_ =	swait.ge @!p0 [sflag:s8], $0x0  }
0x24: {  	s3 =	sadd.s32 $0x88, s3;
	s6 =	simm.s32 @!p1 $0x1082;
	[sflag:s4] =	ssyncset.s32 $0xFFFFF086  }
0x25: {  	[simem:s6], [sflag:s4] =	dma.local [hbm:s3], $0xF7A  }
0x26: {  	[smem:$0x3F98] =	sst s1;
	(tag) =	ssettag s2;
	_ =	strace s9  }
0x27: {  	s1 =	sld [smem:$0x3FA8]  }
0x28: {  	s2 =	sld [smem:$0x3FA9]  }
0x29: {  	s4 =	sld [smem:$0x3FAB]  }
0x2a: {  	p0 =	seq.s32 s5, $0x0;
	s5 =	sld [smem:$0x3FAC]  }
0x2b: {  	s6 =	sld [smem:$0x3FAD]  }
0x2c: {  	s7 =	sld [smem:$0x3FAE]  }
0x2d: {  	s3 =	simm.s32 $0x108;
	s8 =	sld [smem:$0x3FAF]  }
0x2e: {  	s3 =	simm.s32 @!p0 $0x1082;
	s9 =	sld [smem:$0x3FB0]  }
0x2f: {  	lr =	sadd.s32 s0, s3;
	s0 =	sld [smem:$0x3FA7]  }
0x30: {  	s3 =	sld [smem:$0x3FAA]  }
0x31: {  	[smem:$0x3FB3] =	sst s10  }
0x32: {  	s10 =	sld [smem:$0x3FB1];
	_ =	sdelay $0x3  }
0x33: {  	p0 =	seq.s32 s10, $0x1;
	s10 =	sld [smem:$0x3FB3];
	_ =	sdelay $0x3  }
0x34: {  	[smem:$0x3FB3] =	sst s10  }
0x35: {  	s10 =	sld [smem:$0x3FB2];
	_ =	sdelay $0x3  }
0x36: {  	p1 =	seq.s32 s10, $0x1;
	s10 =	sld [smem:$0x3FB3];
	_ =	sdelay $0x3  }
0x37: {  	[smem:$0x3FB3] =	sst s10  }
0x38: {  	s10 =	sld [smem:$0x3FB4]  }
0x39: {  	_ = 	snop;
	(pc) =	sbr.ind lr, $3  }
0x3a: {  	_ = 	snop  }
0x3b: {  	_ = 	snop  }
0x3c: {  	p2 =	seq.s32 s10, $0x1;
	s10 =	sld [smem:$0x3FB3]  }
0x3d: {  	_ =	shalt  }
0x3e: {  	_ =	shalt  }
0x3f: {  	_ =	shalt  }
0x40: {  	_ =	shalt  }
0x41: {  	_ =	shalt  }
0x42: {  	_ =	shalt  }
0x43: {  	_ =	shalt  }
0x44: {  	_ =	shalt  }
0x45: {  	_ =	shalt  }
0x46: {  	_ =	shalt  }
0x47: {  	_ =	shalt  }
0x48: {  	_ =	shalt  }
0x49: {  	_ =	shalt  }
0x4a: {  	_ =	shalt  }
0x4b: {  	_ =	shalt  }
0x4c: {  	_ =	shalt  }
0x4d: {  	_ =	shalt  }
0x4e: {  	_ =	shalt  }
0x4f: {  	_ =	shalt  }
0x50: {  	_ =	shalt  }
0x51: {  	_ =	shalt  }
0x52: {  	_ =	shalt  }
0x53: {  	_ =	shalt  }
0x54: {  	_ =	shalt  }
0x55: {  	_ =	shalt  }
0x56: {  	_ =	shalt  }
0x57: {  	_ =	shalt  }
0x58: {  	_ =	shalt  }
0x59: {  	_ =	shalt  }
0x5a: {  	_ =	shalt  }
0x5b: {  	_ =	shalt  }
0x5c: {  	_ =	shalt  }
0x5d: {  	_ =	shalt  }
0x5e: {  	_ =	shalt  }
0x5f: {  	_ =	shalt  }
0x60: {  	_ =	shalt  }
0x61: {  	_ =	shalt  }
0x62: {  	_ =	shalt  }
0x63: {  	_ =	shalt  }
0x64: {  	_ =	shalt  }
0x65: {  	_ =	shalt  }
0x66: {  	_ =	shalt  }
0x67: {  	_ =	shalt  }
0x68: {  	_ =	shalt  }
0x69: {  	_ =	shalt  }
0x6a: {  	_ =	shalt  }
0x6b: {  	_ =	shalt  }
0x6c: {  	_ =	shalt  }
0x6d: {  	_ =	shalt  }
0x6e: {  	_ =	shalt  }
0x6f: {  	_ =	shalt  }
0x70: {  	_ =	shalt  }
0x71: {  	_ =	shalt  }
0x72: {  	_ =	shalt  }
0x73: {  	_ =	shalt  }
0x74: {  	_ =	shalt  }
0x75: {  	_ =	shalt  }
0x76: {  	_ =	shalt  }
0x77: {  	_ =	shalt  }
0x78: {  	_ =	shalt  }
0x79: {  	_ =	shalt  }
0x7a: {  	_ =	shalt  }
0x7b: {  	_ =	shalt  }
0x7c: {  	_ =	shalt  }
0x7d: {  	_ =	shalt  }
0x7e: {  	_ =	shalt  }
0x7f: {  	_ =	shalt  }
0x80: {  	_ =	shalt  }
0x81: {  	_ =	shalt  }
0x82: {  	_ =	shalt  }
0x83: {  	_ =	shalt  }
0x84: {  	_ =	shalt  }
0x85: {  	_ =	shalt  }
0x86: {  	_ =	shalt  }
0x87: {  	_ =	shalt  }
.Lfunc_end0:
.L_simem_size_0:
called_computation.1_lowered:
.L_overlay_start_0:
0x88: {  	s2 =	sld [smem:$0x3FD9]  }
0x89: {  	s3 =	sld [smem:$0x3FFE];
	_ =	sdelay $0x1  }
0x8a: {  	s1 =	srdreg.scid  }
0x8b: {  	s0 =	sand.u32 $0x1, s1  }
0x8c: {  	s14 =	sshll.u32 s0, $0xA;
	s2 =	sadd.s32 s3, s2  }
0x8d: {  	s2 =	sadd.s32 s2, s14  }
0x8e: {  	[smem:$0x3FBF] =	sst s2  }
0x8f: {  	_ = 	snop  }
0x90: {  	s2 =	sld [smem:$0x3FD0];
	_ =	sdelay $0x2  }
0x91: {  	s15 =	simm.s32 $0xA;
	s4 =	simm.s32 $0x10  }
0x92: {  	[smem:s4], [sflag:s15] =	dma.local [hbm:s2], $0x1  }
0x93: {  	_ =	swait.eq [sflag:s15], $0x1  }
0x94: {  	[sflag:s15] =	ssyncset.done $0x0  }
0x95: {  	s16 =	sld [smem:$0x10];
	[sflag:s15] =	ssyncadd.s32 $0xFFFFFFFF  }
0x96: {  	s17 =	sld [smem:$0x11];
	(tm) =	ssettm $0x1  }
0x97: {  	s18 =	sld [smem:$0x3FFB];
	_ =	sdelay $0x3  }
0x98: {  	_ =	strace s18  }
0x99: {  	s4 =	sld [smem:$0x3FFC];
	_ =	sdelay $0x3  }
0x9a: {  	_ =	strace s4  }
0x9b: {  	s4 =	sld [smem:$0x3FFD];
	_ =	sdelay $0x3  }
0x9c: {  	_ =	strace s4  }
0x9d: {  	_ =	strace $0x8FFFFFFF  }
0x9e: {  	s19 =	sld [smem:$0x3FDB];
	_ =	sdelay $0x1  }
0x9f: {  	s5 =	simm.s32 $_scs_section_size  }
0xa0: {  	s6 =	simm.s32 $_size__tile_overlayer_lowered;
	s7 =	simm.s32 $_tile_overlayer_lowered  }
0xa1: {  	s22 =	simm.s32 $0x1BFF;
	s21 =	sshll.u32 s7, $0x1;
	s4 =	sadd.s32 s5, s19  }
0xa2: {  	s8 =	simm.s32 $0x0;
	s20 =	sshll.u32 s6, $0x1;
	s6 =	sadd.s32 s21, s4  }
0xa3: {  	[timem:s8], [sflag:s22] =	dma.local [hbm:s6], s20  }
0xa4: {  	_ =	swait.ge [sflag:s22], s20  }
0xa5: {  	s5 =	ssub.s32 $0x0, s20;
	[sflag:s22] =	ssyncset.done $0x0  }
0xa6: {  	[sflag:s22] =	ssyncadd.s32 s5;
	_ =	sdelay $0x1  }
0xa7: {  	s23 =	simm.s32 $0x1B8B  }
0xa8: {  	_ =	swait.ge [sflag:s23], $0x1  }
0xa9: {  	[sflag:s23] =	ssyncset.done $0x0  }
0xaa: {  	s25 =	simm.s32 $0x1B8E;
	s24 =	sld [smem:$0x3FFE];
	[sflag:s23] =	ssyncadd.s32 $0xFFFFFFFF  }
0xab: {  	s26 =	simm.s32 $execute0_lowered;
	[smem:$0x3FD2] =	sst s25  }
0xac: {  	s6 =	sshll.u32 s26, $0x1;
	_ =	strace $0x80000049;
	[dreg:$0x1] =	wrdreg $0xFFFFFFFF  }
0xad: {  	s28 =	simm.s32 $_size_execute0_lowered;
	s4 =	sadd.s32 s4, s6;
	[dreg:$0x0] =	wrdreg $0x0  }
0xae: {  	s6 =	sshll.u32 s28, $0x1;
	[dreg:$0x2] =	wrdreg s4  }
0xaf: {  	[dreg:$0x3] =	wrdreg s6  }
0xb0: {  	[dreg:$0x4] =	wrdreg $0xC0  }
0xb1: {  	_ =	task [dreg:s8], $0x5FFFF  }
0xb2: {  	[dreg:$0x1] =	wrdreg $0xFFFFFFFF  }
0xb3: {  	[dreg:$0x0] =	wrdreg $0x60  }
0xb4: {  	[dreg:$0x2] =	wrdreg s24  }
0xb5: {  	[dreg:$0x3] =	wrdreg s17  }
0xb6: {  	[dreg:$0x4] =	wrdreg s16  }
0xb7: {  	[dreg:$0x5] =	wrdreg $0x150000  }
0xb8: {  	[dreg:$0x6] =	wrdreg $0x9  }
0xb9: {  	_ =	task.clear_ibuf [dreg:s8], $0x7FFFF;
	_ =	strace $0x90000049  }
0xba: {  	s29 =	simm.s32 $0x9;
	_ =	strace $0x8000004B  }
0xbb: {  	_ =	swait.ge [sflag:s29], $0x1  }
0xbc: {  	[sflag:s29] =	ssyncadd.s32 $0xFFFFFFFF  }
0xbd: {  	_ =	strace $0x9000004B  }
0xbe: {  	_ =	sfence  }
0xbf: {  	s30 =	sld [smem:$0x0];
	_ =	sdelay $0x2  }
0xc0: {  	s31 =	sshll.u32 s1, $0xD;
	s1 =	sshrl.u32 s1, $0x2  }
0xc1: {  	s3 =	sand.u32 $0x4000, s31;
	s1 =	sadd.s32 s1, s30  }
0xc2: {  	s0 =	sor.u32 s3, s0;
	s1 =	sshll.u32 s1, $0x11  }
0xc3: {  	s0 =	sor.u32 s1, s0  }
0xc4: {  	s0 =	sadd.s32 $0x8F2B, s0  }
0xc5: {  	[sflag:s0] =	ssyncadd.remote.s32 $0x1  }
0xc6: {  	_ =	sfence.sel $0xFFFF  }
0xc7: {  	[dreg:$0x0] =	wrdreg $0xFFFFFFFF;
	(pc) =	sbr.abs _section_cstart, $3  }
0xc8: {  	[dreg:$0x1] =	wrdreg $0xFFFFFFFF  }
0xc9: {  	_ =	task.clear_ibuf [dreg:s8], $0x2FFFF;
	_ =	strace $0x9FFFFFFF  }
0xca: {  	(tm) =	ssettm $0x7FFFFFFF  }
0xcb: {  	_ =	shalt  }
tec
execute0_lowered:
.L_overlay_start_1:
0x0: {  	(tag) =	ssettag $0x1  }
0x1: {  	s0 =	rddreg [dreg:$0x0]  }
0x2: {  	s1 =	rddreg [dreg:$0x1]  }
0x3: {  	s3 =	rddreg [dreg:$0x2]  }
0x4: {  	s2 =	rddreg [dreg:$0x3];
	s4 =	simm.s32 $0x0;
	s12 =	stileid.u32  }
0x5: {  	s16 =	srdreg.scid;
	s15 =	simm.s32 $0x40;
	s28 =	simm.s32 $0x5  }
0x6: {  	s29 =	simm.s32 $0xD;
	s30 =	simm.s32 $0x7;
	s5 =	smul.u32 $0x500, s12  }
0x7: {  	s31 =	simm.s32 $0xF;
	s13 =	simm.s32 $0x8;
	s7 =	smul.u32 $0x50, s12  }
0x8: {  	[smem:$0x7FF] =	sst s4;
	s6 =	sand.u32 $0x1, s16;
	s11 =	smul.u32 $0x272, s12  }
0x9: {  	s4 =	sadd.s32 $0xA3C00, s0;
	s17 =	smul.u32 $0x9C80, s12;
	s12 =	simm.s32 $0x2  }
0xa: {  	_ =	strace $0x8000004A;
	s8 =	ssub.s32 $0x2, s6;
	s9 =	smul.u32 $0x500, s6  }
0xb: {  	s18 =	smul.u32 $0x2720, s6;
	s6 =	sor.u32 $0x2, s6;
	s5 =	sadd.s32 s5, s0  }
0xc: {  	s10 =	sshrl.u32 s8, $0x1;
	s0 =	sadd.s32 $0xF1E00, s0;
	s20 =	smul.u32 $0x500, s6  }
0xd: {  	s21 =	sshrl.u32 s17, $0x3;
	s6 =	smul.u32 $0x2720, s6;
	s8 =	ssub.s32 s8, s10  }
0xe: {  	s9 =	sadd.s32 s7, s9;
	s5 =	sadd.s32 $0x2800, s5;
	s10 =	sadd.s32 s17, s2  }
0xf: {  	s3 =	sadd.s32 s3, s21;
	s22 =	sadd.s32 s11, s18;
	[dreg:$0x5] =	wrdreg s5  }
0x10: {  	s18 =	simm.s32 $0x80;
	s17 =	simm.s32 $0x1;
	[dreg:$0x7] =	wrdreg s10  }
0x11: {  	s21 =	simm.s32 $0xA;
	s19 =	sshll.u32 s9, $0x4;
	[dreg:$0x8] =	wrdreg s3  }
0x12: {  	s3 =	sshll.u32 s22, $0x3;
	s23 =	sadd.s32 s7, s20;
	s6 =	sadd.s32 s11, s6  }
0x13: {  	s26 =	smax.u32 s8, $0x1;
	s9 =	simm.s32 $0x19;
	s10 =	simm.s32 $0x9  }
0x14: {  	s11 =	simm.s32 $0x11000;
	s22 =	simm.s32 $0x13000;
	s8 =	simm.s32 $0x16  }
0x15: {  	s5 =	sadd.s32 s1, s19;
	s3 =	sadd.s32 s0, s3;
	s24 =	sshll.u32 s23, $0x4  }
.Ltmp0:
0x16: {  	s25 =	sshll.u32 s6, $0x3;
	[dreg:$0xc] =	wrdreg s26;
	(pc) =	sbr.rel .LBB2_1-.Ltmp0, $4  }
0x17: {  	s26 =	simm.s32 $0xB;
	s6 =	simm.s32 $0x0;
	[dreg:$0x6] =	wrdreg s5  }
0x18: {  	[dreg:$0x9] =	wrdreg s3;
	s1 =	sadd.s32 s1, s24;
	s0 =	sadd.s32 s0, s25  }
0x19: {  	s25 =	simm.s32 $0x3;
	s5 =	simm.s32 $0x10;
	[dreg:$0xa] =	wrdreg s1  }
0x1a: {  	s3 =	simm.s32 $0x15;
	[dreg:$0xb] =	wrdreg s0;
	s0 =	simm.s32 $0xD000  }
.LBB2_7:
0x1b: {  	_ =	swait.ge [sflag:s13], $0x1000  }
0x1c: {  	[sflag:s13] =	ssyncset.done $0x0  }
0x1d: {  	[sflag:s13] =	ssyncadd.s32 $0xFFFFF000  }
0x1e: {  	_ =	swait.ge [sflag:s5], $0x1000  }
0x1f: {  	[sflag:s5] =	ssyncset.done $0x0  }
0x20: {  	s1 =	simm.s32 $0x4F80;
	s6 =	simm.s32 $0x11;
	[sflag:s5] =	ssyncadd.s32 $0xFFFFF000  }
0x21: {  	[spmem:s2] =	stream.indirect.scatter.add.f32 [tilespmem:s22], [sflag:$0x18], $0x40, s1, s18, $0xb8;
	[tilespmem:$0x1EC80] =	vst v63  }
0x22: {  	_ =	swait.ge [sflag:s6], $0x2000  }
0x23: {  	[sflag:s6] =	ssyncset.done $0x0  }
0x24: {  	s7 =	simm.s32 $0x12;
	[sflag:s6] =	ssyncadd.s32 $0xFFFFE000  }
0x25: {  	_ =	swait.ge [sflag:s7], $0x2000  }
0x26: {  	[sflag:s7] =	ssyncset.done $0x0  }
0x27: {  	s9 =	simm.s32 $0x13;
	[sflag:s7] =	ssyncadd.s32 $0xFFFFE000  }
0x28: {  	_ =	swait.ge [sflag:s9], $0x2000  }
0x29: {  	[sflag:s9] =	ssyncset.done $0x0  }
0x2a: {  	s14 =	simm.s32 $0x14;
	[sflag:s9] =	ssyncadd.s32 $0xFFFFE000  }
0x2b: {  	_ =	swait.ge [sflag:s14], $0x2000  }
0x2c: {  	[sflag:s14] =	ssyncset.done $0x0  }
0x2d: {  	[sflag:s14] =	ssyncadd.s32 $0xFFFFE000  }
0x2e: {  	_ =	swait.ge [sflag:s3], $0x2000  }
0x2f: {  	[sflag:s3] =	ssyncset.done $0x0  }
0x30: {  	[sflag:s3] =	ssyncadd.s32 $0xFFFFE000  }
0x31: {  	_ =	swait.ge [sflag:s8], $0x2000  }
0x32: {  	[sflag:s8] =	ssyncset.done $0x0  }
0x33: {  	s16 =	simm.s32 $0x17;
	[sflag:s8] =	ssyncadd.s32 $0xFFFFE000  }
0x34: {  	_ =	swait.ge [sflag:s16], $0x2000  }
0x35: {  	[sflag:s16] =	ssyncset.done $0x0  }
0x36: {  	s19 =	simm.s32 $0x18;
	[sflag:s16] =	ssyncadd.s32 $0xFFFFE000  }
0x37: {  	_ =	swait.ge [sflag:s19], $0x2000  }
0x38: {  	[sflag:s19] =	ssyncset.done $0x0  }
0x39: {  	[sflag:s19] =	ssyncadd.s32 $0xFFFFE000  }
0x3a: {  	[bflag:$0x0] =	sbarrier.arrive $0xFFFF  }
0x3b: {  	s20 =	rddreg [dreg:$0xb]  }
0x3c: {  	s6 =	rddreg [dreg:$0xe]  }
0x3d: {  	s9 =	simm.s32 $0x19;
	s7 =	rddreg [dreg:$0xf]  }
0x3e: {  	[hbm:s20], [sflag:s6] =	dma.local [spmem:s7], $0x1390  }
0x3f: {  	_ =	swait.ge [sflag:s9], $0x1390  }
0x40: {  	s23 =	rddreg [dreg:$0xd]  }
0x41: {  	s24 =	rddreg [dreg:$0xc];
	s6 =	sadd.s32 $0x1, s23  }
0x42: {  	p0 =	sne.s32 s6, s24  }
.Ltmp1:
0x43: {  	_ = 	snop;
	(pc) =	sbr.rel @!p0 .LBB2_8-.Ltmp1, $3  }
0x44: {  	_ =	sdelay $0x1  }
0x45: {  	[sflag:s9] =	ssyncset.done $0x0  }
0x46: {  	[sflag:s9] =	ssyncadd.s32 $0xFFFFEC70  }
.LBB2_1:
0x47: {  	[dreg:$0xd] =	wrdreg s6  }
0x48: {  	s1 =	simm.s32 $0x0;
	s16 =	rddreg [dreg:$0x5];
	s7 =	simm.s32 $0x2800  }
0x49: {  	[tilespmem:s7], [sflag:$0x19] =	stream.linear.gather [hbm4b:s16+s1], $0x2800, $0x38;
	[tilespmem:$0x1EC80] =	vst v63  }
0x4a: {  	_ =	swait.ge [sflag:s9], $0x2800  }
0x4b: {  	[sflag:s9] =	ssyncset.done $0x0  }
0x4c: {  	s19 =	rddreg [dreg:$0x6];
	[sflag:s9] =	ssyncadd.s32 $0xFFFFD800  }
0x4d: {  	[tilespmem:s1], [sflag:$0x19] =	stream.linear.gather [hbm4b:s19+s1], $0x2800, $0x38;
	[tilespmem:$0x1EC80] =	vst v63  }
0x4e: {  	_ =	swait.ge [sflag:s9], $0x2800  }
0x4f: {  	[sflag:s9] =	ssyncset.done $0x0  }
0x50: {  	s20 =	simm.s32 $0x5000;
	[sflag:s9] =	ssyncadd.s32 $0xFFFFD800  }
0x51: {  	[tilespmem:s20], [sflag:$0x1] =	stream.indirect.gather [hbm4b:s4+s15], $0x40, s1, s15, $0xb8;
	[tilespmem:$0x1EC80] =	vst v63  }
0x52: {  	s23 =	simm.s32 $0x6000  }
0x53: {  	[tilespmem:s23], [sflag:$0x9] =	stream.indirect.gather [hbm4b:s4+s15], $0x40, s15, s15, $0xb8;
	[tilespmem:$0x1EC80] =	vst v63  }
0x54: {  	s24 =	simm.s32 $0x7000  }
0x55: {  	[tilespmem:s24], [sflag:$0x2] =	stream.indirect.gather [hbm4b:s4+s15], $0x40, s18, s15, $0xb8;
	[tilespmem:$0x1EC80] =	vst v63  }
0x56: {  	s6 =	simm.s32 $0xC0;
	s7 =	simm.s32 $0x8000  }
0x57: {  	[tilespmem:s7], [sflag:$0xA] =	stream.indirect.gather [hbm4b:s4+s15], $0x40, s6, s15, $0xb8;
	[tilespmem:$0x1EC80] =	vst v63  }
0x58: {  	s14 =	simm.s32 $0x100;
	s16 =	simm.s32 $0x9000  }
0x59: {  	[tilespmem:s16], [sflag:$0x3] =	stream.indirect.gather [hbm4b:s4+s15], $0x40, s14, s15, $0xb8;
	[tilespmem:$0x1EC80] =	vst v63  }
0x5a: {  	s19 =	simm.s32 $0x140;
	s20 =	simm.s32 $0xA000  }
0x5b: {  	[tilespmem:s20], [sflag:$0xB] =	stream.indirect.gather [hbm4b:s4+s15], $0x40, s19, s15, $0xb8;
	[tilespmem:$0x1EC80] =	vst v63  }
0x5c: {  	s23 =	simm.s32 $0x180;
	s24 =	simm.s32 $0xB000  }
0x5d: {  	[tilespmem:s24], [sflag:$0x4] =	stream.indirect.gather [hbm4b:s4+s15], $0x40, s23, s15, $0xb8;
	[tilespmem:$0x1EC80] =	vst v63  }
0x5e: {  	s7 =	simm.s32 $0x1C0;
	s14 =	simm.s32 $0xC000  }
0x5f: {  	[tilespmem:s14], [sflag:$0xC] =	stream.indirect.gather [hbm4b:s4+s15], $0x40, s7, s15, $0xb8;
	[tilespmem:$0x1EC80] =	vst v63  }
0x60: {  	s16 =	simm.s32 $0x200  }
0x61: {  	[tilespmem:s0], [sflag:$0x5] =	stream.indirect.gather [hbm4b:s4+s15], $0x40, s16, s15, $0xb8;
	[tilespmem:$0x1EC80] =	vst v63  }
0x62: {  	s16 =	stileid.u32  }
0x63: {  	s19 =	simm.s32 $0x240;
	s20 =	simm.s32 $0xE000;
	s1 =	sshll.u32 s16, $0x6  }
0x64: {  	[tilespmem:s20], [sflag:$0xD] =	stream.indirect.gather [hbm4b:s4+s15], $0x40, s19, s15, $0xb8;
	[tilespmem:$0x1EC80] =	vst v63  }
0x65: {  	s19 =	sor.u32 $0x1C19, s1;
	s20 =	rddreg [dreg:$0x7]  }
0x66: {  	s23 =	simm.s32 $0x280;
	s24 =	simm.s32 $0xF000;
	[dreg:$0xe] =	wrdreg s19  }
0x67: {  	[tilespmem:s24], [sflag:$0x6] =	stream.indirect.gather [hbm4b:s4+s15], $0x40, s23, s15, $0xb8;
	[tilespmem:$0x1EC80] =	vst v63  }
0x68: {  	s23 =	sshrl.u32 s20, $0x3;
	s24 =	rddreg [dreg:$0x8]  }
0x69: {  	s7 =	simm.s32 $0x2C0;
	s14 =	simm.s32 $0x10000;
	[dreg:$0xf] =	wrdreg s23  }
0x6a: {  	[tilespmem:s14], [sflag:$0xE] =	stream.indirect.gather [hbm4b:s4+s15], $0x40, s7, s15, $0xb8;
	[tilespmem:$0x1EC80] =	vst v63  }
0x6b: {  	[spmem:s23], [sflag:s19] =	dma.local [hbm:s24], $0x1390  }
0x6c: {  	_ =	swait.ge [sflag:s9], $0x1390  }
0x6d: {  	[sflag:s9] =	ssyncset.done $0x0  }
0x6e: {  	[sflag:s9] =	ssyncadd.s32 $0xFFFFEC70  }
0x6f: {  	s7 =	simm.s32 $0x0;
	[bflag:$0x0] =	sbarrier.arrive $0xFFFF  }
.LBB2_2:
0x70: {  	_ =	swait.ge [sflag:s17], $0x1000  }
0x71: {  	[sflag:s17] =	ssyncset.done $0x0  }
0x72: {  	[sflag:s17] =	ssyncadd.s32 $0xFFFFF000  }
0x73: {  	_ =	swait.ge [sflag:s10], $0x1000  }
0x74: {  	s14 =	sshra.s32 s7, $0x2;
	s6 =	simm.s32 $0x5000;
	[sflag:s10] =	ssyncset.done $0x0  }
0x75: {  	p0 =	seq.s32 s7, $0x0;
	s1 =	sadd.s32 $0x2800, s14;
	[sflag:s10] =	ssyncadd.s32 $0xFFFFF000  }
0x76: {  	[spmem:s2] =	stream.indirect.scatter.add.f32 [tilespmem:s6], [sflag:$0x11], $0x40, s1, s18, $0xb8;
	[tilespmem:$0x1EC80] =	vst v63  }
0x77: {  	s1 =	simm.s32 @!p0 $0x17  }
0x78: {  	_ =	swait.ge @!p0 [sflag:s1], $0x2000  }
0x79: {  	[sflag:s1] =	ssyncset.done @!p0 $0x0  }
0x7a: {  	s16 =	sadd.s32 $0x300, s14;
	[sflag:s1] =	ssyncadd.s32 @!p0 $0xFFFFE000  }
0x7b: {  	[tilespmem:s11], [sflag:$0x7] =	stream.indirect.gather [hbm4b:s4+s15], $0x40, s16, s15, $0xb8;
	[tilespmem:$0x1EC80] =	vst v63  }
0x7c: {  	s20 =	simm.s32 $0x12000;
	s19 =	sadd.s32 $0x340, s14  }
0x7d: {  	[tilespmem:s20], [sflag:$0xF] =	stream.indirect.gather [hbm4b:s4+s15], $0x40, s19, s15, $0xb8;
	[tilespmem:$0x1EC80] =	vst v63  }
0x7e: {  	_ =	swait.ge [sflag:s12], $0x1000  }
0x7f: {  	[sflag:s12] =	ssyncset.done $0x0  }
0x80: {  	[sflag:s12] =	ssyncadd.s32 $0xFFFFF000  }
0x81: {  	_ =	swait.ge [sflag:s21], $0x1000  }
0x82: {  	s24 =	simm.s32 $0x7000;
	[sflag:s21] =	ssyncset.done $0x0  }
0x83: {  	s23 =	sadd.s32 $0x2880, s14;
	s1 =	simm.s32 @!p0 $0x18;
	[sflag:s21] =	ssyncadd.s32 $0xFFFFF000  }
0x84: {  	[spmem:s2] =	stream.indirect.scatter.add.f32 [tilespmem:s24], [sflag:$0x12], $0x40, s23, s18, $0xb8;
	[tilespmem:$0x1EC80] =	vst v63  }
0x85: {  	_ =	swait.ge @!p0 [sflag:s1], $0x2000  }
0x86: {  	[sflag:s1] =	ssyncset.done @!p0 $0x0  }
0x87: {  	s9 =	sadd.s32 $0x380, s14;
	[sflag:s1] =	ssyncadd.s32 @!p0 $0xFFFFE000  }
0x88: {  	[tilespmem:s22], [sflag:$0x8] =	stream.indirect.gather [hbm4b:s4+s15], $0x40, s9, s15, $0xb8;
	[tilespmem:$0x1EC80] =	vst v63  }
0x89: {  	s16 =	sadd.s32 $0x3C0, s14;
	s19 =	simm.s32 $0x14000  }
0x8a: {  	[tilespmem:s19], [sflag:$0x10] =	stream.indirect.gather [hbm4b:s4+s15], $0x40, s16, s15, $0xb8;
	[tilespmem:$0x1EC80] =	vst v63  }
0x8b: {  	_ =	swait.ge [sflag:s25], $0x1000  }
0x8c: {  	[sflag:s25] =	ssyncset.done $0x0  }
0x8d: {  	[sflag:s25] =	ssyncadd.s32 $0xFFFFF000  }
0x8e: {  	_ =	swait.ge [sflag:s26], $0x1000  }
0x8f: {  	s20 =	sadd.s32 $0x2900, s14;
	p0 =	seq.s32 s7, $0x9000;
	[sflag:s26] =	ssyncset.done $0x0  }
0x90: {  	s23 =	simm.s32 $0x9000;
	s1 =	simm.s32 @p0 $0x4;
	[sflag:s26] =	ssyncadd.s32 $0xFFFFF000  }
0x91: {  	[spmem:s2] =	stream.indirect.scatter.add.f32 [tilespmem:s23], [sflag:$0x13], $0x40, s20, s18, $0xb8;
	[tilespmem:$0x1EC80] =	vst v63  }
0x92: {  	_ =	swait.ge @p0 [sflag:s1], $0x1000  }
0x93: {  	[sflag:s1] =	ssyncset.done @p0 $0x0  }
0x94: {  	[sflag:s1] =	ssyncadd.s32 @p0 $0xFFFFF000;
	s1 =	simm.s32 @p0 $0xC  }
0x95: {  	_ =	swait.ge @p0 [sflag:s1], $0x1000  }
0x96: {  	s6 =	sshra.s32 @p0 s7, $0x2;
	s19 =	simm.s32 @p0 $0x80;
	[sflag:s1] =	ssyncset.done @p0 $0x0  }
0x97: {  	s16 =	simm.s32 @p0 $0xB000;
	[sflag:s1] =	ssyncadd.s32 @p0 $0xFFFFF000;
	s1 =	sadd.s32 @p0 $0x2980, s6  }
0x98: {  	[spmem:s2] =	stream.indirect.scatter.add.f32 @p0 [tilespmem:s16], [sflag:$0x14], $0x40, s1, s19, $0xb8;
	[tilespmem:$0x1EC80] =	vst v63  }
0x99: {  	s1 =	simm.s32 @!p0 $0x11  }
0x9a: {  	_ =	swait.ge @!p0 [sflag:s1], $0x2000  }
0x9b: {  	s23 =	simm.s32 @!p0 $0x5000;
	s16 =	sshra.s32 @!p0 s7, $0x2;
	[sflag:s1] =	ssyncset.done @!p0 $0x0  }
0x9c: {  	s9 =	sadd.s32 @!p0 $0x400, s16;
	[sflag:s1] =	ssyncadd.s32 @!p0 $0xFFFFE000;
	s1 =	simm.s32 @!p0 $0x40  }
0x9d: {  	[tilespmem:s23], [sflag:$0x1] =	stream.indirect.gather @!p0 [hbm4b:s4+s1], $0x40, s9, s1, $0xb8;
	[tilespmem:$0x1EC80] =	vst v63  }
0x9e: {  	s9 =	sadd.s32 @!p0 $0x440, s16;
	s23 =	simm.s32 @!p0 $0x6000  }
0x9f: {  	[tilespmem:s23], [sflag:$0x9] =	stream.indirect.gather @!p0 [hbm4b:s4+s1], $0x40, s9, s1, $0xb8;
	[tilespmem:$0x1EC80] =	vst v63  }
0xa0: {  	s9 =	simm.s32 @!p0 $0x4  }
0xa1: {  	_ =	swait.ge @!p0 [sflag:s9], $0x1000  }
0xa2: {  	[sflag:s9] =	ssyncset.done @!p0 $0x0  }
0xa3: {  	[sflag:s9] =	ssyncadd.s32 @!p0 $0xFFFFF000;
	s9 =	simm.s32 @!p0 $0xC  }
0xa4: {  	_ =	swait.ge @!p0 [sflag:s9], $0x1000  }
0xa5: {  	s20 =	simm.s32 @!p0 $0xB000;
	[sflag:s9] =	ssyncset.done @!p0 $0x0  }
0xa6: {  	s23 =	simm.s32 @!p0 $0x80;
	[sflag:s9] =	ssyncadd.s32 @!p0 $0xFFFFF000;
	s9 =	sadd.s32 @!p0 $0x2980, s16  }
0xa7: {  	[spmem:s2] =	stream.indirect.scatter.add.f32 @!p0 [tilespmem:s20], [sflag:$0x14], $0x40, s9, s23, $0xb8;
	[tilespmem:$0x1EC80] =	vst v63  }
0xa8: {  	s9 =	simm.s32 @!p0 $0x12  }
0xa9: {  	_ =	swait.ge @!p0 [sflag:s9], $0x2000  }
0xaa: {  	[sflag:s9] =	ssyncset.done @!p0 $0x0  }
0xab: {  	s24 =	simm.s32 @!p0 $0x7000;
	[sflag:s9] =	ssyncadd.s32 @!p0 $0xFFFFE000;
	s9 =	sadd.s32 @!p0 $0x480, s16  }
0xac: {  	[tilespmem:s24], [sflag:$0x2] =	stream.indirect.gather @!p0 [hbm4b:s4+s1], $0x40, s9, s1, $0xb8;
	[tilespmem:$0x1EC80] =	vst v63  }
0xad: {  	s9 =	sadd.s32 @!p0 $0x4C0, s16;
	s24 =	simm.s32 @!p0 $0x8000  }
0xae: {  	[tilespmem:s24], [sflag:$0xA] =	stream.indirect.gather @!p0 [hbm4b:s4+s1], $0x40, s9, s1, $0xb8;
	[tilespmem:$0x1EC80] =	vst v63  }
0xaf: {  	_ =	swait.ge [sflag:s28], $0x1000  }
0xb0: {  	[sflag:s28] =	ssyncset.done $0x0  }
0xb1: {  	[sflag:s28] =	ssyncadd.s32 $0xFFFFF000  }
0xb2: {  	_ =	swait.ge [sflag:s29], $0x1000  }
0xb3: {  	[sflag:s29] =	ssyncset.done $0x0  }
0xb4: {  	s24 =	sadd.s32 $0x2A00, s14;
	s9 =	simm.s32 @p0 $0x6;
	[sflag:s29] =	ssyncadd.s32 $0xFFFFF000  }
0xb5: {  	[spmem:s2] =	stream.indirect.scatter.add.f32 [tilespmem:s0], [sflag:$0x15], $0x40, s24, s18, $0xb8;
	[tilespmem:$0x1EC80] =	vst v63  }
0xb6: {  	_ =	swait.ge @p0 [sflag:s9], $0x1000  }
0xb7: {  	[sflag:s9] =	ssyncset.done @p0 $0x0  }
0xb8: {  	[sflag:s9] =	ssyncadd.s32 @p0 $0xFFFFF000;
	s9 =	simm.s32 @p0 $0xE  }
0xb9: {  	_ =	swait.ge @p0 [sflag:s9], $0x1000  }
0xba: {  	[sflag:s9] =	ssyncset.done @p0 $0x0  }
0xbb: {  	s6 =	sadd.s32 @p0 $0x2A80, s6;
	[sflag:s9] =	ssyncadd.s32 @p0 $0xFFFFF000;
	s9 =	simm.s32 @p0 $0xF000  }
0xbc: {  	[spmem:s2] =	stream.indirect.scatter.add.f32 @p0 [tilespmem:s9], [sflag:$0x16], $0x40, s6, s19, $0xb8;
	[tilespmem:$0x1EC80] =	vst v63  }
0xbd: {  	s6 =	simm.s32 @!p0 $0x13  }
0xbe: {  	_ =	swait.ge @!p0 [sflag:s6], $0x2000  }
0xbf: {  	[sflag:s6] =	ssyncset.done @!p0 $0x0  }
0xc0: {  	s9 =	simm.s32 @!p0 $0x9000;
	[sflag:s6] =	ssyncadd.s32 @!p0 $0xFFFFE000;
	s6 =	sadd.s32 @!p0 $0x500, s16  }
0xc1: {  	[tilespmem:s9], [sflag:$0x3] =	stream.indirect.gather @!p0 [hbm4b:s4+s1], $0x40, s6, s1, $0xb8;
	[tilespmem:$0x1EC80] =	vst v63  }
0xc2: {  	s6 =	sadd.s32 @!p0 $0x540, s16;
	s9 =	simm.s32 @!p0 $0xA000  }
0xc3: {  	[tilespmem:s9], [sflag:$0xB] =	stream.indirect.gather @!p0 [hbm4b:s4+s1], $0x40, s6, s1, $0xb8;
	[tilespmem:$0x1EC80] =	vst v63  }
0xc4: {  	s6 =	simm.s32 @!p0 $0x6  }
0xc5: {  	_ =	swait.ge @!p0 [sflag:s6], $0x1000  }
0xc6: {  	[sflag:s6] =	ssyncset.done @!p0 $0x0  }
0xc7: {  	[sflag:s6] =	ssyncadd.s32 @!p0 $0xFFFFF000;
	s6 =	simm.s32 @!p0 $0xE  }
0xc8: {  	_ =	swait.ge @!p0 [sflag:s6], $0x1000  }
0xc9: {  	[sflag:s6] =	ssyncset.done @!p0 $0x0  }
0xca: {  	s9 =	simm.s32 @!p0 $0xF000;
	[sflag:s6] =	ssyncadd.s32 @!p0 $0xFFFFF000;
	s6 =	sadd.s32 @!p0 $0x2A80, s16  }
0xcb: {  	[spmem:s2] =	stream.indirect.scatter.add.f32 @!p0 [tilespmem:s9], [sflag:$0x16], $0x40, s6, s23, $0xb8;
	[tilespmem:$0x1EC80] =	vst v63  }
0xcc: {  	s6 =	simm.s32 @!p0 $0x14  }
0xcd: {  	_ =	swait.ge @!p0 [sflag:s6], $0x2000  }
0xce: {  	[sflag:s6] =	ssyncset.done @!p0 $0x0  }
0xcf: {  	[sflag:s6] =	ssyncadd.s32 @!p0 $0xFFFFE000;
	s6 =	sadd.s32 @!p0 $0x580, s16  }
0xd0: {  	[tilespmem:s20], [sflag:$0x4] =	stream.indirect.gather @!p0 [hbm4b:s4+s1], $0x40, s6, s1, $0xb8;
	[tilespmem:$0x1EC80] =	vst v63  }
0xd1: {  	s9 =	simm.s32 @!p0 $0xC000;
	s6 =	sadd.s32 @!p0 $0x5C0, s16  }
0xd2: {  	[tilespmem:s9], [sflag:$0xC] =	stream.indirect.gather @!p0 [hbm4b:s4+s1], $0x40, s6, s1, $0xb8;
	[tilespmem:$0x1EC80] =	vst v63  }
0xd3: {  	_ =	swait.ge [sflag:s30], $0x1000  }
0xd4: {  	[sflag:s30] =	ssyncset.done $0x0  }
.Ltmp2:
0xd5: {  	[sflag:s30] =	ssyncadd.s32 $0xFFFFF000;
	(pc) =	sbr.rel @p0 .LBB2_4-.Ltmp2, $4  }
0xd6: {  	_ =	swait.ge [sflag:s31], $0x1000  }
0xd7: {  	[sflag:s31] =	ssyncset.done $0x0  }
0xd8: {  	s24 =	sadd.s32 $0x2B00, s14;
	[sflag:s31] =	ssyncadd.s32 $0xFFFFF000  }
0xd9: {  	[spmem:s2] =	stream.indirect.scatter.add.f32 [tilespmem:s11], [sflag:$0x17], $0x40, s24, s18, $0xb8;
	[tilespmem:$0x1EC80] =	vst v63  }
0xda: {  	_ =	swait.ge [sflag:s3], $0x2000  }
0xdb: {  	[sflag:s3] =	ssyncset.done $0x0  }
0xdc: {  	s1 =	sadd.s32 $0x600, s14;
	[sflag:s3] =	ssyncadd.s32 $0xFFFFE000  }
0xdd: {  	[tilespmem:s0], [sflag:$0x5] =	stream.indirect.gather [hbm4b:s4+s15], $0x40, s1, s15, $0xb8;
	[tilespmem:$0x1EC80] =	vst v63  }
0xde: {  	s9 =	sadd.s32 $0x640, s14;
	s6 =	simm.s32 $0xE000  }
0xdf: {  	[tilespmem:s6], [sflag:$0xD] =	stream.indirect.gather [hbm4b:s4+s15], $0x40, s9, s15, $0xb8;
	[tilespmem:$0x1EC80] =	vst v63  }
0xe0: {  	_ =	swait.ge [sflag:s13], $0x1000  }
0xe1: {  	[sflag:s13] =	ssyncset.done $0x0  }
0xe2: {  	[sflag:s13] =	ssyncadd.s32 $0xFFFFF000  }
0xe3: {  	_ =	swait.ge [sflag:s5], $0x1000  }
0xe4: {  	[sflag:s5] =	ssyncset.done $0x0  }
0xe5: {  	s16 =	sadd.s32 $0x2B80, s14;
	[sflag:s5] =	ssyncadd.s32 $0xFFFFF000  }
0xe6: {  	[spmem:s2] =	stream.indirect.scatter.add.f32 [tilespmem:s22], [sflag:$0x18], $0x40, s16, s18, $0xb8;
	[tilespmem:$0x1EC80] =	vst v63  }
0xe7: {  	_ =	swait.ge [sflag:s8], $0x2000  }
.Ltmp3:
0xe8: {  	[sflag:s8] =	ssyncset.done $0x0;
	(pc) =	sbr.rel .LBB2_2-.Ltmp3, $4  }
0xe9: {  	s19 =	sadd.s32 $0x680, s14;
	s20 =	simm.s32 $0xF000;
	[sflag:s8] =	ssyncadd.s32 $0xFFFFE000  }
0xea: {  	[tilespmem:s20], [sflag:$0x6] =	stream.indirect.gather [hbm4b:s4+s15], $0x40, s19, s15, $0xb8;
	[tilespmem:$0x1EC80] =	vst v63  }
0xeb: {  	s23 =	sadd.s32 $0x6C0, s14;
	s24 =	simm.s32 $0x10000;
	s7 =	sadd.s32 $0x1000, s7  }
0xec: {  	[tilespmem:s24], [sflag:$0xE] =	stream.indirect.gather [hbm4b:s4+s15], $0x40, s23, s15, $0xb8;
	[tilespmem:$0x1EC80] =	vst v63  }
.LBB2_4:
0xed: {  	_ =	swait.ge [sflag:s13], $0x1000  }
0xee: {  	[sflag:s13] =	ssyncset.done $0x0  }
0xef: {  	[sflag:s13] =	ssyncadd.s32 $0xFFFFF000  }
0xf0: {  	_ =	swait.ge [sflag:s5], $0x1000  }
0xf1: {  	[sflag:s5] =	ssyncset.done $0x0  }
0xf2: {  	s1 =	simm.s32 $0x4F80;
	s6 =	simm.s32 $0x11;
	[sflag:s5] =	ssyncadd.s32 $0xFFFFF000  }
0xf3: {  	[spmem:s2] =	stream.indirect.scatter.add.f32 [tilespmem:s22], [sflag:$0x18], $0x40, s1, s18, $0xb8;
	[tilespmem:$0x1EC80] =	vst v63  }
0xf4: {  	_ =	swait.ge [sflag:s6], $0x2000  }
0xf5: {  	[sflag:s6] =	ssyncset.done $0x0  }
0xf6: {  	s7 =	simm.s32 $0x12;
	[sflag:s6] =	ssyncadd.s32 $0xFFFFE000  }
0xf7: {  	_ =	swait.ge [sflag:s7], $0x2000  }
0xf8: {  	[sflag:s7] =	ssyncset.done $0x0  }
0xf9: {  	s9 =	simm.s32 $0x13;
	[sflag:s7] =	ssyncadd.s32 $0xFFFFE000  }
0xfa: {  	_ =	swait.ge [sflag:s9], $0x2000  }
0xfb: {  	[sflag:s9] =	ssyncset.done $0x0  }
0xfc: {  	s14 =	simm.s32 $0x14;
	[sflag:s9] =	ssyncadd.s32 $0xFFFFE000  }
0xfd: {  	_ =	swait.ge [sflag:s14], $0x2000  }
0xfe: {  	[sflag:s14] =	ssyncset.done $0x0  }
0xff: {  	[sflag:s14] =	ssyncadd.s32 $0xFFFFE000  }
0x100: {  	_ =	swait.ge [sflag:s3], $0x2000  }
0x101: {  	[sflag:s3] =	ssyncset.done $0x0  }
0x102: {  	[sflag:s3] =	ssyncadd.s32 $0xFFFFE000  }
0x103: {  	_ =	swait.ge [sflag:s8], $0x2000  }
0x104: {  	[sflag:s8] =	ssyncset.done $0x0  }
0x105: {  	s16 =	simm.s32 $0x17;
	[sflag:s8] =	ssyncadd.s32 $0xFFFFE000  }
0x106: {  	_ =	swait.ge [sflag:s16], $0x2000  }
0x107: {  	[sflag:s16] =	ssyncset.done $0x0  }
0x108: {  	s19 =	simm.s32 $0x18;
	[sflag:s16] =	ssyncadd.s32 $0xFFFFE000  }
0x109: {  	_ =	swait.ge [sflag:s19], $0x2000  }
0x10a: {  	[sflag:s19] =	ssyncset.done $0x0  }
0x10b: {  	[sflag:s19] =	ssyncadd.s32 $0xFFFFE000  }
0x10c: {  	[bflag:$0x0] =	sbarrier.arrive $0xFFFF  }
0x10d: {  	s20 =	rddreg [dreg:$0x9]  }
0x10e: {  	s14 =	rddreg [dreg:$0xe]  }
0x10f: {  	s6 =	simm.s32 $0x19;
	s16 =	rddreg [dreg:$0xf]  }
0x110: {  	[hbm:s20], [sflag:s14] =	dma.local [spmem:s16], $0x1390  }
0x111: {  	_ =	swait.ge [sflag:s6], $0x1390  }
0x112: {  	[sflag:s6] =	ssyncset.done $0x0  }
0x113: {  	[sflag:s6] =	ssyncadd.s32 $0xFFFFEC70  }
0x114: {  	[bflag:$0x0] =	sbarrier.arrive $0xFFFF  }
0x115: {  	s7 =	simm.s32 $0x0;
	s23 =	rddreg [dreg:$0xa]  }
0x116: {  	[tilespmem:s7], [sflag:$0x19] =	stream.linear.gather [hbm4b:s23+s7], $0x2800, $0x38;
	[tilespmem:$0x1EC80] =	vst v63  }
0x117: {  	_ =	swait.ge [sflag:s6], $0x2800  }
0x118: {  	[sflag:s6] =	ssyncset.done $0x0  }
0x119: {  	s24 =	simm.s32 $0x5000;
	[sflag:s6] =	ssyncadd.s32 $0xFFFFD800  }
0x11a: {  	[tilespmem:s24], [sflag:$0x1] =	stream.indirect.gather [hbm4b:s4+s15], $0x40, s7, s15, $0xb8;
	[tilespmem:$0x1EC80] =	vst v63  }
0x11b: {  	s9 =	simm.s32 $0x6000  }
0x11c: {  	[tilespmem:s9], [sflag:$0x9] =	stream.indirect.gather [hbm4b:s4+s15], $0x40, s15, s15, $0xb8;
	[tilespmem:$0x1EC80] =	vst v63  }
0x11d: {  	s19 =	simm.s32 $0x7000  }
0x11e: {  	[tilespmem:s19], [sflag:$0x2] =	stream.indirect.gather [hbm4b:s4+s15], $0x40, s18, s15, $0xb8;
	[tilespmem:$0x1EC80] =	vst v63  }
0x11f: {  	s20 =	simm.s32 $0xC0;
	s9 =	simm.s32 $0x8000  }
0x120: {  	[tilespmem:s9], [sflag:$0xA] =	stream.indirect.gather [hbm4b:s4+s15], $0x40, s20, s15, $0xb8;
	[tilespmem:$0x1EC80] =	vst v63  }
0x121: {  	s23 =	simm.s32 $0x100;
	s24 =	simm.s32 $0x9000  }
0x122: {  	[tilespmem:s24], [sflag:$0x3] =	stream.indirect.gather [hbm4b:s4+s15], $0x40, s23, s15, $0xb8;
	[tilespmem:$0x1EC80] =	vst v63  }
0x123: {  	s19 =	simm.s32 $0x140;
	s20 =	simm.s32 $0xA000  }
0x124: {  	[tilespmem:s20], [sflag:$0xB] =	stream.indirect.gather [hbm4b:s4+s15], $0x40, s19, s15, $0xb8;
	[tilespmem:$0x1EC80] =	vst v63  }
0x125: {  	s23 =	simm.s32 $0x180;
	s24 =	simm.s32 $0xB000  }
0x126: {  	[tilespmem:s24], [sflag:$0x4] =	stream.indirect.gather [hbm4b:s4+s15], $0x40, s23, s15, $0xb8;
	[tilespmem:$0x1EC80] =	vst v63  }
0x127: {  	s9 =	simm.s32 $0x1C0;
	s19 =	simm.s32 $0xC000  }
0x128: {  	[tilespmem:s19], [sflag:$0xC] =	stream.indirect.gather [hbm4b:s4+s15], $0x40, s9, s15, $0xb8;
	[tilespmem:$0x1EC80] =	vst v63  }
0x129: {  	s20 =	simm.s32 $0x200  }
0x12a: {  	[tilespmem:s0], [sflag:$0x5] =	stream.indirect.gather [hbm4b:s4+s15], $0x40, s20, s15, $0xb8;
	[tilespmem:$0x1EC80] =	vst v63  }
0x12b: {  	s23 =	simm.s32 $0x240;
	s24 =	simm.s32 $0xE000  }
0x12c: {  	[tilespmem:s24], [sflag:$0xD] =	stream.indirect.gather [hbm4b:s4+s15], $0x40, s23, s15, $0xb8;
	[tilespmem:$0x1EC80] =	vst v63  }
0x12d: {  	s9 =	simm.s32 $0x280;
	s19 =	simm.s32 $0xF000  }
0x12e: {  	[tilespmem:s19], [sflag:$0x6] =	stream.indirect.gather [hbm4b:s4+s15], $0x40, s9, s15, $0xb8;
	[tilespmem:$0x1EC80] =	vst v63  }
0x12f: {  	s20 =	simm.s32 $0x2C0;
	s23 =	simm.s32 $0x10000;
	s24 =	rddreg [dreg:$0x8]  }
0x130: {  	[tilespmem:s23], [sflag:$0xE] =	stream.indirect.gather [hbm4b:s4+s15], $0x40, s20, s15, $0xb8;
	[tilespmem:$0x1EC80] =	vst v63  }
0x131: {  	[spmem:s16], [sflag:s14] =	dma.local [hbm:s24], $0x1390  }
0x132: {  	_ =	swait.ge [sflag:s6], $0x1390  }
0x133: {  	[sflag:s6] =	ssyncset.done $0x0  }
0x134: {  	[sflag:s6] =	ssyncadd.s32 $0xFFFFEC70  }
0x135: {  	[bflag:$0x0] =	sbarrier.arrive $0xFFFF  }
.LBB2_5:
0x136: {  	_ =	swait.ge [sflag:s17], $0x1000  }
0x137: {  	[sflag:s17] =	ssyncset.done $0x0  }
0x138: {  	[sflag:s17] =	ssyncadd.s32 $0xFFFFF000  }
0x139: {  	_ =	swait.ge [sflag:s10], $0x1000  }
0x13a: {  	s14 =	sshra.s32 s7, $0x2;
	s6 =	simm.s32 $0x5000;
	[sflag:s10] =	ssyncset.done $0x0  }
0x13b: {  	p0 =	seq.s32 s7, $0x0;
	s1 =	sadd.s32 $0x2800, s14;
	[sflag:s10] =	ssyncadd.s32 $0xFFFFF000  }
0x13c: {  	[spmem:s2] =	stream.indirect.scatter.add.f32 [tilespmem:s6], [sflag:$0x11], $0x40, s1, s18, $0xb8;
	[tilespmem:$0x1EC80] =	vst v63  }
0x13d: {  	s1 =	simm.s32 @!p0 $0x17  }
0x13e: {  	_ =	swait.ge @!p0 [sflag:s1], $0x2000  }
0x13f: {  	[sflag:s1] =	ssyncset.done @!p0 $0x0  }
0x140: {  	s16 =	sadd.s32 $0x300, s14;
	[sflag:s1] =	ssyncadd.s32 @!p0 $0xFFFFE000  }
0x141: {  	[tilespmem:s11], [sflag:$0x7] =	stream.indirect.gather [hbm4b:s4+s15], $0x40, s16, s15, $0xb8;
	[tilespmem:$0x1EC80] =	vst v63  }
0x142: {  	s20 =	simm.s32 $0x12000;
	s19 =	sadd.s32 $0x340, s14  }
0x143: {  	[tilespmem:s20], [sflag:$0xF] =	stream.indirect.gather [hbm4b:s4+s15], $0x40, s19, s15, $0xb8;
	[tilespmem:$0x1EC80] =	vst v63  }
0x144: {  	_ =	swait.ge [sflag:s12], $0x1000  }
0x145: {  	[sflag:s12] =	ssyncset.done $0x0  }
0x146: {  	[sflag:s12] =	ssyncadd.s32 $0xFFFFF000  }
0x147: {  	_ =	swait.ge [sflag:s21], $0x1000  }
0x148: {  	s24 =	simm.s32 $0x7000;
	[sflag:s21] =	ssyncset.done $0x0  }
0x149: {  	s23 =	sadd.s32 $0x2880, s14;
	s1 =	simm.s32 @!p0 $0x18;
	[sflag:s21] =	ssyncadd.s32 $0xFFFFF000  }
0x14a: {  	[spmem:s2] =	stream.indirect.scatter.add.f32 [tilespmem:s24], [sflag:$0x12], $0x40, s23, s18, $0xb8;
	[tilespmem:$0x1EC80] =	vst v63  }
0x14b: {  	_ =	swait.ge @!p0 [sflag:s1], $0x2000  }
0x14c: {  	[sflag:s1] =	ssyncset.done @!p0 $0x0  }
0x14d: {  	s9 =	sadd.s32 $0x380, s14;
	[sflag:s1] =	ssyncadd.s32 @!p0 $0xFFFFE000  }
0x14e: {  	[tilespmem:s22], [sflag:$0x8] =	stream.indirect.gather [hbm4b:s4+s15], $0x40, s9, s15, $0xb8;
	[tilespmem:$0x1EC80] =	vst v63  }
0x14f: {  	s16 =	sadd.s32 $0x3C0, s14;
	s19 =	simm.s32 $0x14000  }
0x150: {  	[tilespmem:s19], [sflag:$0x10] =	stream.indirect.gather [hbm4b:s4+s15], $0x40, s16, s15, $0xb8;
	[tilespmem:$0x1EC80] =	vst v63  }
0x151: {  	_ =	swait.ge [sflag:s25], $0x1000  }
0x152: {  	[sflag:s25] =	ssyncset.done $0x0  }
0x153: {  	[sflag:s25] =	ssyncadd.s32 $0xFFFFF000  }
0x154: {  	_ =	swait.ge [sflag:s26], $0x1000  }
0x155: {  	s20 =	sadd.s32 $0x2900, s14;
	p0 =	seq.s32 s7, $0x9000;
	[sflag:s26] =	ssyncset.done $0x0  }
0x156: {  	s23 =	simm.s32 $0x9000;
	s1 =	simm.s32 @p0 $0x4;
	[sflag:s26] =	ssyncadd.s32 $0xFFFFF000  }
0x157: {  	[spmem:s2] =	stream.indirect.scatter.add.f32 [tilespmem:s23], [sflag:$0x13], $0x40, s20, s18, $0xb8;
	[tilespmem:$0x1EC80] =	vst v63  }
0x158: {  	_ =	swait.ge @p0 [sflag:s1], $0x1000  }
0x159: {  	[sflag:s1] =	ssyncset.done @p0 $0x0  }
0x15a: {  	[sflag:s1] =	ssyncadd.s32 @p0 $0xFFFFF000;
	s1 =	simm.s32 @p0 $0xC  }
0x15b: {  	_ =	swait.ge @p0 [sflag:s1], $0x1000  }
0x15c: {  	s6 =	sshra.s32 @p0 s7, $0x2;
	s9 =	simm.s32 @p0 $0x80;
	[sflag:s1] =	ssyncset.done @p0 $0x0  }
0x15d: {  	s16 =	simm.s32 @p0 $0xB000;
	[sflag:s1] =	ssyncadd.s32 @p0 $0xFFFFF000;
	s1 =	sadd.s32 @p0 $0x2980, s6  }
0x15e: {  	[spmem:s2] =	stream.indirect.scatter.add.f32 @p0 [tilespmem:s16], [sflag:$0x14], $0x40, s1, s9, $0xb8;
	[tilespmem:$0x1EC80] =	vst v63  }
0x15f: {  	s1 =	simm.s32 @!p0 $0x11  }
0x160: {  	_ =	swait.ge @!p0 [sflag:s1], $0x2000  }
0x161: {  	[sflag:s1] =	ssyncset.done @!p0 $0x0  }
0x162: {  	[sflag:s1] =	ssyncadd.s32 @!p0 $0xFFFFE000;
	s1 =	sshra.s32 @!p0 s7, $0x2  }
0x163: {  	s20 =	simm.s32 @!p0 $0x5000;
	s16 =	simm.s32 @!p0 $0x40;
	s19 =	sadd.s32 @!p0 $0x400, s1  }
0x164: {  	[tilespmem:s20], [sflag:$0x1] =	stream.indirect.gather @!p0 [hbm4b:s4+s16], $0x40, s19, s16, $0xb8;
	[tilespmem:$0x1EC80] =	vst v63  }
0x165: {  	s19 =	sadd.s32 @!p0 $0x440, s1;
	s20 =	simm.s32 @!p0 $0x6000  }
0x166: {  	[tilespmem:s20], [sflag:$0x9] =	stream.indirect.gather @!p0 [hbm4b:s4+s16], $0x40, s19, s16, $0xb8;
	[tilespmem:$0x1EC80] =	vst v63  }
0x167: {  	s19 =	simm.s32 @!p0 $0x4  }
0x168: {  	_ =	swait.ge @!p0 [sflag:s19], $0x1000  }
0x169: {  	[sflag:s19] =	ssyncset.done @!p0 $0x0  }
0x16a: {  	[sflag:s19] =	ssyncadd.s32 @!p0 $0xFFFFF000;
	s19 =	simm.s32 @!p0 $0xC  }
0x16b: {  	_ =	swait.ge @!p0 [sflag:s19], $0x1000  }
0x16c: {  	s23 =	simm.s32 @!p0 $0xB000;
	[sflag:s19] =	ssyncset.done @!p0 $0x0  }
0x16d: {  	s20 =	simm.s32 @!p0 $0x80;
	[sflag:s19] =	ssyncadd.s32 @!p0 $0xFFFFF000;
	s19 =	sadd.s32 @!p0 $0x2980, s1  }
0x16e: {  	[spmem:s2] =	stream.indirect.scatter.add.f32 @!p0 [tilespmem:s23], [sflag:$0x14], $0x40, s19, s20, $0xb8;
	[tilespmem:$0x1EC80] =	vst v63  }
0x16f: {  	s19 =	simm.s32 @!p0 $0x12  }
0x170: {  	_ =	swait.ge @!p0 [sflag:s19], $0x2000  }
0x171: {  	[sflag:s19] =	ssyncset.done @!p0 $0x0  }
0x172: {  	s24 =	simm.s32 @!p0 $0x7000;
	[sflag:s19] =	ssyncadd.s32 @!p0 $0xFFFFE000;
	s19 =	sadd.s32 @!p0 $0x480, s1  }
0x173: {  	[tilespmem:s24], [sflag:$0x2] =	stream.indirect.gather @!p0 [hbm4b:s4+s16], $0x40, s19, s16, $0xb8;
	[tilespmem:$0x1EC80] =	vst v63  }
0x174: {  	s19 =	sadd.s32 @!p0 $0x4C0, s1;
	s24 =	simm.s32 @!p0 $0x8000  }
0x175: {  	[tilespmem:s24], [sflag:$0xA] =	stream.indirect.gather @!p0 [hbm4b:s4+s16], $0x40, s19, s16, $0xb8;
	[tilespmem:$0x1EC80] =	vst v63  }
0x176: {  	_ =	swait.ge [sflag:s28], $0x1000  }
0x177: {  	[sflag:s28] =	ssyncset.done $0x0  }
0x178: {  	[sflag:s28] =	ssyncadd.s32 $0xFFFFF000  }
0x179: {  	_ =	swait.ge [sflag:s29], $0x1000  }
0x17a: {  	[sflag:s29] =	ssyncset.done $0x0  }
0x17b: {  	s24 =	sadd.s32 $0x2A00, s14;
	s19 =	simm.s32 @p0 $0x6;
	[sflag:s29] =	ssyncadd.s32 $0xFFFFF000  }
0x17c: {  	[spmem:s2] =	stream.indirect.scatter.add.f32 [tilespmem:s0], [sflag:$0x15], $0x40, s24, s18, $0xb8;
	[tilespmem:$0x1EC80] =	vst v63  }
0x17d: {  	_ =	swait.ge @p0 [sflag:s19], $0x1000  }
0x17e: {  	[sflag:s19] =	ssyncset.done @p0 $0x0  }
0x17f: {  	[sflag:s19] =	ssyncadd.s32 @p0 $0xFFFFF000;
	s19 =	simm.s32 @p0 $0xE  }
0x180: {  	_ =	swait.ge @p0 [sflag:s19], $0x1000  }
0x181: {  	[sflag:s19] =	ssyncset.done @p0 $0x0  }
0x182: {  	s6 =	sadd.s32 @p0 $0x2A80, s6;
	[sflag:s19] =	ssyncadd.s32 @p0 $0xFFFFF000;
	s19 =	simm.s32 @p0 $0xF000  }
0x183: {  	[spmem:s2] =	stream.indirect.scatter.add.f32 @p0 [tilespmem:s19], [sflag:$0x16], $0x40, s6, s9, $0xb8;
	[tilespmem:$0x1EC80] =	vst v63  }
0x184: {  	s6 =	simm.s32 @!p0 $0x13  }
0x185: {  	_ =	swait.ge @!p0 [sflag:s6], $0x2000  }
0x186: {  	[sflag:s6] =	ssyncset.done @!p0 $0x0  }
0x187: {  	s9 =	simm.s32 @!p0 $0x9000;
	[sflag:s6] =	ssyncadd.s32 @!p0 $0xFFFFE000;
	s6 =	sadd.s32 @!p0 $0x500, s1  }
0x188: {  	[tilespmem:s9], [sflag:$0x3] =	stream.indirect.gather @!p0 [hbm4b:s4+s16], $0x40, s6, s16, $0xb8;
	[tilespmem:$0x1EC80] =	vst v63  }
0x189: {  	s6 =	sadd.s32 @!p0 $0x540, s1;
	s9 =	simm.s32 @!p0 $0xA000  }
0x18a: {  	[tilespmem:s9], [sflag:$0xB] =	stream.indirect.gather @!p0 [hbm4b:s4+s16], $0x40, s6, s16, $0xb8;
	[tilespmem:$0x1EC80] =	vst v63  }
0x18b: {  	s6 =	simm.s32 @!p0 $0x6  }
0x18c: {  	_ =	swait.ge @!p0 [sflag:s6], $0x1000  }
0x18d: {  	[sflag:s6] =	ssyncset.done @!p0 $0x0  }
0x18e: {  	[sflag:s6] =	ssyncadd.s32 @!p0 $0xFFFFF000;
	s6 =	simm.s32 @!p0 $0xE  }
0x18f: {  	_ =	swait.ge @!p0 [sflag:s6], $0x1000  }
0x190: {  	[sflag:s6] =	ssyncset.done @!p0 $0x0  }
0x191: {  	s9 =	simm.s32 @!p0 $0xF000;
	[sflag:s6] =	ssyncadd.s32 @!p0 $0xFFFFF000;
	s6 =	sadd.s32 @!p0 $0x2A80, s1  }
0x192: {  	[spmem:s2] =	stream.indirect.scatter.add.f32 @!p0 [tilespmem:s9], [sflag:$0x16], $0x40, s6, s20, $0xb8;
	[tilespmem:$0x1EC80] =	vst v63  }
0x193: {  	s6 =	simm.s32 @!p0 $0x14  }
0x194: {  	_ =	swait.ge @!p0 [sflag:s6], $0x2000  }
0x195: {  	[sflag:s6] =	ssyncset.done @!p0 $0x0  }
0x196: {  	[sflag:s6] =	ssyncadd.s32 @!p0 $0xFFFFE000;
	s6 =	sadd.s32 @!p0 $0x580, s1  }
0x197: {  	[tilespmem:s23], [sflag:$0x4] =	stream.indirect.gather @!p0 [hbm4b:s4+s16], $0x40, s6, s16, $0xb8;
	[tilespmem:$0x1EC80] =	vst v63  }
0x198: {  	s1 =	sadd.s32 @!p0 $0x5C0, s1;
	s6 =	simm.s32 @!p0 $0xC000  }
0x199: {  	[tilespmem:s6], [sflag:$0xC] =	stream.indirect.gather @!p0 [hbm4b:s4+s16], $0x40, s1, s16, $0xb8;
	[tilespmem:$0x1EC80] =	vst v63  }
0x19a: {  	_ =	swait.ge [sflag:s30], $0x1000  }
0x19b: {  	[sflag:s30] =	ssyncset.done $0x0  }
.Ltmp4:
0x19c: {  	[sflag:s30] =	ssyncadd.s32 $0xFFFFF000;
	(pc) =	sbr.rel @p0 .LBB2_7-.Ltmp4, $4  }
0x19d: {  	_ =	swait.ge [sflag:s31], $0x1000  }
0x19e: {  	[sflag:s31] =	ssyncset.done $0x0  }
0x19f: {  	s24 =	sadd.s32 $0x2B00, s14;
	[sflag:s31] =	ssyncadd.s32 $0xFFFFF000  }
0x1a0: {  	[spmem:s2] =	stream.indirect.scatter.add.f32 [tilespmem:s11], [sflag:$0x17], $0x40, s24, s18, $0xb8;
	[tilespmem:$0x1EC80] =	vst v63  }
0x1a1: {  	_ =	swait.ge [sflag:s3], $0x2000  }
0x1a2: {  	[sflag:s3] =	ssyncset.done $0x0  }
0x1a3: {  	s1 =	sadd.s32 $0x600, s14;
	[sflag:s3] =	ssyncadd.s32 $0xFFFFE000  }
0x1a4: {  	[tilespmem:s0], [sflag:$0x5] =	stream.indirect.gather [hbm4b:s4+s15], $0x40, s1, s15, $0xb8;
	[tilespmem:$0x1EC80] =	vst v63  }
0x1a5: {  	s9 =	sadd.s32 $0x640, s14;
	s6 =	simm.s32 $0xE000  }
0x1a6: {  	[tilespmem:s6], [sflag:$0xD] =	stream.indirect.gather [hbm4b:s4+s15], $0x40, s9, s15, $0xb8;
	[tilespmem:$0x1EC80] =	vst v63  }
0x1a7: {  	_ =	swait.ge [sflag:s13], $0x1000  }
0x1a8: {  	[sflag:s13] =	ssyncset.done $0x0  }
0x1a9: {  	[sflag:s13] =	ssyncadd.s32 $0xFFFFF000  }
0x1aa: {  	_ =	swait.ge [sflag:s5], $0x1000  }
0x1ab: {  	[sflag:s5] =	ssyncset.done $0x0  }
0x1ac: {  	s16 =	sadd.s32 $0x2B80, s14;
	[sflag:s5] =	ssyncadd.s32 $0xFFFFF000  }
0x1ad: {  	[spmem:s2] =	stream.indirect.scatter.add.f32 [tilespmem:s22], [sflag:$0x18], $0x40, s16, s18, $0xb8;
	[tilespmem:$0x1EC80] =	vst v63  }
0x1ae: {  	_ =	swait.ge [sflag:s8], $0x2000  }
.Ltmp5:
0x1af: {  	[sflag:s8] =	ssyncset.done $0x0;
	(pc) =	sbr.rel .LBB2_5-.Ltmp5, $4  }
0x1b0: {  	s19 =	sadd.s32 $0x680, s14;
	s20 =	simm.s32 $0xF000;
	[sflag:s8] =	ssyncadd.s32 $0xFFFFE000  }
0x1b1: {  	[tilespmem:s20], [sflag:$0x6] =	stream.indirect.gather [hbm4b:s4+s15], $0x40, s19, s15, $0xb8;
	[tilespmem:$0x1EC80] =	vst v63  }
0x1b2: {  	s23 =	sadd.s32 $0x6C0, s14;
	s24 =	simm.s32 $0x10000;
	s7 =	sadd.s32 $0x1000, s7  }
0x1b3: {  	[tilespmem:s24], [sflag:$0xE] =	stream.indirect.gather [hbm4b:s4+s15], $0x40, s23, s15, $0xb8;
	[tilespmem:$0x1EC80] =	vst v63  }
.LBB2_8:
0x1b4: {  	_ =	sfence.sel $0x180000  }
0x1b5: {  	[bflag:$0x0] =	sbarrier.arrive $0xFFFF  }
0x1b6: {  	_ =	strace $0x9000004A  }
0x1b7: {  	s0 =	stileid.u32;
	[bflag:$0x2] =	sbarrier.arrive $0xFFFF  }
0x1b8: {  	p0 =	sne.s32 s0, $0x0;
	s0 =	rddreg [dreg:$0x4]  }
0x1b9: {  	s0 =	sadd.s32 @!p0 $0x100000, s0  }
0x1ba: {  	[sflag:s0] =	ssyncadd.tile.s32 @!p0 $0x1;
	_ =	shalt  }
.Lfunc_end2:
_tile_overlayer_lowered:
.L_overlay_start_2:
0x1bb: {  	(tag) =	ssettag $0x2  }
0x1bc: {  	s0 =	rddreg [dreg:$0x0];
	s2 =	stileid.u32  }
0x1bd: {  	s1 =	rddreg [dreg:$0x1];
	p0 =	sne.s32 s2, $0x0  }
0x1be: {  	s3 =	rddreg [dreg:$0x2];
	[bflag:$0x3] =	sbarrier.arrive $0xFFFF;
	s2 =	simm.s32 @!p0 $0x1C19  }
0x1bf: {  	[timem:s3], [sflag:s2] =	dma.local @!p0 [hbm:s0], s1  }
0x1c0: {  	s0 =	simm.s32 @!p0 $0x19  }
0x1c1: {  	_ =	swait.ge @!p0 [sflag:s0], s1  }
0x1c2: {  	s1 =	ssub.s32 @!p0 $0x0, s1;
	[sflag:s0] =	ssyncset.done @!p0 $0x0  }
0x1c3: {  	[sflag:s0] =	ssyncadd.s32 @!p0 s1  }
0x1c4: {  	[bflag:$0x3] =	sbarrier.arrive $0xFFFF  }
0x1c5: {  	_ =	shalt  }

// kernel: kernel.15.cloned.1.call-start
scs
__scs_entry_jumppad:
0x0: {  	(pc) =	sbr.rel $0x88, $3  }
0x1: {  	(tag) =	ssettag $0x0;
	lr =	simm.s32 $0x1  }
0x2: {  	[smem:$0x3F98] =	sst lr;
	_ =	strace $0xD0000000  }
0x3: {  	_ = 	snop  }
0x4: {  	_ = 	snop  }
0x5: {  	_ = 	snop  }
0x6: {  	_ = 	snop  }
0x7: {  	_ = 	snop  }
__scs_overlays_trampoline_lowered:
0x8: {  	[smem:$0x3FA7] =	sst s0  }
0x9: {  	[smem:$0x3FA8] =	sst s1  }
0xa: {  	[smem:$0x3FA9] =	sst s2  }
0xb: {  	[smem:$0x3FAA] =	sst s3  }
0xc: {  	[smem:$0x3FAB] =	sst s4  }
0xd: {  	[smem:$0x3FAC] =	sst s5  }
0xe: {  	[smem:$0x3FAD] =	sst s6  }
0xf: {  	[smem:$0x3FAE] =	sst s7  }
0x10: {  	[smem:$0x3FAF] =	sst s8  }
0x11: {  	[smem:$0x3FB0] =	sst s9;
	s0 =	simm.s32 @!p0 $0x0  }
0x12: {  	s1 =	sld [smem:$0x3F96];
	s0 =	simm.s32 @p0 $0x1  }
0x13: {  	[smem:$0x3FB1] =	sst s0;
	s0 =	simm.s32 @!p1 $0x0  }
0x14: {  	s2 =	sld [smem:$0x3F95];
	s0 =	simm.s32 @p1 $0x1  }
0x15: {  	[smem:$0x3FB2] =	sst s0;
	s0 =	simm.s32 @!p2 $0x0  }
0x16: {  	s3 =	sld [smem:$0x3FDB];
	s0 =	simm.s32 @p2 $0x1  }
0x17: {  	s4 =	simm.s32 $0x1BF5;
	[smem:$0x3FB4] =	sst s0  }
0x18: {  	s0 =	sld [smem:$0x3F97];
	_ =	swait.ge [sflag:s4], $0x0  }
0x19: {  	s7 =	sld [smem:$0x3F98]  }
0x1a: {  	s8 =	sadd.s32 $0xFFFFE003, lr  }
0x1b: {  	s9 =	sadd.s32 $0xFFFFFEF7, lr;
	s5 =	simm.s32 $0xFFFFFFFF;
	p2 =	slt.u32 s8, $0xFFFFF086  }
0x1c: {  	p1 =	slt.u32 s9, $0xF7A;
	s5 =	simm.s32 @!p2 $0x0  }
0x1d: {  	s5 =	simm.s32 @p1 $0x1;
	p0 =	seq.s32 s7, s2  }
0x1e: {  	s7 =	smul.u32 @!p0 $0xF7A, s2;
	p2 =	seq.s32 @!p0 s5, $0x0  }
0x1f: {  	s9 =	smul.u32 $0xF7A, s1;
	s8 =	simm.s32 @!p0 $0x1BF5;
	p2 =	por !p2, p0  }
0x20: {  	[sflag:s8] =	ssyncset.s32 @!p0 $0xFFFFF086;
	s6 =	sadd.s32 @!p0 s3, s7;
	s7 =	simm.s32 @!p0 $0x108  }
0x21: {  	s3 =	sadd.s32 s3, s9;
	s6 =	sadd.s32 @!p0 $0x88, s6;
	s7 =	simm.s32 @p2 $0x1082  }
0x22: {  	[simem:s7], [sflag:s8] =	dma.local @!p0 [hbm:s6], $0xF7A  }
0x23: {  	s9 =	sor.u32 $0xD0000000, s2;
	s6 =	simm.s32 $0x108;
	_ =	swait.ge @!p0 [sflag:s8], $0x0  }
0x24: {  	s3 =	sadd.s32 $0x88, s3;
	s6 =	simm.s32 @!p1 $0x1082;
	[sflag:s4] =	ssyncset.s32 $0xFFFFF086  }
0x25: {  	[simem:s6], [sflag:s4] =	dma.local [hbm:s3], $0xF7A  }
0x26: {  	[smem:$0x3F98] =	sst s1;
	(tag) =	ssettag s2;
	_ =	strace s9  }
0x27: {  	s1 =	sld [smem:$0x3FA8]  }
0x28: {  	s2 =	sld [smem:$0x3FA9]  }
0x29: {  	s4 =	sld [smem:$0x3FAB]  }
0x2a: {  	p0 =	seq.s32 s5, $0x0;
	s5 =	sld [smem:$0x3FAC]  }
0x2b: {  	s6 =	sld [smem:$0x3FAD]  }
0x2c: {  	s7 =	sld [smem:$0x3FAE]  }
0x2d: {  	s3 =	simm.s32 $0x108;
	s8 =	sld [smem:$0x3FAF]  }
0x2e: {  	s3 =	simm.s32 @!p0 $0x1082;
	s9 =	sld [smem:$0x3FB0]  }
0x2f: {  	lr =	sadd.s32 s0, s3;
	s0 =	sld [smem:$0x3FA7]  }
0x30: {  	s3 =	sld [smem:$0x3FAA]  }
0x31: {  	[smem:$0x3FB3] =	sst s10  }
0x32: {  	s10 =	sld [smem:$0x3FB1];
	_ =	sdelay $0x3  }
0x33: {  	p0 =	seq.s32 s10, $0x1;
	s10 =	sld [smem:$0x3FB3];
	_ =	sdelay $0x3  }
0x34: {  	[smem:$0x3FB3] =	sst s10  }
0x35: {  	s10 =	sld [smem:$0x3FB2];
	_ =	sdelay $0x3  }
0x36: {  	p1 =	seq.s32 s10, $0x1;
	s10 =	sld [smem:$0x3FB3];
	_ =	sdelay $0x3  }
0x37: {  	[smem:$0x3FB3] =	sst s10  }
0x38: {  	s10 =	sld [smem:$0x3FB4]  }
0x39: {  	_ = 	snop;
	(pc) =	sbr.ind lr, $3  }
0x3a: {  	_ = 	snop  }
0x3b: {  	_ = 	snop  }
0x3c: {  	p2 =	seq.s32 s10, $0x1;
	s10 =	sld [smem:$0x3FB3]  }
0x3d: {  	_ =	shalt  }
0x3e: {  	_ =	shalt  }
0x3f: {  	_ =	shalt  }
0x40: {  	_ =	shalt  }
0x41: {  	_ =	shalt  }
0x42: {  	_ =	shalt  }
0x43: {  	_ =	shalt  }
0x44: {  	_ =	shalt  }
0x45: {  	_ =	shalt  }
0x46: {  	_ =	shalt  }
0x47: {  	_ =	shalt  }
0x48: {  	_ =	shalt  }
0x49: {  	_ =	shalt  }
0x4a: {  	_ =	shalt  }
0x4b: {  	_ =	shalt  }
0x4c: {  	_ =	shalt  }
0x4d: {  	_ =	shalt  }
0x4e: {  	_ =	shalt  }
0x4f: {  	_ =	shalt  }
0x50: {  	_ =	shalt  }
0x51: {  	_ =	shalt  }
0x52: {  	_ =	shalt  }
0x53: {  	_ =	shalt  }
0x54: {  	_ =	shalt  }
0x55: {  	_ =	shalt  }
0x56: {  	_ =	shalt  }
0x57: {  	_ =	shalt  }
0x58: {  	_ =	shalt  }
0x59: {  	_ =	shalt  }
0x5a: {  	_ =	shalt  }
0x5b: {  	_ =	shalt  }
0x5c: {  	_ =	shalt  }
0x5d: {  	_ =	shalt  }
0x5e: {  	_ =	shalt  }
0x5f: {  	_ =	shalt  }
0x60: {  	_ =	shalt  }
0x61: {  	_ =	shalt  }
0x62: {  	_ =	shalt  }
0x63: {  	_ =	shalt  }
0x64: {  	_ =	shalt  }
0x65: {  	_ =	shalt  }
0x66: {  	_ =	shalt  }
0x67: {  	_ =	shalt  }
0x68: {  	_ =	shalt  }
0x69: {  	_ =	shalt  }
0x6a: {  	_ =	shalt  }
0x6b: {  	_ =	shalt  }
0x6c: {  	_ =	shalt  }
0x6d: {  	_ =	shalt  }
0x6e: {  	_ =	shalt  }
0x6f: {  	_ =	shalt  }
0x70: {  	_ =	shalt  }
0x71: {  	_ =	shalt  }
0x72: {  	_ =	shalt  }
0x73: {  	_ =	shalt  }
0x74: {  	_ =	shalt  }
0x75: {  	_ =	shalt  }
0x76: {  	_ =	shalt  }
0x77: {  	_ =	shalt  }
0x78: {  	_ =	shalt  }
0x79: {  	_ =	shalt  }
0x7a: {  	_ =	shalt  }
0x7b: {  	_ =	shalt  }
0x7c: {  	_ =	shalt  }
0x7d: {  	_ =	shalt  }
0x7e: {  	_ =	shalt  }
0x7f: {  	_ =	shalt  }
0x80: {  	_ =	shalt  }
0x81: {  	_ =	shalt  }
0x82: {  	_ =	shalt  }
0x83: {  	_ =	shalt  }
0x84: {  	_ =	shalt  }
0x85: {  	_ =	shalt  }
0x86: {  	_ =	shalt  }
0x87: {  	_ =	shalt  }
.Lfunc_end0:
.L_simem_size_0:
called_computation.2_lowered:
.L_overlay_start_0:
0x88: {  	s2 =	sld [smem:$0x3FD9]  }
0x89: {  	s3 =	sld [smem:$0x3FFE];
	_ =	sdelay $0x1  }
0x8a: {  	s1 =	srdreg.scid  }
0x8b: {  	s0 =	sand.u32 $0x1, s1  }
0x8c: {  	s14 =	sshll.u32 s0, $0xA;
	s2 =	sadd.s32 s3, s2  }
0x8d: {  	s2 =	sadd.s32 s2, s14  }
0x8e: {  	[smem:$0x3FBF] =	sst s2  }
0x8f: {  	_ = 	snop  }
0x90: {  	s2 =	sld [smem:$0x3FD0];
	_ =	sdelay $0x2  }
0x91: {  	s15 =	simm.s32 $0xA;
	s4 =	simm.s32 $0x10  }
0x92: {  	[smem:s4], [sflag:s15] =	dma.local [hbm:s2], $0x1  }
0x93: {  	_ =	swait.eq [sflag:s15], $0x1  }
0x94: {  	[sflag:s15] =	ssyncset.done $0x0  }
0x95: {  	s16 =	sld [smem:$0x10];
	[sflag:s15] =	ssyncadd.s32 $0xFFFFFFFF  }
0x96: {  	s17 =	sld [smem:$0x11];
	(tm) =	ssettm $0x1  }
0x97: {  	s18 =	sld [smem:$0x3FFB];
	_ =	sdelay $0x3  }
0x98: {  	_ =	strace s18  }
0x99: {  	s4 =	sld [smem:$0x3FFC];
	_ =	sdelay $0x3  }
0x9a: {  	_ =	strace s4  }
0x9b: {  	s4 =	sld [smem:$0x3FFD];
	_ =	sdelay $0x3  }
0x9c: {  	_ =	strace s4  }
0x9d: {  	_ =	strace $0x8FFFFFFF  }
0x9e: {  	s19 =	sld [smem:$0x3FDB];
	_ =	sdelay $0x1  }
0x9f: {  	s5 =	simm.s32 $_scs_section_size  }
0xa0: {  	s6 =	simm.s32 $_size__tile_overlayer_lowered;
	s7 =	simm.s32 $_tile_overlayer_lowered  }
0xa1: {  	s22 =	simm.s32 $0x1BFF;
	s21 =	sshll.u32 s7, $0x1;
	s4 =	sadd.s32 s5, s19  }
0xa2: {  	s8 =	simm.s32 $0x0;
	s20 =	sshll.u32 s6, $0x1;
	s6 =	sadd.s32 s21, s4  }
0xa3: {  	[timem:s8], [sflag:s22] =	dma.local [hbm:s6], s20  }
0xa4: {  	_ =	swait.ge [sflag:s22], s20  }
0xa5: {  	s5 =	ssub.s32 $0x0, s20;
	[sflag:s22] =	ssyncset.done $0x0  }
0xa6: {  	[sflag:s22] =	ssyncadd.s32 s5;
	_ =	sdelay $0x1  }
0xa7: {  	s23 =	simm.s32 $0x1B8B  }
0xa8: {  	_ =	swait.ge [sflag:s23], $0x1  }
0xa9: {  	[sflag:s23] =	ssyncset.done $0x0  }
0xaa: {  	s25 =	simm.s32 $0x1B8E;
	s24 =	sld [smem:$0x3FFE];
	[sflag:s23] =	ssyncadd.s32 $0xFFFFFFFF  }
0xab: {  	s26 =	simm.s32 $execute0_lowered;
	[smem:$0x3FD2] =	sst s25  }
0xac: {  	s6 =	sshll.u32 s26, $0x1;
	_ =	strace $0x8000004C;
	[dreg:$0x1] =	wrdreg $0xFFFFFFFF  }
0xad: {  	s28 =	simm.s32 $_size_execute0_lowered;
	s4 =	sadd.s32 s4, s6;
	[dreg:$0x0] =	wrdreg $0x0  }
0xae: {  	s6 =	sshll.u32 s28, $0x1;
	[dreg:$0x2] =	wrdreg s4  }
0xaf: {  	[dreg:$0x3] =	wrdreg s6  }
0xb0: {  	[dreg:$0x4] =	wrdreg $0xC0  }
0xb1: {  	_ =	task [dreg:s8], $0x5FFFF  }
0xb2: {  	[dreg:$0x1] =	wrdreg $0xFFFFFFFF  }
0xb3: {  	[dreg:$0x0] =	wrdreg $0x60  }
0xb4: {  	[dreg:$0x2] =	wrdreg s17  }
0xb5: {  	[dreg:$0x3] =	wrdreg s24  }
0xb6: {  	[dreg:$0x4] =	wrdreg s16  }
0xb7: {  	[dreg:$0x5] =	wrdreg $0x150000  }
0xb8: {  	[dreg:$0x6] =	wrdreg $0x9  }
0xb9: {  	_ =	task.clear_ibuf [dreg:s8], $0x7FFFF;
	_ =	strace $0x9000004C  }
0xba: {  	s29 =	simm.s32 $0x9;
	_ =	strace $0x8000004E  }
0xbb: {  	_ =	swait.ge [sflag:s29], $0x1  }
0xbc: {  	[sflag:s29] =	ssyncadd.s32 $0xFFFFFFFF  }
0xbd: {  	_ =	strace $0x9000004E  }
0xbe: {  	_ =	sfence  }
0xbf: {  	s30 =	sld [smem:$0x0];
	_ =	sdelay $0x2  }
0xc0: {  	s31 =	sshll.u32 s1, $0xD;
	s1 =	sshrl.u32 s1, $0x2  }
0xc1: {  	s3 =	sand.u32 $0x4000, s31;
	s1 =	sadd.s32 s1, s30  }
0xc2: {  	s0 =	sor.u32 s3, s0;
	s1 =	sshll.u32 s1, $0x11  }
0xc3: {  	s0 =	sor.u32 s1, s0  }
0xc4: {  	s0 =	sadd.s32 $0x8F2B, s0  }
0xc5: {  	[sflag:s0] =	ssyncadd.remote.s32 $0x1  }
0xc6: {  	_ =	sfence.sel $0xFFFF  }
0xc7: {  	[dreg:$0x0] =	wrdreg $0xFFFFFFFF;
	(pc) =	sbr.abs _section_cstart, $3  }
0xc8: {  	[dreg:$0x1] =	wrdreg $0xFFFFFFFF  }
0xc9: {  	_ =	task.clear_ibuf [dreg:s8], $0x2FFFF;
	_ =	strace $0x9FFFFFFF  }
0xca: {  	(tm) =	ssettm $0x7FFFFFFF  }
0xcb: {  	_ =	shalt  }
tec
execute0_lowered:
.L_overlay_start_1:
0x0: {  	(tag) =	ssettag $0x1  }
0x1: {  	s1 =	rddreg [dreg:$0x0]  }
0x2: {  	s0 =	rddreg [dreg:$0x1]  }
0x3: {  	s2 =	rddreg [dreg:$0x2];
	s4 =	srdreg.scid  }
0x4: {  	s9 =	stileid.u32;
	s3 =	rddreg [dreg:$0x3];
	s7 =	simm.s32 $0x0  }
0x5: {  	s12 =	simm.s32 $0x19;
	s13 =	simm.s32 $0x40;
	s16 =	simm.s32 $0x80  }
0x6: {  	s30 =	simm.s32 $0xD000;
	s19 =	simm.s32 $0x1;
	s5 =	smul.u32 $0x500, s9  }
0x7: {  	s20 =	simm.s32 $0x9;
	s29 =	simm.s32 $0x3;
	s22 =	smul.u32 $0x1390, s9  }
0x8: {  	s31 =	simm.s32 $0xB;
	s4 =	sand.u32 $0x1, s4;
	s9 =	smul.u32 $0x9C80, s9  }
0x9: {  	s11 =	simm.s32 $0x5;
	s18 =	simm.s32 $0xD;
	s6 =	smul.u32 $0x5000, s4  }
0xa: {  	[smem:$0x7FF] =	sst s7;
	s8 =	smul.u32 $0x13900, s4;
	s4 =	ssub.s32 $0x2, s4  }
0xb: {  	s10 =	simm.s32 $0x15;
	_ =	strace $0x8000004D;
	s23 =	sshrl.u32 s4, $0x1  }
0xc: {  	s25 =	sadd.s32 s9, s3;
	s26 =	sshrl.u32 s9, $0x3;
	s6 =	sadd.s32 s5, s6  }
0xd: {  	s5 =	sadd.s32 s5, s0;
	s7 =	sadd.s32 s22, s8;
	s4 =	ssub.s32 s4, s23  }
0xe: {  	[dreg:$0x7] =	wrdreg s25;
	s2 =	sadd.s32 s2, s26;
	s22 =	simm.s32 $0x11000  }
0xf: {  	s25 =	simm.s32 $0xA;
	s26 =	simm.s32 $0x13000;
	s8 =	simm.s32 $0x10  }
0x10: {  	s6 =	sadd.s32 s6, s0;
	s0 =	sadd.s32 s7, s0;
	s5 =	sadd.s32 $0x2800, s5  }
.Ltmp0:
0x11: {  	[dreg:$0x8] =	wrdreg s2;
	s28 =	smax.u32 s4, $0x1;
	(pc) =	sbr.rel .LBB2_1-.Ltmp0, $4  }
0x12: {  	s7 =	simm.s32 $0x8;
	s4 =	simm.s32 $0x16;
	[dreg:$0x5] =	wrdreg s5  }
0x13: {  	s2 =	simm.s32 $0x0;
	s24 =	sadd.s32 $0x140200, s6;
	[dreg:$0xa] =	wrdreg s28  }
0x14: {  	s0 =	sadd.s32 $0x7800, s0;
	s5 =	simm.s32 $0x7;
	[dreg:$0x6] =	wrdreg s24  }
0x15: {  	s6 =	simm.s32 $0xF;
	[dreg:$0x9] =	wrdreg s0;
	s24 =	simm.s32 $0x2  }
.LBB2_4:
0x16: {  	_ =	swait.ge [sflag:s7], $0x1000  }
0x17: {  	[sflag:s7] =	ssyncset.done $0x0  }
0x18: {  	[sflag:s7] =	ssyncadd.s32 $0xFFFFF000  }
0x19: {  	_ =	swait.ge [sflag:s8], $0x1000  }
0x1a: {  	[sflag:s8] =	ssyncset.done $0x0  }
0x1b: {  	s0 =	simm.s32 $0x4F80;
	s2 =	simm.s32 $0x11;
	[sflag:s8] =	ssyncadd.s32 $0xFFFFF000  }
0x1c: {  	[spmem:s3] =	stream.indirect.scatter.add.f32 [tilespmem:s26], [sflag:$0x18], $0x40, s0, s16, $0xb8;
	[tilespmem:$0x1EC80] =	vst v63  }
0x1d: {  	_ =	swait.ge [sflag:s2], $0x2000  }
0x1e: {  	[sflag:s2] =	ssyncset.done $0x0  }
0x1f: {  	s9 =	simm.s32 $0x12;
	[sflag:s2] =	ssyncadd.s32 $0xFFFFE000  }
0x20: {  	_ =	swait.ge [sflag:s9], $0x2000  }
0x21: {  	[sflag:s9] =	ssyncset.done $0x0  }
0x22: {  	s12 =	simm.s32 $0x13;
	[sflag:s9] =	ssyncadd.s32 $0xFFFFE000  }
0x23: {  	_ =	swait.ge [sflag:s12], $0x2000  }
0x24: {  	[sflag:s12] =	ssyncset.done $0x0  }
0x25: {  	s14 =	simm.s32 $0x14;
	[sflag:s12] =	ssyncadd.s32 $0xFFFFE000  }
0x26: {  	_ =	swait.ge [sflag:s14], $0x2000  }
0x27: {  	[sflag:s14] =	ssyncset.done $0x0  }
0x28: {  	[sflag:s14] =	ssyncadd.s32 $0xFFFFE000  }
0x29: {  	_ =	swait.ge [sflag:s10], $0x2000  }
0x2a: {  	[sflag:s10] =	ssyncset.done $0x0  }
0x2b: {  	[sflag:s10] =	ssyncadd.s32 $0xFFFFE000  }
0x2c: {  	_ =	swait.ge [sflag:s4], $0x2000  }
0x2d: {  	[sflag:s4] =	ssyncset.done $0x0  }
0x2e: {  	s15 =	simm.s32 $0x17;
	[sflag:s4] =	ssyncadd.s32 $0xFFFFE000  }
0x2f: {  	_ =	swait.ge [sflag:s15], $0x2000  }
0x30: {  	[sflag:s15] =	ssyncset.done $0x0  }
0x31: {  	s17 =	simm.s32 $0x18;
	[sflag:s15] =	ssyncadd.s32 $0xFFFFE000  }
0x32: {  	_ =	swait.ge [sflag:s17], $0x2000  }
0x33: {  	[sflag:s17] =	ssyncset.done $0x0  }
0x34: {  	[sflag:s17] =	ssyncadd.s32 $0xFFFFE000  }
0x35: {  	[bflag:$0x0] =	sbarrier.arrive $0xFFFF  }
0x36: {  	s21 =	rddreg [dreg:$0x9]  }
0x37: {  	s2 =	rddreg [dreg:$0xc]  }
0x38: {  	s12 =	simm.s32 $0x19;
	s9 =	rddreg [dreg:$0xd]  }
0x39: {  	[hbm:s21], [sflag:s2] =	dma.local [spmem:s9], $0x1390  }
0x3a: {  	_ =	swait.ge [sflag:s12], $0x1390  }
0x3b: {  	s23 =	rddreg [dreg:$0xb]  }
0x3c: {  	s28 =	rddreg [dreg:$0xa];
	s2 =	sadd.s32 $0x1, s23  }
0x3d: {  	p0 =	sne.s32 s2, s28  }
.Ltmp1:
0x3e: {  	_ = 	snop;
	(pc) =	sbr.rel @!p0 .LBB2_5-.Ltmp1, $3  }
0x3f: {  	_ =	sdelay $0x1  }
0x40: {  	[sflag:s12] =	ssyncset.done $0x0  }
0x41: {  	[sflag:s12] =	ssyncadd.s32 $0xFFFFEC70  }
.LBB2_1:
0x42: {  	[dreg:$0xb] =	wrdreg s2  }
0x43: {  	s0 =	simm.s32 $0x0;
	s15 =	rddreg [dreg:$0x5];
	s9 =	simm.s32 $0x2800  }
0x44: {  	[tilespmem:s9], [sflag:$0x19] =	stream.linear.gather [hbm4b:s15+s0], $0x2800, $0x38;
	[tilespmem:$0x1EC80] =	vst v63  }
0x45: {  	_ =	swait.ge [sflag:s12], $0x2800  }
0x46: {  	[sflag:s12] =	ssyncset.done $0x0  }
0x47: {  	s17 =	rddreg [dreg:$0x6];
	[sflag:s12] =	ssyncadd.s32 $0xFFFFD800  }
0x48: {  	[tilespmem:s0], [sflag:$0x19] =	stream.linear.gather [hbm4b:s17+s0], $0x2800, $0x38;
	[tilespmem:$0x1EC80] =	vst v63  }
0x49: {  	_ =	swait.ge [sflag:s12], $0x2800  }
0x4a: {  	[sflag:s12] =	ssyncset.done $0x0  }
0x4b: {  	s21 =	simm.s32 $0x5000;
	[sflag:s12] =	ssyncadd.s32 $0xFFFFD800  }
0x4c: {  	[tilespmem:s21], [sflag:$0x1] =	stream.indirect.gather [hbm4b:s1+s13], $0x40, s0, s13, $0xb8;
	[tilespmem:$0x1EC80] =	vst v63  }
0x4d: {  	s23 =	simm.s32 $0x6000  }
0x4e: {  	[tilespmem:s23], [sflag:$0x9] =	stream.indirect.gather [hbm4b:s1+s13], $0x40, s13, s13, $0xb8;
	[tilespmem:$0x1EC80] =	vst v63  }
0x4f: {  	s28 =	simm.s32 $0x7000  }
0x50: {  	[tilespmem:s28], [sflag:$0x2] =	stream.indirect.gather [hbm4b:s1+s13], $0x40, s16, s13, $0xb8;
	[tilespmem:$0x1EC80] =	vst v63  }
0x51: {  	s2 =	simm.s32 $0xC0;
	s9 =	simm.s32 $0x8000  }
0x52: {  	[tilespmem:s9], [sflag:$0xA] =	stream.indirect.gather [hbm4b:s1+s13], $0x40, s2, s13, $0xb8;
	[tilespmem:$0x1EC80] =	vst v63  }
0x53: {  	s14 =	simm.s32 $0x100;
	s15 =	simm.s32 $0x9000  }
0x54: {  	[tilespmem:s15], [sflag:$0x3] =	stream.indirect.gather [hbm4b:s1+s13], $0x40, s14, s13, $0xb8;
	[tilespmem:$0x1EC80] =	vst v63  }
0x55: {  	s17 =	simm.s32 $0x140;
	s21 =	simm.s32 $0xA000  }
0x56: {  	[tilespmem:s21], [sflag:$0xB] =	stream.indirect.gather [hbm4b:s1+s13], $0x40, s17, s13, $0xb8;
	[tilespmem:$0x1EC80] =	vst v63  }
0x57: {  	s23 =	simm.s32 $0x180;
	s28 =	simm.s32 $0xB000  }
0x58: {  	[tilespmem:s28], [sflag:$0x4] =	stream.indirect.gather [hbm4b:s1+s13], $0x40, s23, s13, $0xb8;
	[tilespmem:$0x1EC80] =	vst v63  }
0x59: {  	s9 =	simm.s32 $0x1C0;
	s14 =	simm.s32 $0xC000  }
0x5a: {  	[tilespmem:s14], [sflag:$0xC] =	stream.indirect.gather [hbm4b:s1+s13], $0x40, s9, s13, $0xb8;
	[tilespmem:$0x1EC80] =	vst v63  }
0x5b: {  	s15 =	simm.s32 $0x200;
	s14 =	stileid.u32  }
0x5c: {  	[tilespmem:s30], [sflag:$0x5] =	stream.indirect.gather [hbm4b:s1+s13], $0x40, s15, s13, $0xb8;
	[tilespmem:$0x1EC80] =	vst v63  }
0x5d: {  	s17 =	simm.s32 $0x240;
	s21 =	simm.s32 $0xE000;
	s15 =	sshll.u32 s14, $0x6  }
0x5e: {  	[tilespmem:s21], [sflag:$0xD] =	stream.indirect.gather [hbm4b:s1+s13], $0x40, s17, s13, $0xb8;
	[tilespmem:$0x1EC80] =	vst v63  }
0x5f: {  	s17 =	sor.u32 $0x1C19, s15;
	s21 =	rddreg [dreg:$0x7]  }
0x60: {  	s23 =	simm.s32 $0x280;
	s28 =	simm.s32 $0xF000;
	[dreg:$0xc] =	wrdreg s17  }
0x61: {  	[tilespmem:s28], [sflag:$0x6] =	stream.indirect.gather [hbm4b:s1+s13], $0x40, s23, s13, $0xb8;
	[tilespmem:$0x1EC80] =	vst v63  }
0x62: {  	s23 =	sshrl.u32 s21, $0x3;
	s28 =	rddreg [dreg:$0x8]  }
0x63: {  	s2 =	simm.s32 $0x2C0;
	s9 =	simm.s32 $0x10000;
	[dreg:$0xd] =	wrdreg s23  }
0x64: {  	[tilespmem:s9], [sflag:$0xE] =	stream.indirect.gather [hbm4b:s1+s13], $0x40, s2, s13, $0xb8;
	[tilespmem:$0x1EC80] =	vst v63  }
0x65: {  	[spmem:s23], [sflag:s17] =	dma.local [hbm:s28], $0x1390  }
0x66: {  	_ =	swait.ge [sflag:s12], $0x1390  }
0x67: {  	[sflag:s12] =	ssyncset.done $0x0  }
0x68: {  	[sflag:s12] =	ssyncadd.s32 $0xFFFFEC70  }
0x69: {  	s12 =	simm.s32 $0x0;
	[bflag:$0x0] =	sbarrier.arrive $0xFFFF  }
.LBB2_2:
0x6a: {  	_ =	swait.ge [sflag:s19], $0x1000  }
0x6b: {  	[sflag:s19] =	ssyncset.done $0x0  }
0x6c: {  	[sflag:s19] =	ssyncadd.s32 $0xFFFFF000  }
0x6d: {  	_ =	swait.ge [sflag:s20], $0x1000  }
0x6e: {  	s9 =	sshra.s32 s12, $0x2;
	s0 =	simm.s32 $0x5000;
	[sflag:s20] =	ssyncset.done $0x0  }
0x6f: {  	p0 =	seq.s32 s12, $0x0;
	s14 =	sadd.s32 $0x2800, s9;
	[sflag:s20] =	ssyncadd.s32 $0xFFFFF000  }
0x70: {  	[spmem:s3] =	stream.indirect.scatter.add.f32 [tilespmem:s0], [sflag:$0x11], $0x40, s14, s16, $0xb8;
	[tilespmem:$0x1EC80] =	vst v63  }
0x71: {  	s14 =	simm.s32 @!p0 $0x17  }
0x72: {  	_ =	swait.ge @!p0 [sflag:s14], $0x2000  }
0x73: {  	[sflag:s14] =	ssyncset.done @!p0 $0x0  }
0x74: {  	s15 =	sadd.s32 $0x300, s9;
	[sflag:s14] =	ssyncadd.s32 @!p0 $0xFFFFE000  }
0x75: {  	[tilespmem:s22], [sflag:$0x7] =	stream.indirect.gather [hbm4b:s1+s13], $0x40, s15, s13, $0xb8;
	[tilespmem:$0x1EC80] =	vst v63  }
0x76: {  	s21 =	simm.s32 $0x12000;
	s17 =	sadd.s32 $0x340, s9  }
0x77: {  	[tilespmem:s21], [sflag:$0xF] =	stream.indirect.gather [hbm4b:s1+s13], $0x40, s17, s13, $0xb8;
	[tilespmem:$0x1EC80] =	vst v63  }
0x78: {  	_ =	swait.ge [sflag:s24], $0x1000  }
0x79: {  	[sflag:s24] =	ssyncset.done $0x0  }
0x7a: {  	[sflag:s24] =	ssyncadd.s32 $0xFFFFF000  }
0x7b: {  	_ =	swait.ge [sflag:s25], $0x1000  }
0x7c: {  	s28 =	simm.s32 $0x7000;
	[sflag:s25] =	ssyncset.done $0x0  }
0x7d: {  	s23 =	sadd.s32 $0x2880, s9;
	s14 =	simm.s32 @!p0 $0x18;
	[sflag:s25] =	ssyncadd.s32 $0xFFFFF000  }
0x7e: {  	[spmem:s3] =	stream.indirect.scatter.add.f32 [tilespmem:s28], [sflag:$0x12], $0x40, s23, s16, $0xb8;
	[tilespmem:$0x1EC80] =	vst v63  }
0x7f: {  	_ =	swait.ge @!p0 [sflag:s14], $0x2000  }
0x80: {  	[sflag:s14] =	ssyncset.done @!p0 $0x0  }
0x81: {  	s2 =	sadd.s32 $0x380, s9;
	[sflag:s14] =	ssyncadd.s32 @!p0 $0xFFFFE000  }
0x82: {  	[tilespmem:s26], [sflag:$0x8] =	stream.indirect.gather [hbm4b:s1+s13], $0x40, s2, s13, $0xb8;
	[tilespmem:$0x1EC80] =	vst v63  }
0x83: {  	s15 =	sadd.s32 $0x3C0, s9;
	s17 =	simm.s32 $0x14000  }
0x84: {  	[tilespmem:s17], [sflag:$0x10] =	stream.indirect.gather [hbm4b:s1+s13], $0x40, s15, s13, $0xb8;
	[tilespmem:$0x1EC80] =	vst v63  }
0x85: {  	_ =	swait.ge [sflag:s29], $0x1000  }
0x86: {  	[sflag:s29] =	ssyncset.done $0x0  }
0x87: {  	[sflag:s29] =	ssyncadd.s32 $0xFFFFF000  }
0x88: {  	_ =	swait.ge [sflag:s31], $0x1000  }
0x89: {  	s21 =	sadd.s32 $0x2900, s9;
	p0 =	seq.s32 s12, $0x9000;
	[sflag:s31] =	ssyncset.done $0x0  }
0x8a: {  	s23 =	simm.s32 $0x9000;
	s14 =	simm.s32 @p0 $0x4;
	[sflag:s31] =	ssyncadd.s32 $0xFFFFF000  }
0x8b: {  	[spmem:s3] =	stream.indirect.scatter.add.f32 [tilespmem:s23], [sflag:$0x13], $0x40, s21, s16, $0xb8;
	[tilespmem:$0x1EC80] =	vst v63  }
0x8c: {  	_ =	swait.ge @p0 [sflag:s14], $0x1000  }
0x8d: {  	[sflag:s14] =	ssyncset.done @p0 $0x0  }
0x8e: {  	[sflag:s14] =	ssyncadd.s32 @p0 $0xFFFFF000;
	s14 =	simm.s32 @p0 $0xC  }
0x8f: {  	_ =	swait.ge @p0 [sflag:s14], $0x1000  }
0x90: {  	s2 =	simm.s32 @p0 $0x80;
	s21 =	sshra.s32 @p0 s12, $0x2;
	[sflag:s14] =	ssyncset.done @p0 $0x0  }
0x91: {  	s17 =	simm.s32 @p0 $0xB000;
	[sflag:s14] =	ssyncadd.s32 @p0 $0xFFFFF000;
	s14 =	sadd.s32 @p0 $0x2980, s21  }
0x92: {  	[spmem:s3] =	stream.indirect.scatter.add.f32 @p0 [tilespmem:s17], [sflag:$0x14], $0x40, s14, s2, $0xb8;
	[tilespmem:$0x1EC80] =	vst v63  }
0x93: {  	s14 =	simm.s32 @!p0 $0x11  }
0x94: {  	_ =	swait.ge @!p0 [sflag:s14], $0x2000  }
0x95: {  	[sflag:s14] =	ssyncset.done @!p0 $0x0  }
0x96: {  	[sflag:s14] =	ssyncadd.s32 @!p0 $0xFFFFE000;
	s14 =	sshra.s32 @!p0 s12, $0x2  }
0x97: {  	s0 =	simm.s32 @!p0 $0x5000;
	s17 =	simm.s32 @!p0 $0x40;
	s15 =	sadd.s32 @!p0 $0x400, s14  }
0x98: {  	[tilespmem:s0], [sflag:$0x1] =	stream.indirect.gather @!p0 [hbm4b:s1+s17], $0x40, s15, s17, $0xb8;
	[tilespmem:$0x1EC80] =	vst v63  }
0x99: {  	s0 =	sadd.s32 @!p0 $0x440, s14;
	s15 =	simm.s32 @!p0 $0x6000  }
0x9a: {  	[tilespmem:s15], [sflag:$0x9] =	stream.indirect.gather @!p0 [hbm4b:s1+s17], $0x40, s0, s17, $0xb8;
	[tilespmem:$0x1EC80] =	vst v63  }
0x9b: {  	s0 =	simm.s32 @!p0 $0x4  }
0x9c: {  	_ =	swait.ge @!p0 [sflag:s0], $0x1000  }
0x9d: {  	[sflag:s0] =	ssyncset.done @!p0 $0x0  }
0x9e: {  	[sflag:s0] =	ssyncadd.s32 @!p0 $0xFFFFF000;
	s0 =	simm.s32 @!p0 $0xC  }
0x9f: {  	_ =	swait.ge @!p0 [sflag:s0], $0x1000  }
0xa0: {  	s23 =	simm.s32 @!p0 $0xB000;
	[sflag:s0] =	ssyncset.done @!p0 $0x0  }
0xa1: {  	s15 =	simm.s32 @!p0 $0x80;
	[sflag:s0] =	ssyncadd.s32 @!p0 $0xFFFFF000;
	s0 =	sadd.s32 @!p0 $0x2980, s14  }
0xa2: {  	[spmem:s3] =	stream.indirect.scatter.add.f32 @!p0 [tilespmem:s23], [sflag:$0x14], $0x40, s0, s15, $0xb8;
	[tilespmem:$0x1EC80] =	vst v63  }
0xa3: {  	s0 =	simm.s32 @!p0 $0x12  }
0xa4: {  	_ =	swait.ge @!p0 [sflag:s0], $0x2000  }
0xa5: {  	[sflag:s0] =	ssyncset.done @!p0 $0x0  }
0xa6: {  	s28 =	simm.s32 @!p0 $0x7000;
	[sflag:s0] =	ssyncadd.s32 @!p0 $0xFFFFE000;
	s0 =	sadd.s32 @!p0 $0x480, s14  }
0xa7: {  	[tilespmem:s28], [sflag:$0x2] =	stream.indirect.gather @!p0 [hbm4b:s1+s17], $0x40, s0, s17, $0xb8;
	[tilespmem:$0x1EC80] =	vst v63  }
0xa8: {  	s0 =	sadd.s32 @!p0 $0x4C0, s14;
	s28 =	simm.s32 @!p0 $0x8000  }
0xa9: {  	[tilespmem:s28], [sflag:$0xA] =	stream.indirect.gather @!p0 [hbm4b:s1+s17], $0x40, s0, s17, $0xb8;
	[tilespmem:$0x1EC80] =	vst v63  }
0xaa: {  	_ =	swait.ge [sflag:s11], $0x1000  }
0xab: {  	[sflag:s11] =	ssyncset.done $0x0  }
0xac: {  	[sflag:s11] =	ssyncadd.s32 $0xFFFFF000  }
0xad: {  	_ =	swait.ge [sflag:s18], $0x1000  }
0xae: {  	[sflag:s18] =	ssyncset.done $0x0  }
0xaf: {  	s28 =	sadd.s32 $0x2A00, s9;
	s0 =	simm.s32 @p0 $0x6;
	[sflag:s18] =	ssyncadd.s32 $0xFFFFF000  }
0xb0: {  	[spmem:s3] =	stream.indirect.scatter.add.f32 [tilespmem:s30], [sflag:$0x15], $0x40, s28, s16, $0xb8;
	[tilespmem:$0x1EC80] =	vst v63  }
0xb1: {  	_ =	swait.ge @p0 [sflag:s0], $0x1000  }
0xb2: {  	[sflag:s0] =	ssyncset.done @p0 $0x0  }
0xb3: {  	[sflag:s0] =	ssyncadd.s32 @p0 $0xFFFFF000;
	s0 =	simm.s32 @p0 $0xE  }
0xb4: {  	_ =	swait.ge @p0 [sflag:s0], $0x1000  }
0xb5: {  	[sflag:s0] =	ssyncset.done @p0 $0x0  }
0xb6: {  	[sflag:s0] =	ssyncadd.s32 @p0 $0xFFFFF000;
	s0 =	sadd.s32 @p0 $0x2A80, s21;
	s21 =	simm.s32 @p0 $0xF000  }
0xb7: {  	[spmem:s3] =	stream.indirect.scatter.add.f32 @p0 [tilespmem:s21], [sflag:$0x16], $0x40, s0, s2, $0xb8;
	[tilespmem:$0x1EC80] =	vst v63  }
0xb8: {  	s0 =	simm.s32 @!p0 $0x13  }
0xb9: {  	_ =	swait.ge @!p0 [sflag:s0], $0x2000  }
0xba: {  	[sflag:s0] =	ssyncset.done @!p0 $0x0  }
0xbb: {  	s2 =	simm.s32 @!p0 $0x9000;
	[sflag:s0] =	ssyncadd.s32 @!p0 $0xFFFFE000;
	s0 =	sadd.s32 @!p0 $0x500, s14  }
0xbc: {  	[tilespmem:s2], [sflag:$0x3] =	stream.indirect.gather @!p0 [hbm4b:s1+s17], $0x40, s0, s17, $0xb8;
	[tilespmem:$0x1EC80] =	vst v63  }
0xbd: {  	s0 =	sadd.s32 @!p0 $0x540, s14;
	s2 =	simm.s32 @!p0 $0xA000  }
0xbe: {  	[tilespmem:s2], [sflag:$0xB] =	stream.indirect.gather @!p0 [hbm4b:s1+s17], $0x40, s0, s17, $0xb8;
	[tilespmem:$0x1EC80] =	vst v63  }
0xbf: {  	s0 =	simm.s32 @!p0 $0x6  }
0xc0: {  	_ =	swait.ge @!p0 [sflag:s0], $0x1000  }
0xc1: {  	[sflag:s0] =	ssyncset.done @!p0 $0x0  }
0xc2: {  	[sflag:s0] =	ssyncadd.s32 @!p0 $0xFFFFF000;
	s0 =	simm.s32 @!p0 $0xE  }
0xc3: {  	_ =	swait.ge @!p0 [sflag:s0], $0x1000  }
0xc4: {  	[sflag:s0] =	ssyncset.done @!p0 $0x0  }
0xc5: {  	s2 =	simm.s32 @!p0 $0xF000;
	[sflag:s0] =	ssyncadd.s32 @!p0 $0xFFFFF000;
	s0 =	sadd.s32 @!p0 $0x2A80, s14  }
0xc6: {  	[spmem:s3] =	stream.indirect.scatter.add.f32 @!p0 [tilespmem:s2], [sflag:$0x16], $0x40, s0, s15, $0xb8;
	[tilespmem:$0x1EC80] =	vst v63  }
0xc7: {  	s0 =	simm.s32 @!p0 $0x14  }
0xc8: {  	_ =	swait.ge @!p0 [sflag:s0], $0x2000  }
0xc9: {  	[sflag:s0] =	ssyncset.done @!p0 $0x0  }
0xca: {  	[sflag:s0] =	ssyncadd.s32 @!p0 $0xFFFFE000;
	s0 =	sadd.s32 @!p0 $0x580, s14  }
0xcb: {  	[tilespmem:s23], [sflag:$0x4] =	stream.indirect.gather @!p0 [hbm4b:s1+s17], $0x40, s0, s17, $0xb8;
	[tilespmem:$0x1EC80] =	vst v63  }
0xcc: {  	s2 =	simm.s32 @!p0 $0xC000;
	s0 =	sadd.s32 @!p0 $0x5C0, s14  }
0xcd: {  	[tilespmem:s2], [sflag:$0xC] =	stream.indirect.gather @!p0 [hbm4b:s1+s17], $0x40, s0, s17, $0xb8;
	[tilespmem:$0x1EC80] =	vst v63  }
0xce: {  	_ =	swait.ge [sflag:s5], $0x1000  }
0xcf: {  	[sflag:s5] =	ssyncset.done $0x0  }
.Ltmp2:
0xd0: {  	[sflag:s5] =	ssyncadd.s32 $0xFFFFF000;
	(pc) =	sbr.rel @p0 .LBB2_4-.Ltmp2, $4  }
0xd1: {  	_ =	swait.ge [sflag:s6], $0x1000  }
0xd2: {  	[sflag:s6] =	ssyncset.done $0x0  }
0xd3: {  	s28 =	sadd.s32 $0x2B00, s9;
	[sflag:s6] =	ssyncadd.s32 $0xFFFFF000  }
0xd4: {  	[spmem:s3] =	stream.indirect.scatter.add.f32 [tilespmem:s22], [sflag:$0x17], $0x40, s28, s16, $0xb8;
	[tilespmem:$0x1EC80] =	vst v63  }
0xd5: {  	_ =	swait.ge [sflag:s10], $0x2000  }
0xd6: {  	[sflag:s10] =	ssyncset.done $0x0  }
0xd7: {  	s0 =	sadd.s32 $0x600, s9;
	[sflag:s10] =	ssyncadd.s32 $0xFFFFE000  }
0xd8: {  	[tilespmem:s30], [sflag:$0x5] =	stream.indirect.gather [hbm4b:s1+s13], $0x40, s0, s13, $0xb8;
	[tilespmem:$0x1EC80] =	vst v63  }
0xd9: {  	s14 =	sadd.s32 $0x640, s9;
	s2 =	simm.s32 $0xE000  }
0xda: {  	[tilespmem:s2], [sflag:$0xD] =	stream.indirect.gather [hbm4b:s1+s13], $0x40, s14, s13, $0xb8;
	[tilespmem:$0x1EC80] =	vst v63  }
0xdb: {  	_ =	swait.ge [sflag:s7], $0x1000  }
0xdc: {  	[sflag:s7] =	ssyncset.done $0x0  }
0xdd: {  	[sflag:s7] =	ssyncadd.s32 $0xFFFFF000  }
0xde: {  	_ =	swait.ge [sflag:s8], $0x1000  }
0xdf: {  	[sflag:s8] =	ssyncset.done $0x0  }
0xe0: {  	s15 =	sadd.s32 $0x2B80, s9;
	[sflag:s8] =	ssyncadd.s32 $0xFFFFF000  }
0xe1: {  	[spmem:s3] =	stream.indirect.scatter.add.f32 [tilespmem:s26], [sflag:$0x18], $0x40, s15, s16, $0xb8;
	[tilespmem:$0x1EC80] =	vst v63  }
0xe2: {  	_ =	swait.ge [sflag:s4], $0x2000  }
.Ltmp3:
0xe3: {  	[sflag:s4] =	ssyncset.done $0x0;
	(pc) =	sbr.rel .LBB2_2-.Ltmp3, $4  }
0xe4: {  	s17 =	sadd.s32 $0x680, s9;
	s21 =	simm.s32 $0xF000;
	[sflag:s4] =	ssyncadd.s32 $0xFFFFE000  }
0xe5: {  	[tilespmem:s21], [sflag:$0x6] =	stream.indirect.gather [hbm4b:s1+s13], $0x40, s17, s13, $0xb8;
	[tilespmem:$0x1EC80] =	vst v63  }
0xe6: {  	s23 =	sadd.s32 $0x6C0, s9;
	s28 =	simm.s32 $0x10000;
	s12 =	sadd.s32 $0x1000, s12  }
0xe7: {  	[tilespmem:s28], [sflag:$0xE] =	stream.indirect.gather [hbm4b:s1+s13], $0x40, s23, s13, $0xb8;
	[tilespmem:$0x1EC80] =	vst v63  }
.LBB2_5:
0xe8: {  	_ =	sfence.sel $0x180000  }
0xe9: {  	[bflag:$0x0] =	sbarrier.arrive $0xFFFF  }
0xea: {  	_ =	strace $0x9000004D  }
0xeb: {  	s0 =	stileid.u32;
	[bflag:$0x2] =	sbarrier.arrive $0xFFFF  }
0xec: {  	p0 =	sne.s32 s0, $0x0;
	s0 =	rddreg [dreg:$0x4]  }
0xed: {  	s0 =	sadd.s32 @!p0 $0x100000, s0  }
0xee: {  	[sflag:s0] =	ssyncadd.tile.s32 @!p0 $0x1;
	_ =	shalt  }
.Lfunc_end2:
_tile_overlayer_lowered:
.L_overlay_start_2:
0xef: {  	(tag) =	ssettag $0x2  }
0xf0: {  	s0 =	rddreg [dreg:$0x0];
	s2 =	stileid.u32  }
0xf1: {  	s1 =	rddreg [dreg:$0x1];
	p0 =	sne.s32 s2, $0x0  }
0xf2: {  	s3 =	rddreg [dreg:$0x2];
	[bflag:$0x3] =	sbarrier.arrive $0xFFFF;
	s2 =	simm.s32 @!p0 $0x1C19  }
0xf3: {  	[timem:s3], [sflag:s2] =	dma.local @!p0 [hbm:s0], s1  }
0xf4: {  	s0 =	simm.s32 @!p0 $0x19  }
0xf5: {  	_ =	swait.ge @!p0 [sflag:s0], s1  }
0xf6: {  	s1 =	ssub.s32 @!p0 $0x0, s1;
	[sflag:s0] =	ssyncset.done @!p0 $0x0  }
0xf7: {  	[sflag:s0] =	ssyncadd.s32 @!p0 s1  }
0xf8: {  	[bflag:$0x3] =	sbarrier.arrive $0xFFFF  }
0xf9: {  	_ =	shalt  }

// kernel: kernel.9.cloned.1.call-start
scs
__scs_entry_jumppad:
0x0: {  	(pc) =	sbr.rel $0x88, $3  }
0x1: {  	(tag) =	ssettag $0x0;
	lr =	simm.s32 $0x1  }
0x2: {  	[smem:$0x3F98] =	sst lr;
	_ =	strace $0xD0000000  }
0x3: {  	_ = 	snop  }
0x4: {  	_ = 	snop  }
0x5: {  	_ = 	snop  }
0x6: {  	_ = 	snop  }
0x7: {  	_ = 	snop  }
__scs_overlays_trampoline_lowered:
0x8: {  	[smem:$0x3FA7] =	sst s0  }
0x9: {  	[smem:$0x3FA8] =	sst s1  }
0xa: {  	[smem:$0x3FA9] =	sst s2  }
0xb: {  	[smem:$0x3FAA] =	sst s3  }
0xc: {  	[smem:$0x3FAB] =	sst s4  }
0xd: {  	[smem:$0x3FAC] =	sst s5  }
0xe: {  	[smem:$0x3FAD] =	sst s6  }
0xf: {  	[smem:$0x3FAE] =	sst s7  }
0x10: {  	[smem:$0x3FAF] =	sst s8  }
0x11: {  	[smem:$0x3FB0] =	sst s9;
	s0 =	simm.s32 @!p0 $0x0  }
0x12: {  	s1 =	sld [smem:$0x3F96];
	s0 =	simm.s32 @p0 $0x1  }
0x13: {  	[smem:$0x3FB1] =	sst s0;
	s0 =	simm.s32 @!p1 $0x0  }
0x14: {  	s2 =	sld [smem:$0x3F95];
	s0 =	simm.s32 @p1 $0x1  }
0x15: {  	[smem:$0x3FB2] =	sst s0;
	s0 =	simm.s32 @!p2 $0x0  }
0x16: {  	s3 =	sld [smem:$0x3FDB];
	s0 =	simm.s32 @p2 $0x1  }
0x17: {  	s4 =	simm.s32 $0x1BF5;
	[smem:$0x3FB4] =	sst s0  }
0x18: {  	s0 =	sld [smem:$0x3F97];
	_ =	swait.ge [sflag:s4], $0x0  }
0x19: {  	s7 =	sld [smem:$0x3F98]  }
0x1a: {  	s8 =	sadd.s32 $0xFFFFE003, lr  }
0x1b: {  	s9 =	sadd.s32 $0xFFFFFEF7, lr;
	s5 =	simm.s32 $0xFFFFFFFF;
	p2 =	slt.u32 s8, $0xFFFFF086  }
0x1c: {  	p1 =	slt.u32 s9, $0xF7A;
	s5 =	simm.s32 @!p2 $0x0  }
0x1d: {  	s5 =	simm.s32 @p1 $0x1;
	p0 =	seq.s32 s7, s2  }
0x1e: {  	s7 =	smul.u32 @!p0 $0xF7A, s2;
	p2 =	seq.s32 @!p0 s5, $0x0  }
0x1f: {  	s9 =	smul.u32 $0xF7A, s1;
	s8 =	simm.s32 @!p0 $0x1BF5;
	p2 =	por !p2, p0  }
0x20: {  	[sflag:s8] =	ssyncset.s32 @!p0 $0xFFFFF086;
	s6 =	sadd.s32 @!p0 s3, s7;
	s7 =	simm.s32 @!p0 $0x108  }
0x21: {  	s3 =	sadd.s32 s3, s9;
	s6 =	sadd.s32 @!p0 $0x88, s6;
	s7 =	simm.s32 @p2 $0x1082  }
0x22: {  	[simem:s7], [sflag:s8] =	dma.local @!p0 [hbm:s6], $0xF7A  }
0x23: {  	s9 =	sor.u32 $0xD0000000, s2;
	s6 =	simm.s32 $0x108;
	_ =	swait.ge @!p0 [sflag:s8], $0x0  }
0x24: {  	s3 =	sadd.s32 $0x88, s3;
	s6 =	simm.s32 @!p1 $0x1082;
	[sflag:s4] =	ssyncset.s32 $0xFFFFF086  }
0x25: {  	[simem:s6], [sflag:s4] =	dma.local [hbm:s3], $0xF7A  }
0x26: {  	[smem:$0x3F98] =	sst s1;
	(tag) =	ssettag s2;
	_ =	strace s9  }
0x27: {  	s1 =	sld [smem:$0x3FA8]  }
0x28: {  	s2 =	sld [smem:$0x3FA9]  }
0x29: {  	s4 =	sld [smem:$0x3FAB]  }
0x2a: {  	p0 =	seq.s32 s5, $0x0;
	s5 =	sld [smem:$0x3FAC]  }
0x2b: {  	s6 =	sld [smem:$0x3FAD]  }
0x2c: {  	s7 =	sld [smem:$0x3FAE]  }
0x2d: {  	s3 =	simm.s32 $0x108;
	s8 =	sld [smem:$0x3FAF]  }
0x2e: {  	s3 =	simm.s32 @!p0 $0x1082;
	s9 =	sld [smem:$0x3FB0]  }
0x2f: {  	lr =	sadd.s32 s0, s3;
	s0 =	sld [smem:$0x3FA7]  }
0x30: {  	s3 =	sld [smem:$0x3FAA]  }
0x31: {  	[smem:$0x3FB3] =	sst s10  }
0x32: {  	s10 =	sld [smem:$0x3FB1];
	_ =	sdelay $0x3  }
0x33: {  	p0 =	seq.s32 s10, $0x1;
	s10 =	sld [smem:$0x3FB3];
	_ =	sdelay $0x3  }
0x34: {  	[smem:$0x3FB3] =	sst s10  }
0x35: {  	s10 =	sld [smem:$0x3FB2];
	_ =	sdelay $0x3  }
0x36: {  	p1 =	seq.s32 s10, $0x1;
	s10 =	sld [smem:$0x3FB3];
	_ =	sdelay $0x3  }
0x37: {  	[smem:$0x3FB3] =	sst s10  }
0x38: {  	s10 =	sld [smem:$0x3FB4]  }
0x39: {  	_ = 	snop;
	(pc) =	sbr.ind lr, $3  }
0x3a: {  	_ = 	snop  }
0x3b: {  	_ = 	snop  }
0x3c: {  	p2 =	seq.s32 s10, $0x1;
	s10 =	sld [smem:$0x3FB3]  }
0x3d: {  	_ =	shalt  }
0x3e: {  	_ =	shalt  }
0x3f: {  	_ =	shalt  }
0x40: {  	_ =	shalt  }
0x41: {  	_ =	shalt  }
0x42: {  	_ =	shalt  }
0x43: {  	_ =	shalt  }
0x44: {  	_ =	shalt  }
0x45: {  	_ =	shalt  }
0x46: {  	_ =	shalt  }
0x47: {  	_ =	shalt  }
0x48: {  	_ =	shalt  }
0x49: {  	_ =	shalt  }
0x4a: {  	_ =	shalt  }
0x4b: {  	_ =	shalt  }
0x4c: {  	_ =	shalt  }
0x4d: {  	_ =	shalt  }
0x4e: {  	_ =	shalt  }
0x4f: {  	_ =	shalt  }
0x50: {  	_ =	shalt  }
0x51: {  	_ =	shalt  }
0x52: {  	_ =	shalt  }
0x53: {  	_ =	shalt  }
0x54: {  	_ =	shalt  }
0x55: {  	_ =	shalt  }
0x56: {  	_ =	shalt  }
0x57: {  	_ =	shalt  }
0x58: {  	_ =	shalt  }
0x59: {  	_ =	shalt  }
0x5a: {  	_ =	shalt  }
0x5b: {  	_ =	shalt  }
0x5c: {  	_ =	shalt  }
0x5d: {  	_ =	shalt  }
0x5e: {  	_ =	shalt  }
0x5f: {  	_ =	shalt  }
0x60: {  	_ =	shalt  }
0x61: {  	_ =	shalt  }
0x62: {  	_ =	shalt  }
0x63: {  	_ =	shalt  }
0x64: {  	_ =	shalt  }
0x65: {  	_ =	shalt  }
0x66: {  	_ =	shalt  }
0x67: {  	_ =	shalt  }
0x68: {  	_ =	shalt  }
0x69: {  	_ =	shalt  }
0x6a: {  	_ =	shalt  }
0x6b: {  	_ =	shalt  }
0x6c: {  	_ =	shalt  }
0x6d: {  	_ =	shalt  }
0x6e: {  	_ =	shalt  }
0x6f: {  	_ =	shalt  }
0x70: {  	_ =	shalt  }
0x71: {  	_ =	shalt  }
0x72: {  	_ =	shalt  }
0x73: {  	_ =	shalt  }
0x74: {  	_ =	shalt  }
0x75: {  	_ =	shalt  }
0x76: {  	_ =	shalt  }
0x77: {  	_ =	shalt  }
0x78: {  	_ =	shalt  }
0x79: {  	_ =	shalt  }
0x7a: {  	_ =	shalt  }
0x7b: {  	_ =	shalt  }
0x7c: {  	_ =	shalt  }
0x7d: {  	_ =	shalt  }
0x7e: {  	_ =	shalt  }
0x7f: {  	_ =	shalt  }
0x80: {  	_ =	shalt  }
0x81: {  	_ =	shalt  }
0x82: {  	_ =	shalt  }
0x83: {  	_ =	shalt  }
0x84: {  	_ =	shalt  }
0x85: {  	_ =	shalt  }
0x86: {  	_ =	shalt  }
0x87: {  	_ =	shalt  }
.Lfunc_end0:
.L_simem_size_0:
called_computation_lowered:
.L_overlay_start_0:
0x88: {  	s2 =	sld [smem:$0x3FD9]  }
0x89: {  	s3 =	sld [smem:$0x3FFE];
	_ =	sdelay $0x1  }
0x8a: {  	s1 =	srdreg.scid  }
0x8b: {  	s0 =	sand.u32 $0x1, s1  }
0x8c: {  	s14 =	sshll.u32 s0, $0xA;
	s2 =	sadd.s32 s3, s2  }
0x8d: {  	s2 =	sadd.s32 s2, s14  }
0x8e: {  	[smem:$0x3FBF] =	sst s2  }
0x8f: {  	_ = 	snop  }
0x90: {  	s2 =	sld [smem:$0x3FD0];
	_ =	sdelay $0x2  }
0x91: {  	s15 =	simm.s32 $0xA;
	s4 =	simm.s32 $0x10  }
0x92: {  	[smem:s4], [sflag:s15] =	dma.local [hbm:s2], $0x1  }
0x93: {  	_ =	swait.eq [sflag:s15], $0x1  }
0x94: {  	[sflag:s15] =	ssyncset.done $0x0  }
0x95: {  	[sflag:s15] =	ssyncadd.s32 $0xFFFFFFFF  }
0x96: {  	s16 =	sld [smem:$0x10];
	(tm) =	ssettm $0x1  }
0x97: {  	s17 =	sld [smem:$0x3FFB];
	_ =	sdelay $0x3  }
0x98: {  	_ =	strace s17  }
0x99: {  	s3 =	sld [smem:$0x3FFC];
	_ =	sdelay $0x3  }
0x9a: {  	_ =	strace s3  }
0x9b: {  	s3 =	sld [smem:$0x3FFD];
	_ =	sdelay $0x3  }
0x9c: {  	_ =	strace s3  }
0x9d: {  	_ =	strace $0x8FFFFFFF  }
0x9e: {  	s18 =	sld [smem:$0x3FDB];
	_ =	sdelay $0x1  }
0x9f: {  	s19 =	simm.s32 $_scs_section_size  }
0xa0: {  	s5 =	simm.s32 $_size__tile_overlayer_lowered;
	s6 =	simm.s32 $_tile_overlayer_lowered  }
0xa1: {  	s22 =	simm.s32 $0x1BFF;
	s21 =	sshll.u32 s6, $0x1;
	s3 =	sadd.s32 s19, s18  }
0xa2: {  	s7 =	simm.s32 $0x0;
	s20 =	sshll.u32 s5, $0x1;
	s5 =	sadd.s32 s21, s3  }
0xa3: {  	[timem:s7], [sflag:s22] =	dma.local [hbm:s5], s20  }
0xa4: {  	_ =	swait.ge [sflag:s22], s20  }
0xa5: {  	s4 =	ssub.s32 $0x0, s20;
	[sflag:s22] =	ssyncset.done $0x0  }
0xa6: {  	[sflag:s22] =	ssyncadd.s32 s4;
	_ =	sdelay $0x1  }
0xa7: {  	s23 =	simm.s32 $0x1B8B  }
0xa8: {  	_ =	swait.ge [sflag:s23], $0x1  }
0xa9: {  	[sflag:s23] =	ssyncset.done $0x0  }
0xaa: {  	s25 =	simm.s32 $0x1B8E;
	s24 =	sld [smem:$0x3FFE];
	[sflag:s23] =	ssyncadd.s32 $0xFFFFFFFF  }
0xab: {  	s26 =	simm.s32 $execute0_lowered;
	[smem:$0x3FD2] =	sst s25  }
0xac: {  	s5 =	sshll.u32 s26, $0x1;
	_ =	strace $0x80000046;
	[dreg:$0x1] =	wrdreg $0xFFFFFFFF  }
0xad: {  	s28 =	simm.s32 $_size_execute0_lowered;
	s3 =	sadd.s32 s3, s5;
	[dreg:$0x0] =	wrdreg $0x0  }
0xae: {  	s5 =	sshll.u32 s28, $0x1;
	[dreg:$0x2] =	wrdreg s3  }
0xaf: {  	[dreg:$0x3] =	wrdreg s5  }
0xb0: {  	[dreg:$0x4] =	wrdreg $0xC0  }
0xb1: {  	_ =	task [dreg:s7], $0x5FFFF  }
0xb2: {  	[dreg:$0x1] =	wrdreg $0xFFFFFFFF  }
0xb3: {  	[dreg:$0x0] =	wrdreg $0x60  }
0xb4: {  	[dreg:$0x2] =	wrdreg s24  }
0xb5: {  	[dreg:$0x3] =	wrdreg s16  }
0xb6: {  	[dreg:$0x4] =	wrdreg $0x1C000  }
0xb7: {  	[dreg:$0x5] =	wrdreg $0x9  }
0xb8: {  	_ =	task.clear_ibuf [dreg:s7], $0x6FFFF;
	_ =	strace $0x90000046  }
0xb9: {  	s29 =	simm.s32 $0x9;
	_ =	strace $0x80000048  }
0xba: {  	_ =	swait.ge [sflag:s29], $0x1  }
0xbb: {  	[sflag:s29] =	ssyncadd.s32 $0xFFFFFFFF  }
0xbc: {  	_ =	strace $0x90000048  }
0xbd: {  	_ =	sfence  }
0xbe: {  	s30 =	sld [smem:$0x0];
	_ =	sdelay $0x2  }
0xbf: {  	s31 =	sshll.u32 s1, $0xD;
	s1 =	sshrl.u32 s1, $0x2  }
0xc0: {  	s3 =	sand.u32 $0x4000, s31;
	s1 =	sadd.s32 s1, s30  }
0xc1: {  	s0 =	sor.u32 s3, s0;
	s1 =	sshll.u32 s1, $0x11  }
0xc2: {  	s0 =	sor.u32 s1, s0  }
0xc3: {  	s0 =	sadd.s32 $0x8F2B, s0  }
0xc4: {  	[sflag:s0] =	ssyncadd.remote.s32 $0x1  }
0xc5: {  	_ =	sfence.sel $0xFFFF  }
0xc6: {  	[dreg:$0x0] =	wrdreg $0xFFFFFFFF;
	(pc) =	sbr.abs _section_cstart, $3  }
0xc7: {  	[dreg:$0x1] =	wrdreg $0xFFFFFFFF  }
0xc8: {  	_ =	task.clear_ibuf [dreg:s7], $0x2FFFF;
	_ =	strace $0x9FFFFFFF  }
0xc9: {  	(tm) =	ssettm $0x7FFFFFFF  }
tec
execute0_lowered:
.L_overlay_start_1:
0x0: {  	(tag) =	ssettag $0x1  }
0x1: {  	s0 =	srdreg.scid;
	s1 =	rddreg [dreg:$0x0]  }
0x2: {  	s8 =	rddreg [dreg:$0x1];
	s12 =	stileid.u32  }
0x3: {  	s2 =	rddreg [dreg:$0x2];
	s13 =	simm.s32 $0x80;
	s17 =	simm.s32 $0xC00  }
0x4: {  	s18 =	simm.s32 $0xC80;
	s19 =	simm.s32 $0xD00;
	s20 =	simm.s32 $0xD80  }
0x5: {  	s21 =	simm.s32 $0xE00;
	s22 =	simm.s32 $0xE80;
	s23 =	simm.s32 $0xF00  }
0x6: {  	s28 =	simm.s32 $0x1100;
	s29 =	simm.s32 $0x1180;
	s30 =	simm.s32 $0x1200  }
0x7: {  	s31 =	simm.s32 $0x1280;
	s14 =	simm.s32 $0x1;
	s5 =	smul.u32 $0x2720, s12  }
0x8: {  	s15 =	simm.s32 $0x0;
	s0 =	sand.u32 $0x1, s0;
	s9 =	smul.u32 $0x4E4, s12  }
0x9: {  	s26 =	sshll.u32 s12, $0x6;
	s3 =	sshll.u32 s0, $0x4;
	s6 =	ssub.s32 $0x2, s0  }
0xa: {  	s0 =	smul.u32 $0x4E40, s0;
	s4 =	sor.u32 s12, s3;
	s3 =	simm.s32 $0x0  }
0xb: {  	s10 =	sshrl.u32 s5, $0x3;
	s11 =	sshrl.u32 s6, $0x1;
	s25 =	sadd.s32 s5, s2  }
0xc: {  	s12 =	simm.s32 $0x1400;
	s4 =	smul.u32 $0x280, s4;
	[smem:$0x7FF] =	sst s3  }
0xd: {  	s24 =	ssub.s32 s6, s11;
	s0 =	sadd.s32 s9, s0;
	s6 =	sor.u32 $0x1C02, s26  }
0xe: {  	s11 =	simm.s32 $0x2;
	s26 =	simm.s32 $0x1080;
	_ =	strace $0x80000047  }
0xf: {  	s8 =	sadd.s32 s8, s0;
	s9 =	smax.u32 s24, $0x1;
	s24 =	simm.s32 $0xF80  }
0x10: {  	s0 =	simm.s32 $0x1380;
	s7 =	sadd.s32 s4, s1;
	s4 =	sadd.s32 $0xC800, s1  }
0x11: {  	s1 =	sadd.s32 s10, s1;
	s10 =	sshrl.u32 s25, $0x3;
	s25 =	simm.s32 $0x1000  }
0x12: {  	s5 =	sadd.s32 $0x7800, s1;
	s7 =	sadd.s32 $0x2800, s7;
	s1 =	simm.s32 $0x1300  }
.LBB2_1:
0x13: {  	[spmem:s10], [sflag:s6] =	dma.local [hbm:s5], $0x4E4  }
0x14: {  	_ =	swait.ge [sflag:s11], $0x4E4  }
0x15: {  	[sflag:s11] =	ssyncset.done $0x0  }
0x16: {  	[sflag:s11] =	ssyncadd.s32 $0xFFFFFB1C  }
0x17: {  	[tilespmem:s12], [sflag:$0x2] =	stream.linear.gather [hbm4b:s4+s3], $0x800, $0x38;
	[tilespmem:$0x4320] =	vst v63  }
0x18: {  	_ =	swait.ge [sflag:s11], $0x800  }
0x19: {  	[sflag:s11] =	ssyncset.done $0x0  }
0x1a: {  	[sflag:s11] =	ssyncadd.s32 $0xFFFFF800  }
0x1b: {  	[tilespmem:s3], [sflag:$0x2] =	stream.linear.gather [hbm4b:s7+s3], $0x1400, $0x38;
	[tilespmem:$0x4320] =	vst v63  }
0x1c: {  	_ =	swait.ge [sflag:s11], $0x1400  }
0x1d: {  	[sflag:s11] =	ssyncset.done $0x0  }
0x1e: {  	[sflag:s11] =	ssyncadd.s32 $0xFFFFEC00  }
0x1f: {  	[bflag:$0x0] =	sbarrier.arrive $0xFFFF  }
0x20: {  	[spmem:s2] =	stream.indirect.scatter.add.s32 [tilespmem:s12], [sflag:$0x1], $0x10, s3, s13, $0xb8;
	[tilespmem:$0x4320] =	vst v63  }
0x21: {  	_ = 	snop  }
0x22: {  	[spmem:s2] =	stream.indirect.scatter.add.s32 [tilespmem:s12], [sflag:$0x1], $0x10, s13, s13, $0xb8;
	[tilespmem:$0x4320] =	vst v63  }
0x23: {  	s16 =	simm.s32 $0x100  }
0x24: {  	[spmem:s2] =	stream.indirect.scatter.add.s32 [tilespmem:s12], [sflag:$0x1], $0x10, s16, s13, $0xb8;
	[tilespmem:$0x4320] =	vst v63  }
0x25: {  	s16 =	simm.s32 $0x180  }
0x26: {  	[spmem:s2] =	stream.indirect.scatter.add.s32 [tilespmem:s12], [sflag:$0x1], $0x10, s16, s13, $0xb8;
	[tilespmem:$0x4320] =	vst v63  }
0x27: {  	s16 =	simm.s32 $0x200  }
0x28: {  	[spmem:s2] =	stream.indirect.scatter.add.s32 [tilespmem:s12], [sflag:$0x1], $0x10, s16, s13, $0xb8;
	[tilespmem:$0x4320] =	vst v63  }
0x29: {  	s16 =	simm.s32 $0x280  }
0x2a: {  	[spmem:s2] =	stream.indirect.scatter.add.s32 [tilespmem:s12], [sflag:$0x1], $0x10, s16, s13, $0xb8;
	[tilespmem:$0x4320] =	vst v63  }
0x2b: {  	s16 =	simm.s32 $0x300  }
0x2c: {  	[spmem:s2] =	stream.indirect.scatter.add.s32 [tilespmem:s12], [sflag:$0x1], $0x10, s16, s13, $0xb8;
	[tilespmem:$0x4320] =	vst v63  }
0x2d: {  	s16 =	simm.s32 $0x380  }
0x2e: {  	[spmem:s2] =	stream.indirect.scatter.add.s32 [tilespmem:s12], [sflag:$0x1], $0x10, s16, s13, $0xb8;
	[tilespmem:$0x4320] =	vst v63  }
0x2f: {  	s16 =	simm.s32 $0x400  }
0x30: {  	[spmem:s2] =	stream.indirect.scatter.add.s32 [tilespmem:s12], [sflag:$0x1], $0x10, s16, s13, $0xb8;
	[tilespmem:$0x4320] =	vst v63  }
0x31: {  	s16 =	simm.s32 $0x480  }
0x32: {  	[spmem:s2] =	stream.indirect.scatter.add.s32 [tilespmem:s12], [sflag:$0x1], $0x10, s16, s13, $0xb8;
	[tilespmem:$0x4320] =	vst v63  }
0x33: {  	s16 =	simm.s32 $0x500  }
0x34: {  	[spmem:s2] =	stream.indirect.scatter.add.s32 [tilespmem:s12], [sflag:$0x1], $0x10, s16, s13, $0xb8;
	[tilespmem:$0x4320] =	vst v63  }
0x35: {  	s16 =	simm.s32 $0x580  }
0x36: {  	[spmem:s2] =	stream.indirect.scatter.add.s32 [tilespmem:s12], [sflag:$0x1], $0x10, s16, s13, $0xb8;
	[tilespmem:$0x4320] =	vst v63  }
0x37: {  	s16 =	simm.s32 $0x600  }
0x38: {  	[spmem:s2] =	stream.indirect.scatter.add.s32 [tilespmem:s12], [sflag:$0x1], $0x10, s16, s13, $0xb8;
	[tilespmem:$0x4320] =	vst v63  }
0x39: {  	s16 =	simm.s32 $0x680  }
0x3a: {  	[spmem:s2] =	stream.indirect.scatter.add.s32 [tilespmem:s12], [sflag:$0x1], $0x10, s16, s13, $0xb8;
	[tilespmem:$0x4320] =	vst v63  }
0x3b: {  	s16 =	simm.s32 $0x700  }
0x3c: {  	[spmem:s2] =	stream.indirect.scatter.add.s32 [tilespmem:s12], [sflag:$0x1], $0x10, s16, s13, $0xb8;
	[tilespmem:$0x4320] =	vst v63  }
0x3d: {  	s16 =	simm.s32 $0x780  }
0x3e: {  	[spmem:s2] =	stream.indirect.scatter.add.s32 [tilespmem:s12], [sflag:$0x1], $0x10, s16, s13, $0xb8;
	[tilespmem:$0x4320] =	vst v63  }
0x3f: {  	s16 =	simm.s32 $0x800  }
0x40: {  	[spmem:s2] =	stream.indirect.scatter.add.s32 [tilespmem:s12], [sflag:$0x1], $0x10, s16, s13, $0xb8;
	[tilespmem:$0x4320] =	vst v63  }
0x41: {  	s16 =	simm.s32 $0x880  }
0x42: {  	[spmem:s2] =	stream.indirect.scatter.add.s32 [tilespmem:s12], [sflag:$0x1], $0x10, s16, s13, $0xb8;
	[tilespmem:$0x4320] =	vst v63  }
0x43: {  	s16 =	simm.s32 $0x900  }
0x44: {  	[spmem:s2] =	stream.indirect.scatter.add.s32 [tilespmem:s12], [sflag:$0x1], $0x10, s16, s13, $0xb8;
	[tilespmem:$0x4320] =	vst v63  }
0x45: {  	s16 =	simm.s32 $0x980  }
0x46: {  	[spmem:s2] =	stream.indirect.scatter.add.s32 [tilespmem:s12], [sflag:$0x1], $0x10, s16, s13, $0xb8;
	[tilespmem:$0x4320] =	vst v63  }
0x47: {  	s16 =	simm.s32 $0xA00  }
0x48: {  	[spmem:s2] =	stream.indirect.scatter.add.s32 [tilespmem:s12], [sflag:$0x1], $0x10, s16, s13, $0xb8;
	[tilespmem:$0x4320] =	vst v63  }
0x49: {  	s16 =	simm.s32 $0xA80  }
0x4a: {  	[spmem:s2] =	stream.indirect.scatter.add.s32 [tilespmem:s12], [sflag:$0x1], $0x10, s16, s13, $0xb8;
	[tilespmem:$0x4320] =	vst v63  }
0x4b: {  	s16 =	simm.s32 $0xB00  }
0x4c: {  	[spmem:s2] =	stream.indirect.scatter.add.s32 [tilespmem:s12], [sflag:$0x1], $0x10, s16, s13, $0xb8;
	[tilespmem:$0x4320] =	vst v63  }
0x4d: {  	s16 =	simm.s32 $0xB80  }
0x4e: {  	[spmem:s2] =	stream.indirect.scatter.add.s32 [tilespmem:s12], [sflag:$0x1], $0x10, s16, s13, $0xb8;
	[tilespmem:$0x4320] =	vst v63  }
0x4f: {  	_ = 	snop  }
0x50: {  	[spmem:s2] =	stream.indirect.scatter.add.s32 [tilespmem:s12], [sflag:$0x1], $0x10, s17, s13, $0xb8;
	[tilespmem:$0x4320] =	vst v63  }
0x51: {  	_ = 	snop  }
0x52: {  	[spmem:s2] =	stream.indirect.scatter.add.s32 [tilespmem:s12], [sflag:$0x1], $0x10, s18, s13, $0xb8;
	[tilespmem:$0x4320] =	vst v63  }
0x53: {  	_ = 	snop  }
0x54: {  	[spmem:s2] =	stream.indirect.scatter.add.s32 [tilespmem:s12], [sflag:$0x1], $0x10, s19, s13, $0xb8;
	[tilespmem:$0x4320] =	vst v63  }
0x55: {  	_ = 	snop  }
0x56: {  	[spmem:s2] =	stream.indirect.scatter.add.s32 [tilespmem:s12], [sflag:$0x1], $0x10, s20, s13, $0xb8;
	[tilespmem:$0x4320] =	vst v63  }
0x57: {  	_ = 	snop  }
0x58: {  	[spmem:s2] =	stream.indirect.scatter.add.s32 [tilespmem:s12], [sflag:$0x1], $0x10, s21, s13, $0xb8;
	[tilespmem:$0x4320] =	vst v63  }
0x59: {  	_ = 	snop  }
0x5a: {  	[spmem:s2] =	stream.indirect.scatter.add.s32 [tilespmem:s12], [sflag:$0x1], $0x10, s22, s13, $0xb8;
	[tilespmem:$0x4320] =	vst v63  }
0x5b: {  	_ = 	snop  }
0x5c: {  	[spmem:s2] =	stream.indirect.scatter.add.s32 [tilespmem:s12], [sflag:$0x1], $0x10, s23, s13, $0xb8;
	[tilespmem:$0x4320] =	vst v63  }
0x5d: {  	_ = 	snop  }
0x5e: {  	[spmem:s2] =	stream.indirect.scatter.add.s32 [tilespmem:s12], [sflag:$0x1], $0x10, s24, s13, $0xb8;
	[tilespmem:$0x4320] =	vst v63  }
0x5f: {  	_ = 	snop  }
0x60: {  	[spmem:s2] =	stream.indirect.scatter.add.s32 [tilespmem:s12], [sflag:$0x1], $0x10, s25, s13, $0xb8;
	[tilespmem:$0x4320] =	vst v63  }
0x61: {  	_ = 	snop  }
0x62: {  	[spmem:s2] =	stream.indirect.scatter.add.s32 [tilespmem:s12], [sflag:$0x1], $0x10, s26, s13, $0xb8;
	[tilespmem:$0x4320] =	vst v63  }
0x63: {  	_ = 	snop  }
0x64: {  	[spmem:s2] =	stream.indirect.scatter.add.s32 [tilespmem:s12], [sflag:$0x1], $0x10, s28, s13, $0xb8;
	[tilespmem:$0x4320] =	vst v63  }
0x65: {  	_ = 	snop  }
0x66: {  	[spmem:s2] =	stream.indirect.scatter.add.s32 [tilespmem:s12], [sflag:$0x1], $0x10, s29, s13, $0xb8;
	[tilespmem:$0x4320] =	vst v63  }
0x67: {  	_ = 	snop  }
0x68: {  	[spmem:s2] =	stream.indirect.scatter.add.s32 [tilespmem:s12], [sflag:$0x1], $0x10, s30, s13, $0xb8;
	[tilespmem:$0x4320] =	vst v63  }
0x69: {  	_ = 	snop  }
0x6a: {  	[spmem:s2] =	stream.indirect.scatter.add.s32 [tilespmem:s12], [sflag:$0x1], $0x10, s31, s13, $0xb8;
	[tilespmem:$0x4320] =	vst v63  }
0x6b: {  	_ = 	snop  }
0x6c: {  	[spmem:s2] =	stream.indirect.scatter.add.s32 [tilespmem:s12], [sflag:$0x1], $0x10, s1, s13, $0xb8;
	[tilespmem:$0x4320] =	vst v63  }
0x6d: {  	_ = 	snop  }
0x6e: {  	[spmem:s2] =	stream.indirect.scatter.add.s32 [tilespmem:s12], [sflag:$0x1], $0x10, s0, s13, $0xb8;
	[tilespmem:$0x4320] =	vst v63  }
0x6f: {  	_ =	swait.ge [sflag:s14], $0x800  }
0x70: {  	s16 =	simm.s32 $0x27;
	[sflag:s14] =	ssyncset.done $0x0  }
.LBB2_2:
0x71: {  	p0 =	sne.s32 s16, $0x1;
	s16 =	sadd.s32 $0xFFFFFFFF, s16;
	[sflag:s14] =	ssyncadd.s32 $0xFFFFF800  }
.Ltmp0:
0x72: {  	(pc) =	sbr.rel @p0 .LBB2_2-.Ltmp0, $3  }
0x73: {  	_ =	sdelay $0x1  }
0x74: {  	_ =	swait.ge [sflag:s14], $0x800  }
0x75: {  	[sflag:s14] =	ssyncset.done $0x0  }
0x76: {  	s15 =	sadd.s32 $0x1, s15  }
0x77: {  	[sflag:s14] =	ssyncadd.s32 $0xFFFFF800;
	p0 =	sne.s32 s15, s9  }
.Ltmp1:
0x78: {  	[bflag:$0x0] =	sbarrier.arrive $0xFFFF;
	(pc) =	sbr.rel @p0 .LBB2_1-.Ltmp1, $4  }
0x79: {  	[hbm:s8], [sflag:s6] =	dma.local [spmem:s10], $0x4E4  }
0x7a: {  	_ =	swait.ge [sflag:s11], $0x4E4  }
0x7b: {  	[sflag:s11] =	ssyncset.done $0x0  }
0x7c: {  	[sflag:s11] =	ssyncadd.s32 $0xFFFFFB1C  }
0x7d: {  	_ =	sfence.sel $0x180000  }
0x7e: {  	[bflag:$0x0] =	sbarrier.arrive $0xFFFF  }
0x7f: {  	_ =	strace $0x90000047  }
0x80: {  	s0 =	stileid.u32;
	[bflag:$0x2] =	sbarrier.arrive $0xFFFF  }
0x81: {  	p0 =	sne.s32 s0, $0x0;
	s0 =	rddreg [dreg:$0x3]  }
0x82: {  	s0 =	sadd.s32 @!p0 $0x100000, s0  }
0x83: {  	[sflag:s0] =	ssyncadd.tile.s32 @!p0 $0x1;
	_ =	shalt  }
.Lfunc_end2:
_tile_overlayer_lowered:
.L_overlay_start_2:
0x84: {  	(tag) =	ssettag $0x2  }
0x85: {  	s0 =	rddreg [dreg:$0x0];
	s2 =	stileid.u32  }
0x86: {  	s1 =	rddreg [dreg:$0x1];
	p0 =	sne.s32 s2, $0x0  }
0x87: {  	s3 =	rddreg [dreg:$0x2];
	[bflag:$0x3] =	sbarrier.arrive $0xFFFF;
	s2 =	simm.s32 @!p0 $0x1C02  }
0x88: {  	[timem:s3], [sflag:s2] =	dma.local @!p0 [hbm:s0], s1  }
0x89: {  	s0 =	simm.s32 @!p0 $0x2  }
0x8a: {  	_ =	swait.ge @!p0 [sflag:s0], s1  }
0x8b: {  	s1 =	ssub.s32 @!p0 $0x0, s1;
	[sflag:s0] =	ssyncset.done @!p0 $0x0  }
0x8c: {  	[sflag:s0] =	ssyncadd.s32 @!p0 s1  }
0x8d: {  	[bflag:$0x3] =	sbarrier.arrive $0xFFFF  }
0x8e: {  	_ =	shalt  }

</sc_bundles>
